<compile_context>
chip_gen: v7x
topology: tpu7x:2x2x1
jax: 0.10.2.dev20260603
libtpu: 0.0.44.dev20260713+nightly
codegen_flags: <defaults>
</compile_context>

<pallas_src>
import jax
import jax.numpy as jnp
from jax import lax
from jax.experimental import pallas as pl
from jax.experimental.pallas import tpu as pltpu
from jax.experimental.pallas import tpu_sc as plsc

NC = 2
NS = 16
NW = NC * NS

NSLOT = 5


def _make_sc_call(B, L, N, D, V):
    gpw = (B * L) // NW
    wpb = NW // B
    lpw = L // wpb
    assert gpw * NW == B * L and lpw * wpb == L and lpw == gpw

    mesh = plsc.VectorSubcoreMesh(core_axis_name="c", subcore_axis_name="s")

    nblk = gpw // NSLOT
    assert nblk * NSLOT == gpw

    def body(x_hbm, idx_hbm, pe_hbm, out_hbm, idx_v, bufs, pe_sh,
             sem_in, sem_g, sem_out):
        wid = lax.axis_index("s") * NC + lax.axis_index("c")
        s = lax.axis_index("s")
        b = wid // wpb
        b8 = (b // 8) * 8
        l0 = (wid % wpb) * lpw
        nst = 8
        chunk = (-(-V // nst) + 7) // 8 * 8
        for t in range(nst):
            lo = t * chunk
            sz = min(chunk, V - lo)
            if sz <= 0:
                break

            @pl.when(s == t)
            def _(lo=lo, sz=sz):
                pltpu.sync_copy(pe_hbm.at[pl.ds(lo, sz)],
                                pe_sh.at[pl.ds(lo, sz)])
        h_in = [None] * nblk
        h_out = [None] * nblk

        def s1(g):
            h_in[g] = pltpu.async_copy(
                x_hbm.at[b, pl.ds(l0 + g * NSLOT, NSLOT)], bufs.at[g % 2],
                sem_in.at[g % 2])

        s1(0)
        pltpu.sync_copy(idx_hbm.at[pl.ds(l0, lpw), pl.ds(b8, 8)], idx_v)
        plsc.subcore_barrier()

        for g in range(nblk):
            if g + 1 < nblk:
                if g >= 1:
                    for h in h_out[g - 1]:
                        h.wait()
                s1(g + 1)
            h_in[g].wait()
            h_g = [pltpu.async_copy(
                pe_sh.at[idx_v.at[g * NSLOT + k, b - b8]],
                bufs.at[g % 2, k], sem_g.at[g % 2, k], add=True)
                for k in range(NSLOT)]
            h_out[g] = []
            for k in range(NSLOT):
                h_g[k].wait()
                h_out[g].append(pltpu.async_copy(
                    bufs.at[g % 2, k], out_hbm.at[b, l0 + g * NSLOT + k],
                    sem_out.at[g % 2]))
        for g in range(max(nblk - 2, 0), nblk):
            for h in h_out[g]:
                h.wait()

    return pl.kernel(
        body,
        out_type=jax.ShapeDtypeStruct((B, L, N, D), jnp.float32),
        mesh=mesh,
        scratch_types=[
            pltpu.VMEM((lpw, 8, N), jnp.int32),
            pltpu.VMEM((2, NSLOT, N, D), jnp.float32),
            pltpu.VMEM_SHARED((V, D), jnp.float32),
            pltpu.SemaphoreType.DMA((2,)),
            pltpu.SemaphoreType.DMA((2, NSLOT)),
            pltpu.SemaphoreType.DMA((2,)),
        ],
    )


def kernel(input_emb, position, pe):
    B, N, L, D = input_emb.shape
    x = input_emb.transpose(0, 2, 1, 3)
    idx = position.transpose(2, 0, 1).astype(jnp.int32)
    out = _make_sc_call(B, L, N, D, pe.shape[0])(x, idx, pe)
    return out.transpose(0, 2, 1, 3)

# --- scband reference (transcript-rebuilt; emitter-appended) ---
"""Pipeline reference for scband-temporal-positional-embedding-17145509446371 (READ-ONLY COPY).

The authoritative reference and input builder live on the scoring server;
editing this copy changes nothing except your own understanding.
"""

import jax, jax.numpy as jnp
import numpy as np

MAX_LEN = 1000
HIDDEN_DIM = 128

def setup_inputs(seed: int = 0) -> dict:
    key = jax.random.key(seed)
    k1, k2, k3 = jax.random.split(key, 3)
    input_emb = jax.random.normal(k1, (16, 64, 50, 128), dtype=jnp.float32)
    position = jax.random.randint(k2, (16, 64, 50), 0, MAX_LEN, dtype=jnp.int64 if jax.config.jax_enable_x64 else jnp.int32)
    pe = jax.random.uniform(k3, (MAX_LEN, HIDDEN_DIM), dtype=jnp.float32, minval=-0.02, maxval=0.02)
    return {"input_emb": input_emb, "position": position, "pe": pe}

def reference(input_emb, position, pe):
    # Faithful translation of Temporal_Positional_Embedding.forward (eval mode: dropout = identity)
    B, N, L, D = input_emb.shape
    idx = position.reshape(B * N, L, -1).astype(jnp.int32)  # [B*N, L, 1]
    gathered = jnp.take(pe, idx, axis=0)                    # [B*N, L, 1, D]
    learnable_pos_emb = input_emb + gathered.reshape(B, N, L, D)
    return learnable_pos_emb

if __name__ == "__main__":
    import jax
    _d = setup_inputs()
    print(jax.jit(kernel)(*tuple(_d.values())))

</pallas_src>

<mosaic_0001>
#map = affine_map<(d0, d1) -> (0, 0, 0, 0)>
#map1 = affine_map<(d0, d1) -> (0, 0, 0)>
#map2 = affine_map<(d0, d1) -> (0, 0)>
module attributes {stable_mosaic.version = 14 : i64} {
  func.func @body(%arg0: i32, %arg1: i32, %arg2: memref<16x50x64x128xf32, #tpu.memory_space<hbm>>, %arg3: memref<50x16x64xi32, #tpu.memory_space<hbm>>, %arg4: memref<1000x128xf32, #tpu.memory_space<hbm>>, %arg5: memref<16x50x64x128xf32, #tpu.memory_space<hbm>>, %arg6: memref<25x8x64xi32, #tpu.memory_space<vmem>>, %arg7: memref<2x5x64x128xf32, #tpu.memory_space<vmem>>, %arg8: memref<1000x128xf32, #tpu.memory_space<vmem_shared>>, %arg9: memref<2x!tpu.dma_semaphore, #tpu.memory_space<semaphore_mem>>, %arg10: memref<2x5x!tpu.dma_semaphore, #tpu.memory_space<semaphore_mem>>, %arg11: memref<2x!tpu.dma_semaphore, #tpu.memory_space<semaphore_mem>>) attributes {dimension_semantics = [#tpu.dimension_semantics<core_parallel>, #tpu.dimension_semantics<subcore_parallel>], iteration_bounds = array<i64: 2, 16>, scalar_prefetch = 0 : i64, scratch_operands = 6 : i64, tpu.core_type = #tpu.core_type<sc_vector_subcore>, window_params = [{transform_indices = #map}, {transform_indices = #map1}, {transform_indices = #map2}, {transform_indices = #map}]} {
    %mul3A = arith.constant 2 : i32
    %mul3A_0 = arith.muli %arg1, %mul3A : i32
    %add3A = arith.addi %mul3A_0, %arg0 : i32
    %jit3A = arith.constant 2 : i32
    %div3A = arith.divsi %add3A, %jit3A : i32
    %sign3A = arith.constant 0 : i32
    %sign3A_1 = arith.cmpi sgt, %add3A, %sign3A : i32
    %sign3A_2 = arith.extui %sign3A_1 : i1 to i32
    %sign3A_3 = arith.constant 0 : i32
    %sign3A_4 = arith.cmpi slt, %add3A, %sign3A_3 : i32
    %sign3A_5 = arith.extui %sign3A_4 : i1 to i32
    %sign3A_6 = arith.subi %sign3A_2, %sign3A_5 : i32
    %sign3A_7 = arith.constant 0 : i32
    %sign3A_8 = arith.cmpi sgt, %jit3A, %sign3A_7 : i32
    %sign3A_9 = arith.extui %sign3A_8 : i1 to i32
    %sign3A_10 = arith.constant 0 : i32
    %sign3A_11 = arith.cmpi slt, %jit3A, %sign3A_10 : i32
    %sign3A_12 = arith.extui %sign3A_11 : i1 to i32
    %sign3A_13 = arith.subi %sign3A_9, %sign3A_12 : i32
    %ne3A = arith.cmpi ne, %sign3A_6, %sign3A_13 : i32
    %rem3A = arith.remsi %add3A, %jit3A : i32
    %ne3A_14 = arith.constant 0 : i32
    %ne3A_15 = arith.cmpi ne, %rem3A, %ne3A_14 : i32
    %and3A = arith.andi %ne3A, %ne3A_15 : i1
    %sub3A = arith.constant 1 : i32
    %sub3A_16 = arith.subi %div3A, %sub3A : i32
    %select_n3A = arith.select %and3A, %sub3A_16, %div3A : i32
    %jit3A_17 = arith.constant 8 : i32
    %div3A_18 = arith.divsi %select_n3A, %jit3A_17 : i32
    %sign3A_19 = arith.constant 0 : i32
    %sign3A_20 = arith.cmpi sgt, %select_n3A, %sign3A_19 : i32
    %sign3A_21 = arith.extui %sign3A_20 : i1 to i32
    %sign3A_22 = arith.constant 0 : i32
    %sign3A_23 = arith.cmpi slt, %select_n3A, %sign3A_22 : i32
    %sign3A_24 = arith.extui %sign3A_23 : i1 to i32
    %sign3A_25 = arith.subi %sign3A_21, %sign3A_24 : i32
    %sign3A_26 = arith.constant 0 : i32
    %sign3A_27 = arith.cmpi sgt, %jit3A_17, %sign3A_26 : i32
    %sign3A_28 = arith.extui %sign3A_27 : i1 to i32
    %sign3A_29 = arith.constant 0 : i32
    %sign3A_30 = arith.cmpi slt, %jit3A_17, %sign3A_29 : i32
    %sign3A_31 = arith.extui %sign3A_30 : i1 to i32
    %sign3A_32 = arith.subi %sign3A_28, %sign3A_31 : i32
    %ne3A_33 = arith.cmpi ne, %sign3A_25, %sign3A_32 : i32
    %rem3A_34 = arith.remsi %select_n3A, %jit3A_17 : i32
    %ne3A_35 = arith.constant 0 : i32
    %ne3A_36 = arith.cmpi ne, %rem3A_34, %ne3A_35 : i32
    %and3A_37 = arith.andi %ne3A_33, %ne3A_36 : i1
    %sub3A_38 = arith.constant 1 : i32
    %sub3A_39 = arith.subi %div3A_18, %sub3A_38 : i32
    %select_n3A_40 = arith.select %and3A_37, %sub3A_39, %div3A_18 : i32
    %mul3A_41 = arith.constant 8 : i32
    %mul3A_42 = arith.muli %select_n3A_40, %mul3A_41 : i32
    %jit3A_43 = arith.constant 2 : i32
    %eq3A = arith.constant 0 : i32
    %eq3A_44 = arith.cmpi eq, %jit3A_43, %eq3A : i32
    %jit3A_45 = arith.constant 1 : i32
    %select_n3A_46 = arith.select %eq3A_44, %jit3A_45, %jit3A_43 : i32
    %rem3A_47 = arith.remsi %add3A, %select_n3A_46 : i32
    %ne3A_48 = arith.constant 0 : i32
    %ne3A_49 = arith.cmpi ne, %rem3A_47, %ne3A_48 : i32
    %lt3A = arith.constant 0 : i32
    %lt3A_50 = arith.cmpi slt, %rem3A_47, %lt3A : i32
    %lt3A_51 = arith.constant 0 : i32
    %lt3A_52 = arith.cmpi slt, %select_n3A_46, %lt3A_51 : i32
    %ne3A_53 = arith.xori %lt3A_50, %lt3A_52 : i1
    %and3A_54 = arith.andi %ne3A_53, %ne3A_49 : i1
    %add3A_55 = arith.addi %rem3A_47, %select_n3A_46 : i32
    %select_n3A_56 = arith.select %and3A_54, %add3A_55, %rem3A_47 : i32
    %mul3A_57 = arith.constant 25 : i32
    %mul3A_58 = arith.muli %select_n3A_56, %mul3A_57 : i32
    %eq3A_59 = arith.constant 0 : i32
    %eq3A_60 = arith.cmpi eq, %arg1, %eq3A_59 : i32
    %convert_element_type3A = arith.extui %eq3A_60 : i1 to i32
    %cond3A = arith.constant 0 : i32
    %cond3A_61 = arith.cmpi ne, %convert_element_type3A, %cond3A : i32
    scf.if %cond3A_61 {
      "tpu.region"() ({
        %run_scoped3A = tpu.sem_alloc : memref<!tpu.dma_semaphore, #tpu.memory_space<semaphore_mem>>
        %dma_start3A_2350 = arith.constant 0 : i32
        %dma_start3A_2351 = arith.constant 0 : i32
        %dma_start3A_2352 = tpu.memref_slice %arg8[%dma_start3A_2350, %dma_start3A_2351] : memref<1000x128xf32, #tpu.memory_space<vmem_shared>> -> memref<128x128xf32, #tpu.memory_space<vmem_shared>>
        %dma_start3A_2353 = arith.constant 0 : i32
        %dma_start3A_2354 = arith.constant 0 : i32
        %dma_start3A_2355 = tpu.memref_slice %arg4[%dma_start3A_2353, %dma_start3A_2354] : memref<1000x128xf32, #tpu.memory_space<hbm>> -> memref<128x128xf32, #tpu.memory_space<hbm>>
        tpu.enqueue_dma source(%dma_start3A_2355 : memref<128x128xf32, #tpu.memory_space<hbm>>) target(%dma_start3A_2352 : memref<128x128xf32, #tpu.memory_space<vmem_shared>>) target_semaphore(%run_scoped3A : memref<!tpu.dma_semaphore, #tpu.memory_space<semaphore_mem>>)
        %dma_wait3A_2356 = arith.constant 0 : i32
        %dma_wait3A_2357 = arith.constant 0 : i32
        %dma_wait3A_2358 = tpu.memref_slice %arg8[%dma_wait3A_2356, %dma_wait3A_2357] : memref<1000x128xf32, #tpu.memory_space<vmem_shared>> -> memref<128x128xf32, #tpu.memory_space<vmem_shared>>
        %dma_wait3A_2359 = arith.constant 0 : i32
        %dma_wait3A_2360 = arith.constant 0 : i32
        %dma_wait3A_2361 = tpu.memref_slice %arg4[%dma_wait3A_2359, %dma_wait3A_2360] : memref<1000x128xf32, #tpu.memory_space<hbm>> -> memref<128x128xf32, #tpu.memory_space<hbm>>
        tpu.wait_dma2 semaphore(%run_scoped3A : memref<!tpu.dma_semaphore, #tpu.memory_space<semaphore_mem>>) src(%dma_wait3A_2361 : memref<128x128xf32, #tpu.memory_space<hbm>>) dst(%dma_wait3A_2358 : memref<128x128xf32, #tpu.memory_space<vmem_shared>>)
        tpu.yield
      }) : () -> ()
    } else {
    }
    %eq3A_62 = arith.constant 1 : i32
    %eq3A_63 = arith.cmpi eq, %arg1, %eq3A_62 : i32
    %convert_element_type3A_64 = arith.extui %eq3A_63 : i1 to i32
    %cond3A_65 = arith.constant 0 : i32
    %cond3A_66 = arith.cmpi ne, %convert_element_type3A_64, %cond3A_65 : i32
    scf.if %cond3A_66 {
      "tpu.region"() ({
        %run_scoped3A = tpu.sem_alloc : memref<!tpu.dma_semaphore, #tpu.memory_space<semaphore_mem>>
        %dma_start3A_2350 = arith.constant 128 : i32
        %dma_start3A_2351 = arith.constant 0 : i32
        %dma_start3A_2352 = tpu.memref_slice %arg8[%dma_start3A_2350, %dma_start3A_2351] : memref<1000x128xf32, #tpu.memory_space<vmem_shared>> -> memref<128x128xf32, #tpu.memory_space<vmem_shared>>
        %dma_start3A_2353 = arith.constant 128 : i32
        %dma_start3A_2354 = arith.constant 0 : i32
        %dma_start3A_2355 = tpu.memref_slice %arg4[%dma_start3A_2353, %dma_start3A_2354] : memref<1000x128xf32, #tpu.memory_space<hbm>> -> memref<128x128xf32, #tpu.memory_space<hbm>>
        tpu.enqueue_dma source(%dma_start3A_2355 : memref<128x128xf32, #tpu.memory_space<hbm>>) target(%dma_start3A_2352 : memref<128x128xf32, #tpu.memory_space<vmem_shared>>) target_semaphore(%run_scoped3A : memref<!tpu.dma_semaphore, #tpu.memory_space<semaphore_mem>>)
        %dma_wait3A_2356 = arith.constant 128 : i32
        %dma_wait3A_2357 = arith.constant 0 : i32
        %dma_wait3A_2358 = tpu.memref_slice %arg8[%dma_wait3A_2356, %dma_wait3A_2357] : memref<1000x128xf32, #tpu.memory_space<vmem_shared>> -> memref<128x128xf32, #tpu.memory_space<vmem_shared>>
        %dma_wait3A_2359 = arith.constant 128 : i32
        %dma_wait3A_2360 = arith.constant 0 : i32
        %dma_wait3A_2361 = tpu.memref_slice %arg4[%dma_wait3A_2359, %dma_wait3A_2360] : memref<1000x128xf32, #tpu.memory_space<hbm>> -> memref<128x128xf32, #tpu.memory_space<hbm>>
        tpu.wait_dma2 semaphore(%run_scoped3A : memref<!tpu.dma_semaphore, #tpu.memory_space<semaphore_mem>>) src(%dma_wait3A_2361 : memref<128x128xf32, #tpu.memory_space<hbm>>) dst(%dma_wait3A_2358 : memref<128x128xf32, #tpu.memory_space<vmem_shared>>)
        tpu.yield
      }) : () -> ()
    } else {
    }
    %eq3A_67 = arith.constant 2 : i32
    %eq3A_68 = arith.cmpi eq, %arg1, %eq3A_67 : i32
    %convert_element_type3A_69 = arith.extui %eq3A_68 : i1 to i32
    %cond3A_70 = arith.constant 0 : i32
    %cond3A_71 = arith.cmpi ne, %convert_element_type3A_69, %cond3A_70 : i32
    scf.if %cond3A_71 {
      "tpu.region"() ({
        %run_scoped3A = tpu.sem_alloc : memref<!tpu.dma_semaphore, #tpu.memory_space<semaphore_mem>>
        %dma_start3A_2350 = arith.constant 256 : i32
        %dma_start3A_2351 = arith.constant 0 : i32
        %dma_start3A_2352 = tpu.memref_slice %arg8[%dma_start3A_2350, %dma_start3A_2351] : memref<1000x128xf32, #tpu.memory_space<vmem_shared>> -> memref<128x128xf32, #tpu.memory_space<vmem_shared>>
        %dma_start3A_2353 = arith.constant 256 : i32
        %dma_start3A_2354 = arith.constant 0 : i32
        %dma_start3A_2355 = tpu.memref_slice %arg4[%dma_start3A_2353, %dma_start3A_2354] : memref<1000x128xf32, #tpu.memory_space<hbm>> -> memref<128x128xf32, #tpu.memory_space<hbm>>
        tpu.enqueue_dma source(%dma_start3A_2355 : memref<128x128xf32, #tpu.memory_space<hbm>>) target(%dma_start3A_2352 : memref<128x128xf32, #tpu.memory_space<vmem_shared>>) target_semaphore(%run_scoped3A : memref<!tpu.dma_semaphore, #tpu.memory_space<semaphore_mem>>)
        %dma_wait3A_2356 = arith.constant 256 : i32
        %dma_wait3A_2357 = arith.constant 0 : i32
        %dma_wait3A_2358 = tpu.memref_slice %arg8[%dma_wait3A_2356, %dma_wait3A_2357] : memref<1000x128xf32, #tpu.memory_space<vmem_shared>> -> memref<128x128xf32, #tpu.memory_space<vmem_shared>>
        %dma_wait3A_2359 = arith.constant 256 : i32
        %dma_wait3A_2360 = arith.constant 0 : i32
        %dma_wait3A_2361 = tpu.memref_slice %arg4[%dma_wait3A_2359, %dma_wait3A_2360] : memref<1000x128xf32, #tpu.memory_space<hbm>> -> memref<128x128xf32, #tpu.memory_space<hbm>>
        tpu.wait_dma2 semaphore(%run_scoped3A : memref<!tpu.dma_semaphore, #tpu.memory_space<semaphore_mem>>) src(%dma_wait3A_2361 : memref<128x128xf32, #tpu.memory_space<hbm>>) dst(%dma_wait3A_2358 : memref<128x128xf32, #tpu.memory_space<vmem_shared>>)
        tpu.yield
      }) : () -> ()
    } else {
    }
    %eq3A_72 = arith.constant 3 : i32
    %eq3A_73 = arith.cmpi eq, %arg1, %eq3A_72 : i32
    %convert_element_type3A_74 = arith.extui %eq3A_73 : i1 to i32
    %cond3A_75 = arith.constant 0 : i32
    %cond3A_76 = arith.cmpi ne, %convert_element_type3A_74, %cond3A_75 : i32
    scf.if %cond3A_76 {
      "tpu.region"() ({
        %run_scoped3A = tpu.sem_alloc : memref<!tpu.dma_semaphore, #tpu.memory_space<semaphore_mem>>
        %dma_start3A_2350 = arith.constant 384 : i32
        %dma_start3A_2351 = arith.constant 0 : i32
        %dma_start3A_2352 = tpu.memref_slice %arg8[%dma_start3A_2350, %dma_start3A_2351] : memref<1000x128xf32, #tpu.memory_space<vmem_shared>> -> memref<128x128xf32, #tpu.memory_space<vmem_shared>>
        %dma_start3A_2353 = arith.constant 384 : i32
        %dma_start3A_2354 = arith.constant 0 : i32
        %dma_start3A_2355 = tpu.memref_slice %arg4[%dma_start3A_2353, %dma_start3A_2354] : memref<1000x128xf32, #tpu.memory_space<hbm>> -> memref<128x128xf32, #tpu.memory_space<hbm>>
        tpu.enqueue_dma source(%dma_start3A_2355 : memref<128x128xf32, #tpu.memory_space<hbm>>) target(%dma_start3A_2352 : memref<128x128xf32, #tpu.memory_space<vmem_shared>>) target_semaphore(%run_scoped3A : memref<!tpu.dma_semaphore, #tpu.memory_space<semaphore_mem>>)
        %dma_wait3A_2356 = arith.constant 384 : i32
        %dma_wait3A_2357 = arith.constant 0 : i32
        %dma_wait3A_2358 = tpu.memref_slice %arg8[%dma_wait3A_2356, %dma_wait3A_2357] : memref<1000x128xf32, #tpu.memory_space<vmem_shared>> -> memref<128x128xf32, #tpu.memory_space<vmem_shared>>
        %dma_wait3A_2359 = arith.constant 384 : i32
        %dma_wait3A_2360 = arith.constant 0 : i32
        %dma_wait3A_2361 = tpu.memref_slice %arg4[%dma_wait3A_2359, %dma_wait3A_2360] : memref<1000x128xf32, #tpu.memory_space<hbm>> -> memref<128x128xf32, #tpu.memory_space<hbm>>
        tpu.wait_dma2 semaphore(%run_scoped3A : memref<!tpu.dma_semaphore, #tpu.memory_space<semaphore_mem>>) src(%dma_wait3A_2361 : memref<128x128xf32, #tpu.memory_space<hbm>>) dst(%dma_wait3A_2358 : memref<128x128xf32, #tpu.memory_space<vmem_shared>>)
        tpu.yield
      }) : () -> ()
    } else {
    }
    %eq3A_77 = arith.constant 4 : i32
    %eq3A_78 = arith.cmpi eq, %arg1, %eq3A_77 : i32
    %convert_element_type3A_79 = arith.extui %eq3A_78 : i1 to i32
    %cond3A_80 = arith.constant 0 : i32
    %cond3A_81 = arith.cmpi ne, %convert_element_type3A_79, %cond3A_80 : i32
    scf.if %cond3A_81 {
      "tpu.region"() ({
        %run_scoped3A = tpu.sem_alloc : memref<!tpu.dma_semaphore, #tpu.memory_space<semaphore_mem>>
        %dma_start3A_2350 = arith.constant 512 : i32
        %dma_start3A_2351 = arith.constant 0 : i32
        %dma_start3A_2352 = tpu.memref_slice %arg8[%dma_start3A_2350, %dma_start3A_2351] : memref<1000x128xf32, #tpu.memory_space<vmem_shared>> -> memref<128x128xf32, #tpu.memory_space<vmem_shared>>
        %dma_start3A_2353 = arith.constant 512 : i32
        %dma_start3A_2354 = arith.constant 0 : i32
        %dma_start3A_2355 = tpu.memref_slice %arg4[%dma_start3A_2353, %dma_start3A_2354] : memref<1000x128xf32, #tpu.memory_space<hbm>> -> memref<128x128xf32, #tpu.memory_space<hbm>>
        tpu.enqueue_dma source(%dma_start3A_2355 : memref<128x128xf32, #tpu.memory_space<hbm>>) target(%dma_start3A_2352 : memref<128x128xf32, #tpu.memory_space<vmem_shared>>) target_semaphore(%run_scoped3A : memref<!tpu.dma_semaphore, #tpu.memory_space<semaphore_mem>>)
        %dma_wait3A_2356 = arith.constant 512 : i32
        %dma_wait3A_2357 = arith.constant 0 : i32
        %dma_wait3A_2358 = tpu.memref_slice %arg8[%dma_wait3A_2356, %dma_wait3A_2357] : memref<1000x128xf32, #tpu.memory_space<vmem_shared>> -> memref<128x128xf32, #tpu.memory_space<vmem_shared>>
        %dma_wait3A_2359 = arith.constant 512 : i32
        %dma_wait3A_2360 = arith.constant 0 : i32
        %dma_wait3A_2361 = tpu.memref_slice %arg4[%dma_wait3A_2359, %dma_wait3A_2360] : memref<1000x128xf32, #tpu.memory_space<hbm>> -> memref<128x128xf32, #tpu.memory_space<hbm>>
        tpu.wait_dma2 semaphore(%run_scoped3A : memref<!tpu.dma_semaphore, #tpu.memory_space<semaphore_mem>>) src(%dma_wait3A_2361 : memref<128x128xf32, #tpu.memory_space<hbm>>) dst(%dma_wait3A_2358 : memref<128x128xf32, #tpu.memory_space<vmem_shared>>)
        tpu.yield
      }) : () -> ()
    } else {
    }
    %eq3A_82 = arith.constant 5 : i32
    %eq3A_83 = arith.cmpi eq, %arg1, %eq3A_82 : i32
    %convert_element_type3A_84 = arith.extui %eq3A_83 : i1 to i32
    %cond3A_85 = arith.constant 0 : i32
    %cond3A_86 = arith.cmpi ne, %convert_element_type3A_84, %cond3A_85 : i32
    scf.if %cond3A_86 {
      "tpu.region"() ({
        %run_scoped3A = tpu.sem_alloc : memref<!tpu.dma_semaphore, #tpu.memory_space<semaphore_mem>>
        %dma_start3A_2350 = arith.constant 640 : i32
        %dma_start3A_2351 = arith.constant 0 : i32
        %dma_start3A_2352 = tpu.memref_slice %arg8[%dma_start3A_2350, %dma_start3A_2351] : memref<1000x128xf32, #tpu.memory_space<vmem_shared>> -> memref<128x128xf32, #tpu.memory_space<vmem_shared>>
        %dma_start3A_2353 = arith.constant 640 : i32
        %dma_start3A_2354 = arith.constant 0 : i32
        %dma_start3A_2355 = tpu.memref_slice %arg4[%dma_start3A_2353, %dma_start3A_2354] : memref<1000x128xf32, #tpu.memory_space<hbm>> -> memref<128x128xf32, #tpu.memory_space<hbm>>
        tpu.enqueue_dma source(%dma_start3A_2355 : memref<128x128xf32, #tpu.memory_space<hbm>>) target(%dma_start3A_2352 : memref<128x128xf32, #tpu.memory_space<vmem_shared>>) target_semaphore(%run_scoped3A : memref<!tpu.dma_semaphore, #tpu.memory_space<semaphore_mem>>)
        %dma_wait3A_2356 = arith.constant 640 : i32
        %dma_wait3A_2357 = arith.constant 0 : i32
        %dma_wait3A_2358 = tpu.memref_slice %arg8[%dma_wait3A_2356, %dma_wait3A_2357] : memref<1000x128xf32, #tpu.memory_space<vmem_shared>> -> memref<128x128xf32, #tpu.memory_space<vmem_shared>>
        %dma_wait3A_2359 = arith.constant 640 : i32
        %dma_wait3A_2360 = arith.constant 0 : i32
        %dma_wait3A_2361 = tpu.memref_slice %arg4[%dma_wait3A_2359, %dma_wait3A_2360] : memref<1000x128xf32, #tpu.memory_space<hbm>> -> memref<128x128xf32, #tpu.memory_space<hbm>>
        tpu.wait_dma2 semaphore(%run_scoped3A : memref<!tpu.dma_semaphore, #tpu.memory_space<semaphore_mem>>) src(%dma_wait3A_2361 : memref<128x128xf32, #tpu.memory_space<hbm>>) dst(%dma_wait3A_2358 : memref<128x128xf32, #tpu.memory_space<vmem_shared>>)
        tpu.yield
      }) : () -> ()
    } else {
    }
    %eq3A_87 = arith.constant 6 : i32
    %eq3A_88 = arith.cmpi eq, %arg1, %eq3A_87 : i32
    %convert_element_type3A_89 = arith.extui %eq3A_88 : i1 to i32
    %cond3A_90 = arith.constant 0 : i32
    %cond3A_91 = arith.cmpi ne, %convert_element_type3A_89, %cond3A_90 : i32
    scf.if %cond3A_91 {
      "tpu.region"() ({
        %run_scoped3A = tpu.sem_alloc : memref<!tpu.dma_semaphore, #tpu.memory_space<semaphore_mem>>
        %dma_start3A_2350 = arith.constant 768 : i32
        %dma_start3A_2351 = arith.constant 0 : i32
        %dma_start3A_2352 = tpu.memref_slice %arg8[%dma_start3A_2350, %dma_start3A_2351] : memref<1000x128xf32, #tpu.memory_space<vmem_shared>> -> memref<128x128xf32, #tpu.memory_space<vmem_shared>>
        %dma_start3A_2353 = arith.constant 768 : i32
        %dma_start3A_2354 = arith.constant 0 : i32
        %dma_start3A_2355 = tpu.memref_slice %arg4[%dma_start3A_2353, %dma_start3A_2354] : memref<1000x128xf32, #tpu.memory_space<hbm>> -> memref<128x128xf32, #tpu.memory_space<hbm>>
        tpu.enqueue_dma source(%dma_start3A_2355 : memref<128x128xf32, #tpu.memory_space<hbm>>) target(%dma_start3A_2352 : memref<128x128xf32, #tpu.memory_space<vmem_shared>>) target_semaphore(%run_scoped3A : memref<!tpu.dma_semaphore, #tpu.memory_space<semaphore_mem>>)
        %dma_wait3A_2356 = arith.constant 768 : i32
        %dma_wait3A_2357 = arith.constant 0 : i32
        %dma_wait3A_2358 = tpu.memref_slice %arg8[%dma_wait3A_2356, %dma_wait3A_2357] : memref<1000x128xf32, #tpu.memory_space<vmem_shared>> -> memref<128x128xf32, #tpu.memory_space<vmem_shared>>
        %dma_wait3A_2359 = arith.constant 768 : i32
        %dma_wait3A_2360 = arith.constant 0 : i32
        %dma_wait3A_2361 = tpu.memref_slice %arg4[%dma_wait3A_2359, %dma_wait3A_2360] : memref<1000x128xf32, #tpu.memory_space<hbm>> -> memref<128x128xf32, #tpu.memory_space<hbm>>
        tpu.wait_dma2 semaphore(%run_scoped3A : memref<!tpu.dma_semaphore, #tpu.memory_space<semaphore_mem>>) src(%dma_wait3A_2361 : memref<128x128xf32, #tpu.memory_space<hbm>>) dst(%dma_wait3A_2358 : memref<128x128xf32, #tpu.memory_space<vmem_shared>>)
        tpu.yield
      }) : () -> ()
    } else {
    }
    %eq3A_92 = arith.constant 7 : i32
    %eq3A_93 = arith.cmpi eq, %arg1, %eq3A_92 : i32
    %convert_element_type3A_94 = arith.extui %eq3A_93 : i1 to i32
    %cond3A_95 = arith.constant 0 : i32
    %cond3A_96 = arith.cmpi ne, %convert_element_type3A_94, %cond3A_95 : i32
    scf.if %cond3A_96 {
      "tpu.region"() ({
        %run_scoped3A = tpu.sem_alloc : memref<!tpu.dma_semaphore, #tpu.memory_space<semaphore_mem>>
        %dma_start3A_2350 = arith.constant 896 : i32
        %dma_start3A_2351 = arith.constant 0 : i32
        %dma_start3A_2352 = tpu.memref_slice %arg8[%dma_start3A_2350, %dma_start3A_2351] : memref<1000x128xf32, #tpu.memory_space<vmem_shared>> -> memref<104x128xf32, #tpu.memory_space<vmem_shared>>
        %dma_start3A_2353 = arith.constant 896 : i32
        %dma_start3A_2354 = arith.constant 0 : i32
        %dma_start3A_2355 = tpu.memref_slice %arg4[%dma_start3A_2353, %dma_start3A_2354] : memref<1000x128xf32, #tpu.memory_space<hbm>> -> memref<104x128xf32, #tpu.memory_space<hbm>>
        tpu.enqueue_dma source(%dma_start3A_2355 : memref<104x128xf32, #tpu.memory_space<hbm>>) target(%dma_start3A_2352 : memref<104x128xf32, #tpu.memory_space<vmem_shared>>) target_semaphore(%run_scoped3A : memref<!tpu.dma_semaphore, #tpu.memory_space<semaphore_mem>>)
        %dma_wait3A_2356 = arith.constant 896 : i32
        %dma_wait3A_2357 = arith.constant 0 : i32
        %dma_wait3A_2358 = tpu.memref_slice %arg8[%dma_wait3A_2356, %dma_wait3A_2357] : memref<1000x128xf32, #tpu.memory_space<vmem_shared>> -> memref<104x128xf32, #tpu.memory_space<vmem_shared>>
        %dma_wait3A_2359 = arith.constant 896 : i32
        %dma_wait3A_2360 = arith.constant 0 : i32
        %dma_wait3A_2361 = tpu.memref_slice %arg4[%dma_wait3A_2359, %dma_wait3A_2360] : memref<1000x128xf32, #tpu.memory_space<hbm>> -> memref<104x128xf32, #tpu.memory_space<hbm>>
        tpu.wait_dma2 semaphore(%run_scoped3A : memref<!tpu.dma_semaphore, #tpu.memory_space<semaphore_mem>>) src(%dma_wait3A_2361 : memref<104x128xf32, #tpu.memory_space<hbm>>) dst(%dma_wait3A_2358 : memref<104x128xf32, #tpu.memory_space<vmem_shared>>)
        tpu.yield
      }) : () -> ()
    } else {
    }
    %add3A_97 = arith.constant 0 : i32
    %add3A_98 = arith.addi %mul3A_58, %add3A_97 : i32
    %dma_start3A = arith.constant 0 : i32
    %dma_start3A_99 = arith.constant 0 : i32
    %dma_start3A_100 = arith.constant 0 : i32
    %dma_start3A_101 = arith.constant 0 : i32
    %dma_start3A_102 = arith.constant 0 : i32
    %dma_start3A_103 = tpu.memref_slice %arg7[%dma_start3A, %dma_start3A_100, %dma_start3A_101, %dma_start3A_102] : memref<2x5x64x128xf32, #tpu.memory_space<vmem>> -> memref<1x5x64x128xf32, #tpu.memory_space<vmem>>
    %dma_start3A_104 = tpu.memref_squeeze %dma_start3A_103 : memref<1x5x64x128xf32, #tpu.memory_space<vmem>> -> memref<5x64x128xf32, #tpu.memory_space<vmem>>
    %dma_start3A_105 = arith.constant 0 : i32
    %dma_start3A_106 = arith.constant 0 : i32
    %dma_start3A_107 = tpu.memref_slice %arg2[%select_n3A, %add3A_98, %dma_start3A_105, %dma_start3A_106] : memref<16x50x64x128xf32, #tpu.memory_space<hbm>> -> memref<1x5x64x128xf32, #tpu.memory_space<hbm>>
    %dma_start3A_108 = tpu.memref_squeeze %dma_start3A_107 : memref<1x5x64x128xf32, #tpu.memory_space<hbm>> -> memref<5x64x128xf32, #tpu.memory_space<hbm>>
    %dma_start3A_109 = tpu.memref_slice %arg9[%dma_start3A_99] : memref<2x!tpu.dma_semaphore, #tpu.memory_space<semaphore_mem>> -> memref<1x!tpu.dma_semaphore, #tpu.memory_space<semaphore_mem>>
    %dma_start3A_110 = tpu.memref_squeeze %dma_start3A_109 : memref<1x!tpu.dma_semaphore, #tpu.memory_space<semaphore_mem>> -> memref<!tpu.dma_semaphore, #tpu.memory_space<semaphore_mem>>
    %dma_start3A_111 = arith.constant 0 : i32
    %dma_start3A_112 = arith.constant 0 : i32
    %dma_start3A_113 = arith.constant 0 : i32
    %dma_start3A_114 = tpu.memref_slice %arg7[%dma_start3A, %dma_start3A_111, %dma_start3A_112, %dma_start3A_113] : memref<2x5x64x128xf32, #tpu.memory_space<vmem>> -> memref<1x5x64x128xf32, #tpu.memory_space<vmem>>
    %dma_start3A_115 = tpu.memref_squeeze %dma_start3A_114 : memref<1x5x64x128xf32, #tpu.memory_space<vmem>> -> memref<5x64x128xf32, #tpu.memory_space<vmem>>
    %dma_start3A_116 = arith.constant 0 : i32
    %dma_start3A_117 = arith.constant 0 : i32
    %dma_start3A_118 = tpu.memref_slice %arg2[%select_n3A, %add3A_98, %dma_start3A_116, %dma_start3A_117] : memref<16x50x64x128xf32, #tpu.memory_space<hbm>> -> memref<1x5x64x128xf32, #tpu.memory_space<hbm>>
    %dma_start3A_119 = tpu.memref_squeeze %dma_start3A_118 : memref<1x5x64x128xf32, #tpu.memory_space<hbm>> -> memref<5x64x128xf32, #tpu.memory_space<hbm>>
    tpu.enqueue_dma source(%dma_start3A_119 : memref<5x64x128xf32, #tpu.memory_space<hbm>>) target(%dma_start3A_115 : memref<5x64x128xf32, #tpu.memory_space<vmem>>) target_semaphore(%dma_start3A_110 : memref<!tpu.dma_semaphore, #tpu.memory_space<semaphore_mem>>)
    "tpu.region"() ({
      %run_scoped3A = tpu.sem_alloc : memref<!tpu.dma_semaphore, #tpu.memory_space<semaphore_mem>>
      %dma_start3A_2350 = arith.constant 0 : i32
      %dma_start3A_2351 = tpu.memref_slice %arg3[%mul3A_58, %mul3A_42, %dma_start3A_2350] : memref<50x16x64xi32, #tpu.memory_space<hbm>> -> memref<25x8x64xi32, #tpu.memory_space<hbm>>
      %dma_start3A_2352 = arith.constant 0 : i32
      %dma_start3A_2353 = tpu.memref_slice %arg3[%mul3A_58, %mul3A_42, %dma_start3A_2352] : memref<50x16x64xi32, #tpu.memory_space<hbm>> -> memref<25x8x64xi32, #tpu.memory_space<hbm>>
      tpu.enqueue_dma source(%dma_start3A_2353 : memref<25x8x64xi32, #tpu.memory_space<hbm>>) target(%arg6 : memref<25x8x64xi32, #tpu.memory_space<vmem>>) target_semaphore(%run_scoped3A : memref<!tpu.dma_semaphore, #tpu.memory_space<semaphore_mem>>)
      %dma_wait3A_2354 = arith.constant 0 : i32
      %dma_wait3A_2355 = tpu.memref_slice %arg3[%mul3A_58, %mul3A_42, %dma_wait3A_2354] : memref<50x16x64xi32, #tpu.memory_space<hbm>> -> memref<25x8x64xi32, #tpu.memory_space<hbm>>
      %dma_wait3A_2356 = arith.constant 0 : i32
      %dma_wait3A_2357 = tpu.memref_slice %arg3[%mul3A_58, %mul3A_42, %dma_wait3A_2356] : memref<50x16x64xi32, #tpu.memory_space<hbm>> -> memref<25x8x64xi32, #tpu.memory_space<hbm>>
      tpu.wait_dma2 semaphore(%run_scoped3A : memref<!tpu.dma_semaphore, #tpu.memory_space<semaphore_mem>>) src(%dma_wait3A_2357 : memref<25x8x64xi32, #tpu.memory_space<hbm>>) dst(%arg6 : memref<25x8x64xi32, #tpu.memory_space<vmem>>)
      tpu.yield
    }) : () -> ()
    %barrier3A = arith.constant 0 : index
    tpu.barrier barrier_id(%barrier3A)
    %add3A_120 = arith.constant 5 : i32
    %add3A_121 = arith.addi %mul3A_58, %add3A_120 : i32
    %dma_start3A_122 = arith.constant 1 : i32
    %dma_start3A_123 = arith.constant 1 : i32
    %dma_start3A_124 = arith.constant 0 : i32
    %dma_start3A_125 = arith.constant 0 : i32
    %dma_start3A_126 = arith.constant 0 : i32
    %dma_start3A_127 = tpu.memref_slice %arg7[%dma_start3A_122, %dma_start3A_124, %dma_start3A_125, %dma_start3A_126] : memref<2x5x64x128xf32, #tpu.memory_space<vmem>> -> memref<1x5x64x128xf32, #tpu.memory_space<vmem>>
    %dma_start3A_128 = tpu.memref_squeeze %dma_start3A_127 : memref<1x5x64x128xf32, #tpu.memory_space<vmem>> -> memref<5x64x128xf32, #tpu.memory_space<vmem>>
    %dma_start3A_129 = arith.constant 0 : i32
    %dma_start3A_130 = arith.constant 0 : i32
    %dma_start3A_131 = tpu.memref_slice %arg2[%select_n3A, %add3A_121, %dma_start3A_129, %dma_start3A_130] : memref<16x50x64x128xf32, #tpu.memory_space<hbm>> -> memref<1x5x64x128xf32, #tpu.memory_space<hbm>>
    %dma_start3A_132 = tpu.memref_squeeze %dma_start3A_131 : memref<1x5x64x128xf32, #tpu.memory_space<hbm>> -> memref<5x64x128xf32, #tpu.memory_space<hbm>>
    %dma_start3A_133 = tpu.memref_slice %arg9[%dma_start3A_123] : memref<2x!tpu.dma_semaphore, #tpu.memory_space<semaphore_mem>> -> memref<1x!tpu.dma_semaphore, #tpu.memory_space<semaphore_mem>>
    %dma_start3A_134 = tpu.memref_squeeze %dma_start3A_133 : memref<1x!tpu.dma_semaphore, #tpu.memory_space<semaphore_mem>> -> memref<!tpu.dma_semaphore, #tpu.memory_space<semaphore_mem>>
    %dma_start3A_135 = arith.constant 0 : i32
    %dma_start3A_136 = arith.constant 0 : i32
    %dma_start3A_137 = arith.constant 0 : i32
    %dma_start3A_138 = tpu.memref_slice %arg7[%dma_start3A_122, %dma_start3A_135, %dma_start3A_136, %dma_start3A_137] : memref<2x5x64x128xf32, #tpu.memory_space<vmem>> -> memref<1x5x64x128xf32, #tpu.memory_space<vmem>>
    %dma_start3A_139 = tpu.memref_squeeze %dma_start3A_138 : memref<1x5x64x128xf32, #tpu.memory_space<vmem>> -> memref<5x64x128xf32, #tpu.memory_space<vmem>>
    %dma_start3A_140 = arith.constant 0 : i32
    %dma_start3A_141 = arith.constant 0 : i32
    %dma_start3A_142 = tpu.memref_slice %arg2[%select_n3A, %add3A_121, %dma_start3A_140, %dma_start3A_141] : memref<16x50x64x128xf32, #tpu.memory_space<hbm>> -> memref<1x5x64x128xf32, #tpu.memory_space<hbm>>
    %dma_start3A_143 = tpu.memref_squeeze %dma_start3A_142 : memref<1x5x64x128xf32, #tpu.memory_space<hbm>> -> memref<5x64x128xf32, #tpu.memory_space<hbm>>
    tpu.enqueue_dma source(%dma_start3A_143 : memref<5x64x128xf32, #tpu.memory_space<hbm>>) target(%dma_start3A_139 : memref<5x64x128xf32, #tpu.memory_space<vmem>>) target_semaphore(%dma_start3A_134 : memref<!tpu.dma_semaphore, #tpu.memory_space<semaphore_mem>>)
    %dma_wait3A = arith.constant 0 : i32
    %dma_wait3A_144 = arith.constant 0 : i32
    %dma_wait3A_145 = arith.constant 0 : i32
    %dma_wait3A_146 = arith.constant 0 : i32
    %dma_wait3A_147 = arith.constant 0 : i32
    %dma_wait3A_148 = tpu.memref_slice %arg7[%dma_wait3A, %dma_wait3A_145, %dma_wait3A_146, %dma_wait3A_147] : memref<2x5x64x128xf32, #tpu.memory_space<vmem>> -> memref<1x5x64x128xf32, #tpu.memory_space<vmem>>
    %dma_wait3A_149 = tpu.memref_squeeze %dma_wait3A_148 : memref<1x5x64x128xf32, #tpu.memory_space<vmem>> -> memref<5x64x128xf32, #tpu.memory_space<vmem>>
    %dma_wait3A_150 = arith.constant 0 : i32
    %dma_wait3A_151 = arith.constant 0 : i32
    %dma_wait3A_152 = tpu.memref_slice %arg2[%select_n3A, %add3A_98, %dma_wait3A_150, %dma_wait3A_151] : memref<16x50x64x128xf32, #tpu.memory_space<hbm>> -> memref<1x5x64x128xf32, #tpu.memory_space<hbm>>
    %dma_wait3A_153 = tpu.memref_squeeze %dma_wait3A_152 : memref<1x5x64x128xf32, #tpu.memory_space<hbm>> -> memref<5x64x128xf32, #tpu.memory_space<hbm>>
    %dma_wait3A_154 = tpu.memref_slice %arg9[%dma_wait3A_144] : memref<2x!tpu.dma_semaphore, #tpu.memory_space<semaphore_mem>> -> memref<1x!tpu.dma_semaphore, #tpu.memory_space<semaphore_mem>>
    %dma_wait3A_155 = tpu.memref_squeeze %dma_wait3A_154 : memref<1x!tpu.dma_semaphore, #tpu.memory_space<semaphore_mem>> -> memref<!tpu.dma_semaphore, #tpu.memory_space<semaphore_mem>>
    %dma_wait3A_156 = arith.constant 0 : i32
    %dma_wait3A_157 = arith.constant 0 : i32
    %dma_wait3A_158 = arith.constant 0 : i32
    %dma_wait3A_159 = tpu.memref_slice %arg7[%dma_wait3A, %dma_wait3A_156, %dma_wait3A_157, %dma_wait3A_158] : memref<2x5x64x128xf32, #tpu.memory_space<vmem>> -> memref<1x5x64x128xf32, #tpu.memory_space<vmem>>
    %dma_wait3A_160 = tpu.memref_squeeze %dma_wait3A_159 : memref<1x5x64x128xf32, #tpu.memory_space<vmem>> -> memref<5x64x128xf32, #tpu.memory_space<vmem>>
    %dma_wait3A_161 = arith.constant 0 : i32
    %dma_wait3A_162 = arith.constant 0 : i32
    %dma_wait3A_163 = tpu.memref_slice %arg2[%select_n3A, %add3A_98, %dma_wait3A_161, %dma_wait3A_162] : memref<16x50x64x128xf32, #tpu.memory_space<hbm>> -> memref<1x5x64x128xf32, #tpu.memory_space<hbm>>
    %dma_wait3A_164 = tpu.memref_squeeze %dma_wait3A_163 : memref<1x5x64x128xf32, #tpu.memory_space<hbm>> -> memref<5x64x128xf32, #tpu.memory_space<hbm>>
    tpu.wait_dma2 semaphore(%dma_wait3A_155 : memref<!tpu.dma_semaphore, #tpu.memory_space<semaphore_mem>>) src(%dma_wait3A_164 : memref<5x64x128xf32, #tpu.memory_space<hbm>>) dst(%dma_wait3A_160 : memref<5x64x128xf32, #tpu.memory_space<vmem>>)
    %sub3A_165 = arith.subi %select_n3A, %mul3A_42 : i32
    %dma_start3A_166 = arith.constant 0 : i32
    %dma_start3A_167 = arith.constant 0 : i32
    %dma_start3A_168 = arith.constant 0 : i32
    %dma_start3A_169 = arith.constant 0 : i32
    %dma_start3A_170 = arith.constant 0 : i32
    %dma_start3A_171 = arith.constant 0 : i32
    %dma_start3A_172 = arith.constant 0 : i32
    %dma_start3A_173 = tpu.memref_slice %arg7[%dma_start3A_167, %dma_start3A_168, %dma_start3A_171, %dma_start3A_172] : memref<2x5x64x128xf32, #tpu.memory_space<vmem>> -> memref<1x1x64x128xf32, #tpu.memory_space<vmem>>
    %dma_start3A_174 = tpu.memref_squeeze %dma_start3A_173 : memref<1x1x64x128xf32, #tpu.memory_space<vmem>> -> memref<64x128xf32, #tpu.memory_space<vmem>>
    %dma_start3A_175 = arith.constant 0 : i32
    %dma_start3A_176 = tpu.memref_slice %arg6[%dma_start3A_166, %sub3A_165, %dma_start3A_175] : memref<25x8x64xi32, #tpu.memory_space<vmem>> -> memref<1x1x64xi32, #tpu.memory_space<vmem>>
    %dma_start3A_177 = tpu.memref_squeeze %dma_start3A_176 : memref<1x1x64xi32, #tpu.memory_space<vmem>> -> memref<64xi32, #tpu.memory_space<vmem>>
    %dma_start3A_178 = arith.constant 0 : i32
    %dma_start3A_179 = arith.constant 0 : i32
    %dma_start3A_180 = tpu.memref_slice %arg8[%dma_start3A_178, %dma_start3A_179] : memref<1000x128xf32, #tpu.memory_space<vmem_shared>> -> memref<1000x128xf32, #tpu.memory_space<vmem_shared>>
    %dma_start3A_181 = tpu.memref_slice %arg10[%dma_start3A_169, %dma_start3A_170] : memref<2x5x!tpu.dma_semaphore, #tpu.memory_space<semaphore_mem>> -> memref<1x1x!tpu.dma_semaphore, #tpu.memory_space<semaphore_mem>>
    %dma_start3A_182 = tpu.memref_squeeze %dma_start3A_181 : memref<1x1x!tpu.dma_semaphore, #tpu.memory_space<semaphore_mem>> -> memref<!tpu.dma_semaphore, #tpu.memory_space<semaphore_mem>>
    tpu.enqueue_indirect_dma source(%dma_start3A_180 : memref<1000x128xf32, #tpu.memory_space<vmem_shared>>) target(%dma_start3A_174 : memref<64x128xf32, #tpu.memory_space<vmem>>) offsets(%dma_start3A_177 : memref<64xi32, #tpu.memory_space<vmem>>) semaphore(%dma_start3A_182 : memref<!tpu.dma_semaphore, #tpu.memory_space<semaphore_mem>>) {add = true}
    %sub3A_183 = arith.subi %select_n3A, %mul3A_42 : i32
    %dma_start3A_184 = arith.constant 1 : i32
    %dma_start3A_185 = arith.constant 0 : i32
    %dma_start3A_186 = arith.constant 1 : i32
    %dma_start3A_187 = arith.constant 0 : i32
    %dma_start3A_188 = arith.constant 1 : i32
    %dma_start3A_189 = arith.constant 0 : i32
    %dma_start3A_190 = arith.constant 0 : i32
    %dma_start3A_191 = tpu.memref_slice %arg7[%dma_start3A_185, %dma_start3A_186, %dma_start3A_189, %dma_start3A_190] : memref<2x5x64x128xf32, #tpu.memory_space<vmem>> -> memref<1x1x64x128xf32, #tpu.memory_space<vmem>>
    %dma_start3A_192 = tpu.memref_squeeze %dma_start3A_191 : memref<1x1x64x128xf32, #tpu.memory_space<vmem>> -> memref<64x128xf32, #tpu.memory_space<vmem>>
    %dma_start3A_193 = arith.constant 0 : i32
    %dma_start3A_194 = tpu.memref_slice %arg6[%dma_start3A_184, %sub3A_183, %dma_start3A_193] : memref<25x8x64xi32, #tpu.memory_space<vmem>> -> memref<1x1x64xi32, #tpu.memory_space<vmem>>
    %dma_start3A_195 = tpu.memref_squeeze %dma_start3A_194 : memref<1x1x64xi32, #tpu.memory_space<vmem>> -> memref<64xi32, #tpu.memory_space<vmem>>
    %dma_start3A_196 = arith.constant 0 : i32
    %dma_start3A_197 = arith.constant 0 : i32
    %dma_start3A_198 = tpu.memref_slice %arg8[%dma_start3A_196, %dma_start3A_197] : memref<1000x128xf32, #tpu.memory_space<vmem_shared>> -> memref<1000x128xf32, #tpu.memory_space<vmem_shared>>
    %dma_start3A_199 = tpu.memref_slice %arg10[%dma_start3A_187, %dma_start3A_188] : memref<2x5x!tpu.dma_semaphore, #tpu.memory_space<semaphore_mem>> -> memref<1x1x!tpu.dma_semaphore, #tpu.memory_space<semaphore_mem>>
    %dma_start3A_200 = tpu.memref_squeeze %dma_start3A_199 : memref<1x1x!tpu.dma_semaphore, #tpu.memory_space<semaphore_mem>> -> memref<!tpu.dma_semaphore, #tpu.memory_space<semaphore_mem>>
    tpu.enqueue_indirect_dma source(%dma_start3A_198 : memref<1000x128xf32, #tpu.memory_space<vmem_shared>>) target(%dma_start3A_192 : memref<64x128xf32, #tpu.memory_space<vmem>>) offsets(%dma_start3A_195 : memref<64xi32, #tpu.memory_space<vmem>>) semaphore(%dma_start3A_200 : memref<!tpu.dma_semaphore, #tpu.memory_space<semaphore_mem>>) {add = true}
    %sub3A_201 = arith.subi %select_n3A, %mul3A_42 : i32
    %dma_start3A_202 = arith.constant 2 : i32
    %dma_start3A_203 = arith.constant 0 : i32
    %dma_start3A_204 = arith.constant 2 : i32
    %dma_start3A_205 = arith.constant 0 : i32
    %dma_start3A_206 = arith.constant 2 : i32
    %dma_start3A_207 = arith.constant 0 : i32
    %dma_start3A_208 = arith.constant 0 : i32
    %dma_start3A_209 = tpu.memref_slice %arg7[%dma_start3A_203, %dma_start3A_204, %dma_start3A_207, %dma_start3A_208] : memref<2x5x64x128xf32, #tpu.memory_space<vmem>> -> memref<1x1x64x128xf32, #tpu.memory_space<vmem>>
    %dma_start3A_210 = tpu.memref_squeeze %dma_start3A_209 : memref<1x1x64x128xf32, #tpu.memory_space<vmem>> -> memref<64x128xf32, #tpu.memory_space<vmem>>
    %dma_start3A_211 = arith.constant 0 : i32
    %dma_start3A_212 = tpu.memref_slice %arg6[%dma_start3A_202, %sub3A_201, %dma_start3A_211] : memref<25x8x64xi32, #tpu.memory_space<vmem>> -> memref<1x1x64xi32, #tpu.memory_space<vmem>>
    %dma_start3A_213 = tpu.memref_squeeze %dma_start3A_212 : memref<1x1x64xi32, #tpu.memory_space<vmem>> -> memref<64xi32, #tpu.memory_space<vmem>>
    %dma_start3A_214 = arith.constant 0 : i32
    %dma_start3A_215 = arith.constant 0 : i32
    %dma_start3A_216 = tpu.memref_slice %arg8[%dma_start3A_214, %dma_start3A_215] : memref<1000x128xf32, #tpu.memory_space<vmem_shared>> -> memref<1000x128xf32, #tpu.memory_space<vmem_shared>>
    %dma_start3A_217 = tpu.memref_slice %arg10[%dma_start3A_205, %dma_start3A_206] : memref<2x5x!tpu.dma_semaphore, #tpu.memory_space<semaphore_mem>> -> memref<1x1x!tpu.dma_semaphore, #tpu.memory_space<semaphore_mem>>
    %dma_start3A_218 = tpu.memref_squeeze %dma_start3A_217 : memref<1x1x!tpu.dma_semaphore, #tpu.memory_space<semaphore_mem>> -> memref<!tpu.dma_semaphore, #tpu.memory_space<semaphore_mem>>
    tpu.enqueue_indirect_dma source(%dma_start3A_216 : memref<1000x128xf32, #tpu.memory_space<vmem_shared>>) target(%dma_start3A_210 : memref<64x128xf32, #tpu.memory_space<vmem>>) offsets(%dma_start3A_213 : memref<64xi32, #tpu.memory_space<vmem>>) semaphore(%dma_start3A_218 : memref<!tpu.dma_semaphore, #tpu.memory_space<semaphore_mem>>) {add = true}
    %sub3A_219 = arith.subi %select_n3A, %mul3A_42 : i32
    %dma_start3A_220 = arith.constant 3 : i32
    %dma_start3A_221 = arith.constant 0 : i32
    %dma_start3A_222 = arith.constant 3 : i32
    %dma_start3A_223 = arith.constant 0 : i32
    %dma_start3A_224 = arith.constant 3 : i32
    %dma_start3A_225 = arith.constant 0 : i32
    %dma_start3A_226 = arith.constant 0 : i32
    %dma_start3A_227 = tpu.memref_slice %arg7[%dma_start3A_221, %dma_start3A_222, %dma_start3A_225, %dma_start3A_226] : memref<2x5x64x128xf32, #tpu.memory_space<vmem>> -> memref<1x1x64x128xf32, #tpu.memory_space<vmem>>
    %dma_start3A_228 = tpu.memref_squeeze %dma_start3A_227 : memref<1x1x64x128xf32, #tpu.memory_space<vmem>> -> memref<64x128xf32, #tpu.memory_space<vmem>>
    %dma_start3A_229 = arith.constant 0 : i32
    %dma_start3A_230 = tpu.memref_slice %arg6[%dma_start3A_220, %sub3A_219, %dma_start3A_229] : memref<25x8x64xi32, #tpu.memory_space<vmem>> -> memref<1x1x64xi32, #tpu.memory_space<vmem>>
    %dma_start3A_231 = tpu.memref_squeeze %dma_start3A_230 : memref<1x1x64xi32, #tpu.memory_space<vmem>> -> memref<64xi32, #tpu.memory_space<vmem>>
    %dma_start3A_232 = arith.constant 0 : i32
    %dma_start3A_233 = arith.constant 0 : i32
    %dma_start3A_234 = tpu.memref_slice %arg8[%dma_start3A_232, %dma_start3A_233] : memref<1000x128xf32, #tpu.memory_space<vmem_shared>> -> memref<1000x128xf32, #tpu.memory_space<vmem_shared>>
    %dma_start3A_235 = tpu.memref_slice %arg10[%dma_start3A_223, %dma_start3A_224] : memref<2x5x!tpu.dma_semaphore, #tpu.memory_space<semaphore_mem>> -> memref<1x1x!tpu.dma_semaphore, #tpu.memory_space<semaphore_mem>>
    %dma_start3A_236 = tpu.memref_squeeze %dma_start3A_235 : memref<1x1x!tpu.dma_semaphore, #tpu.memory_space<semaphore_mem>> -> memref<!tpu.dma_semaphore, #tpu.memory_space<semaphore_mem>>
    tpu.enqueue_indirect_dma source(%dma_start3A_234 : memref<1000x128xf32, #tpu.memory_space<vmem_shared>>) target(%dma_start3A_228 : memref<64x128xf32, #tpu.memory_space<vmem>>) offsets(%dma_start3A_231 : memref<64xi32, #tpu.memory_space<vmem>>) semaphore(%dma_start3A_236 : memref<!tpu.dma_semaphore, #tpu.memory_space<semaphore_mem>>) {add = true}
    %sub3A_237 = arith.subi %select_n3A, %mul3A_42 : i32
    %dma_start3A_238 = arith.constant 4 : i32
    %dma_start3A_239 = arith.constant 0 : i32
    %dma_start3A_240 = arith.constant 4 : i32
    %dma_start3A_241 = arith.constant 0 : i32
    %dma_start3A_242 = arith.constant 4 : i32
    %dma_start3A_243 = arith.constant 0 : i32
    %dma_start3A_244 = arith.constant 0 : i32
    %dma_start3A_245 = tpu.memref_slice %arg7[%dma_start3A_239, %dma_start3A_240, %dma_start3A_243, %dma_start3A_244] : memref<2x5x64x128xf32, #tpu.memory_space<vmem>> -> memref<1x1x64x128xf32, #tpu.memory_space<vmem>>
    %dma_start3A_246 = tpu.memref_squeeze %dma_start3A_245 : memref<1x1x64x128xf32, #tpu.memory_space<vmem>> -> memref<64x128xf32, #tpu.memory_space<vmem>>
    %dma_start3A_247 = arith.constant 0 : i32
    %dma_start3A_248 = tpu.memref_slice %arg6[%dma_start3A_238, %sub3A_237, %dma_start3A_247] : memref<25x8x64xi32, #tpu.memory_space<vmem>> -> memref<1x1x64xi32, #tpu.memory_space<vmem>>
    %dma_start3A_249 = tpu.memref_squeeze %dma_start3A_248 : memref<1x1x64xi32, #tpu.memory_space<vmem>> -> memref<64xi32, #tpu.memory_space<vmem>>
    %dma_start3A_250 = arith.constant 0 : i32
    %dma_start3A_251 = arith.constant 0 : i32
    %dma_start3A_252 = tpu.memref_slice %arg8[%dma_start3A_250, %dma_start3A_251] : memref<1000x128xf32, #tpu.memory_space<vmem_shared>> -> memref<1000x128xf32, #tpu.memory_space<vmem_shared>>
    %dma_start3A_253 = tpu.memref_slice %arg10[%dma_start3A_241, %dma_start3A_242] : memref<2x5x!tpu.dma_semaphore, #tpu.memory_space<semaphore_mem>> -> memref<1x1x!tpu.dma_semaphore, #tpu.memory_space<semaphore_mem>>
    %dma_start3A_254 = tpu.memref_squeeze %dma_start3A_253 : memref<1x1x!tpu.dma_semaphore, #tpu.memory_space<semaphore_mem>> -> memref<!tpu.dma_semaphore, #tpu.memory_space<semaphore_mem>>
    tpu.enqueue_indirect_dma source(%dma_start3A_252 : memref<1000x128xf32, #tpu.memory_space<vmem_shared>>) target(%dma_start3A_246 : memref<64x128xf32, #tpu.memory_space<vmem>>) offsets(%dma_start3A_249 : memref<64xi32, #tpu.memory_space<vmem>>) semaphore(%dma_start3A_254 : memref<!tpu.dma_semaphore, #tpu.memory_space<semaphore_mem>>) {add = true}
    %dma_wait3A_255 = arith.constant 0 : i32
    %dma_wait3A_256 = arith.constant 0 : i32
    %dma_wait3A_257 = arith.constant 0 : i32
    %dma_wait3A_258 = arith.constant 0 : i32
    %dma_wait3A_259 = arith.constant 0 : i32
    %dma_wait3A_260 = arith.constant 0 : i32
    %dma_wait3A_261 = arith.constant 0 : i32
    %dma_wait3A_262 = tpu.memref_slice %arg7[%dma_wait3A_256, %dma_wait3A_257, %dma_wait3A_260, %dma_wait3A_261] : memref<2x5x64x128xf32, #tpu.memory_space<vmem>> -> memref<1x1x64x128xf32, #tpu.memory_space<vmem>>
    %dma_wait3A_263 = tpu.memref_squeeze %dma_wait3A_262 : memref<1x1x64x128xf32, #tpu.memory_space<vmem>> -> memref<64x128xf32, #tpu.memory_space<vmem>>
    %dma_wait3A_264 = arith.constant 0 : i32
    %dma_wait3A_265 = tpu.memref_slice %arg6[%dma_wait3A_255, %sub3A_165, %dma_wait3A_264] : memref<25x8x64xi32, #tpu.memory_space<vmem>> -> memref<1x1x64xi32, #tpu.memory_space<vmem>>
    %dma_wait3A_266 = tpu.memref_squeeze %dma_wait3A_265 : memref<1x1x64xi32, #tpu.memory_space<vmem>> -> memref<64xi32, #tpu.memory_space<vmem>>
    %dma_wait3A_267 = arith.constant 0 : i32
    %dma_wait3A_268 = arith.constant 0 : i32
    %dma_wait3A_269 = tpu.memref_slice %arg8[%dma_wait3A_267, %dma_wait3A_268] : memref<1000x128xf32, #tpu.memory_space<vmem_shared>> -> memref<1000x128xf32, #tpu.memory_space<vmem_shared>>
    %dma_wait3A_270 = tpu.memref_slice %arg10[%dma_wait3A_258, %dma_wait3A_259] : memref<2x5x!tpu.dma_semaphore, #tpu.memory_space<semaphore_mem>> -> memref<1x1x!tpu.dma_semaphore, #tpu.memory_space<semaphore_mem>>
    %dma_wait3A_271 = tpu.memref_squeeze %dma_wait3A_270 : memref<1x1x!tpu.dma_semaphore, #tpu.memory_space<semaphore_mem>> -> memref<!tpu.dma_semaphore, #tpu.memory_space<semaphore_mem>>
    tpu.wait_indirect_dma semaphore(%dma_wait3A_271 : memref<!tpu.dma_semaphore, #tpu.memory_space<semaphore_mem>>) src(%dma_wait3A_269 : memref<1000x128xf32, #tpu.memory_space<vmem_shared>>) dst(%dma_wait3A_263 : memref<64x128xf32, #tpu.memory_space<vmem>>)
    %add3A_272 = arith.constant 0 : i32
    %add3A_273 = arith.addi %mul3A_58, %add3A_272 : i32
    %add3A_274 = arith.constant 0 : i32
    %add3A_275 = arith.addi %add3A_273, %add3A_274 : i32
    %dma_start3A_276 = arith.constant 0 : i32
    %dma_start3A_277 = arith.constant 0 : i32
    %dma_start3A_278 = arith.constant 0 : i32
    %dma_start3A_279 = arith.constant 0 : i32
    %dma_start3A_280 = arith.constant 0 : i32
    %dma_start3A_281 = tpu.memref_slice %arg7[%dma_start3A_276, %dma_start3A_277, %dma_start3A_279, %dma_start3A_280] : memref<2x5x64x128xf32, #tpu.memory_space<vmem>> -> memref<1x1x64x128xf32, #tpu.memory_space<vmem>>
    %dma_start3A_282 = tpu.memref_squeeze %dma_start3A_281 : memref<1x1x64x128xf32, #tpu.memory_space<vmem>> -> memref<64x128xf32, #tpu.memory_space<vmem>>
    %dma_start3A_283 = arith.constant 0 : i32
    %dma_start3A_284 = arith.constant 0 : i32
    %dma_start3A_285 = tpu.memref_slice %arg5[%select_n3A, %add3A_275, %dma_start3A_283, %dma_start3A_284] : memref<16x50x64x128xf32, #tpu.memory_space<hbm>> -> memref<1x1x64x128xf32, #tpu.memory_space<hbm>>
    %dma_start3A_286 = tpu.memref_squeeze %dma_start3A_285 : memref<1x1x64x128xf32, #tpu.memory_space<hbm>> -> memref<64x128xf32, #tpu.memory_space<hbm>>
    %dma_start3A_287 = tpu.memref_slice %arg11[%dma_start3A_278] : memref<2x!tpu.dma_semaphore, #tpu.memory_space<semaphore_mem>> -> memref<1x!tpu.dma_semaphore, #tpu.memory_space<semaphore_mem>>
    %dma_start3A_288 = tpu.memref_squeeze %dma_start3A_287 : memref<1x!tpu.dma_semaphore, #tpu.memory_space<semaphore_mem>> -> memref<!tpu.dma_semaphore, #tpu.memory_space<semaphore_mem>>
    %dma_start3A_289 = arith.constant 0 : i32
    %dma_start3A_290 = arith.constant 0 : i32
    %dma_start3A_291 = tpu.memref_slice %arg5[%select_n3A, %add3A_275, %dma_start3A_289, %dma_start3A_290] : memref<16x50x64x128xf32, #tpu.memory_space<hbm>> -> memref<1x1x64x128xf32, #tpu.memory_space<hbm>>
    %dma_start3A_292 = tpu.memref_squeeze %dma_start3A_291 : memref<1x1x64x128xf32, #tpu.memory_space<hbm>> -> memref<64x128xf32, #tpu.memory_space<hbm>>
    %dma_start3A_293 = arith.constant 0 : i32
    %dma_start3A_294 = arith.constant 0 : i32
    %dma_start3A_295 = tpu.memref_slice %arg7[%dma_start3A_276, %dma_start3A_277, %dma_start3A_293, %dma_start3A_294] : memref<2x5x64x128xf32, #tpu.memory_space<vmem>> -> memref<1x1x64x128xf32, #tpu.memory_space<vmem>>
    %dma_start3A_296 = tpu.memref_squeeze %dma_start3A_295 : memref<1x1x64x128xf32, #tpu.memory_space<vmem>> -> memref<64x128xf32, #tpu.memory_space<vmem>>
    tpu.enqueue_dma source(%dma_start3A_296 : memref<64x128xf32, #tpu.memory_space<vmem>>) target(%dma_start3A_292 : memref<64x128xf32, #tpu.memory_space<hbm>>) target_semaphore(%dma_start3A_288 : memref<!tpu.dma_semaphore, #tpu.memory_space<semaphore_mem>>)
    %dma_wait3A_297 = arith.constant 1 : i32
    %dma_wait3A_298 = arith.constant 0 : i32
    %dma_wait3A_299 = arith.constant 1 : i32
    %dma_wait3A_300 = arith.constant 0 : i32
    %dma_wait3A_301 = arith.constant 1 : i32
    %dma_wait3A_302 = arith.constant 0 : i32
    %dma_wait3A_303 = arith.constant 0 : i32
    %dma_wait3A_304 = tpu.memref_slice %arg7[%dma_wait3A_298, %dma_wait3A_299, %dma_wait3A_302, %dma_wait3A_303] : memref<2x5x64x128xf32, #tpu.memory_space<vmem>> -> memref<1x1x64x128xf32, #tpu.memory_space<vmem>>
    %dma_wait3A_305 = tpu.memref_squeeze %dma_wait3A_304 : memref<1x1x64x128xf32, #tpu.memory_space<vmem>> -> memref<64x128xf32, #tpu.memory_space<vmem>>
    %dma_wait3A_306 = arith.constant 0 : i32
    %dma_wait3A_307 = tpu.memref_slice %arg6[%dma_wait3A_297, %sub3A_183, %dma_wait3A_306] : memref<25x8x64xi32, #tpu.memory_space<vmem>> -> memref<1x1x64xi32, #tpu.memory_space<vmem>>
    %dma_wait3A_308 = tpu.memref_squeeze %dma_wait3A_307 : memref<1x1x64xi32, #tpu.memory_space<vmem>> -> memref<64xi32, #tpu.memory_space<vmem>>
    %dma_wait3A_309 = arith.constant 0 : i32
    %dma_wait3A_310 = arith.constant 0 : i32
    %dma_wait3A_311 = tpu.memref_slice %arg8[%dma_wait3A_309, %dma_wait3A_310] : memref<1000x128xf32, #tpu.memory_space<vmem_shared>> -> memref<1000x128xf32, #tpu.memory_space<vmem_shared>>
    %dma_wait3A_312 = tpu.memref_slice %arg10[%dma_wait3A_300, %dma_wait3A_301] : memref<2x5x!tpu.dma_semaphore, #tpu.memory_space<semaphore_mem>> -> memref<1x1x!tpu.dma_semaphore, #tpu.memory_space<semaphore_mem>>
    %dma_wait3A_313 = tpu.memref_squeeze %dma_wait3A_312 : memref<1x1x!tpu.dma_semaphore, #tpu.memory_space<semaphore_mem>> -> memref<!tpu.dma_semaphore, #tpu.memory_space<semaphore_mem>>
    tpu.wait_indirect_dma semaphore(%dma_wait3A_313 : memref<!tpu.dma_semaphore, #tpu.memory_space<semaphore_mem>>) src(%dma_wait3A_311 : memref<1000x128xf32, #tpu.memory_space<vmem_shared>>) dst(%dma_wait3A_305 : memref<64x128xf32, #tpu.memory_space<vmem>>)
    %add3A_314 = arith.constant 0 : i32
    %add3A_315 = arith.addi %mul3A_58, %add3A_314 : i32
    %add3A_316 = arith.constant 1 : i32
    %add3A_317 = arith.addi %add3A_315, %add3A_316 : i32
    %dma_start3A_318 = arith.constant 0 : i32
    %dma_start3A_319 = arith.constant 1 : i32
    %dma_start3A_320 = arith.constant 0 : i32
    %dma_start3A_321 = arith.constant 0 : i32
    %dma_start3A_322 = arith.constant 0 : i32
    %dma_start3A_323 = tpu.memref_slice %arg7[%dma_start3A_318, %dma_start3A_319, %dma_start3A_321, %dma_start3A_322] : memref<2x5x64x128xf32, #tpu.memory_space<vmem>> -> memref<1x1x64x128xf32, #tpu.memory_space<vmem>>
    %dma_start3A_324 = tpu.memref_squeeze %dma_start3A_323 : memref<1x1x64x128xf32, #tpu.memory_space<vmem>> -> memref<64x128xf32, #tpu.memory_space<vmem>>
    %dma_start3A_325 = arith.constant 0 : i32
    %dma_start3A_326 = arith.constant 0 : i32
    %dma_start3A_327 = tpu.memref_slice %arg5[%select_n3A, %add3A_317, %dma_start3A_325, %dma_start3A_326] : memref<16x50x64x128xf32, #tpu.memory_space<hbm>> -> memref<1x1x64x128xf32, #tpu.memory_space<hbm>>
    %dma_start3A_328 = tpu.memref_squeeze %dma_start3A_327 : memref<1x1x64x128xf32, #tpu.memory_space<hbm>> -> memref<64x128xf32, #tpu.memory_space<hbm>>
    %dma_start3A_329 = tpu.memref_slice %arg11[%dma_start3A_320] : memref<2x!tpu.dma_semaphore, #tpu.memory_space<semaphore_mem>> -> memref<1x!tpu.dma_semaphore, #tpu.memory_space<semaphore_mem>>
    %dma_start3A_330 = tpu.memref_squeeze %dma_start3A_329 : memref<1x!tpu.dma_semaphore, #tpu.memory_space<semaphore_mem>> -> memref<!tpu.dma_semaphore, #tpu.memory_space<semaphore_mem>>
    %dma_start3A_331 = arith.constant 0 : i32
    %dma_start3A_332 = arith.constant 0 : i32
    %dma_start3A_333 = tpu.memref_slice %arg5[%select_n3A, %add3A_317, %dma_start3A_331, %dma_start3A_332] : memref<16x50x64x128xf32, #tpu.memory_space<hbm>> -> memref<1x1x64x128xf32, #tpu.memory_space<hbm>>
    %dma_start3A_334 = tpu.memref_squeeze %dma_start3A_333 : memref<1x1x64x128xf32, #tpu.memory_space<hbm>> -> memref<64x128xf32, #tpu.memory_space<hbm>>
    %dma_start3A_335 = arith.constant 0 : i32
    %dma_start3A_336 = arith.constant 0 : i32
    %dma_start3A_337 = tpu.memref_slice %arg7[%dma_start3A_318, %dma_start3A_319, %dma_start3A_335, %dma_start3A_336] : memref<2x5x64x128xf32, #tpu.memory_space<vmem>> -> memref<1x1x64x128xf32, #tpu.memory_space<vmem>>
    %dma_start3A_338 = tpu.memref_squeeze %dma_start3A_337 : memref<1x1x64x128xf32, #tpu.memory_space<vmem>> -> memref<64x128xf32, #tpu.memory_space<vmem>>
    tpu.enqueue_dma source(%dma_start3A_338 : memref<64x128xf32, #tpu.memory_space<vmem>>) target(%dma_start3A_334 : memref<64x128xf32, #tpu.memory_space<hbm>>) target_semaphore(%dma_start3A_330 : memref<!tpu.dma_semaphore, #tpu.memory_space<semaphore_mem>>)
    %dma_wait3A_339 = arith.constant 2 : i32
    %dma_wait3A_340 = arith.constant 0 : i32
    %dma_wait3A_341 = arith.constant 2 : i32
    %dma_wait3A_342 = arith.constant 0 : i32
    %dma_wait3A_343 = arith.constant 2 : i32
    %dma_wait3A_344 = arith.constant 0 : i32
    %dma_wait3A_345 = arith.constant 0 : i32
    %dma_wait3A_346 = tpu.memref_slice %arg7[%dma_wait3A_340, %dma_wait3A_341, %dma_wait3A_344, %dma_wait3A_345] : memref<2x5x64x128xf32, #tpu.memory_space<vmem>> -> memref<1x1x64x128xf32, #tpu.memory_space<vmem>>
    %dma_wait3A_347 = tpu.memref_squeeze %dma_wait3A_346 : memref<1x1x64x128xf32, #tpu.memory_space<vmem>> -> memref<64x128xf32, #tpu.memory_space<vmem>>
    %dma_wait3A_348 = arith.constant 0 : i32
    %dma_wait3A_349 = tpu.memref_slice %arg6[%dma_wait3A_339, %sub3A_201, %dma_wait3A_348] : memref<25x8x64xi32, #tpu.memory_space<vmem>> -> memref<1x1x64xi32, #tpu.memory_space<vmem>>
    %dma_wait3A_350 = tpu.memref_squeeze %dma_wait3A_349 : memref<1x1x64xi32, #tpu.memory_space<vmem>> -> memref<64xi32, #tpu.memory_space<vmem>>
    %dma_wait3A_351 = arith.constant 0 : i32
    %dma_wait3A_352 = arith.constant 0 : i32
    %dma_wait3A_353 = tpu.memref_slice %arg8[%dma_wait3A_351, %dma_wait3A_352] : memref<1000x128xf32, #tpu.memory_space<vmem_shared>> -> memref<1000x128xf32, #tpu.memory_space<vmem_shared>>
    %dma_wait3A_354 = tpu.memref_slice %arg10[%dma_wait3A_342, %dma_wait3A_343] : memref<2x5x!tpu.dma_semaphore, #tpu.memory_space<semaphore_mem>> -> memref<1x1x!tpu.dma_semaphore, #tpu.memory_space<semaphore_mem>>
    %dma_wait3A_355 = tpu.memref_squeeze %dma_wait3A_354 : memref<1x1x!tpu.dma_semaphore, #tpu.memory_space<semaphore_mem>> -> memref<!tpu.dma_semaphore, #tpu.memory_space<semaphore_mem>>
    tpu.wait_indirect_dma semaphore(%dma_wait3A_355 : memref<!tpu.dma_semaphore, #tpu.memory_space<semaphore_mem>>) src(%dma_wait3A_353 : memref<1000x128xf32, #tpu.memory_space<vmem_shared>>) dst(%dma_wait3A_347 : memref<64x128xf32, #tpu.memory_space<vmem>>)
    %add3A_356 = arith.constant 0 : i32
    %add3A_357 = arith.addi %mul3A_58, %add3A_356 : i32
    %add3A_358 = arith.constant 2 : i32
    %add3A_359 = arith.addi %add3A_357, %add3A_358 : i32
    %dma_start3A_360 = arith.constant 0 : i32
    %dma_start3A_361 = arith.constant 2 : i32
    %dma_start3A_362 = arith.constant 0 : i32
    %dma_start3A_363 = arith.constant 0 : i32
    %dma_start3A_364 = arith.constant 0 : i32
    %dma_start3A_365 = tpu.memref_slice %arg7[%dma_start3A_360, %dma_start3A_361, %dma_start3A_363, %dma_start3A_364] : memref<2x5x64x128xf32, #tpu.memory_space<vmem>> -> memref<1x1x64x128xf32, #tpu.memory_space<vmem>>
    %dma_start3A_366 = tpu.memref_squeeze %dma_start3A_365 : memref<1x1x64x128xf32, #tpu.memory_space<vmem>> -> memref<64x128xf32, #tpu.memory_space<vmem>>
    %dma_start3A_367 = arith.constant 0 : i32
    %dma_start3A_368 = arith.constant 0 : i32
    %dma_start3A_369 = tpu.memref_slice %arg5[%select_n3A, %add3A_359, %dma_start3A_367, %dma_start3A_368] : memref<16x50x64x128xf32, #tpu.memory_space<hbm>> -> memref<1x1x64x128xf32, #tpu.memory_space<hbm>>
    %dma_start3A_370 = tpu.memref_squeeze %dma_start3A_369 : memref<1x1x64x128xf32, #tpu.memory_space<hbm>> -> memref<64x128xf32, #tpu.memory_space<hbm>>
    %dma_start3A_371 = tpu.memref_slice %arg11[%dma_start3A_362] : memref<2x!tpu.dma_semaphore, #tpu.memory_space<semaphore_mem>> -> memref<1x!tpu.dma_semaphore, #tpu.memory_space<semaphore_mem>>
    %dma_start3A_372 = tpu.memref_squeeze %dma_start3A_371 : memref<1x!tpu.dma_semaphore, #tpu.memory_space<semaphore_mem>> -> memref<!tpu.dma_semaphore, #tpu.memory_space<semaphore_mem>>
    %dma_start3A_373 = arith.constant 0 : i32
    %dma_start3A_374 = arith.constant 0 : i32
    %dma_start3A_375 = tpu.memref_slice %arg5[%select_n3A, %add3A_359, %dma_start3A_373, %dma_start3A_374] : memref<16x50x64x128xf32, #tpu.memory_space<hbm>> -> memref<1x1x64x128xf32, #tpu.memory_space<hbm>>
    %dma_start3A_376 = tpu.memref_squeeze %dma_start3A_375 : memref<1x1x64x128xf32, #tpu.memory_space<hbm>> -> memref<64x128xf32, #tpu.memory_space<hbm>>
    %dma_start3A_377 = arith.constant 0 : i32
    %dma_start3A_378 = arith.constant 0 : i32
    %dma_start3A_379 = tpu.memref_slice %arg7[%dma_start3A_360, %dma_start3A_361, %dma_start3A_377, %dma_start3A_378] : memref<2x5x64x128xf32, #tpu.memory_space<vmem>> -> memref<1x1x64x128xf32, #tpu.memory_space<vmem>>
    %dma_start3A_380 = tpu.memref_squeeze %dma_start3A_379 : memref<1x1x64x128xf32, #tpu.memory_space<vmem>> -> memref<64x128xf32, #tpu.memory_space<vmem>>
    tpu.enqueue_dma source(%dma_start3A_380 : memref<64x128xf32, #tpu.memory_space<vmem>>) target(%dma_start3A_376 : memref<64x128xf32, #tpu.memory_space<hbm>>) target_semaphore(%dma_start3A_372 : memref<!tpu.dma_semaphore, #tpu.memory_space<semaphore_mem>>)
    %dma_wait3A_381 = arith.constant 3 : i32
    %dma_wait3A_382 = arith.constant 0 : i32
    %dma_wait3A_383 = arith.constant 3 : i32
    %dma_wait3A_384 = arith.constant 0 : i32
    %dma_wait3A_385 = arith.constant 3 : i32
    %dma_wait3A_386 = arith.constant 0 : i32
    %dma_wait3A_387 = arith.constant 0 : i32
    %dma_wait3A_388 = tpu.memref_slice %arg7[%dma_wait3A_382, %dma_wait3A_383, %dma_wait3A_386, %dma_wait3A_387] : memref<2x5x64x128xf32, #tpu.memory_space<vmem>> -> memref<1x1x64x128xf32, #tpu.memory_space<vmem>>
    %dma_wait3A_389 = tpu.memref_squeeze %dma_wait3A_388 : memref<1x1x64x128xf32, #tpu.memory_space<vmem>> -> memref<64x128xf32, #tpu.memory_space<vmem>>
    %dma_wait3A_390 = arith.constant 0 : i32
    %dma_wait3A_391 = tpu.memref_slice %arg6[%dma_wait3A_381, %sub3A_219, %dma_wait3A_390] : memref<25x8x64xi32, #tpu.memory_space<vmem>> -> memref<1x1x64xi32, #tpu.memory_space<vmem>>
    %dma_wait3A_392 = tpu.memref_squeeze %dma_wait3A_391 : memref<1x1x64xi32, #tpu.memory_space<vmem>> -> memref<64xi32, #tpu.memory_space<vmem>>
    %dma_wait3A_393 = arith.constant 0 : i32
    %dma_wait3A_394 = arith.constant 0 : i32
    %dma_wait3A_395 = tpu.memref_slice %arg8[%dma_wait3A_393, %dma_wait3A_394] : memref<1000x128xf32, #tpu.memory_space<vmem_shared>> -> memref<1000x128xf32, #tpu.memory_space<vmem_shared>>
    %dma_wait3A_396 = tpu.memref_slice %arg10[%dma_wait3A_384, %dma_wait3A_385] : memref<2x5x!tpu.dma_semaphore, #tpu.memory_space<semaphore_mem>> -> memref<1x1x!tpu.dma_semaphore, #tpu.memory_space<semaphore_mem>>
    %dma_wait3A_397 = tpu.memref_squeeze %dma_wait3A_396 : memref<1x1x!tpu.dma_semaphore, #tpu.memory_space<semaphore_mem>> -> memref<!tpu.dma_semaphore, #tpu.memory_space<semaphore_mem>>
    tpu.wait_indirect_dma semaphore(%dma_wait3A_397 : memref<!tpu.dma_semaphore, #tpu.memory_space<semaphore_mem>>) src(%dma_wait3A_395 : memref<1000x128xf32, #tpu.memory_space<vmem_shared>>) dst(%dma_wait3A_389 : memref<64x128xf32, #tpu.memory_space<vmem>>)
    %add3A_398 = arith.constant 0 : i32
    %add3A_399 = arith.addi %mul3A_58, %add3A_398 : i32
    %add3A_400 = arith.constant 3 : i32
    %add3A_401 = arith.addi %add3A_399, %add3A_400 : i32
    %dma_start3A_402 = arith.constant 0 : i32
    %dma_start3A_403 = arith.constant 3 : i32
    %dma_start3A_404 = arith.constant 0 : i32
    %dma_start3A_405 = arith.constant 0 : i32
    %dma_start3A_406 = arith.constant 0 : i32
    %dma_start3A_407 = tpu.memref_slice %arg7[%dma_start3A_402, %dma_start3A_403, %dma_start3A_405, %dma_start3A_406] : memref<2x5x64x128xf32, #tpu.memory_space<vmem>> -> memref<1x1x64x128xf32, #tpu.memory_space<vmem>>
    %dma_start3A_408 = tpu.memref_squeeze %dma_start3A_407 : memref<1x1x64x128xf32, #tpu.memory_space<vmem>> -> memref<64x128xf32, #tpu.memory_space<vmem>>
    %dma_start3A_409 = arith.constant 0 : i32
    %dma_start3A_410 = arith.constant 0 : i32
    %dma_start3A_411 = tpu.memref_slice %arg5[%select_n3A, %add3A_401, %dma_start3A_409, %dma_start3A_410] : memref<16x50x64x128xf32, #tpu.memory_space<hbm>> -> memref<1x1x64x128xf32, #tpu.memory_space<hbm>>
    %dma_start3A_412 = tpu.memref_squeeze %dma_start3A_411 : memref<1x1x64x128xf32, #tpu.memory_space<hbm>> -> memref<64x128xf32, #tpu.memory_space<hbm>>
    %dma_start3A_413 = tpu.memref_slice %arg11[%dma_start3A_404] : memref<2x!tpu.dma_semaphore, #tpu.memory_space<semaphore_mem>> -> memref<1x!tpu.dma_semaphore, #tpu.memory_space<semaphore_mem>>
    %dma_start3A_414 = tpu.memref_squeeze %dma_start3A_413 : memref<1x!tpu.dma_semaphore, #tpu.memory_space<semaphore_mem>> -> memref<!tpu.dma_semaphore, #tpu.memory_space<semaphore_mem>>
    %dma_start3A_415 = arith.constant 0 : i32
    %dma_start3A_416 = arith.constant 0 : i32
    %dma_start3A_417 = tpu.memref_slice %arg5[%select_n3A, %add3A_401, %dma_start3A_415, %dma_start3A_416] : memref<16x50x64x128xf32, #tpu.memory_space<hbm>> -> memref<1x1x64x128xf32, #tpu.memory_space<hbm>>
    %dma_start3A_418 = tpu.memref_squeeze %dma_start3A_417 : memref<1x1x64x128xf32, #tpu.memory_space<hbm>> -> memref<64x128xf32, #tpu.memory_space<hbm>>
    %dma_start3A_419 = arith.constant 0 : i32
    %dma_start3A_420 = arith.constant 0 : i32
    %dma_start3A_421 = tpu.memref_slice %arg7[%dma_start3A_402, %dma_start3A_403, %dma_start3A_419, %dma_start3A_420] : memref<2x5x64x128xf32, #tpu.memory_space<vmem>> -> memref<1x1x64x128xf32, #tpu.memory_space<vmem>>
    %dma_start3A_422 = tpu.memref_squeeze %dma_start3A_421 : memref<1x1x64x128xf32, #tpu.memory_space<vmem>> -> memref<64x128xf32, #tpu.memory_space<vmem>>
    tpu.enqueue_dma source(%dma_start3A_422 : memref<64x128xf32, #tpu.memory_space<vmem>>) target(%dma_start3A_418 : memref<64x128xf32, #tpu.memory_space<hbm>>) target_semaphore(%dma_start3A_414 : memref<!tpu.dma_semaphore, #tpu.memory_space<semaphore_mem>>)
    %dma_wait3A_423 = arith.constant 4 : i32
    %dma_wait3A_424 = arith.constant 0 : i32
    %dma_wait3A_425 = arith.constant 4 : i32
    %dma_wait3A_426 = arith.constant 0 : i32
    %dma_wait3A_427 = arith.constant 4 : i32
    %dma_wait3A_428 = arith.constant 0 : i32
    %dma_wait3A_429 = arith.constant 0 : i32
    %dma_wait3A_430 = tpu.memref_slice %arg7[%dma_wait3A_424, %dma_wait3A_425, %dma_wait3A_428, %dma_wait3A_429] : memref<2x5x64x128xf32, #tpu.memory_space<vmem>> -> memref<1x1x64x128xf32, #tpu.memory_space<vmem>>
    %dma_wait3A_431 = tpu.memref_squeeze %dma_wait3A_430 : memref<1x1x64x128xf32, #tpu.memory_space<vmem>> -> memref<64x128xf32, #tpu.memory_space<vmem>>
    %dma_wait3A_432 = arith.constant 0 : i32
    %dma_wait3A_433 = tpu.memref_slice %arg6[%dma_wait3A_423, %sub3A_237, %dma_wait3A_432] : memref<25x8x64xi32, #tpu.memory_space<vmem>> -> memref<1x1x64xi32, #tpu.memory_space<vmem>>
    %dma_wait3A_434 = tpu.memref_squeeze %dma_wait3A_433 : memref<1x1x64xi32, #tpu.memory_space<vmem>> -> memref<64xi32, #tpu.memory_space<vmem>>
    %dma_wait3A_435 = arith.constant 0 : i32
    %dma_wait3A_436 = arith.constant 0 : i32
    %dma_wait3A_437 = tpu.memref_slice %arg8[%dma_wait3A_435, %dma_wait3A_436] : memref<1000x128xf32, #tpu.memory_space<vmem_shared>> -> memref<1000x128xf32, #tpu.memory_space<vmem_shared>>
    %dma_wait3A_438 = tpu.memref_slice %arg10[%dma_wait3A_426, %dma_wait3A_427] : memref<2x5x!tpu.dma_semaphore, #tpu.memory_space<semaphore_mem>> -> memref<1x1x!tpu.dma_semaphore, #tpu.memory_space<semaphore_mem>>
    %dma_wait3A_439 = tpu.memref_squeeze %dma_wait3A_438 : memref<1x1x!tpu.dma_semaphore, #tpu.memory_space<semaphore_mem>> -> memref<!tpu.dma_semaphore, #tpu.memory_space<semaphore_mem>>
    tpu.wait_indirect_dma semaphore(%dma_wait3A_439 : memref<!tpu.dma_semaphore, #tpu.memory_space<semaphore_mem>>) src(%dma_wait3A_437 : memref<1000x128xf32, #tpu.memory_space<vmem_shared>>) dst(%dma_wait3A_431 : memref<64x128xf32, #tpu.memory_space<vmem>>)
    %add3A_440 = arith.constant 0 : i32
    %add3A_441 = arith.addi %mul3A_58, %add3A_440 : i32
    %add3A_442 = arith.constant 4 : i32
    %add3A_443 = arith.addi %add3A_441, %add3A_442 : i32
    %dma_start3A_444 = arith.constant 0 : i32
    %dma_start3A_445 = arith.constant 4 : i32
    %dma_start3A_446 = arith.constant 0 : i32
    %dma_start3A_447 = arith.constant 0 : i32
    %dma_start3A_448 = arith.constant 0 : i32
    %dma_start3A_449 = tpu.memref_slice %arg7[%dma_start3A_444, %dma_start3A_445, %dma_start3A_447, %dma_start3A_448] : memref<2x5x64x128xf32, #tpu.memory_space<vmem>> -> memref<1x1x64x128xf32, #tpu.memory_space<vmem>>
    %dma_start3A_450 = tpu.memref_squeeze %dma_start3A_449 : memref<1x1x64x128xf32, #tpu.memory_space<vmem>> -> memref<64x128xf32, #tpu.memory_space<vmem>>
    %dma_start3A_451 = arith.constant 0 : i32
    %dma_start3A_452 = arith.constant 0 : i32
    %dma_start3A_453 = tpu.memref_slice %arg5[%select_n3A, %add3A_443, %dma_start3A_451, %dma_start3A_452] : memref<16x50x64x128xf32, #tpu.memory_space<hbm>> -> memref<1x1x64x128xf32, #tpu.memory_space<hbm>>
    %dma_start3A_454 = tpu.memref_squeeze %dma_start3A_453 : memref<1x1x64x128xf32, #tpu.memory_space<hbm>> -> memref<64x128xf32, #tpu.memory_space<hbm>>
    %dma_start3A_455 = tpu.memref_slice %arg11[%dma_start3A_446] : memref<2x!tpu.dma_semaphore, #tpu.memory_space<semaphore_mem>> -> memref<1x!tpu.dma_semaphore, #tpu.memory_space<semaphore_mem>>
    %dma_start3A_456 = tpu.memref_squeeze %dma_start3A_455 : memref<1x!tpu.dma_semaphore, #tpu.memory_space<semaphore_mem>> -> memref<!tpu.dma_semaphore, #tpu.memory_space<semaphore_mem>>
    %dma_start3A_457 = arith.constant 0 : i32
    %dma_start3A_458 = arith.constant 0 : i32
    %dma_start3A_459 = tpu.memref_slice %arg5[%select_n3A, %add3A_443, %dma_start3A_457, %dma_start3A_458] : memref<16x50x64x128xf32, #tpu.memory_space<hbm>> -> memref<1x1x64x128xf32, #tpu.memory_space<hbm>>
    %dma_start3A_460 = tpu.memref_squeeze %dma_start3A_459 : memref<1x1x64x128xf32, #tpu.memory_space<hbm>> -> memref<64x128xf32, #tpu.memory_space<hbm>>
    %dma_start3A_461 = arith.constant 0 : i32
    %dma_start3A_462 = arith.constant 0 : i32
    %dma_start3A_463 = tpu.memref_slice %arg7[%dma_start3A_444, %dma_start3A_445, %dma_start3A_461, %dma_start3A_462] : memref<2x5x64x128xf32, #tpu.memory_space<vmem>> -> memref<1x1x64x128xf32, #tpu.memory_space<vmem>>
    %dma_start3A_464 = tpu.memref_squeeze %dma_start3A_463 : memref<1x1x64x128xf32, #tpu.memory_space<vmem>> -> memref<64x128xf32, #tpu.memory_space<vmem>>
    tpu.enqueue_dma source(%dma_start3A_464 : memref<64x128xf32, #tpu.memory_space<vmem>>) target(%dma_start3A_460 : memref<64x128xf32, #tpu.memory_space<hbm>>) target_semaphore(%dma_start3A_456 : memref<!tpu.dma_semaphore, #tpu.memory_space<semaphore_mem>>)
    %dma_wait3A_465 = arith.constant 0 : i32
    %dma_wait3A_466 = arith.constant 0 : i32
    %dma_wait3A_467 = arith.constant 0 : i32
    %dma_wait3A_468 = arith.constant 0 : i32
    %dma_wait3A_469 = arith.constant 0 : i32
    %dma_wait3A_470 = tpu.memref_slice %arg7[%dma_wait3A_465, %dma_wait3A_466, %dma_wait3A_468, %dma_wait3A_469] : memref<2x5x64x128xf32, #tpu.memory_space<vmem>> -> memref<1x1x64x128xf32, #tpu.memory_space<vmem>>
    %dma_wait3A_471 = tpu.memref_squeeze %dma_wait3A_470 : memref<1x1x64x128xf32, #tpu.memory_space<vmem>> -> memref<64x128xf32, #tpu.memory_space<vmem>>
    %dma_wait3A_472 = arith.constant 0 : i32
    %dma_wait3A_473 = arith.constant 0 : i32
    %dma_wait3A_474 = tpu.memref_slice %arg5[%select_n3A, %add3A_275, %dma_wait3A_472, %dma_wait3A_473] : memref<16x50x64x128xf32, #tpu.memory_space<hbm>> -> memref<1x1x64x128xf32, #tpu.memory_space<hbm>>
    %dma_wait3A_475 = tpu.memref_squeeze %dma_wait3A_474 : memref<1x1x64x128xf32, #tpu.memory_space<hbm>> -> memref<64x128xf32, #tpu.memory_space<hbm>>
    %dma_wait3A_476 = tpu.memref_slice %arg11[%dma_wait3A_467] : memref<2x!tpu.dma_semaphore, #tpu.memory_space<semaphore_mem>> -> memref<1x!tpu.dma_semaphore, #tpu.memory_space<semaphore_mem>>
    %dma_wait3A_477 = tpu.memref_squeeze %dma_wait3A_476 : memref<1x!tpu.dma_semaphore, #tpu.memory_space<semaphore_mem>> -> memref<!tpu.dma_semaphore, #tpu.memory_space<semaphore_mem>>
    %dma_wait3A_478 = arith.constant 0 : i32
    %dma_wait3A_479 = arith.constant 0 : i32
    %dma_wait3A_480 = tpu.memref_slice %arg5[%select_n3A, %add3A_275, %dma_wait3A_478, %dma_wait3A_479] : memref<16x50x64x128xf32, #tpu.memory_space<hbm>> -> memref<1x1x64x128xf32, #tpu.memory_space<hbm>>
    %dma_wait3A_481 = tpu.memref_squeeze %dma_wait3A_480 : memref<1x1x64x128xf32, #tpu.memory_space<hbm>> -> memref<64x128xf32, #tpu.memory_space<hbm>>
    %dma_wait3A_482 = arith.constant 0 : i32
    %dma_wait3A_483 = arith.constant 0 : i32
    %dma_wait3A_484 = tpu.memref_slice %arg7[%dma_wait3A_465, %dma_wait3A_466, %dma_wait3A_482, %dma_wait3A_483] : memref<2x5x64x128xf32, #tpu.memory_space<vmem>> -> memref<1x1x64x128xf32, #tpu.memory_space<vmem>>
    %dma_wait3A_485 = tpu.memref_squeeze %dma_wait3A_484 : memref<1x1x64x128xf32, #tpu.memory_space<vmem>> -> memref<64x128xf32, #tpu.memory_space<vmem>>
    tpu.wait_dma2 semaphore(%dma_wait3A_477 : memref<!tpu.dma_semaphore, #tpu.memory_space<semaphore_mem>>) src(%dma_wait3A_485 : memref<64x128xf32, #tpu.memory_space<vmem>>) dst(%dma_wait3A_481 : memref<64x128xf32, #tpu.memory_space<hbm>>)
    %dma_wait3A_486 = arith.constant 0 : i32
    %dma_wait3A_487 = arith.constant 1 : i32
    %dma_wait3A_488 = arith.constant 0 : i32
    %dma_wait3A_489 = arith.constant 0 : i32
    %dma_wait3A_490 = arith.constant 0 : i32
    %dma_wait3A_491 = tpu.memref_slice %arg7[%dma_wait3A_486, %dma_wait3A_487, %dma_wait3A_489, %dma_wait3A_490] : memref<2x5x64x128xf32, #tpu.memory_space<vmem>> -> memref<1x1x64x128xf32, #tpu.memory_space<vmem>>
    %dma_wait3A_492 = tpu.memref_squeeze %dma_wait3A_491 : memref<1x1x64x128xf32, #tpu.memory_space<vmem>> -> memref<64x128xf32, #tpu.memory_space<vmem>>
    %dma_wait3A_493 = arith.constant 0 : i32
    %dma_wait3A_494 = arith.constant 0 : i32
    %dma_wait3A_495 = tpu.memref_slice %arg5[%select_n3A, %add3A_317, %dma_wait3A_493, %dma_wait3A_494] : memref<16x50x64x128xf32, #tpu.memory_space<hbm>> -> memref<1x1x64x128xf32, #tpu.memory_space<hbm>>
    %dma_wait3A_496 = tpu.memref_squeeze %dma_wait3A_495 : memref<1x1x64x128xf32, #tpu.memory_space<hbm>> -> memref<64x128xf32, #tpu.memory_space<hbm>>
    %dma_wait3A_497 = tpu.memref_slice %arg11[%dma_wait3A_488] : memref<2x!tpu.dma_semaphore, #tpu.memory_space<semaphore_mem>> -> memref<1x!tpu.dma_semaphore, #tpu.memory_space<semaphore_mem>>
    %dma_wait3A_498 = tpu.memref_squeeze %dma_wait3A_497 : memref<1x!tpu.dma_semaphore, #tpu.memory_space<semaphore_mem>> -> memref<!tpu.dma_semaphore, #tpu.memory_space<semaphore_mem>>
    %dma_wait3A_499 = arith.constant 0 : i32
    %dma_wait3A_500 = arith.constant 0 : i32
    %dma_wait3A_501 = tpu.memref_slice %arg5[%select_n3A, %add3A_317, %dma_wait3A_499, %dma_wait3A_500] : memref<16x50x64x128xf32, #tpu.memory_space<hbm>> -> memref<1x1x64x128xf32, #tpu.memory_space<hbm>>
    %dma_wait3A_502 = tpu.memref_squeeze %dma_wait3A_501 : memref<1x1x64x128xf32, #tpu.memory_space<hbm>> -> memref<64x128xf32, #tpu.memory_space<hbm>>
    %dma_wait3A_503 = arith.constant 0 : i32
    %dma_wait3A_504 = arith.constant 0 : i32
    %dma_wait3A_505 = tpu.memref_slice %arg7[%dma_wait3A_486, %dma_wait3A_487, %dma_wait3A_503, %dma_wait3A_504] : memref<2x5x64x128xf32, #tpu.memory_space<vmem>> -> memref<1x1x64x128xf32, #tpu.memory_space<vmem>>
    %dma_wait3A_506 = tpu.memref_squeeze %dma_wait3A_505 : memref<1x1x64x128xf32, #tpu.memory_space<vmem>> -> memref<64x128xf32, #tpu.memory_space<vmem>>
    tpu.wait_dma2 semaphore(%dma_wait3A_498 : memref<!tpu.dma_semaphore, #tpu.memory_space<semaphore_mem>>) src(%dma_wait3A_506 : memref<64x128xf32, #tpu.memory_space<vmem>>) dst(%dma_wait3A_502 : memref<64x128xf32, #tpu.memory_space<hbm>>)
    %dma_wait3A_507 = arith.constant 0 : i32
    %dma_wait3A_508 = arith.constant 2 : i32
    %dma_wait3A_509 = arith.constant 0 : i32
    %dma_wait3A_510 = arith.constant 0 : i32
    %dma_wait3A_511 = arith.constant 0 : i32
    %dma_wait3A_512 = tpu.memref_slice %arg7[%dma_wait3A_507, %dma_wait3A_508, %dma_wait3A_510, %dma_wait3A_511] : memref<2x5x64x128xf32, #tpu.memory_space<vmem>> -> memref<1x1x64x128xf32, #tpu.memory_space<vmem>>
    %dma_wait3A_513 = tpu.memref_squeeze %dma_wait3A_512 : memref<1x1x64x128xf32, #tpu.memory_space<vmem>> -> memref<64x128xf32, #tpu.memory_space<vmem>>
    %dma_wait3A_514 = arith.constant 0 : i32
    %dma_wait3A_515 = arith.constant 0 : i32
    %dma_wait3A_516 = tpu.memref_slice %arg5[%select_n3A, %add3A_359, %dma_wait3A_514, %dma_wait3A_515] : memref<16x50x64x128xf32, #tpu.memory_space<hbm>> -> memref<1x1x64x128xf32, #tpu.memory_space<hbm>>
    %dma_wait3A_517 = tpu.memref_squeeze %dma_wait3A_516 : memref<1x1x64x128xf32, #tpu.memory_space<hbm>> -> memref<64x128xf32, #tpu.memory_space<hbm>>
    %dma_wait3A_518 = tpu.memref_slice %arg11[%dma_wait3A_509] : memref<2x!tpu.dma_semaphore, #tpu.memory_space<semaphore_mem>> -> memref<1x!tpu.dma_semaphore, #tpu.memory_space<semaphore_mem>>
    %dma_wait3A_519 = tpu.memref_squeeze %dma_wait3A_518 : memref<1x!tpu.dma_semaphore, #tpu.memory_space<semaphore_mem>> -> memref<!tpu.dma_semaphore, #tpu.memory_space<semaphore_mem>>
    %dma_wait3A_520 = arith.constant 0 : i32
    %dma_wait3A_521 = arith.constant 0 : i32
    %dma_wait3A_522 = tpu.memref_slice %arg5[%select_n3A, %add3A_359, %dma_wait3A_520, %dma_wait3A_521] : memref<16x50x64x128xf32, #tpu.memory_space<hbm>> -> memref<1x1x64x128xf32, #tpu.memory_space<hbm>>
    %dma_wait3A_523 = tpu.memref_squeeze %dma_wait3A_522 : memref<1x1x64x128xf32, #tpu.memory_space<hbm>> -> memref<64x128xf32, #tpu.memory_space<hbm>>
    %dma_wait3A_524 = arith.constant 0 : i32
    %dma_wait3A_525 = arith.constant 0 : i32
    %dma_wait3A_526 = tpu.memref_slice %arg7[%dma_wait3A_507, %dma_wait3A_508, %dma_wait3A_524, %dma_wait3A_525] : memref<2x5x64x128xf32, #tpu.memory_space<vmem>> -> memref<1x1x64x128xf32, #tpu.memory_space<vmem>>
    %dma_wait3A_527 = tpu.memref_squeeze %dma_wait3A_526 : memref<1x1x64x128xf32, #tpu.memory_space<vmem>> -> memref<64x128xf32, #tpu.memory_space<vmem>>
    tpu.wait_dma2 semaphore(%dma_wait3A_519 : memref<!tpu.dma_semaphore, #tpu.memory_space<semaphore_mem>>) src(%dma_wait3A_527 : memref<64x128xf32, #tpu.memory_space<vmem>>) dst(%dma_wait3A_523 : memref<64x128xf32, #tpu.memory_space<hbm>>)
    %dma_wait3A_528 = arith.constant 0 : i32
    %dma_wait3A_529 = arith.constant 3 : i32
    %dma_wait3A_530 = arith.constant 0 : i32
    %dma_wait3A_531 = arith.constant 0 : i32
    %dma_wait3A_532 = arith.constant 0 : i32
    %dma_wait3A_533 = tpu.memref_slice %arg7[%dma_wait3A_528, %dma_wait3A_529, %dma_wait3A_531, %dma_wait3A_532] : memref<2x5x64x128xf32, #tpu.memory_space<vmem>> -> memref<1x1x64x128xf32, #tpu.memory_space<vmem>>
    %dma_wait3A_534 = tpu.memref_squeeze %dma_wait3A_533 : memref<1x1x64x128xf32, #tpu.memory_space<vmem>> -> memref<64x128xf32, #tpu.memory_space<vmem>>
    %dma_wait3A_535 = arith.constant 0 : i32
    %dma_wait3A_536 = arith.constant 0 : i32
    %dma_wait3A_537 = tpu.memref_slice %arg5[%select_n3A, %add3A_401, %dma_wait3A_535, %dma_wait3A_536] : memref<16x50x64x128xf32, #tpu.memory_space<hbm>> -> memref<1x1x64x128xf32, #tpu.memory_space<hbm>>
    %dma_wait3A_538 = tpu.memref_squeeze %dma_wait3A_537 : memref<1x1x64x128xf32, #tpu.memory_space<hbm>> -> memref<64x128xf32, #tpu.memory_space<hbm>>
    %dma_wait3A_539 = tpu.memref_slice %arg11[%dma_wait3A_530] : memref<2x!tpu.dma_semaphore, #tpu.memory_space<semaphore_mem>> -> memref<1x!tpu.dma_semaphore, #tpu.memory_space<semaphore_mem>>
    %dma_wait3A_540 = tpu.memref_squeeze %dma_wait3A_539 : memref<1x!tpu.dma_semaphore, #tpu.memory_space<semaphore_mem>> -> memref<!tpu.dma_semaphore, #tpu.memory_space<semaphore_mem>>
    %dma_wait3A_541 = arith.constant 0 : i32
    %dma_wait3A_542 = arith.constant 0 : i32
    %dma_wait3A_543 = tpu.memref_slice %arg5[%select_n3A, %add3A_401, %dma_wait3A_541, %dma_wait3A_542] : memref<16x50x64x128xf32, #tpu.memory_space<hbm>> -> memref<1x1x64x128xf32, #tpu.memory_space<hbm>>
    %dma_wait3A_544 = tpu.memref_squeeze %dma_wait3A_543 : memref<1x1x64x128xf32, #tpu.memory_space<hbm>> -> memref<64x128xf32, #tpu.memory_space<hbm>>
    %dma_wait3A_545 = arith.constant 0 : i32
    %dma_wait3A_546 = arith.constant 0 : i32
    %dma_wait3A_547 = tpu.memref_slice %arg7[%dma_wait3A_528, %dma_wait3A_529, %dma_wait3A_545, %dma_wait3A_546] : memref<2x5x64x128xf32, #tpu.memory_space<vmem>> -> memref<1x1x64x128xf32, #tpu.memory_space<vmem>>
    %dma_wait3A_548 = tpu.memref_squeeze %dma_wait3A_547 : memref<1x1x64x128xf32, #tpu.memory_space<vmem>> -> memref<64x128xf32, #tpu.memory_space<vmem>>
    tpu.wait_dma2 semaphore(%dma_wait3A_540 : memref<!tpu.dma_semaphore, #tpu.memory_space<semaphore_mem>>) src(%dma_wait3A_548 : memref<64x128xf32, #tpu.memory_space<vmem>>) dst(%dma_wait3A_544 : memref<64x128xf32, #tpu.memory_space<hbm>>)
    %dma_wait3A_549 = arith.constant 0 : i32
    %dma_wait3A_550 = arith.constant 4 : i32
    %dma_wait3A_551 = arith.constant 0 : i32
    %dma_wait3A_552 = arith.constant 0 : i32
    %dma_wait3A_553 = arith.constant 0 : i32
    %dma_wait3A_554 = tpu.memref_slice %arg7[%dma_wait3A_549, %dma_wait3A_550, %dma_wait3A_552, %dma_wait3A_553] : memref<2x5x64x128xf32, #tpu.memory_space<vmem>> -> memref<1x1x64x128xf32, #tpu.memory_space<vmem>>
    %dma_wait3A_555 = tpu.memref_squeeze %dma_wait3A_554 : memref<1x1x64x128xf32, #tpu.memory_space<vmem>> -> memref<64x128xf32, #tpu.memory_space<vmem>>
    %dma_wait3A_556 = arith.constant 0 : i32
    %dma_wait3A_557 = arith.constant 0 : i32
    %dma_wait3A_558 = tpu.memref_slice %arg5[%select_n3A, %add3A_443, %dma_wait3A_556, %dma_wait3A_557] : memref<16x50x64x128xf32, #tpu.memory_space<hbm>> -> memref<1x1x64x128xf32, #tpu.memory_space<hbm>>
    %dma_wait3A_559 = tpu.memref_squeeze %dma_wait3A_558 : memref<1x1x64x128xf32, #tpu.memory_space<hbm>> -> memref<64x128xf32, #tpu.memory_space<hbm>>
    %dma_wait3A_560 = tpu.memref_slice %arg11[%dma_wait3A_551] : memref<2x!tpu.dma_semaphore, #tpu.memory_space<semaphore_mem>> -> memref<1x!tpu.dma_semaphore, #tpu.memory_space<semaphore_mem>>
    %dma_wait3A_561 = tpu.memref_squeeze %dma_wait3A_560 : memref<1x!tpu.dma_semaphore, #tpu.memory_space<semaphore_mem>> -> memref<!tpu.dma_semaphore, #tpu.memory_space<semaphore_mem>>
    %dma_wait3A_562 = arith.constant 0 : i32
    %dma_wait3A_563 = arith.constant 0 : i32
    %dma_wait3A_564 = tpu.memref_slice %arg5[%select_n3A, %add3A_443, %dma_wait3A_562, %dma_wait3A_563] : memref<16x50x64x128xf32, #tpu.memory_space<hbm>> -> memref<1x1x64x128xf32, #tpu.memory_space<hbm>>
    %dma_wait3A_565 = tpu.memref_squeeze %dma_wait3A_564 : memref<1x1x64x128xf32, #tpu.memory_space<hbm>> -> memref<64x128xf32, #tpu.memory_space<hbm>>
    %dma_wait3A_566 = arith.constant 0 : i32
    %dma_wait3A_567 = arith.constant 0 : i32
    %dma_wait3A_568 = tpu.memref_slice %arg7[%dma_wait3A_549, %dma_wait3A_550, %dma_wait3A_566, %dma_wait3A_567] : memref<2x5x64x128xf32, #tpu.memory_space<vmem>> -> memref<1x1x64x128xf32, #tpu.memory_space<vmem>>
    %dma_wait3A_569 = tpu.memref_squeeze %dma_wait3A_568 : memref<1x1x64x128xf32, #tpu.memory_space<vmem>> -> memref<64x128xf32, #tpu.memory_space<vmem>>
    tpu.wait_dma2 semaphore(%dma_wait3A_561 : memref<!tpu.dma_semaphore, #tpu.memory_space<semaphore_mem>>) src(%dma_wait3A_569 : memref<64x128xf32, #tpu.memory_space<vmem>>) dst(%dma_wait3A_565 : memref<64x128xf32, #tpu.memory_space<hbm>>)
    %add3A_570 = arith.constant 10 : i32
    %add3A_571 = arith.addi %mul3A_58, %add3A_570 : i32
    %dma_start3A_572 = arith.constant 0 : i32
    %dma_start3A_573 = arith.constant 0 : i32
    %dma_start3A_574 = arith.constant 0 : i32
    %dma_start3A_575 = arith.constant 0 : i32
    %dma_start3A_576 = arith.constant 0 : i32
    %dma_start3A_577 = tpu.memref_slice %arg7[%dma_start3A_572, %dma_start3A_574, %dma_start3A_575, %dma_start3A_576] : memref<2x5x64x128xf32, #tpu.memory_space<vmem>> -> memref<1x5x64x128xf32, #tpu.memory_space<vmem>>
    %dma_start3A_578 = tpu.memref_squeeze %dma_start3A_577 : memref<1x5x64x128xf32, #tpu.memory_space<vmem>> -> memref<5x64x128xf32, #tpu.memory_space<vmem>>
    %dma_start3A_579 = arith.constant 0 : i32
    %dma_start3A_580 = arith.constant 0 : i32
    %dma_start3A_581 = tpu.memref_slice %arg2[%select_n3A, %add3A_571, %dma_start3A_579, %dma_start3A_580] : memref<16x50x64x128xf32, #tpu.memory_space<hbm>> -> memref<1x5x64x128xf32, #tpu.memory_space<hbm>>
    %dma_start3A_582 = tpu.memref_squeeze %dma_start3A_581 : memref<1x5x64x128xf32, #tpu.memory_space<hbm>> -> memref<5x64x128xf32, #tpu.memory_space<hbm>>
    %dma_start3A_583 = tpu.memref_slice %arg9[%dma_start3A_573] : memref<2x!tpu.dma_semaphore, #tpu.memory_space<semaphore_mem>> -> memref<1x!tpu.dma_semaphore, #tpu.memory_space<semaphore_mem>>
    %dma_start3A_584 = tpu.memref_squeeze %dma_start3A_583 : memref<1x!tpu.dma_semaphore, #tpu.memory_space<semaphore_mem>> -> memref<!tpu.dma_semaphore, #tpu.memory_space<semaphore_mem>>
    %dma_start3A_585 = arith.constant 0 : i32
    %dma_start3A_586 = arith.constant 0 : i32
    %dma_start3A_587 = arith.constant 0 : i32
    %dma_start3A_588 = tpu.memref_slice %arg7[%dma_start3A_572, %dma_start3A_585, %dma_start3A_586, %dma_start3A_587] : memref<2x5x64x128xf32, #tpu.memory_space<vmem>> -> memref<1x5x64x128xf32, #tpu.memory_space<vmem>>
    %dma_start3A_589 = tpu.memref_squeeze %dma_start3A_588 : memref<1x5x64x128xf32, #tpu.memory_space<vmem>> -> memref<5x64x128xf32, #tpu.memory_space<vmem>>
    %dma_start3A_590 = arith.constant 0 : i32
    %dma_start3A_591 = arith.constant 0 : i32
    %dma_start3A_592 = tpu.memref_slice %arg2[%select_n3A, %add3A_571, %dma_start3A_590, %dma_start3A_591] : memref<16x50x64x128xf32, #tpu.memory_space<hbm>> -> memref<1x5x64x128xf32, #tpu.memory_space<hbm>>
    %dma_start3A_593 = tpu.memref_squeeze %dma_start3A_592 : memref<1x5x64x128xf32, #tpu.memory_space<hbm>> -> memref<5x64x128xf32, #tpu.memory_space<hbm>>
    tpu.enqueue_dma source(%dma_start3A_593 : memref<5x64x128xf32, #tpu.memory_space<hbm>>) target(%dma_start3A_589 : memref<5x64x128xf32, #tpu.memory_space<vmem>>) target_semaphore(%dma_start3A_584 : memref<!tpu.dma_semaphore, #tpu.memory_space<semaphore_mem>>)
    %dma_wait3A_594 = arith.constant 1 : i32
    %dma_wait3A_595 = arith.constant 1 : i32
    %dma_wait3A_596 = arith.constant 0 : i32
    %dma_wait3A_597 = arith.constant 0 : i32
    %dma_wait3A_598 = arith.constant 0 : i32
    %dma_wait3A_599 = tpu.memref_slice %arg7[%dma_wait3A_594, %dma_wait3A_596, %dma_wait3A_597, %dma_wait3A_598] : memref<2x5x64x128xf32, #tpu.memory_space<vmem>> -> memref<1x5x64x128xf32, #tpu.memory_space<vmem>>
    %dma_wait3A_600 = tpu.memref_squeeze %dma_wait3A_599 : memref<1x5x64x128xf32, #tpu.memory_space<vmem>> -> memref<5x64x128xf32, #tpu.memory_space<vmem>>
    %dma_wait3A_601 = arith.constant 0 : i32
    %dma_wait3A_602 = arith.constant 0 : i32
    %dma_wait3A_603 = tpu.memref_slice %arg2[%select_n3A, %add3A_121, %dma_wait3A_601, %dma_wait3A_602] : memref<16x50x64x128xf32, #tpu.memory_space<hbm>> -> memref<1x5x64x128xf32, #tpu.memory_space<hbm>>
    %dma_wait3A_604 = tpu.memref_squeeze %dma_wait3A_603 : memref<1x5x64x128xf32, #tpu.memory_space<hbm>> -> memref<5x64x128xf32, #tpu.memory_space<hbm>>
    %dma_wait3A_605 = tpu.memref_slice %arg9[%dma_wait3A_595] : memref<2x!tpu.dma_semaphore, #tpu.memory_space<semaphore_mem>> -> memref<1x!tpu.dma_semaphore, #tpu.memory_space<semaphore_mem>>
    %dma_wait3A_606 = tpu.memref_squeeze %dma_wait3A_605 : memref<1x!tpu.dma_semaphore, #tpu.memory_space<semaphore_mem>> -> memref<!tpu.dma_semaphore, #tpu.memory_space<semaphore_mem>>
    %dma_wait3A_607 = arith.constant 0 : i32
    %dma_wait3A_608 = arith.constant 0 : i32
    %dma_wait3A_609 = arith.constant 0 : i32
    %dma_wait3A_610 = tpu.memref_slice %arg7[%dma_wait3A_594, %dma_wait3A_607, %dma_wait3A_608, %dma_wait3A_609] : memref<2x5x64x128xf32, #tpu.memory_space<vmem>> -> memref<1x5x64x128xf32, #tpu.memory_space<vmem>>
    %dma_wait3A_611 = tpu.memref_squeeze %dma_wait3A_610 : memref<1x5x64x128xf32, #tpu.memory_space<vmem>> -> memref<5x64x128xf32, #tpu.memory_space<vmem>>
    %dma_wait3A_612 = arith.constant 0 : i32
    %dma_wait3A_613 = arith.constant 0 : i32
    %dma_wait3A_614 = tpu.memref_slice %arg2[%select_n3A, %add3A_121, %dma_wait3A_612, %dma_wait3A_613] : memref<16x50x64x128xf32, #tpu.memory_space<hbm>> -> memref<1x5x64x128xf32, #tpu.memory_space<hbm>>
    %dma_wait3A_615 = tpu.memref_squeeze %dma_wait3A_614 : memref<1x5x64x128xf32, #tpu.memory_space<hbm>> -> memref<5x64x128xf32, #tpu.memory_space<hbm>>
    tpu.wait_dma2 semaphore(%dma_wait3A_606 : memref<!tpu.dma_semaphore, #tpu.memory_space<semaphore_mem>>) src(%dma_wait3A_615 : memref<5x64x128xf32, #tpu.memory_space<hbm>>) dst(%dma_wait3A_611 : memref<5x64x128xf32, #tpu.memory_space<vmem>>)
    %sub3A_616 = arith.subi %select_n3A, %mul3A_42 : i32
    %dma_start3A_617 = arith.constant 5 : i32
    %dma_start3A_618 = arith.constant 1 : i32
    %dma_start3A_619 = arith.constant 0 : i32
    %dma_start3A_620 = arith.constant 1 : i32
    %dma_start3A_621 = arith.constant 0 : i32
    %dma_start3A_622 = arith.constant 0 : i32
    %dma_start3A_623 = arith.constant 0 : i32
    %dma_start3A_624 = tpu.memref_slice %arg7[%dma_start3A_618, %dma_start3A_619, %dma_start3A_622, %dma_start3A_623] : memref<2x5x64x128xf32, #tpu.memory_space<vmem>> -> memref<1x1x64x128xf32, #tpu.memory_space<vmem>>
    %dma_start3A_625 = tpu.memref_squeeze %dma_start3A_624 : memref<1x1x64x128xf32, #tpu.memory_space<vmem>> -> memref<64x128xf32, #tpu.memory_space<vmem>>
    %dma_start3A_626 = arith.constant 0 : i32
    %dma_start3A_627 = tpu.memref_slice %arg6[%dma_start3A_617, %sub3A_616, %dma_start3A_626] : memref<25x8x64xi32, #tpu.memory_space<vmem>> -> memref<1x1x64xi32, #tpu.memory_space<vmem>>
    %dma_start3A_628 = tpu.memref_squeeze %dma_start3A_627 : memref<1x1x64xi32, #tpu.memory_space<vmem>> -> memref<64xi32, #tpu.memory_space<vmem>>
    %dma_start3A_629 = arith.constant 0 : i32
    %dma_start3A_630 = arith.constant 0 : i32
    %dma_start3A_631 = tpu.memref_slice %arg8[%dma_start3A_629, %dma_start3A_630] : memref<1000x128xf32, #tpu.memory_space<vmem_shared>> -> memref<1000x128xf32, #tpu.memory_space<vmem_shared>>
    %dma_start3A_632 = tpu.memref_slice %arg10[%dma_start3A_620, %dma_start3A_621] : memref<2x5x!tpu.dma_semaphore, #tpu.memory_space<semaphore_mem>> -> memref<1x1x!tpu.dma_semaphore, #tpu.memory_space<semaphore_mem>>
    %dma_start3A_633 = tpu.memref_squeeze %dma_start3A_632 : memref<1x1x!tpu.dma_semaphore, #tpu.memory_space<semaphore_mem>> -> memref<!tpu.dma_semaphore, #tpu.memory_space<semaphore_mem>>
    tpu.enqueue_indirect_dma source(%dma_start3A_631 : memref<1000x128xf32, #tpu.memory_space<vmem_shared>>) target(%dma_start3A_625 : memref<64x128xf32, #tpu.memory_space<vmem>>) offsets(%dma_start3A_628 : memref<64xi32, #tpu.memory_space<vmem>>) semaphore(%dma_start3A_633 : memref<!tpu.dma_semaphore, #tpu.memory_space<semaphore_mem>>) {add = true}
    %sub3A_634 = arith.subi %select_n3A, %mul3A_42 : i32
    %dma_start3A_635 = arith.constant 6 : i32
    %dma_start3A_636 = arith.constant 1 : i32
    %dma_start3A_637 = arith.constant 1 : i32
    %dma_start3A_638 = arith.constant 1 : i32
    %dma_start3A_639 = arith.constant 1 : i32
    %dma_start3A_640 = arith.constant 0 : i32
    %dma_start3A_641 = arith.constant 0 : i32
    %dma_start3A_642 = tpu.memref_slice %arg7[%dma_start3A_636, %dma_start3A_637, %dma_start3A_640, %dma_start3A_641] : memref<2x5x64x128xf32, #tpu.memory_space<vmem>> -> memref<1x1x64x128xf32, #tpu.memory_space<vmem>>
    %dma_start3A_643 = tpu.memref_squeeze %dma_start3A_642 : memref<1x1x64x128xf32, #tpu.memory_space<vmem>> -> memref<64x128xf32, #tpu.memory_space<vmem>>
    %dma_start3A_644 = arith.constant 0 : i32
    %dma_start3A_645 = tpu.memref_slice %arg6[%dma_start3A_635, %sub3A_634, %dma_start3A_644] : memref<25x8x64xi32, #tpu.memory_space<vmem>> -> memref<1x1x64xi32, #tpu.memory_space<vmem>>
    %dma_start3A_646 = tpu.memref_squeeze %dma_start3A_645 : memref<1x1x64xi32, #tpu.memory_space<vmem>> -> memref<64xi32, #tpu.memory_space<vmem>>
    %dma_start3A_647 = arith.constant 0 : i32
    %dma_start3A_648 = arith.constant 0 : i32
    %dma_start3A_649 = tpu.memref_slice %arg8[%dma_start3A_647, %dma_start3A_648] : memref<1000x128xf32, #tpu.memory_space<vmem_shared>> -> memref<1000x128xf32, #tpu.memory_space<vmem_shared>>
    %dma_start3A_650 = tpu.memref_slice %arg10[%dma_start3A_638, %dma_start3A_639] : memref<2x5x!tpu.dma_semaphore, #tpu.memory_space<semaphore_mem>> -> memref<1x1x!tpu.dma_semaphore, #tpu.memory_space<semaphore_mem>>
    %dma_start3A_651 = tpu.memref_squeeze %dma_start3A_650 : memref<1x1x!tpu.dma_semaphore, #tpu.memory_space<semaphore_mem>> -> memref<!tpu.dma_semaphore, #tpu.memory_space<semaphore_mem>>
    tpu.enqueue_indirect_dma source(%dma_start3A_649 : memref<1000x128xf32, #tpu.memory_space<vmem_shared>>) target(%dma_start3A_643 : memref<64x128xf32, #tpu.memory_space<vmem>>) offsets(%dma_start3A_646 : memref<64xi32, #tpu.memory_space<vmem>>) semaphore(%dma_start3A_651 : memref<!tpu.dma_semaphore, #tpu.memory_space<semaphore_mem>>) {add = true}
    %sub3A_652 = arith.subi %select_n3A, %mul3A_42 : i32
    %dma_start3A_653 = arith.constant 7 : i32
    %dma_start3A_654 = arith.constant 1 : i32
    %dma_start3A_655 = arith.constant 2 : i32
    %dma_start3A_656 = arith.constant 1 : i32
    %dma_start3A_657 = arith.constant 2 : i32
    %dma_start3A_658 = arith.constant 0 : i32
    %dma_start3A_659 = arith.constant 0 : i32
    %dma_start3A_660 = tpu.memref_slice %arg7[%dma_start3A_654, %dma_start3A_655, %dma_start3A_658, %dma_start3A_659] : memref<2x5x64x128xf32, #tpu.memory_space<vmem>> -> memref<1x1x64x128xf32, #tpu.memory_space<vmem>>
    %dma_start3A_661 = tpu.memref_squeeze %dma_start3A_660 : memref<1x1x64x128xf32, #tpu.memory_space<vmem>> -> memref<64x128xf32, #tpu.memory_space<vmem>>
    %dma_start3A_662 = arith.constant 0 : i32
    %dma_start3A_663 = tpu.memref_slice %arg6[%dma_start3A_653, %sub3A_652, %dma_start3A_662] : memref<25x8x64xi32, #tpu.memory_space<vmem>> -> memref<1x1x64xi32, #tpu.memory_space<vmem>>
    %dma_start3A_664 = tpu.memref_squeeze %dma_start3A_663 : memref<1x1x64xi32, #tpu.memory_space<vmem>> -> memref<64xi32, #tpu.memory_space<vmem>>
    %dma_start3A_665 = arith.constant 0 : i32
    %dma_start3A_666 = arith.constant 0 : i32
    %dma_start3A_667 = tpu.memref_slice %arg8[%dma_start3A_665, %dma_start3A_666] : memref<1000x128xf32, #tpu.memory_space<vmem_shared>> -> memref<1000x128xf32, #tpu.memory_space<vmem_shared>>
    %dma_start3A_668 = tpu.memref_slice %arg10[%dma_start3A_656, %dma_start3A_657] : memref<2x5x!tpu.dma_semaphore, #tpu.memory_space<semaphore_mem>> -> memref<1x1x!tpu.dma_semaphore, #tpu.memory_space<semaphore_mem>>
    %dma_start3A_669 = tpu.memref_squeeze %dma_start3A_668 : memref<1x1x!tpu.dma_semaphore, #tpu.memory_space<semaphore_mem>> -> memref<!tpu.dma_semaphore, #tpu.memory_space<semaphore_mem>>
    tpu.enqueue_indirect_dma source(%dma_start3A_667 : memref<1000x128xf32, #tpu.memory_space<vmem_shared>>) target(%dma_start3A_661 : memref<64x128xf32, #tpu.memory_space<vmem>>) offsets(%dma_start3A_664 : memref<64xi32, #tpu.memory_space<vmem>>) semaphore(%dma_start3A_669 : memref<!tpu.dma_semaphore, #tpu.memory_space<semaphore_mem>>) {add = true}
    %sub3A_670 = arith.subi %select_n3A, %mul3A_42 : i32
    %dma_start3A_671 = arith.constant 8 : i32
    %dma_start3A_672 = arith.constant 1 : i32
    %dma_start3A_673 = arith.constant 3 : i32
    %dma_start3A_674 = arith.constant 1 : i32
    %dma_start3A_675 = arith.constant 3 : i32
    %dma_start3A_676 = arith.constant 0 : i32
    %dma_start3A_677 = arith.constant 0 : i32
    %dma_start3A_678 = tpu.memref_slice %arg7[%dma_start3A_672, %dma_start3A_673, %dma_start3A_676, %dma_start3A_677] : memref<2x5x64x128xf32, #tpu.memory_space<vmem>> -> memref<1x1x64x128xf32, #tpu.memory_space<vmem>>
    %dma_start3A_679 = tpu.memref_squeeze %dma_start3A_678 : memref<1x1x64x128xf32, #tpu.memory_space<vmem>> -> memref<64x128xf32, #tpu.memory_space<vmem>>
    %dma_start3A_680 = arith.constant 0 : i32
    %dma_start3A_681 = tpu.memref_slice %arg6[%dma_start3A_671, %sub3A_670, %dma_start3A_680] : memref<25x8x64xi32, #tpu.memory_space<vmem>> -> memref<1x1x64xi32, #tpu.memory_space<vmem>>
    %dma_start3A_682 = tpu.memref_squeeze %dma_start3A_681 : memref<1x1x64xi32, #tpu.memory_space<vmem>> -> memref<64xi32, #tpu.memory_space<vmem>>
    %dma_start3A_683 = arith.constant 0 : i32
    %dma_start3A_684 = arith.constant 0 : i32
    %dma_start3A_685 = tpu.memref_slice %arg8[%dma_start3A_683, %dma_start3A_684] : memref<1000x128xf32, #tpu.memory_space<vmem_shared>> -> memref<1000x128xf32, #tpu.memory_space<vmem_shared>>
    %dma_start3A_686 = tpu.memref_slice %arg10[%dma_start3A_674, %dma_start3A_675] : memref<2x5x!tpu.dma_semaphore, #tpu.memory_space<semaphore_mem>> -> memref<1x1x!tpu.dma_semaphore, #tpu.memory_space<semaphore_mem>>
    %dma_start3A_687 = tpu.memref_squeeze %dma_start3A_686 : memref<1x1x!tpu.dma_semaphore, #tpu.memory_space<semaphore_mem>> -> memref<!tpu.dma_semaphore, #tpu.memory_space<semaphore_mem>>
    tpu.enqueue_indirect_dma source(%dma_start3A_685 : memref<1000x128xf32, #tpu.memory_space<vmem_shared>>) target(%dma_start3A_679 : memref<64x128xf32, #tpu.memory_space<vmem>>) offsets(%dma_start3A_682 : memref<64xi32, #tpu.memory_space<vmem>>) semaphore(%dma_start3A_687 : memref<!tpu.dma_semaphore, #tpu.memory_space<semaphore_mem>>) {add = true}
    %sub3A_688 = arith.subi %select_n3A, %mul3A_42 : i32
    %dma_start3A_689 = arith.constant 9 : i32
    %dma_start3A_690 = arith.constant 1 : i32
    %dma_start3A_691 = arith.constant 4 : i32
    %dma_start3A_692 = arith.constant 1 : i32
    %dma_start3A_693 = arith.constant 4 : i32
    %dma_start3A_694 = arith.constant 0 : i32
    %dma_start3A_695 = arith.constant 0 : i32
    %dma_start3A_696 = tpu.memref_slice %arg7[%dma_start3A_690, %dma_start3A_691, %dma_start3A_694, %dma_start3A_695] : memref<2x5x64x128xf32, #tpu.memory_space<vmem>> -> memref<1x1x64x128xf32, #tpu.memory_space<vmem>>
    %dma_start3A_697 = tpu.memref_squeeze %dma_start3A_696 : memref<1x1x64x128xf32, #tpu.memory_space<vmem>> -> memref<64x128xf32, #tpu.memory_space<vmem>>
    %dma_start3A_698 = arith.constant 0 : i32
    %dma_start3A_699 = tpu.memref_slice %arg6[%dma_start3A_689, %sub3A_688, %dma_start3A_698] : memref<25x8x64xi32, #tpu.memory_space<vmem>> -> memref<1x1x64xi32, #tpu.memory_space<vmem>>
    %dma_start3A_700 = tpu.memref_squeeze %dma_start3A_699 : memref<1x1x64xi32, #tpu.memory_space<vmem>> -> memref<64xi32, #tpu.memory_space<vmem>>
    %dma_start3A_701 = arith.constant 0 : i32
    %dma_start3A_702 = arith.constant 0 : i32
    %dma_start3A_703 = tpu.memref_slice %arg8[%dma_start3A_701, %dma_start3A_702] : memref<1000x128xf32, #tpu.memory_space<vmem_shared>> -> memref<1000x128xf32, #tpu.memory_space<vmem_shared>>
    %dma_start3A_704 = tpu.memref_slice %arg10[%dma_start3A_692, %dma_start3A_693] : memref<2x5x!tpu.dma_semaphore, #tpu.memory_space<semaphore_mem>> -> memref<1x1x!tpu.dma_semaphore, #tpu.memory_space<semaphore_mem>>
    %dma_start3A_705 = tpu.memref_squeeze %dma_start3A_704 : memref<1x1x!tpu.dma_semaphore, #tpu.memory_space<semaphore_mem>> -> memref<!tpu.dma_semaphore, #tpu.memory_space<semaphore_mem>>
    tpu.enqueue_indirect_dma source(%dma_start3A_703 : memref<1000x128xf32, #tpu.memory_space<vmem_shared>>) target(%dma_start3A_697 : memref<64x128xf32, #tpu.memory_space<vmem>>) offsets(%dma_start3A_700 : memref<64xi32, #tpu.memory_space<vmem>>) semaphore(%dma_start3A_705 : memref<!tpu.dma_semaphore, #tpu.memory_space<semaphore_mem>>) {add = true}
    %dma_wait3A_706 = arith.constant 5 : i32
    %dma_wait3A_707 = arith.constant 1 : i32
    %dma_wait3A_708 = arith.constant 0 : i32
    %dma_wait3A_709 = arith.constant 1 : i32
    %dma_wait3A_710 = arith.constant 0 : i32
    %dma_wait3A_711 = arith.constant 0 : i32
    %dma_wait3A_712 = arith.constant 0 : i32
    %dma_wait3A_713 = tpu.memref_slice %arg7[%dma_wait3A_707, %dma_wait3A_708, %dma_wait3A_711, %dma_wait3A_712] : memref<2x5x64x128xf32, #tpu.memory_space<vmem>> -> memref<1x1x64x128xf32, #tpu.memory_space<vmem>>
    %dma_wait3A_714 = tpu.memref_squeeze %dma_wait3A_713 : memref<1x1x64x128xf32, #tpu.memory_space<vmem>> -> memref<64x128xf32, #tpu.memory_space<vmem>>
    %dma_wait3A_715 = arith.constant 0 : i32
    %dma_wait3A_716 = tpu.memref_slice %arg6[%dma_wait3A_706, %sub3A_616, %dma_wait3A_715] : memref<25x8x64xi32, #tpu.memory_space<vmem>> -> memref<1x1x64xi32, #tpu.memory_space<vmem>>
    %dma_wait3A_717 = tpu.memref_squeeze %dma_wait3A_716 : memref<1x1x64xi32, #tpu.memory_space<vmem>> -> memref<64xi32, #tpu.memory_space<vmem>>
    %dma_wait3A_718 = arith.constant 0 : i32
    %dma_wait3A_719 = arith.constant 0 : i32
    %dma_wait3A_720 = tpu.memref_slice %arg8[%dma_wait3A_718, %dma_wait3A_719] : memref<1000x128xf32, #tpu.memory_space<vmem_shared>> -> memref<1000x128xf32, #tpu.memory_space<vmem_shared>>
    %dma_wait3A_721 = tpu.memref_slice %arg10[%dma_wait3A_709, %dma_wait3A_710] : memref<2x5x!tpu.dma_semaphore, #tpu.memory_space<semaphore_mem>> -> memref<1x1x!tpu.dma_semaphore, #tpu.memory_space<semaphore_mem>>
    %dma_wait3A_722 = tpu.memref_squeeze %dma_wait3A_721 : memref<1x1x!tpu.dma_semaphore, #tpu.memory_space<semaphore_mem>> -> memref<!tpu.dma_semaphore, #tpu.memory_space<semaphore_mem>>
    tpu.wait_indirect_dma semaphore(%dma_wait3A_722 : memref<!tpu.dma_semaphore, #tpu.memory_space<semaphore_mem>>) src(%dma_wait3A_720 : memref<1000x128xf32, #tpu.memory_space<vmem_shared>>) dst(%dma_wait3A_714 : memref<64x128xf32, #tpu.memory_space<vmem>>)
    %add3A_723 = arith.constant 5 : i32
    %add3A_724 = arith.addi %mul3A_58, %add3A_723 : i32
    %add3A_725 = arith.constant 0 : i32
    %add3A_726 = arith.addi %add3A_724, %add3A_725 : i32
    %dma_start3A_727 = arith.constant 1 : i32
    %dma_start3A_728 = arith.constant 0 : i32
    %dma_start3A_729 = arith.constant 1 : i32
    %dma_start3A_730 = arith.constant 0 : i32
    %dma_start3A_731 = arith.constant 0 : i32
    %dma_start3A_732 = tpu.memref_slice %arg7[%dma_start3A_727, %dma_start3A_728, %dma_start3A_730, %dma_start3A_731] : memref<2x5x64x128xf32, #tpu.memory_space<vmem>> -> memref<1x1x64x128xf32, #tpu.memory_space<vmem>>
    %dma_start3A_733 = tpu.memref_squeeze %dma_start3A_732 : memref<1x1x64x128xf32, #tpu.memory_space<vmem>> -> memref<64x128xf32, #tpu.memory_space<vmem>>
    %dma_start3A_734 = arith.constant 0 : i32
    %dma_start3A_735 = arith.constant 0 : i32
    %dma_start3A_736 = tpu.memref_slice %arg5[%select_n3A, %add3A_726, %dma_start3A_734, %dma_start3A_735] : memref<16x50x64x128xf32, #tpu.memory_space<hbm>> -> memref<1x1x64x128xf32, #tpu.memory_space<hbm>>
    %dma_start3A_737 = tpu.memref_squeeze %dma_start3A_736 : memref<1x1x64x128xf32, #tpu.memory_space<hbm>> -> memref<64x128xf32, #tpu.memory_space<hbm>>
    %dma_start3A_738 = tpu.memref_slice %arg11[%dma_start3A_729] : memref<2x!tpu.dma_semaphore, #tpu.memory_space<semaphore_mem>> -> memref<1x!tpu.dma_semaphore, #tpu.memory_space<semaphore_mem>>
    %dma_start3A_739 = tpu.memref_squeeze %dma_start3A_738 : memref<1x!tpu.dma_semaphore, #tpu.memory_space<semaphore_mem>> -> memref<!tpu.dma_semaphore, #tpu.memory_space<semaphore_mem>>
    %dma_start3A_740 = arith.constant 0 : i32
    %dma_start3A_741 = arith.constant 0 : i32
    %dma_start3A_742 = tpu.memref_slice %arg5[%select_n3A, %add3A_726, %dma_start3A_740, %dma_start3A_741] : memref<16x50x64x128xf32, #tpu.memory_space<hbm>> -> memref<1x1x64x128xf32, #tpu.memory_space<hbm>>
    %dma_start3A_743 = tpu.memref_squeeze %dma_start3A_742 : memref<1x1x64x128xf32, #tpu.memory_space<hbm>> -> memref<64x128xf32, #tpu.memory_space<hbm>>
    %dma_start3A_744 = arith.constant 0 : i32
    %dma_start3A_745 = arith.constant 0 : i32
    %dma_start3A_746 = tpu.memref_slice %arg7[%dma_start3A_727, %dma_start3A_728, %dma_start3A_744, %dma_start3A_745] : memref<2x5x64x128xf32, #tpu.memory_space<vmem>> -> memref<1x1x64x128xf32, #tpu.memory_space<vmem>>
    %dma_start3A_747 = tpu.memref_squeeze %dma_start3A_746 : memref<1x1x64x128xf32, #tpu.memory_space<vmem>> -> memref<64x128xf32, #tpu.memory_space<vmem>>
    tpu.enqueue_dma source(%dma_start3A_747 : memref<64x128xf32, #tpu.memory_space<vmem>>) target(%dma_start3A_743 : memref<64x128xf32, #tpu.memory_space<hbm>>) target_semaphore(%dma_start3A_739 : memref<!tpu.dma_semaphore, #tpu.memory_space<semaphore_mem>>)
    %dma_wait3A_748 = arith.constant 6 : i32
    %dma_wait3A_749 = arith.constant 1 : i32
    %dma_wait3A_750 = arith.constant 1 : i32
    %dma_wait3A_751 = arith.constant 1 : i32
    %dma_wait3A_752 = arith.constant 1 : i32
    %dma_wait3A_753 = arith.constant 0 : i32
    %dma_wait3A_754 = arith.constant 0 : i32
    %dma_wait3A_755 = tpu.memref_slice %arg7[%dma_wait3A_749, %dma_wait3A_750, %dma_wait3A_753, %dma_wait3A_754] : memref<2x5x64x128xf32, #tpu.memory_space<vmem>> -> memref<1x1x64x128xf32, #tpu.memory_space<vmem>>
    %dma_wait3A_756 = tpu.memref_squeeze %dma_wait3A_755 : memref<1x1x64x128xf32, #tpu.memory_space<vmem>> -> memref<64x128xf32, #tpu.memory_space<vmem>>
    %dma_wait3A_757 = arith.constant 0 : i32
    %dma_wait3A_758 = tpu.memref_slice %arg6[%dma_wait3A_748, %sub3A_634, %dma_wait3A_757] : memref<25x8x64xi32, #tpu.memory_space<vmem>> -> memref<1x1x64xi32, #tpu.memory_space<vmem>>
    %dma_wait3A_759 = tpu.memref_squeeze %dma_wait3A_758 : memref<1x1x64xi32, #tpu.memory_space<vmem>> -> memref<64xi32, #tpu.memory_space<vmem>>
    %dma_wait3A_760 = arith.constant 0 : i32
    %dma_wait3A_761 = arith.constant 0 : i32
    %dma_wait3A_762 = tpu.memref_slice %arg8[%dma_wait3A_760, %dma_wait3A_761] : memref<1000x128xf32, #tpu.memory_space<vmem_shared>> -> memref<1000x128xf32, #tpu.memory_space<vmem_shared>>
    %dma_wait3A_763 = tpu.memref_slice %arg10[%dma_wait3A_751, %dma_wait3A_752] : memref<2x5x!tpu.dma_semaphore, #tpu.memory_space<semaphore_mem>> -> memref<1x1x!tpu.dma_semaphore, #tpu.memory_space<semaphore_mem>>
    %dma_wait3A_764 = tpu.memref_squeeze %dma_wait3A_763 : memref<1x1x!tpu.dma_semaphore, #tpu.memory_space<semaphore_mem>> -> memref<!tpu.dma_semaphore, #tpu.memory_space<semaphore_mem>>
    tpu.wait_indirect_dma semaphore(%dma_wait3A_764 : memref<!tpu.dma_semaphore, #tpu.memory_space<semaphore_mem>>) src(%dma_wait3A_762 : memref<1000x128xf32, #tpu.memory_space<vmem_shared>>) dst(%dma_wait3A_756 : memref<64x128xf32, #tpu.memory_space<vmem>>)
    %add3A_765 = arith.constant 5 : i32
    %add3A_766 = arith.addi %mul3A_58, %add3A_765 : i32
    %add3A_767 = arith.constant 1 : i32
    %add3A_768 = arith.addi %add3A_766, %add3A_767 : i32
    %dma_start3A_769 = arith.constant 1 : i32
    %dma_start3A_770 = arith.constant 1 : i32
    %dma_start3A_771 = arith.constant 1 : i32
    %dma_start3A_772 = arith.constant 0 : i32
    %dma_start3A_773 = arith.constant 0 : i32
    %dma_start3A_774 = tpu.memref_slice %arg7[%dma_start3A_769, %dma_start3A_770, %dma_start3A_772, %dma_start3A_773] : memref<2x5x64x128xf32, #tpu.memory_space<vmem>> -> memref<1x1x64x128xf32, #tpu.memory_space<vmem>>
    %dma_start3A_775 = tpu.memref_squeeze %dma_start3A_774 : memref<1x1x64x128xf32, #tpu.memory_space<vmem>> -> memref<64x128xf32, #tpu.memory_space<vmem>>
    %dma_start3A_776 = arith.constant 0 : i32
    %dma_start3A_777 = arith.constant 0 : i32
    %dma_start3A_778 = tpu.memref_slice %arg5[%select_n3A, %add3A_768, %dma_start3A_776, %dma_start3A_777] : memref<16x50x64x128xf32, #tpu.memory_space<hbm>> -> memref<1x1x64x128xf32, #tpu.memory_space<hbm>>
    %dma_start3A_779 = tpu.memref_squeeze %dma_start3A_778 : memref<1x1x64x128xf32, #tpu.memory_space<hbm>> -> memref<64x128xf32, #tpu.memory_space<hbm>>
    %dma_start3A_780 = tpu.memref_slice %arg11[%dma_start3A_771] : memref<2x!tpu.dma_semaphore, #tpu.memory_space<semaphore_mem>> -> memref<1x!tpu.dma_semaphore, #tpu.memory_space<semaphore_mem>>
    %dma_start3A_781 = tpu.memref_squeeze %dma_start3A_780 : memref<1x!tpu.dma_semaphore, #tpu.memory_space<semaphore_mem>> -> memref<!tpu.dma_semaphore, #tpu.memory_space<semaphore_mem>>
    %dma_start3A_782 = arith.constant 0 : i32
    %dma_start3A_783 = arith.constant 0 : i32
    %dma_start3A_784 = tpu.memref_slice %arg5[%select_n3A, %add3A_768, %dma_start3A_782, %dma_start3A_783] : memref<16x50x64x128xf32, #tpu.memory_space<hbm>> -> memref<1x1x64x128xf32, #tpu.memory_space<hbm>>
    %dma_start3A_785 = tpu.memref_squeeze %dma_start3A_784 : memref<1x1x64x128xf32, #tpu.memory_space<hbm>> -> memref<64x128xf32, #tpu.memory_space<hbm>>
    %dma_start3A_786 = arith.constant 0 : i32
    %dma_start3A_787 = arith.constant 0 : i32
    %dma_start3A_788 = tpu.memref_slice %arg7[%dma_start3A_769, %dma_start3A_770, %dma_start3A_786, %dma_start3A_787] : memref<2x5x64x128xf32, #tpu.memory_space<vmem>> -> memref<1x1x64x128xf32, #tpu.memory_space<vmem>>
    %dma_start3A_789 = tpu.memref_squeeze %dma_start3A_788 : memref<1x1x64x128xf32, #tpu.memory_space<vmem>> -> memref<64x128xf32, #tpu.memory_space<vmem>>
    tpu.enqueue_dma source(%dma_start3A_789 : memref<64x128xf32, #tpu.memory_space<vmem>>) target(%dma_start3A_785 : memref<64x128xf32, #tpu.memory_space<hbm>>) target_semaphore(%dma_start3A_781 : memref<!tpu.dma_semaphore, #tpu.memory_space<semaphore_mem>>)
    %dma_wait3A_790 = arith.constant 7 : i32
    %dma_wait3A_791 = arith.constant 1 : i32
    %dma_wait3A_792 = arith.constant 2 : i32
    %dma_wait3A_793 = arith.constant 1 : i32
    %dma_wait3A_794 = arith.constant 2 : i32
    %dma_wait3A_795 = arith.constant 0 : i32
    %dma_wait3A_796 = arith.constant 0 : i32
    %dma_wait3A_797 = tpu.memref_slice %arg7[%dma_wait3A_791, %dma_wait3A_792, %dma_wait3A_795, %dma_wait3A_796] : memref<2x5x64x128xf32, #tpu.memory_space<vmem>> -> memref<1x1x64x128xf32, #tpu.memory_space<vmem>>
    %dma_wait3A_798 = tpu.memref_squeeze %dma_wait3A_797 : memref<1x1x64x128xf32, #tpu.memory_space<vmem>> -> memref<64x128xf32, #tpu.memory_space<vmem>>
    %dma_wait3A_799 = arith.constant 0 : i32
    %dma_wait3A_800 = tpu.memref_slice %arg6[%dma_wait3A_790, %sub3A_652, %dma_wait3A_799] : memref<25x8x64xi32, #tpu.memory_space<vmem>> -> memref<1x1x64xi32, #tpu.memory_space<vmem>>
    %dma_wait3A_801 = tpu.memref_squeeze %dma_wait3A_800 : memref<1x1x64xi32, #tpu.memory_space<vmem>> -> memref<64xi32, #tpu.memory_space<vmem>>
    %dma_wait3A_802 = arith.constant 0 : i32
    %dma_wait3A_803 = arith.constant 0 : i32
    %dma_wait3A_804 = tpu.memref_slice %arg8[%dma_wait3A_802, %dma_wait3A_803] : memref<1000x128xf32, #tpu.memory_space<vmem_shared>> -> memref<1000x128xf32, #tpu.memory_space<vmem_shared>>
    %dma_wait3A_805 = tpu.memref_slice %arg10[%dma_wait3A_793, %dma_wait3A_794] : memref<2x5x!tpu.dma_semaphore, #tpu.memory_space<semaphore_mem>> -> memref<1x1x!tpu.dma_semaphore, #tpu.memory_space<semaphore_mem>>
    %dma_wait3A_806 = tpu.memref_squeeze %dma_wait3A_805 : memref<1x1x!tpu.dma_semaphore, #tpu.memory_space<semaphore_mem>> -> memref<!tpu.dma_semaphore, #tpu.memory_space<semaphore_mem>>
    tpu.wait_indirect_dma semaphore(%dma_wait3A_806 : memref<!tpu.dma_semaphore, #tpu.memory_space<semaphore_mem>>) src(%dma_wait3A_804 : memref<1000x128xf32, #tpu.memory_space<vmem_shared>>) dst(%dma_wait3A_798 : memref<64x128xf32, #tpu.memory_space<vmem>>)
    %add3A_807 = arith.constant 5 : i32
    %add3A_808 = arith.addi %mul3A_58, %add3A_807 : i32
    %add3A_809 = arith.constant 2 : i32
    %add3A_810 = arith.addi %add3A_808, %add3A_809 : i32
    %dma_start3A_811 = arith.constant 1 : i32
    %dma_start3A_812 = arith.constant 2 : i32
    %dma_start3A_813 = arith.constant 1 : i32
    %dma_start3A_814 = arith.constant 0 : i32
    %dma_start3A_815 = arith.constant 0 : i32
    %dma_start3A_816 = tpu.memref_slice %arg7[%dma_start3A_811, %dma_start3A_812, %dma_start3A_814, %dma_start3A_815] : memref<2x5x64x128xf32, #tpu.memory_space<vmem>> -> memref<1x1x64x128xf32, #tpu.memory_space<vmem>>
    %dma_start3A_817 = tpu.memref_squeeze %dma_start3A_816 : memref<1x1x64x128xf32, #tpu.memory_space<vmem>> -> memref<64x128xf32, #tpu.memory_space<vmem>>
    %dma_start3A_818 = arith.constant 0 : i32
    %dma_start3A_819 = arith.constant 0 : i32
    %dma_start3A_820 = tpu.memref_slice %arg5[%select_n3A, %add3A_810, %dma_start3A_818, %dma_start3A_819] : memref<16x50x64x128xf32, #tpu.memory_space<hbm>> -> memref<1x1x64x128xf32, #tpu.memory_space<hbm>>
    %dma_start3A_821 = tpu.memref_squeeze %dma_start3A_820 : memref<1x1x64x128xf32, #tpu.memory_space<hbm>> -> memref<64x128xf32, #tpu.memory_space<hbm>>
    %dma_start3A_822 = tpu.memref_slice %arg11[%dma_start3A_813] : memref<2x!tpu.dma_semaphore, #tpu.memory_space<semaphore_mem>> -> memref<1x!tpu.dma_semaphore, #tpu.memory_space<semaphore_mem>>
    %dma_start3A_823 = tpu.memref_squeeze %dma_start3A_822 : memref<1x!tpu.dma_semaphore, #tpu.memory_space<semaphore_mem>> -> memref<!tpu.dma_semaphore, #tpu.memory_space<semaphore_mem>>
    %dma_start3A_824 = arith.constant 0 : i32
    %dma_start3A_825 = arith.constant 0 : i32
    %dma_start3A_826 = tpu.memref_slice %arg5[%select_n3A, %add3A_810, %dma_start3A_824, %dma_start3A_825] : memref<16x50x64x128xf32, #tpu.memory_space<hbm>> -> memref<1x1x64x128xf32, #tpu.memory_space<hbm>>
    %dma_start3A_827 = tpu.memref_squeeze %dma_start3A_826 : memref<1x1x64x128xf32, #tpu.memory_space<hbm>> -> memref<64x128xf32, #tpu.memory_space<hbm>>
    %dma_start3A_828 = arith.constant 0 : i32
    %dma_start3A_829 = arith.constant 0 : i32
    %dma_start3A_830 = tpu.memref_slice %arg7[%dma_start3A_811, %dma_start3A_812, %dma_start3A_828, %dma_start3A_829] : memref<2x5x64x128xf32, #tpu.memory_space<vmem>> -> memref<1x1x64x128xf32, #tpu.memory_space<vmem>>
    %dma_start3A_831 = tpu.memref_squeeze %dma_start3A_830 : memref<1x1x64x128xf32, #tpu.memory_space<vmem>> -> memref<64x128xf32, #tpu.memory_space<vmem>>
    tpu.enqueue_dma source(%dma_start3A_831 : memref<64x128xf32, #tpu.memory_space<vmem>>) target(%dma_start3A_827 : memref<64x128xf32, #tpu.memory_space<hbm>>) target_semaphore(%dma_start3A_823 : memref<!tpu.dma_semaphore, #tpu.memory_space<semaphore_mem>>)
    %dma_wait3A_832 = arith.constant 8 : i32
    %dma_wait3A_833 = arith.constant 1 : i32
    %dma_wait3A_834 = arith.constant 3 : i32
    %dma_wait3A_835 = arith.constant 1 : i32
    %dma_wait3A_836 = arith.constant 3 : i32
    %dma_wait3A_837 = arith.constant 0 : i32
    %dma_wait3A_838 = arith.constant 0 : i32
    %dma_wait3A_839 = tpu.memref_slice %arg7[%dma_wait3A_833, %dma_wait3A_834, %dma_wait3A_837, %dma_wait3A_838] : memref<2x5x64x128xf32, #tpu.memory_space<vmem>> -> memref<1x1x64x128xf32, #tpu.memory_space<vmem>>
    %dma_wait3A_840 = tpu.memref_squeeze %dma_wait3A_839 : memref<1x1x64x128xf32, #tpu.memory_space<vmem>> -> memref<64x128xf32, #tpu.memory_space<vmem>>
    %dma_wait3A_841 = arith.constant 0 : i32
    %dma_wait3A_842 = tpu.memref_slice %arg6[%dma_wait3A_832, %sub3A_670, %dma_wait3A_841] : memref<25x8x64xi32, #tpu.memory_space<vmem>> -> memref<1x1x64xi32, #tpu.memory_space<vmem>>
    %dma_wait3A_843 = tpu.memref_squeeze %dma_wait3A_842 : memref<1x1x64xi32, #tpu.memory_space<vmem>> -> memref<64xi32, #tpu.memory_space<vmem>>
    %dma_wait3A_844 = arith.constant 0 : i32
    %dma_wait3A_845 = arith.constant 0 : i32
    %dma_wait3A_846 = tpu.memref_slice %arg8[%dma_wait3A_844, %dma_wait3A_845] : memref<1000x128xf32, #tpu.memory_space<vmem_shared>> -> memref<1000x128xf32, #tpu.memory_space<vmem_shared>>
    %dma_wait3A_847 = tpu.memref_slice %arg10[%dma_wait3A_835, %dma_wait3A_836] : memref<2x5x!tpu.dma_semaphore, #tpu.memory_space<semaphore_mem>> -> memref<1x1x!tpu.dma_semaphore, #tpu.memory_space<semaphore_mem>>
    %dma_wait3A_848 = tpu.memref_squeeze %dma_wait3A_847 : memref<1x1x!tpu.dma_semaphore, #tpu.memory_space<semaphore_mem>> -> memref<!tpu.dma_semaphore, #tpu.memory_space<semaphore_mem>>
    tpu.wait_indirect_dma semaphore(%dma_wait3A_848 : memref<!tpu.dma_semaphore, #tpu.memory_space<semaphore_mem>>) src(%dma_wait3A_846 : memref<1000x128xf32, #tpu.memory_space<vmem_shared>>) dst(%dma_wait3A_840 : memref<64x128xf32, #tpu.memory_space<vmem>>)
    %add3A_849 = arith.constant 5 : i32
    %add3A_850 = arith.addi %mul3A_58, %add3A_849 : i32
    %add3A_851 = arith.constant 3 : i32
    %add3A_852 = arith.addi %add3A_850, %add3A_851 : i32
    %dma_start3A_853 = arith.constant 1 : i32
    %dma_start3A_854 = arith.constant 3 : i32
    %dma_start3A_855 = arith.constant 1 : i32
    %dma_start3A_856 = arith.constant 0 : i32
    %dma_start3A_857 = arith.constant 0 : i32
    %dma_start3A_858 = tpu.memref_slice %arg7[%dma_start3A_853, %dma_start3A_854, %dma_start3A_856, %dma_start3A_857] : memref<2x5x64x128xf32, #tpu.memory_space<vmem>> -> memref<1x1x64x128xf32, #tpu.memory_space<vmem>>
    %dma_start3A_859 = tpu.memref_squeeze %dma_start3A_858 : memref<1x1x64x128xf32, #tpu.memory_space<vmem>> -> memref<64x128xf32, #tpu.memory_space<vmem>>
    %dma_start3A_860 = arith.constant 0 : i32
    %dma_start3A_861 = arith.constant 0 : i32
    %dma_start3A_862 = tpu.memref_slice %arg5[%select_n3A, %add3A_852, %dma_start3A_860, %dma_start3A_861] : memref<16x50x64x128xf32, #tpu.memory_space<hbm>> -> memref<1x1x64x128xf32, #tpu.memory_space<hbm>>
    %dma_start3A_863 = tpu.memref_squeeze %dma_start3A_862 : memref<1x1x64x128xf32, #tpu.memory_space<hbm>> -> memref<64x128xf32, #tpu.memory_space<hbm>>
    %dma_start3A_864 = tpu.memref_slice %arg11[%dma_start3A_855] : memref<2x!tpu.dma_semaphore, #tpu.memory_space<semaphore_mem>> -> memref<1x!tpu.dma_semaphore, #tpu.memory_space<semaphore_mem>>
    %dma_start3A_865 = tpu.memref_squeeze %dma_start3A_864 : memref<1x!tpu.dma_semaphore, #tpu.memory_space<semaphore_mem>> -> memref<!tpu.dma_semaphore, #tpu.memory_space<semaphore_mem>>
    %dma_start3A_866 = arith.constant 0 : i32
    %dma_start3A_867 = arith.constant 0 : i32
    %dma_start3A_868 = tpu.memref_slice %arg5[%select_n3A, %add3A_852, %dma_start3A_866, %dma_start3A_867] : memref<16x50x64x128xf32, #tpu.memory_space<hbm>> -> memref<1x1x64x128xf32, #tpu.memory_space<hbm>>
    %dma_start3A_869 = tpu.memref_squeeze %dma_start3A_868 : memref<1x1x64x128xf32, #tpu.memory_space<hbm>> -> memref<64x128xf32, #tpu.memory_space<hbm>>
    %dma_start3A_870 = arith.constant 0 : i32
    %dma_start3A_871 = arith.constant 0 : i32
    %dma_start3A_872 = tpu.memref_slice %arg7[%dma_start3A_853, %dma_start3A_854, %dma_start3A_870, %dma_start3A_871] : memref<2x5x64x128xf32, #tpu.memory_space<vmem>> -> memref<1x1x64x128xf32, #tpu.memory_space<vmem>>
    %dma_start3A_873 = tpu.memref_squeeze %dma_start3A_872 : memref<1x1x64x128xf32, #tpu.memory_space<vmem>> -> memref<64x128xf32, #tpu.memory_space<vmem>>
    tpu.enqueue_dma source(%dma_start3A_873 : memref<64x128xf32, #tpu.memory_space<vmem>>) target(%dma_start3A_869 : memref<64x128xf32, #tpu.memory_space<hbm>>) target_semaphore(%dma_start3A_865 : memref<!tpu.dma_semaphore, #tpu.memory_space<semaphore_mem>>)
    %dma_wait3A_874 = arith.constant 9 : i32
    %dma_wait3A_875 = arith.constant 1 : i32
    %dma_wait3A_876 = arith.constant 4 : i32
    %dma_wait3A_877 = arith.constant 1 : i32
    %dma_wait3A_878 = arith.constant 4 : i32
    %dma_wait3A_879 = arith.constant 0 : i32
    %dma_wait3A_880 = arith.constant 0 : i32
    %dma_wait3A_881 = tpu.memref_slice %arg7[%dma_wait3A_875, %dma_wait3A_876, %dma_wait3A_879, %dma_wait3A_880] : memref<2x5x64x128xf32, #tpu.memory_space<vmem>> -> memref<1x1x64x128xf32, #tpu.memory_space<vmem>>
    %dma_wait3A_882 = tpu.memref_squeeze %dma_wait3A_881 : memref<1x1x64x128xf32, #tpu.memory_space<vmem>> -> memref<64x128xf32, #tpu.memory_space<vmem>>
    %dma_wait3A_883 = arith.constant 0 : i32
    %dma_wait3A_884 = tpu.memref_slice %arg6[%dma_wait3A_874, %sub3A_688, %dma_wait3A_883] : memref<25x8x64xi32, #tpu.memory_space<vmem>> -> memref<1x1x64xi32, #tpu.memory_space<vmem>>
    %dma_wait3A_885 = tpu.memref_squeeze %dma_wait3A_884 : memref<1x1x64xi32, #tpu.memory_space<vmem>> -> memref<64xi32, #tpu.memory_space<vmem>>
    %dma_wait3A_886 = arith.constant 0 : i32
    %dma_wait3A_887 = arith.constant 0 : i32
    %dma_wait3A_888 = tpu.memref_slice %arg8[%dma_wait3A_886, %dma_wait3A_887] : memref<1000x128xf32, #tpu.memory_space<vmem_shared>> -> memref<1000x128xf32, #tpu.memory_space<vmem_shared>>
    %dma_wait3A_889 = tpu.memref_slice %arg10[%dma_wait3A_877, %dma_wait3A_878] : memref<2x5x!tpu.dma_semaphore, #tpu.memory_space<semaphore_mem>> -> memref<1x1x!tpu.dma_semaphore, #tpu.memory_space<semaphore_mem>>
    %dma_wait3A_890 = tpu.memref_squeeze %dma_wait3A_889 : memref<1x1x!tpu.dma_semaphore, #tpu.memory_space<semaphore_mem>> -> memref<!tpu.dma_semaphore, #tpu.memory_space<semaphore_mem>>
    tpu.wait_indirect_dma semaphore(%dma_wait3A_890 : memref<!tpu.dma_semaphore, #tpu.memory_space<semaphore_mem>>) src(%dma_wait3A_888 : memref<1000x128xf32, #tpu.memory_space<vmem_shared>>) dst(%dma_wait3A_882 : memref<64x128xf32, #tpu.memory_space<vmem>>)
    %add3A_891 = arith.constant 5 : i32
    %add3A_892 = arith.addi %mul3A_58, %add3A_891 : i32
    %add3A_893 = arith.constant 4 : i32
    %add3A_894 = arith.addi %add3A_892, %add3A_893 : i32
    %dma_start3A_895 = arith.constant 1 : i32
    %dma_start3A_896 = arith.constant 4 : i32
    %dma_start3A_897 = arith.constant 1 : i32
    %dma_start3A_898 = arith.constant 0 : i32
    %dma_start3A_899 = arith.constant 0 : i32
    %dma_start3A_900 = tpu.memref_slice %arg7[%dma_start3A_895, %dma_start3A_896, %dma_start3A_898, %dma_start3A_899] : memref<2x5x64x128xf32, #tpu.memory_space<vmem>> -> memref<1x1x64x128xf32, #tpu.memory_space<vmem>>
    %dma_start3A_901 = tpu.memref_squeeze %dma_start3A_900 : memref<1x1x64x128xf32, #tpu.memory_space<vmem>> -> memref<64x128xf32, #tpu.memory_space<vmem>>
    %dma_start3A_902 = arith.constant 0 : i32
    %dma_start3A_903 = arith.constant 0 : i32
    %dma_start3A_904 = tpu.memref_slice %arg5[%select_n3A, %add3A_894, %dma_start3A_902, %dma_start3A_903] : memref<16x50x64x128xf32, #tpu.memory_space<hbm>> -> memref<1x1x64x128xf32, #tpu.memory_space<hbm>>
    %dma_start3A_905 = tpu.memref_squeeze %dma_start3A_904 : memref<1x1x64x128xf32, #tpu.memory_space<hbm>> -> memref<64x128xf32, #tpu.memory_space<hbm>>
    %dma_start3A_906 = tpu.memref_slice %arg11[%dma_start3A_897] : memref<2x!tpu.dma_semaphore, #tpu.memory_space<semaphore_mem>> -> memref<1x!tpu.dma_semaphore, #tpu.memory_space<semaphore_mem>>
    %dma_start3A_907 = tpu.memref_squeeze %dma_start3A_906 : memref<1x!tpu.dma_semaphore, #tpu.memory_space<semaphore_mem>> -> memref<!tpu.dma_semaphore, #tpu.memory_space<semaphore_mem>>
    %dma_start3A_908 = arith.constant 0 : i32
    %dma_start3A_909 = arith.constant 0 : i32
    %dma_start3A_910 = tpu.memref_slice %arg5[%select_n3A, %add3A_894, %dma_start3A_908, %dma_start3A_909] : memref<16x50x64x128xf32, #tpu.memory_space<hbm>> -> memref<1x1x64x128xf32, #tpu.memory_space<hbm>>
    %dma_start3A_911 = tpu.memref_squeeze %dma_start3A_910 : memref<1x1x64x128xf32, #tpu.memory_space<hbm>> -> memref<64x128xf32, #tpu.memory_space<hbm>>
    %dma_start3A_912 = arith.constant 0 : i32
    %dma_start3A_913 = arith.constant 0 : i32
    %dma_start3A_914 = tpu.memref_slice %arg7[%dma_start3A_895, %dma_start3A_896, %dma_start3A_912, %dma_start3A_913] : memref<2x5x64x128xf32, #tpu.memory_space<vmem>> -> memref<1x1x64x128xf32, #tpu.memory_space<vmem>>
    %dma_start3A_915 = tpu.memref_squeeze %dma_start3A_914 : memref<1x1x64x128xf32, #tpu.memory_space<vmem>> -> memref<64x128xf32, #tpu.memory_space<vmem>>
    tpu.enqueue_dma source(%dma_start3A_915 : memref<64x128xf32, #tpu.memory_space<vmem>>) target(%dma_start3A_911 : memref<64x128xf32, #tpu.memory_space<hbm>>) target_semaphore(%dma_start3A_907 : memref<!tpu.dma_semaphore, #tpu.memory_space<semaphore_mem>>)
    %dma_wait3A_916 = arith.constant 1 : i32
    %dma_wait3A_917 = arith.constant 0 : i32
    %dma_wait3A_918 = arith.constant 1 : i32
    %dma_wait3A_919 = arith.constant 0 : i32
    %dma_wait3A_920 = arith.constant 0 : i32
    %dma_wait3A_921 = tpu.memref_slice %arg7[%dma_wait3A_916, %dma_wait3A_917, %dma_wait3A_919, %dma_wait3A_920] : memref<2x5x64x128xf32, #tpu.memory_space<vmem>> -> memref<1x1x64x128xf32, #tpu.memory_space<vmem>>
    %dma_wait3A_922 = tpu.memref_squeeze %dma_wait3A_921 : memref<1x1x64x128xf32, #tpu.memory_space<vmem>> -> memref<64x128xf32, #tpu.memory_space<vmem>>
    %dma_wait3A_923 = arith.constant 0 : i32
    %dma_wait3A_924 = arith.constant 0 : i32
    %dma_wait3A_925 = tpu.memref_slice %arg5[%select_n3A, %add3A_726, %dma_wait3A_923, %dma_wait3A_924] : memref<16x50x64x128xf32, #tpu.memory_space<hbm>> -> memref<1x1x64x128xf32, #tpu.memory_space<hbm>>
    %dma_wait3A_926 = tpu.memref_squeeze %dma_wait3A_925 : memref<1x1x64x128xf32, #tpu.memory_space<hbm>> -> memref<64x128xf32, #tpu.memory_space<hbm>>
    %dma_wait3A_927 = tpu.memref_slice %arg11[%dma_wait3A_918] : memref<2x!tpu.dma_semaphore, #tpu.memory_space<semaphore_mem>> -> memref<1x!tpu.dma_semaphore, #tpu.memory_space<semaphore_mem>>
    %dma_wait3A_928 = tpu.memref_squeeze %dma_wait3A_927 : memref<1x!tpu.dma_semaphore, #tpu.memory_space<semaphore_mem>> -> memref<!tpu.dma_semaphore, #tpu.memory_space<semaphore_mem>>
    %dma_wait3A_929 = arith.constant 0 : i32
    %dma_wait3A_930 = arith.constant 0 : i32
    %dma_wait3A_931 = tpu.memref_slice %arg5[%select_n3A, %add3A_726, %dma_wait3A_929, %dma_wait3A_930] : memref<16x50x64x128xf32, #tpu.memory_space<hbm>> -> memref<1x1x64x128xf32, #tpu.memory_space<hbm>>
    %dma_wait3A_932 = tpu.memref_squeeze %dma_wait3A_931 : memref<1x1x64x128xf32, #tpu.memory_space<hbm>> -> memref<64x128xf32, #tpu.memory_space<hbm>>
    %dma_wait3A_933 = arith.constant 0 : i32
    %dma_wait3A_934 = arith.constant 0 : i32
    %dma_wait3A_935 = tpu.memref_slice %arg7[%dma_wait3A_916, %dma_wait3A_917, %dma_wait3A_933, %dma_wait3A_934] : memref<2x5x64x128xf32, #tpu.memory_space<vmem>> -> memref<1x1x64x128xf32, #tpu.memory_space<vmem>>
    %dma_wait3A_936 = tpu.memref_squeeze %dma_wait3A_935 : memref<1x1x64x128xf32, #tpu.memory_space<vmem>> -> memref<64x128xf32, #tpu.memory_space<vmem>>
    tpu.wait_dma2 semaphore(%dma_wait3A_928 : memref<!tpu.dma_semaphore, #tpu.memory_space<semaphore_mem>>) src(%dma_wait3A_936 : memref<64x128xf32, #tpu.memory_space<vmem>>) dst(%dma_wait3A_932 : memref<64x128xf32, #tpu.memory_space<hbm>>)
    %dma_wait3A_937 = arith.constant 1 : i32
    %dma_wait3A_938 = arith.constant 1 : i32
    %dma_wait3A_939 = arith.constant 1 : i32
    %dma_wait3A_940 = arith.constant 0 : i32
    %dma_wait3A_941 = arith.constant 0 : i32
    %dma_wait3A_942 = tpu.memref_slice %arg7[%dma_wait3A_937, %dma_wait3A_938, %dma_wait3A_940, %dma_wait3A_941] : memref<2x5x64x128xf32, #tpu.memory_space<vmem>> -> memref<1x1x64x128xf32, #tpu.memory_space<vmem>>
    %dma_wait3A_943 = tpu.memref_squeeze %dma_wait3A_942 : memref<1x1x64x128xf32, #tpu.memory_space<vmem>> -> memref<64x128xf32, #tpu.memory_space<vmem>>
    %dma_wait3A_944 = arith.constant 0 : i32
    %dma_wait3A_945 = arith.constant 0 : i32
    %dma_wait3A_946 = tpu.memref_slice %arg5[%select_n3A, %add3A_768, %dma_wait3A_944, %dma_wait3A_945] : memref<16x50x64x128xf32, #tpu.memory_space<hbm>> -> memref<1x1x64x128xf32, #tpu.memory_space<hbm>>
    %dma_wait3A_947 = tpu.memref_squeeze %dma_wait3A_946 : memref<1x1x64x128xf32, #tpu.memory_space<hbm>> -> memref<64x128xf32, #tpu.memory_space<hbm>>
    %dma_wait3A_948 = tpu.memref_slice %arg11[%dma_wait3A_939] : memref<2x!tpu.dma_semaphore, #tpu.memory_space<semaphore_mem>> -> memref<1x!tpu.dma_semaphore, #tpu.memory_space<semaphore_mem>>
    %dma_wait3A_949 = tpu.memref_squeeze %dma_wait3A_948 : memref<1x!tpu.dma_semaphore, #tpu.memory_space<semaphore_mem>> -> memref<!tpu.dma_semaphore, #tpu.memory_space<semaphore_mem>>
    %dma_wait3A_950 = arith.constant 0 : i32
    %dma_wait3A_951 = arith.constant 0 : i32
    %dma_wait3A_952 = tpu.memref_slice %arg5[%select_n3A, %add3A_768, %dma_wait3A_950, %dma_wait3A_951] : memref<16x50x64x128xf32, #tpu.memory_space<hbm>> -> memref<1x1x64x128xf32, #tpu.memory_space<hbm>>
    %dma_wait3A_953 = tpu.memref_squeeze %dma_wait3A_952 : memref<1x1x64x128xf32, #tpu.memory_space<hbm>> -> memref<64x128xf32, #tpu.memory_space<hbm>>
    %dma_wait3A_954 = arith.constant 0 : i32
    %dma_wait3A_955 = arith.constant 0 : i32
    %dma_wait3A_956 = tpu.memref_slice %arg7[%dma_wait3A_937, %dma_wait3A_938, %dma_wait3A_954, %dma_wait3A_955] : memref<2x5x64x128xf32, #tpu.memory_space<vmem>> -> memref<1x1x64x128xf32, #tpu.memory_space<vmem>>
    %dma_wait3A_957 = tpu.memref_squeeze %dma_wait3A_956 : memref<1x1x64x128xf32, #tpu.memory_space<vmem>> -> memref<64x128xf32, #tpu.memory_space<vmem>>
    tpu.wait_dma2 semaphore(%dma_wait3A_949 : memref<!tpu.dma_semaphore, #tpu.memory_space<semaphore_mem>>) src(%dma_wait3A_957 : memref<64x128xf32, #tpu.memory_space<vmem>>) dst(%dma_wait3A_953 : memref<64x128xf32, #tpu.memory_space<hbm>>)
    %dma_wait3A_958 = arith.constant 1 : i32
    %dma_wait3A_959 = arith.constant 2 : i32
    %dma_wait3A_960 = arith.constant 1 : i32
    %dma_wait3A_961 = arith.constant 0 : i32
    %dma_wait3A_962 = arith.constant 0 : i32
    %dma_wait3A_963 = tpu.memref_slice %arg7[%dma_wait3A_958, %dma_wait3A_959, %dma_wait3A_961, %dma_wait3A_962] : memref<2x5x64x128xf32, #tpu.memory_space<vmem>> -> memref<1x1x64x128xf32, #tpu.memory_space<vmem>>
    %dma_wait3A_964 = tpu.memref_squeeze %dma_wait3A_963 : memref<1x1x64x128xf32, #tpu.memory_space<vmem>> -> memref<64x128xf32, #tpu.memory_space<vmem>>
    %dma_wait3A_965 = arith.constant 0 : i32
    %dma_wait3A_966 = arith.constant 0 : i32
    %dma_wait3A_967 = tpu.memref_slice %arg5[%select_n3A, %add3A_810, %dma_wait3A_965, %dma_wait3A_966] : memref<16x50x64x128xf32, #tpu.memory_space<hbm>> -> memref<1x1x64x128xf32, #tpu.memory_space<hbm>>
    %dma_wait3A_968 = tpu.memref_squeeze %dma_wait3A_967 : memref<1x1x64x128xf32, #tpu.memory_space<hbm>> -> memref<64x128xf32, #tpu.memory_space<hbm>>
    %dma_wait3A_969 = tpu.memref_slice %arg11[%dma_wait3A_960] : memref<2x!tpu.dma_semaphore, #tpu.memory_space<semaphore_mem>> -> memref<1x!tpu.dma_semaphore, #tpu.memory_space<semaphore_mem>>
    %dma_wait3A_970 = tpu.memref_squeeze %dma_wait3A_969 : memref<1x!tpu.dma_semaphore, #tpu.memory_space<semaphore_mem>> -> memref<!tpu.dma_semaphore, #tpu.memory_space<semaphore_mem>>
    %dma_wait3A_971 = arith.constant 0 : i32
    %dma_wait3A_972 = arith.constant 0 : i32
    %dma_wait3A_973 = tpu.memref_slice %arg5[%select_n3A, %add3A_810, %dma_wait3A_971, %dma_wait3A_972] : memref<16x50x64x128xf32, #tpu.memory_space<hbm>> -> memref<1x1x64x128xf32, #tpu.memory_space<hbm>>
    %dma_wait3A_974 = tpu.memref_squeeze %dma_wait3A_973 : memref<1x1x64x128xf32, #tpu.memory_space<hbm>> -> memref<64x128xf32, #tpu.memory_space<hbm>>
    %dma_wait3A_975 = arith.constant 0 : i32
    %dma_wait3A_976 = arith.constant 0 : i32
    %dma_wait3A_977 = tpu.memref_slice %arg7[%dma_wait3A_958, %dma_wait3A_959, %dma_wait3A_975, %dma_wait3A_976] : memref<2x5x64x128xf32, #tpu.memory_space<vmem>> -> memref<1x1x64x128xf32, #tpu.memory_space<vmem>>
    %dma_wait3A_978 = tpu.memref_squeeze %dma_wait3A_977 : memref<1x1x64x128xf32, #tpu.memory_space<vmem>> -> memref<64x128xf32, #tpu.memory_space<vmem>>
    tpu.wait_dma2 semaphore(%dma_wait3A_970 : memref<!tpu.dma_semaphore, #tpu.memory_space<semaphore_mem>>) src(%dma_wait3A_978 : memref<64x128xf32, #tpu.memory_space<vmem>>) dst(%dma_wait3A_974 : memref<64x128xf32, #tpu.memory_space<hbm>>)
    %dma_wait3A_979 = arith.constant 1 : i32
    %dma_wait3A_980 = arith.constant 3 : i32
    %dma_wait3A_981 = arith.constant 1 : i32
    %dma_wait3A_982 = arith.constant 0 : i32
    %dma_wait3A_983 = arith.constant 0 : i32
    %dma_wait3A_984 = tpu.memref_slice %arg7[%dma_wait3A_979, %dma_wait3A_980, %dma_wait3A_982, %dma_wait3A_983] : memref<2x5x64x128xf32, #tpu.memory_space<vmem>> -> memref<1x1x64x128xf32, #tpu.memory_space<vmem>>
    %dma_wait3A_985 = tpu.memref_squeeze %dma_wait3A_984 : memref<1x1x64x128xf32, #tpu.memory_space<vmem>> -> memref<64x128xf32, #tpu.memory_space<vmem>>
    %dma_wait3A_986 = arith.constant 0 : i32
    %dma_wait3A_987 = arith.constant 0 : i32
    %dma_wait3A_988 = tpu.memref_slice %arg5[%select_n3A, %add3A_852, %dma_wait3A_986, %dma_wait3A_987] : memref<16x50x64x128xf32, #tpu.memory_space<hbm>> -> memref<1x1x64x128xf32, #tpu.memory_space<hbm>>
    %dma_wait3A_989 = tpu.memref_squeeze %dma_wait3A_988 : memref<1x1x64x128xf32, #tpu.memory_space<hbm>> -> memref<64x128xf32, #tpu.memory_space<hbm>>
    %dma_wait3A_990 = tpu.memref_slice %arg11[%dma_wait3A_981] : memref<2x!tpu.dma_semaphore, #tpu.memory_space<semaphore_mem>> -> memref<1x!tpu.dma_semaphore, #tpu.memory_space<semaphore_mem>>
    %dma_wait3A_991 = tpu.memref_squeeze %dma_wait3A_990 : memref<1x!tpu.dma_semaphore, #tpu.memory_space<semaphore_mem>> -> memref<!tpu.dma_semaphore, #tpu.memory_space<semaphore_mem>>
    %dma_wait3A_992 = arith.constant 0 : i32
    %dma_wait3A_993 = arith.constant 0 : i32
    %dma_wait3A_994 = tpu.memref_slice %arg5[%select_n3A, %add3A_852, %dma_wait3A_992, %dma_wait3A_993] : memref<16x50x64x128xf32, #tpu.memory_space<hbm>> -> memref<1x1x64x128xf32, #tpu.memory_space<hbm>>
    %dma_wait3A_995 = tpu.memref_squeeze %dma_wait3A_994 : memref<1x1x64x128xf32, #tpu.memory_space<hbm>> -> memref<64x128xf32, #tpu.memory_space<hbm>>
    %dma_wait3A_996 = arith.constant 0 : i32
    %dma_wait3A_997 = arith.constant 0 : i32
    %dma_wait3A_998 = tpu.memref_slice %arg7[%dma_wait3A_979, %dma_wait3A_980, %dma_wait3A_996, %dma_wait3A_997] : memref<2x5x64x128xf32, #tpu.memory_space<vmem>> -> memref<1x1x64x128xf32, #tpu.memory_space<vmem>>
    %dma_wait3A_999 = tpu.memref_squeeze %dma_wait3A_998 : memref<1x1x64x128xf32, #tpu.memory_space<vmem>> -> memref<64x128xf32, #tpu.memory_space<vmem>>
    tpu.wait_dma2 semaphore(%dma_wait3A_991 : memref<!tpu.dma_semaphore, #tpu.memory_space<semaphore_mem>>) src(%dma_wait3A_999 : memref<64x128xf32, #tpu.memory_space<vmem>>) dst(%dma_wait3A_995 : memref<64x128xf32, #tpu.memory_space<hbm>>)
    %dma_wait3A_1000 = arith.constant 1 : i32
    %dma_wait3A_1001 = arith.constant 4 : i32
    %dma_wait3A_1002 = arith.constant 1 : i32
    %dma_wait3A_1003 = arith.constant 0 : i32
    %dma_wait3A_1004 = arith.constant 0 : i32
    %dma_wait3A_1005 = tpu.memref_slice %arg7[%dma_wait3A_1000, %dma_wait3A_1001, %dma_wait3A_1003, %dma_wait3A_1004] : memref<2x5x64x128xf32, #tpu.memory_space<vmem>> -> memref<1x1x64x128xf32, #tpu.memory_space<vmem>>
    %dma_wait3A_1006 = tpu.memref_squeeze %dma_wait3A_1005 : memref<1x1x64x128xf32, #tpu.memory_space<vmem>> -> memref<64x128xf32, #tpu.memory_space<vmem>>
    %dma_wait3A_1007 = arith.constant 0 : i32
    %dma_wait3A_1008 = arith.constant 0 : i32
    %dma_wait3A_1009 = tpu.memref_slice %arg5[%select_n3A, %add3A_894, %dma_wait3A_1007, %dma_wait3A_1008] : memref<16x50x64x128xf32, #tpu.memory_space<hbm>> -> memref<1x1x64x128xf32, #tpu.memory_space<hbm>>
    %dma_wait3A_1010 = tpu.memref_squeeze %dma_wait3A_1009 : memref<1x1x64x128xf32, #tpu.memory_space<hbm>> -> memref<64x128xf32, #tpu.memory_space<hbm>>
    %dma_wait3A_1011 = tpu.memref_slice %arg11[%dma_wait3A_1002] : memref<2x!tpu.dma_semaphore, #tpu.memory_space<semaphore_mem>> -> memref<1x!tpu.dma_semaphore, #tpu.memory_space<semaphore_mem>>
    %dma_wait3A_1012 = tpu.memref_squeeze %dma_wait3A_1011 : memref<1x!tpu.dma_semaphore, #tpu.memory_space<semaphore_mem>> -> memref<!tpu.dma_semaphore, #tpu.memory_space<semaphore_mem>>
    %dma_wait3A_1013 = arith.constant 0 : i32
    %dma_wait3A_1014 = arith.constant 0 : i32
    %dma_wait3A_1015 = tpu.memref_slice %arg5[%select_n3A, %add3A_894, %dma_wait3A_1013, %dma_wait3A_1014] : memref<16x50x64x128xf32, #tpu.memory_space<hbm>> -> memref<1x1x64x128xf32, #tpu.memory_space<hbm>>
    %dma_wait3A_1016 = tpu.memref_squeeze %dma_wait3A_1015 : memref<1x1x64x128xf32, #tpu.memory_space<hbm>> -> memref<64x128xf32, #tpu.memory_space<hbm>>
    %dma_wait3A_1017 = arith.constant 0 : i32
    %dma_wait3A_1018 = arith.constant 0 : i32
    %dma_wait3A_1019 = tpu.memref_slice %arg7[%dma_wait3A_1000, %dma_wait3A_1001, %dma_wait3A_1017, %dma_wait3A_1018] : memref<2x5x64x128xf32, #tpu.memory_space<vmem>> -> memref<1x1x64x128xf32, #tpu.memory_space<vmem>>
    %dma_wait3A_1020 = tpu.memref_squeeze %dma_wait3A_1019 : memref<1x1x64x128xf32, #tpu.memory_space<vmem>> -> memref<64x128xf32, #tpu.memory_space<vmem>>
    tpu.wait_dma2 semaphore(%dma_wait3A_1012 : memref<!tpu.dma_semaphore, #tpu.memory_space<semaphore_mem>>) src(%dma_wait3A_1020 : memref<64x128xf32, #tpu.memory_space<vmem>>) dst(%dma_wait3A_1016 : memref<64x128xf32, #tpu.memory_space<hbm>>)
    %add3A_1021 = arith.constant 15 : i32
    %add3A_1022 = arith.addi %mul3A_58, %add3A_1021 : i32
    %dma_start3A_1023 = arith.constant 1 : i32
    %dma_start3A_1024 = arith.constant 1 : i32
    %dma_start3A_1025 = arith.constant 0 : i32
    %dma_start3A_1026 = arith.constant 0 : i32
    %dma_start3A_1027 = arith.constant 0 : i32
    %dma_start3A_1028 = tpu.memref_slice %arg7[%dma_start3A_1023, %dma_start3A_1025, %dma_start3A_1026, %dma_start3A_1027] : memref<2x5x64x128xf32, #tpu.memory_space<vmem>> -> memref<1x5x64x128xf32, #tpu.memory_space<vmem>>
    %dma_start3A_1029 = tpu.memref_squeeze %dma_start3A_1028 : memref<1x5x64x128xf32, #tpu.memory_space<vmem>> -> memref<5x64x128xf32, #tpu.memory_space<vmem>>
    %dma_start3A_1030 = arith.constant 0 : i32
    %dma_start3A_1031 = arith.constant 0 : i32
    %dma_start3A_1032 = tpu.memref_slice %arg2[%select_n3A, %add3A_1022, %dma_start3A_1030, %dma_start3A_1031] : memref<16x50x64x128xf32, #tpu.memory_space<hbm>> -> memref<1x5x64x128xf32, #tpu.memory_space<hbm>>
    %dma_start3A_1033 = tpu.memref_squeeze %dma_start3A_1032 : memref<1x5x64x128xf32, #tpu.memory_space<hbm>> -> memref<5x64x128xf32, #tpu.memory_space<hbm>>
    %dma_start3A_1034 = tpu.memref_slice %arg9[%dma_start3A_1024] : memref<2x!tpu.dma_semaphore, #tpu.memory_space<semaphore_mem>> -> memref<1x!tpu.dma_semaphore, #tpu.memory_space<semaphore_mem>>
    %dma_start3A_1035 = tpu.memref_squeeze %dma_start3A_1034 : memref<1x!tpu.dma_semaphore, #tpu.memory_space<semaphore_mem>> -> memref<!tpu.dma_semaphore, #tpu.memory_space<semaphore_mem>>
    %dma_start3A_1036 = arith.constant 0 : i32
    %dma_start3A_1037 = arith.constant 0 : i32
    %dma_start3A_1038 = arith.constant 0 : i32
    %dma_start3A_1039 = tpu.memref_slice %arg7[%dma_start3A_1023, %dma_start3A_1036, %dma_start3A_1037, %dma_start3A_1038] : memref<2x5x64x128xf32, #tpu.memory_space<vmem>> -> memref<1x5x64x128xf32, #tpu.memory_space<vmem>>
    %dma_start3A_1040 = tpu.memref_squeeze %dma_start3A_1039 : memref<1x5x64x128xf32, #tpu.memory_space<vmem>> -> memref<5x64x128xf32, #tpu.memory_space<vmem>>
    %dma_start3A_1041 = arith.constant 0 : i32
    %dma_start3A_1042 = arith.constant 0 : i32
    %dma_start3A_1043 = tpu.memref_slice %arg2[%select_n3A, %add3A_1022, %dma_start3A_1041, %dma_start3A_1042] : memref<16x50x64x128xf32, #tpu.memory_space<hbm>> -> memref<1x5x64x128xf32, #tpu.memory_space<hbm>>
    %dma_start3A_1044 = tpu.memref_squeeze %dma_start3A_1043 : memref<1x5x64x128xf32, #tpu.memory_space<hbm>> -> memref<5x64x128xf32, #tpu.memory_space<hbm>>
    tpu.enqueue_dma source(%dma_start3A_1044 : memref<5x64x128xf32, #tpu.memory_space<hbm>>) target(%dma_start3A_1040 : memref<5x64x128xf32, #tpu.memory_space<vmem>>) target_semaphore(%dma_start3A_1035 : memref<!tpu.dma_semaphore, #tpu.memory_space<semaphore_mem>>)
    %dma_wait3A_1045 = arith.constant 0 : i32
    %dma_wait3A_1046 = arith.constant 0 : i32
    %dma_wait3A_1047 = arith.constant 0 : i32
    %dma_wait3A_1048 = arith.constant 0 : i32
    %dma_wait3A_1049 = arith.constant 0 : i32
    %dma_wait3A_1050 = tpu.memref_slice %arg7[%dma_wait3A_1045, %dma_wait3A_1047, %dma_wait3A_1048, %dma_wait3A_1049] : memref<2x5x64x128xf32, #tpu.memory_space<vmem>> -> memref<1x5x64x128xf32, #tpu.memory_space<vmem>>
    %dma_wait3A_1051 = tpu.memref_squeeze %dma_wait3A_1050 : memref<1x5x64x128xf32, #tpu.memory_space<vmem>> -> memref<5x64x128xf32, #tpu.memory_space<vmem>>
    %dma_wait3A_1052 = arith.constant 0 : i32
    %dma_wait3A_1053 = arith.constant 0 : i32
    %dma_wait3A_1054 = tpu.memref_slice %arg2[%select_n3A, %add3A_571, %dma_wait3A_1052, %dma_wait3A_1053] : memref<16x50x64x128xf32, #tpu.memory_space<hbm>> -> memref<1x5x64x128xf32, #tpu.memory_space<hbm>>
    %dma_wait3A_1055 = tpu.memref_squeeze %dma_wait3A_1054 : memref<1x5x64x128xf32, #tpu.memory_space<hbm>> -> memref<5x64x128xf32, #tpu.memory_space<hbm>>
    %dma_wait3A_1056 = tpu.memref_slice %arg9[%dma_wait3A_1046] : memref<2x!tpu.dma_semaphore, #tpu.memory_space<semaphore_mem>> -> memref<1x!tpu.dma_semaphore, #tpu.memory_space<semaphore_mem>>
    %dma_wait3A_1057 = tpu.memref_squeeze %dma_wait3A_1056 : memref<1x!tpu.dma_semaphore, #tpu.memory_space<semaphore_mem>> -> memref<!tpu.dma_semaphore, #tpu.memory_space<semaphore_mem>>
    %dma_wait3A_1058 = arith.constant 0 : i32
    %dma_wait3A_1059 = arith.constant 0 : i32
    %dma_wait3A_1060 = arith.constant 0 : i32
    %dma_wait3A_1061 = tpu.memref_slice %arg7[%dma_wait3A_1045, %dma_wait3A_1058, %dma_wait3A_1059, %dma_wait3A_1060] : memref<2x5x64x128xf32, #tpu.memory_space<vmem>> -> memref<1x5x64x128xf32, #tpu.memory_space<vmem>>
    %dma_wait3A_1062 = tpu.memref_squeeze %dma_wait3A_1061 : memref<1x5x64x128xf32, #tpu.memory_space<vmem>> -> memref<5x64x128xf32, #tpu.memory_space<vmem>>
    %dma_wait3A_1063 = arith.constant 0 : i32
    %dma_wait3A_1064 = arith.constant 0 : i32
    %dma_wait3A_1065 = tpu.memref_slice %arg2[%select_n3A, %add3A_571, %dma_wait3A_1063, %dma_wait3A_1064] : memref<16x50x64x128xf32, #tpu.memory_space<hbm>> -> memref<1x5x64x128xf32, #tpu.memory_space<hbm>>
    %dma_wait3A_1066 = tpu.memref_squeeze %dma_wait3A_1065 : memref<1x5x64x128xf32, #tpu.memory_space<hbm>> -> memref<5x64x128xf32, #tpu.memory_space<hbm>>
    tpu.wait_dma2 semaphore(%dma_wait3A_1057 : memref<!tpu.dma_semaphore, #tpu.memory_space<semaphore_mem>>) src(%dma_wait3A_1066 : memref<5x64x128xf32, #tpu.memory_space<hbm>>) dst(%dma_wait3A_1062 : memref<5x64x128xf32, #tpu.memory_space<vmem>>)
    %sub3A_1067 = arith.subi %select_n3A, %mul3A_42 : i32
    %dma_start3A_1068 = arith.constant 10 : i32
    %dma_start3A_1069 = arith.constant 0 : i32
    %dma_start3A_1070 = arith.constant 0 : i32
    %dma_start3A_1071 = arith.constant 0 : i32
    %dma_start3A_1072 = arith.constant 0 : i32
    %dma_start3A_1073 = arith.constant 0 : i32
    %dma_start3A_1074 = arith.constant 0 : i32
    %dma_start3A_1075 = tpu.memref_slice %arg7[%dma_start3A_1069, %dma_start3A_1070, %dma_start3A_1073, %dma_start3A_1074] : memref<2x5x64x128xf32, #tpu.memory_space<vmem>> -> memref<1x1x64x128xf32, #tpu.memory_space<vmem>>
    %dma_start3A_1076 = tpu.memref_squeeze %dma_start3A_1075 : memref<1x1x64x128xf32, #tpu.memory_space<vmem>> -> memref<64x128xf32, #tpu.memory_space<vmem>>
    %dma_start3A_1077 = arith.constant 0 : i32
    %dma_start3A_1078 = tpu.memref_slice %arg6[%dma_start3A_1068, %sub3A_1067, %dma_start3A_1077] : memref<25x8x64xi32, #tpu.memory_space<vmem>> -> memref<1x1x64xi32, #tpu.memory_space<vmem>>
    %dma_start3A_1079 = tpu.memref_squeeze %dma_start3A_1078 : memref<1x1x64xi32, #tpu.memory_space<vmem>> -> memref<64xi32, #tpu.memory_space<vmem>>
    %dma_start3A_1080 = arith.constant 0 : i32
    %dma_start3A_1081 = arith.constant 0 : i32
    %dma_start3A_1082 = tpu.memref_slice %arg8[%dma_start3A_1080, %dma_start3A_1081] : memref<1000x128xf32, #tpu.memory_space<vmem_shared>> -> memref<1000x128xf32, #tpu.memory_space<vmem_shared>>
    %dma_start3A_1083 = tpu.memref_slice %arg10[%dma_start3A_1071, %dma_start3A_1072] : memref<2x5x!tpu.dma_semaphore, #tpu.memory_space<semaphore_mem>> -> memref<1x1x!tpu.dma_semaphore, #tpu.memory_space<semaphore_mem>>
    %dma_start3A_1084 = tpu.memref_squeeze %dma_start3A_1083 : memref<1x1x!tpu.dma_semaphore, #tpu.memory_space<semaphore_mem>> -> memref<!tpu.dma_semaphore, #tpu.memory_space<semaphore_mem>>
    tpu.enqueue_indirect_dma source(%dma_start3A_1082 : memref<1000x128xf32, #tpu.memory_space<vmem_shared>>) target(%dma_start3A_1076 : memref<64x128xf32, #tpu.memory_space<vmem>>) offsets(%dma_start3A_1079 : memref<64xi32, #tpu.memory_space<vmem>>) semaphore(%dma_start3A_1084 : memref<!tpu.dma_semaphore, #tpu.memory_space<semaphore_mem>>) {add = true}
    %sub3A_1085 = arith.subi %select_n3A, %mul3A_42 : i32
    %dma_start3A_1086 = arith.constant 11 : i32
    %dma_start3A_1087 = arith.constant 0 : i32
    %dma_start3A_1088 = arith.constant 1 : i32
    %dma_start3A_1089 = arith.constant 0 : i32
    %dma_start3A_1090 = arith.constant 1 : i32
    %dma_start3A_1091 = arith.constant 0 : i32
    %dma_start3A_1092 = arith.constant 0 : i32
    %dma_start3A_1093 = tpu.memref_slice %arg7[%dma_start3A_1087, %dma_start3A_1088, %dma_start3A_1091, %dma_start3A_1092] : memref<2x5x64x128xf32, #tpu.memory_space<vmem>> -> memref<1x1x64x128xf32, #tpu.memory_space<vmem>>
    %dma_start3A_1094 = tpu.memref_squeeze %dma_start3A_1093 : memref<1x1x64x128xf32, #tpu.memory_space<vmem>> -> memref<64x128xf32, #tpu.memory_space<vmem>>
    %dma_start3A_1095 = arith.constant 0 : i32
    %dma_start3A_1096 = tpu.memref_slice %arg6[%dma_start3A_1086, %sub3A_1085, %dma_start3A_1095] : memref<25x8x64xi32, #tpu.memory_space<vmem>> -> memref<1x1x64xi32, #tpu.memory_space<vmem>>
    %dma_start3A_1097 = tpu.memref_squeeze %dma_start3A_1096 : memref<1x1x64xi32, #tpu.memory_space<vmem>> -> memref<64xi32, #tpu.memory_space<vmem>>
    %dma_start3A_1098 = arith.constant 0 : i32
    %dma_start3A_1099 = arith.constant 0 : i32
    %dma_start3A_1100 = tpu.memref_slice %arg8[%dma_start3A_1098, %dma_start3A_1099] : memref<1000x128xf32, #tpu.memory_space<vmem_shared>> -> memref<1000x128xf32, #tpu.memory_space<vmem_shared>>
    %dma_start3A_1101 = tpu.memref_slice %arg10[%dma_start3A_1089, %dma_start3A_1090] : memref<2x5x!tpu.dma_semaphore, #tpu.memory_space<semaphore_mem>> -> memref<1x1x!tpu.dma_semaphore, #tpu.memory_space<semaphore_mem>>
    %dma_start3A_1102 = tpu.memref_squeeze %dma_start3A_1101 : memref<1x1x!tpu.dma_semaphore, #tpu.memory_space<semaphore_mem>> -> memref<!tpu.dma_semaphore, #tpu.memory_space<semaphore_mem>>
    tpu.enqueue_indirect_dma source(%dma_start3A_1100 : memref<1000x128xf32, #tpu.memory_space<vmem_shared>>) target(%dma_start3A_1094 : memref<64x128xf32, #tpu.memory_space<vmem>>) offsets(%dma_start3A_1097 : memref<64xi32, #tpu.memory_space<vmem>>) semaphore(%dma_start3A_1102 : memref<!tpu.dma_semaphore, #tpu.memory_space<semaphore_mem>>) {add = true}
    %sub3A_1103 = arith.subi %select_n3A, %mul3A_42 : i32
    %dma_start3A_1104 = arith.constant 12 : i32
    %dma_start3A_1105 = arith.constant 0 : i32
    %dma_start3A_1106 = arith.constant 2 : i32
    %dma_start3A_1107 = arith.constant 0 : i32
    %dma_start3A_1108 = arith.constant 2 : i32
    %dma_start3A_1109 = arith.constant 0 : i32
    %dma_start3A_1110 = arith.constant 0 : i32
    %dma_start3A_1111 = tpu.memref_slice %arg7[%dma_start3A_1105, %dma_start3A_1106, %dma_start3A_1109, %dma_start3A_1110] : memref<2x5x64x128xf32, #tpu.memory_space<vmem>> -> memref<1x1x64x128xf32, #tpu.memory_space<vmem>>
    %dma_start3A_1112 = tpu.memref_squeeze %dma_start3A_1111 : memref<1x1x64x128xf32, #tpu.memory_space<vmem>> -> memref<64x128xf32, #tpu.memory_space<vmem>>
    %dma_start3A_1113 = arith.constant 0 : i32
    %dma_start3A_1114 = tpu.memref_slice %arg6[%dma_start3A_1104, %sub3A_1103, %dma_start3A_1113] : memref<25x8x64xi32, #tpu.memory_space<vmem>> -> memref<1x1x64xi32, #tpu.memory_space<vmem>>
    %dma_start3A_1115 = tpu.memref_squeeze %dma_start3A_1114 : memref<1x1x64xi32, #tpu.memory_space<vmem>> -> memref<64xi32, #tpu.memory_space<vmem>>
    %dma_start3A_1116 = arith.constant 0 : i32
    %dma_start3A_1117 = arith.constant 0 : i32
    %dma_start3A_1118 = tpu.memref_slice %arg8[%dma_start3A_1116, %dma_start3A_1117] : memref<1000x128xf32, #tpu.memory_space<vmem_shared>> -> memref<1000x128xf32, #tpu.memory_space<vmem_shared>>
    %dma_start3A_1119 = tpu.memref_slice %arg10[%dma_start3A_1107, %dma_start3A_1108] : memref<2x5x!tpu.dma_semaphore, #tpu.memory_space<semaphore_mem>> -> memref<1x1x!tpu.dma_semaphore, #tpu.memory_space<semaphore_mem>>
    %dma_start3A_1120 = tpu.memref_squeeze %dma_start3A_1119 : memref<1x1x!tpu.dma_semaphore, #tpu.memory_space<semaphore_mem>> -> memref<!tpu.dma_semaphore, #tpu.memory_space<semaphore_mem>>
    tpu.enqueue_indirect_dma source(%dma_start3A_1118 : memref<1000x128xf32, #tpu.memory_space<vmem_shared>>) target(%dma_start3A_1112 : memref<64x128xf32, #tpu.memory_space<vmem>>) offsets(%dma_start3A_1115 : memref<64xi32, #tpu.memory_space<vmem>>) semaphore(%dma_start3A_1120 : memref<!tpu.dma_semaphore, #tpu.memory_space<semaphore_mem>>) {add = true}
    %sub3A_1121 = arith.subi %select_n3A, %mul3A_42 : i32
    %dma_start3A_1122 = arith.constant 13 : i32
    %dma_start3A_1123 = arith.constant 0 : i32
    %dma_start3A_1124 = arith.constant 3 : i32
    %dma_start3A_1125 = arith.constant 0 : i32
    %dma_start3A_1126 = arith.constant 3 : i32
    %dma_start3A_1127 = arith.constant 0 : i32
    %dma_start3A_1128 = arith.constant 0 : i32
    %dma_start3A_1129 = tpu.memref_slice %arg7[%dma_start3A_1123, %dma_start3A_1124, %dma_start3A_1127, %dma_start3A_1128] : memref<2x5x64x128xf32, #tpu.memory_space<vmem>> -> memref<1x1x64x128xf32, #tpu.memory_space<vmem>>
    %dma_start3A_1130 = tpu.memref_squeeze %dma_start3A_1129 : memref<1x1x64x128xf32, #tpu.memory_space<vmem>> -> memref<64x128xf32, #tpu.memory_space<vmem>>
    %dma_start3A_1131 = arith.constant 0 : i32
    %dma_start3A_1132 = tpu.memref_slice %arg6[%dma_start3A_1122, %sub3A_1121, %dma_start3A_1131] : memref<25x8x64xi32, #tpu.memory_space<vmem>> -> memref<1x1x64xi32, #tpu.memory_space<vmem>>
    %dma_start3A_1133 = tpu.memref_squeeze %dma_start3A_1132 : memref<1x1x64xi32, #tpu.memory_space<vmem>> -> memref<64xi32, #tpu.memory_space<vmem>>
    %dma_start3A_1134 = arith.constant 0 : i32
    %dma_start3A_1135 = arith.constant 0 : i32
    %dma_start3A_1136 = tpu.memref_slice %arg8[%dma_start3A_1134, %dma_start3A_1135] : memref<1000x128xf32, #tpu.memory_space<vmem_shared>> -> memref<1000x128xf32, #tpu.memory_space<vmem_shared>>
    %dma_start3A_1137 = tpu.memref_slice %arg10[%dma_start3A_1125, %dma_start3A_1126] : memref<2x5x!tpu.dma_semaphore, #tpu.memory_space<semaphore_mem>> -> memref<1x1x!tpu.dma_semaphore, #tpu.memory_space<semaphore_mem>>
    %dma_start3A_1138 = tpu.memref_squeeze %dma_start3A_1137 : memref<1x1x!tpu.dma_semaphore, #tpu.memory_space<semaphore_mem>> -> memref<!tpu.dma_semaphore, #tpu.memory_space<semaphore_mem>>
    tpu.enqueue_indirect_dma source(%dma_start3A_1136 : memref<1000x128xf32, #tpu.memory_space<vmem_shared>>) target(%dma_start3A_1130 : memref<64x128xf32, #tpu.memory_space<vmem>>) offsets(%dma_start3A_1133 : memref<64xi32, #tpu.memory_space<vmem>>) semaphore(%dma_start3A_1138 : memref<!tpu.dma_semaphore, #tpu.memory_space<semaphore_mem>>) {add = true}
    %sub3A_1139 = arith.subi %select_n3A, %mul3A_42 : i32
    %dma_start3A_1140 = arith.constant 14 : i32
    %dma_start3A_1141 = arith.constant 0 : i32
    %dma_start3A_1142 = arith.constant 4 : i32
    %dma_start3A_1143 = arith.constant 0 : i32
    %dma_start3A_1144 = arith.constant 4 : i32
    %dma_start3A_1145 = arith.constant 0 : i32
    %dma_start3A_1146 = arith.constant 0 : i32
    %dma_start3A_1147 = tpu.memref_slice %arg7[%dma_start3A_1141, %dma_start3A_1142, %dma_start3A_1145, %dma_start3A_1146] : memref<2x5x64x128xf32, #tpu.memory_space<vmem>> -> memref<1x1x64x128xf32, #tpu.memory_space<vmem>>
    %dma_start3A_1148 = tpu.memref_squeeze %dma_start3A_1147 : memref<1x1x64x128xf32, #tpu.memory_space<vmem>> -> memref<64x128xf32, #tpu.memory_space<vmem>>
    %dma_start3A_1149 = arith.constant 0 : i32
    %dma_start3A_1150 = tpu.memref_slice %arg6[%dma_start3A_1140, %sub3A_1139, %dma_start3A_1149] : memref<25x8x64xi32, #tpu.memory_space<vmem>> -> memref<1x1x64xi32, #tpu.memory_space<vmem>>
    %dma_start3A_1151 = tpu.memref_squeeze %dma_start3A_1150 : memref<1x1x64xi32, #tpu.memory_space<vmem>> -> memref<64xi32, #tpu.memory_space<vmem>>
    %dma_start3A_1152 = arith.constant 0 : i32
    %dma_start3A_1153 = arith.constant 0 : i32
    %dma_start3A_1154 = tpu.memref_slice %arg8[%dma_start3A_1152, %dma_start3A_1153] : memref<1000x128xf32, #tpu.memory_space<vmem_shared>> -> memref<1000x128xf32, #tpu.memory_space<vmem_shared>>
    %dma_start3A_1155 = tpu.memref_slice %arg10[%dma_start3A_1143, %dma_start3A_1144] : memref<2x5x!tpu.dma_semaphore, #tpu.memory_space<semaphore_mem>> -> memref<1x1x!tpu.dma_semaphore, #tpu.memory_space<semaphore_mem>>
    %dma_start3A_1156 = tpu.memref_squeeze %dma_start3A_1155 : memref<1x1x!tpu.dma_semaphore, #tpu.memory_space<semaphore_mem>> -> memref<!tpu.dma_semaphore, #tpu.memory_space<semaphore_mem>>
    tpu.enqueue_indirect_dma source(%dma_start3A_1154 : memref<1000x128xf32, #tpu.memory_space<vmem_shared>>) target(%dma_start3A_1148 : memref<64x128xf32, #tpu.memory_space<vmem>>) offsets(%dma_start3A_1151 : memref<64xi32, #tpu.memory_space<vmem>>) semaphore(%dma_start3A_1156 : memref<!tpu.dma_semaphore, #tpu.memory_space<semaphore_mem>>) {add = true}
    %dma_wait3A_1157 = arith.constant 10 : i32
    %dma_wait3A_1158 = arith.constant 0 : i32
    %dma_wait3A_1159 = arith.constant 0 : i32
    %dma_wait3A_1160 = arith.constant 0 : i32
    %dma_wait3A_1161 = arith.constant 0 : i32
    %dma_wait3A_1162 = arith.constant 0 : i32
    %dma_wait3A_1163 = arith.constant 0 : i32
    %dma_wait3A_1164 = tpu.memref_slice %arg7[%dma_wait3A_1158, %dma_wait3A_1159, %dma_wait3A_1162, %dma_wait3A_1163] : memref<2x5x64x128xf32, #tpu.memory_space<vmem>> -> memref<1x1x64x128xf32, #tpu.memory_space<vmem>>
    %dma_wait3A_1165 = tpu.memref_squeeze %dma_wait3A_1164 : memref<1x1x64x128xf32, #tpu.memory_space<vmem>> -> memref<64x128xf32, #tpu.memory_space<vmem>>
    %dma_wait3A_1166 = arith.constant 0 : i32
    %dma_wait3A_1167 = tpu.memref_slice %arg6[%dma_wait3A_1157, %sub3A_1067, %dma_wait3A_1166] : memref<25x8x64xi32, #tpu.memory_space<vmem>> -> memref<1x1x64xi32, #tpu.memory_space<vmem>>
    %dma_wait3A_1168 = tpu.memref_squeeze %dma_wait3A_1167 : memref<1x1x64xi32, #tpu.memory_space<vmem>> -> memref<64xi32, #tpu.memory_space<vmem>>
    %dma_wait3A_1169 = arith.constant 0 : i32
    %dma_wait3A_1170 = arith.constant 0 : i32
    %dma_wait3A_1171 = tpu.memref_slice %arg8[%dma_wait3A_1169, %dma_wait3A_1170] : memref<1000x128xf32, #tpu.memory_space<vmem_shared>> -> memref<1000x128xf32, #tpu.memory_space<vmem_shared>>
    %dma_wait3A_1172 = tpu.memref_slice %arg10[%dma_wait3A_1160, %dma_wait3A_1161] : memref<2x5x!tpu.dma_semaphore, #tpu.memory_space<semaphore_mem>> -> memref<1x1x!tpu.dma_semaphore, #tpu.memory_space<semaphore_mem>>
    %dma_wait3A_1173 = tpu.memref_squeeze %dma_wait3A_1172 : memref<1x1x!tpu.dma_semaphore, #tpu.memory_space<semaphore_mem>> -> memref<!tpu.dma_semaphore, #tpu.memory_space<semaphore_mem>>
    tpu.wait_indirect_dma semaphore(%dma_wait3A_1173 : memref<!tpu.dma_semaphore, #tpu.memory_space<semaphore_mem>>) src(%dma_wait3A_1171 : memref<1000x128xf32, #tpu.memory_space<vmem_shared>>) dst(%dma_wait3A_1165 : memref<64x128xf32, #tpu.memory_space<vmem>>)
    %add3A_1174 = arith.constant 10 : i32
    %add3A_1175 = arith.addi %mul3A_58, %add3A_1174 : i32
    %add3A_1176 = arith.constant 0 : i32
    %add3A_1177 = arith.addi %add3A_1175, %add3A_1176 : i32
    %dma_start3A_1178 = arith.constant 0 : i32
    %dma_start3A_1179 = arith.constant 0 : i32
    %dma_start3A_1180 = arith.constant 0 : i32
    %dma_start3A_1181 = arith.constant 0 : i32
    %dma_start3A_1182 = arith.constant 0 : i32
    %dma_start3A_1183 = tpu.memref_slice %arg7[%dma_start3A_1178, %dma_start3A_1179, %dma_start3A_1181, %dma_start3A_1182] : memref<2x5x64x128xf32, #tpu.memory_space<vmem>> -> memref<1x1x64x128xf32, #tpu.memory_space<vmem>>
    %dma_start3A_1184 = tpu.memref_squeeze %dma_start3A_1183 : memref<1x1x64x128xf32, #tpu.memory_space<vmem>> -> memref<64x128xf32, #tpu.memory_space<vmem>>
    %dma_start3A_1185 = arith.constant 0 : i32
    %dma_start3A_1186 = arith.constant 0 : i32
    %dma_start3A_1187 = tpu.memref_slice %arg5[%select_n3A, %add3A_1177, %dma_start3A_1185, %dma_start3A_1186] : memref<16x50x64x128xf32, #tpu.memory_space<hbm>> -> memref<1x1x64x128xf32, #tpu.memory_space<hbm>>
    %dma_start3A_1188 = tpu.memref_squeeze %dma_start3A_1187 : memref<1x1x64x128xf32, #tpu.memory_space<hbm>> -> memref<64x128xf32, #tpu.memory_space<hbm>>
    %dma_start3A_1189 = tpu.memref_slice %arg11[%dma_start3A_1180] : memref<2x!tpu.dma_semaphore, #tpu.memory_space<semaphore_mem>> -> memref<1x!tpu.dma_semaphore, #tpu.memory_space<semaphore_mem>>
    %dma_start3A_1190 = tpu.memref_squeeze %dma_start3A_1189 : memref<1x!tpu.dma_semaphore, #tpu.memory_space<semaphore_mem>> -> memref<!tpu.dma_semaphore, #tpu.memory_space<semaphore_mem>>
    %dma_start3A_1191 = arith.constant 0 : i32
    %dma_start3A_1192 = arith.constant 0 : i32
    %dma_start3A_1193 = tpu.memref_slice %arg5[%select_n3A, %add3A_1177, %dma_start3A_1191, %dma_start3A_1192] : memref<16x50x64x128xf32, #tpu.memory_space<hbm>> -> memref<1x1x64x128xf32, #tpu.memory_space<hbm>>
    %dma_start3A_1194 = tpu.memref_squeeze %dma_start3A_1193 : memref<1x1x64x128xf32, #tpu.memory_space<hbm>> -> memref<64x128xf32, #tpu.memory_space<hbm>>
    %dma_start3A_1195 = arith.constant 0 : i32
    %dma_start3A_1196 = arith.constant 0 : i32
    %dma_start3A_1197 = tpu.memref_slice %arg7[%dma_start3A_1178, %dma_start3A_1179, %dma_start3A_1195, %dma_start3A_1196] : memref<2x5x64x128xf32, #tpu.memory_space<vmem>> -> memref<1x1x64x128xf32, #tpu.memory_space<vmem>>
    %dma_start3A_1198 = tpu.memref_squeeze %dma_start3A_1197 : memref<1x1x64x128xf32, #tpu.memory_space<vmem>> -> memref<64x128xf32, #tpu.memory_space<vmem>>
    tpu.enqueue_dma source(%dma_start3A_1198 : memref<64x128xf32, #tpu.memory_space<vmem>>) target(%dma_start3A_1194 : memref<64x128xf32, #tpu.memory_space<hbm>>) target_semaphore(%dma_start3A_1190 : memref<!tpu.dma_semaphore, #tpu.memory_space<semaphore_mem>>)
    %dma_wait3A_1199 = arith.constant 11 : i32
    %dma_wait3A_1200 = arith.constant 0 : i32
    %dma_wait3A_1201 = arith.constant 1 : i32
    %dma_wait3A_1202 = arith.constant 0 : i32
    %dma_wait3A_1203 = arith.constant 1 : i32
    %dma_wait3A_1204 = arith.constant 0 : i32
    %dma_wait3A_1205 = arith.constant 0 : i32
    %dma_wait3A_1206 = tpu.memref_slice %arg7[%dma_wait3A_1200, %dma_wait3A_1201, %dma_wait3A_1204, %dma_wait3A_1205] : memref<2x5x64x128xf32, #tpu.memory_space<vmem>> -> memref<1x1x64x128xf32, #tpu.memory_space<vmem>>
    %dma_wait3A_1207 = tpu.memref_squeeze %dma_wait3A_1206 : memref<1x1x64x128xf32, #tpu.memory_space<vmem>> -> memref<64x128xf32, #tpu.memory_space<vmem>>
    %dma_wait3A_1208 = arith.constant 0 : i32
    %dma_wait3A_1209 = tpu.memref_slice %arg6[%dma_wait3A_1199, %sub3A_1085, %dma_wait3A_1208] : memref<25x8x64xi32, #tpu.memory_space<vmem>> -> memref<1x1x64xi32, #tpu.memory_space<vmem>>
    %dma_wait3A_1210 = tpu.memref_squeeze %dma_wait3A_1209 : memref<1x1x64xi32, #tpu.memory_space<vmem>> -> memref<64xi32, #tpu.memory_space<vmem>>
    %dma_wait3A_1211 = arith.constant 0 : i32
    %dma_wait3A_1212 = arith.constant 0 : i32
    %dma_wait3A_1213 = tpu.memref_slice %arg8[%dma_wait3A_1211, %dma_wait3A_1212] : memref<1000x128xf32, #tpu.memory_space<vmem_shared>> -> memref<1000x128xf32, #tpu.memory_space<vmem_shared>>
    %dma_wait3A_1214 = tpu.memref_slice %arg10[%dma_wait3A_1202, %dma_wait3A_1203] : memref<2x5x!tpu.dma_semaphore, #tpu.memory_space<semaphore_mem>> -> memref<1x1x!tpu.dma_semaphore, #tpu.memory_space<semaphore_mem>>
    %dma_wait3A_1215 = tpu.memref_squeeze %dma_wait3A_1214 : memref<1x1x!tpu.dma_semaphore, #tpu.memory_space<semaphore_mem>> -> memref<!tpu.dma_semaphore, #tpu.memory_space<semaphore_mem>>
    tpu.wait_indirect_dma semaphore(%dma_wait3A_1215 : memref<!tpu.dma_semaphore, #tpu.memory_space<semaphore_mem>>) src(%dma_wait3A_1213 : memref<1000x128xf32, #tpu.memory_space<vmem_shared>>) dst(%dma_wait3A_1207 : memref<64x128xf32, #tpu.memory_space<vmem>>)
    %add3A_1216 = arith.constant 10 : i32
    %add3A_1217 = arith.addi %mul3A_58, %add3A_1216 : i32
    %add3A_1218 = arith.constant 1 : i32
    %add3A_1219 = arith.addi %add3A_1217, %add3A_1218 : i32
    %dma_start3A_1220 = arith.constant 0 : i32
    %dma_start3A_1221 = arith.constant 1 : i32
    %dma_start3A_1222 = arith.constant 0 : i32
    %dma_start3A_1223 = arith.constant 0 : i32
    %dma_start3A_1224 = arith.constant 0 : i32
    %dma_start3A_1225 = tpu.memref_slice %arg7[%dma_start3A_1220, %dma_start3A_1221, %dma_start3A_1223, %dma_start3A_1224] : memref<2x5x64x128xf32, #tpu.memory_space<vmem>> -> memref<1x1x64x128xf32, #tpu.memory_space<vmem>>
    %dma_start3A_1226 = tpu.memref_squeeze %dma_start3A_1225 : memref<1x1x64x128xf32, #tpu.memory_space<vmem>> -> memref<64x128xf32, #tpu.memory_space<vmem>>
    %dma_start3A_1227 = arith.constant 0 : i32
    %dma_start3A_1228 = arith.constant 0 : i32
    %dma_start3A_1229 = tpu.memref_slice %arg5[%select_n3A, %add3A_1219, %dma_start3A_1227, %dma_start3A_1228] : memref<16x50x64x128xf32, #tpu.memory_space<hbm>> -> memref<1x1x64x128xf32, #tpu.memory_space<hbm>>
    %dma_start3A_1230 = tpu.memref_squeeze %dma_start3A_1229 : memref<1x1x64x128xf32, #tpu.memory_space<hbm>> -> memref<64x128xf32, #tpu.memory_space<hbm>>
    %dma_start3A_1231 = tpu.memref_slice %arg11[%dma_start3A_1222] : memref<2x!tpu.dma_semaphore, #tpu.memory_space<semaphore_mem>> -> memref<1x!tpu.dma_semaphore, #tpu.memory_space<semaphore_mem>>
    %dma_start3A_1232 = tpu.memref_squeeze %dma_start3A_1231 : memref<1x!tpu.dma_semaphore, #tpu.memory_space<semaphore_mem>> -> memref<!tpu.dma_semaphore, #tpu.memory_space<semaphore_mem>>
    %dma_start3A_1233 = arith.constant 0 : i32
    %dma_start3A_1234 = arith.constant 0 : i32
    %dma_start3A_1235 = tpu.memref_slice %arg5[%select_n3A, %add3A_1219, %dma_start3A_1233, %dma_start3A_1234] : memref<16x50x64x128xf32, #tpu.memory_space<hbm>> -> memref<1x1x64x128xf32, #tpu.memory_space<hbm>>
    %dma_start3A_1236 = tpu.memref_squeeze %dma_start3A_1235 : memref<1x1x64x128xf32, #tpu.memory_space<hbm>> -> memref<64x128xf32, #tpu.memory_space<hbm>>
    %dma_start3A_1237 = arith.constant 0 : i32
    %dma_start3A_1238 = arith.constant 0 : i32
    %dma_start3A_1239 = tpu.memref_slice %arg7[%dma_start3A_1220, %dma_start3A_1221, %dma_start3A_1237, %dma_start3A_1238] : memref<2x5x64x128xf32, #tpu.memory_space<vmem>> -> memref<1x1x64x128xf32, #tpu.memory_space<vmem>>
    %dma_start3A_1240 = tpu.memref_squeeze %dma_start3A_1239 : memref<1x1x64x128xf32, #tpu.memory_space<vmem>> -> memref<64x128xf32, #tpu.memory_space<vmem>>
    tpu.enqueue_dma source(%dma_start3A_1240 : memref<64x128xf32, #tpu.memory_space<vmem>>) target(%dma_start3A_1236 : memref<64x128xf32, #tpu.memory_space<hbm>>) target_semaphore(%dma_start3A_1232 : memref<!tpu.dma_semaphore, #tpu.memory_space<semaphore_mem>>)
    %dma_wait3A_1241 = arith.constant 12 : i32
    %dma_wait3A_1242 = arith.constant 0 : i32
    %dma_wait3A_1243 = arith.constant 2 : i32
    %dma_wait3A_1244 = arith.constant 0 : i32
    %dma_wait3A_1245 = arith.constant 2 : i32
    %dma_wait3A_1246 = arith.constant 0 : i32
    %dma_wait3A_1247 = arith.constant 0 : i32
    %dma_wait3A_1248 = tpu.memref_slice %arg7[%dma_wait3A_1242, %dma_wait3A_1243, %dma_wait3A_1246, %dma_wait3A_1247] : memref<2x5x64x128xf32, #tpu.memory_space<vmem>> -> memref<1x1x64x128xf32, #tpu.memory_space<vmem>>
    %dma_wait3A_1249 = tpu.memref_squeeze %dma_wait3A_1248 : memref<1x1x64x128xf32, #tpu.memory_space<vmem>> -> memref<64x128xf32, #tpu.memory_space<vmem>>
    %dma_wait3A_1250 = arith.constant 0 : i32
    %dma_wait3A_1251 = tpu.memref_slice %arg6[%dma_wait3A_1241, %sub3A_1103, %dma_wait3A_1250] : memref<25x8x64xi32, #tpu.memory_space<vmem>> -> memref<1x1x64xi32, #tpu.memory_space<vmem>>
    %dma_wait3A_1252 = tpu.memref_squeeze %dma_wait3A_1251 : memref<1x1x64xi32, #tpu.memory_space<vmem>> -> memref<64xi32, #tpu.memory_space<vmem>>
    %dma_wait3A_1253 = arith.constant 0 : i32
    %dma_wait3A_1254 = arith.constant 0 : i32
    %dma_wait3A_1255 = tpu.memref_slice %arg8[%dma_wait3A_1253, %dma_wait3A_1254] : memref<1000x128xf32, #tpu.memory_space<vmem_shared>> -> memref<1000x128xf32, #tpu.memory_space<vmem_shared>>
    %dma_wait3A_1256 = tpu.memref_slice %arg10[%dma_wait3A_1244, %dma_wait3A_1245] : memref<2x5x!tpu.dma_semaphore, #tpu.memory_space<semaphore_mem>> -> memref<1x1x!tpu.dma_semaphore, #tpu.memory_space<semaphore_mem>>
    %dma_wait3A_1257 = tpu.memref_squeeze %dma_wait3A_1256 : memref<1x1x!tpu.dma_semaphore, #tpu.memory_space<semaphore_mem>> -> memref<!tpu.dma_semaphore, #tpu.memory_space<semaphore_mem>>
    tpu.wait_indirect_dma semaphore(%dma_wait3A_1257 : memref<!tpu.dma_semaphore, #tpu.memory_space<semaphore_mem>>) src(%dma_wait3A_1255 : memref<1000x128xf32, #tpu.memory_space<vmem_shared>>) dst(%dma_wait3A_1249 : memref<64x128xf32, #tpu.memory_space<vmem>>)
    %add3A_1258 = arith.constant 10 : i32
    %add3A_1259 = arith.addi %mul3A_58, %add3A_1258 : i32
    %add3A_1260 = arith.constant 2 : i32
    %add3A_1261 = arith.addi %add3A_1259, %add3A_1260 : i32
    %dma_start3A_1262 = arith.constant 0 : i32
    %dma_start3A_1263 = arith.constant 2 : i32
    %dma_start3A_1264 = arith.constant 0 : i32
    %dma_start3A_1265 = arith.constant 0 : i32
    %dma_start3A_1266 = arith.constant 0 : i32
    %dma_start3A_1267 = tpu.memref_slice %arg7[%dma_start3A_1262, %dma_start3A_1263, %dma_start3A_1265, %dma_start3A_1266] : memref<2x5x64x128xf32, #tpu.memory_space<vmem>> -> memref<1x1x64x128xf32, #tpu.memory_space<vmem>>
    %dma_start3A_1268 = tpu.memref_squeeze %dma_start3A_1267 : memref<1x1x64x128xf32, #tpu.memory_space<vmem>> -> memref<64x128xf32, #tpu.memory_space<vmem>>
    %dma_start3A_1269 = arith.constant 0 : i32
    %dma_start3A_1270 = arith.constant 0 : i32
    %dma_start3A_1271 = tpu.memref_slice %arg5[%select_n3A, %add3A_1261, %dma_start3A_1269, %dma_start3A_1270] : memref<16x50x64x128xf32, #tpu.memory_space<hbm>> -> memref<1x1x64x128xf32, #tpu.memory_space<hbm>>
    %dma_start3A_1272 = tpu.memref_squeeze %dma_start3A_1271 : memref<1x1x64x128xf32, #tpu.memory_space<hbm>> -> memref<64x128xf32, #tpu.memory_space<hbm>>
    %dma_start3A_1273 = tpu.memref_slice %arg11[%dma_start3A_1264] : memref<2x!tpu.dma_semaphore, #tpu.memory_space<semaphore_mem>> -> memref<1x!tpu.dma_semaphore, #tpu.memory_space<semaphore_mem>>
    %dma_start3A_1274 = tpu.memref_squeeze %dma_start3A_1273 : memref<1x!tpu.dma_semaphore, #tpu.memory_space<semaphore_mem>> -> memref<!tpu.dma_semaphore, #tpu.memory_space<semaphore_mem>>
    %dma_start3A_1275 = arith.constant 0 : i32
    %dma_start3A_1276 = arith.constant 0 : i32
    %dma_start3A_1277 = tpu.memref_slice %arg5[%select_n3A, %add3A_1261, %dma_start3A_1275, %dma_start3A_1276] : memref<16x50x64x128xf32, #tpu.memory_space<hbm>> -> memref<1x1x64x128xf32, #tpu.memory_space<hbm>>
    %dma_start3A_1278 = tpu.memref_squeeze %dma_start3A_1277 : memref<1x1x64x128xf32, #tpu.memory_space<hbm>> -> memref<64x128xf32, #tpu.memory_space<hbm>>
    %dma_start3A_1279 = arith.constant 0 : i32
    %dma_start3A_1280 = arith.constant 0 : i32
    %dma_start3A_1281 = tpu.memref_slice %arg7[%dma_start3A_1262, %dma_start3A_1263, %dma_start3A_1279, %dma_start3A_1280] : memref<2x5x64x128xf32, #tpu.memory_space<vmem>> -> memref<1x1x64x128xf32, #tpu.memory_space<vmem>>
    %dma_start3A_1282 = tpu.memref_squeeze %dma_start3A_1281 : memref<1x1x64x128xf32, #tpu.memory_space<vmem>> -> memref<64x128xf32, #tpu.memory_space<vmem>>
    tpu.enqueue_dma source(%dma_start3A_1282 : memref<64x128xf32, #tpu.memory_space<vmem>>) target(%dma_start3A_1278 : memref<64x128xf32, #tpu.memory_space<hbm>>) target_semaphore(%dma_start3A_1274 : memref<!tpu.dma_semaphore, #tpu.memory_space<semaphore_mem>>)
    %dma_wait3A_1283 = arith.constant 13 : i32
    %dma_wait3A_1284 = arith.constant 0 : i32
    %dma_wait3A_1285 = arith.constant 3 : i32
    %dma_wait3A_1286 = arith.constant 0 : i32
    %dma_wait3A_1287 = arith.constant 3 : i32
    %dma_wait3A_1288 = arith.constant 0 : i32
    %dma_wait3A_1289 = arith.constant 0 : i32
    %dma_wait3A_1290 = tpu.memref_slice %arg7[%dma_wait3A_1284, %dma_wait3A_1285, %dma_wait3A_1288, %dma_wait3A_1289] : memref<2x5x64x128xf32, #tpu.memory_space<vmem>> -> memref<1x1x64x128xf32, #tpu.memory_space<vmem>>
    %dma_wait3A_1291 = tpu.memref_squeeze %dma_wait3A_1290 : memref<1x1x64x128xf32, #tpu.memory_space<vmem>> -> memref<64x128xf32, #tpu.memory_space<vmem>>
    %dma_wait3A_1292 = arith.constant 0 : i32
    %dma_wait3A_1293 = tpu.memref_slice %arg6[%dma_wait3A_1283, %sub3A_1121, %dma_wait3A_1292] : memref<25x8x64xi32, #tpu.memory_space<vmem>> -> memref<1x1x64xi32, #tpu.memory_space<vmem>>
    %dma_wait3A_1294 = tpu.memref_squeeze %dma_wait3A_1293 : memref<1x1x64xi32, #tpu.memory_space<vmem>> -> memref<64xi32, #tpu.memory_space<vmem>>
    %dma_wait3A_1295 = arith.constant 0 : i32
    %dma_wait3A_1296 = arith.constant 0 : i32
    %dma_wait3A_1297 = tpu.memref_slice %arg8[%dma_wait3A_1295, %dma_wait3A_1296] : memref<1000x128xf32, #tpu.memory_space<vmem_shared>> -> memref<1000x128xf32, #tpu.memory_space<vmem_shared>>
    %dma_wait3A_1298 = tpu.memref_slice %arg10[%dma_wait3A_1286, %dma_wait3A_1287] : memref<2x5x!tpu.dma_semaphore, #tpu.memory_space<semaphore_mem>> -> memref<1x1x!tpu.dma_semaphore, #tpu.memory_space<semaphore_mem>>
    %dma_wait3A_1299 = tpu.memref_squeeze %dma_wait3A_1298 : memref<1x1x!tpu.dma_semaphore, #tpu.memory_space<semaphore_mem>> -> memref<!tpu.dma_semaphore, #tpu.memory_space<semaphore_mem>>
    tpu.wait_indirect_dma semaphore(%dma_wait3A_1299 : memref<!tpu.dma_semaphore, #tpu.memory_space<semaphore_mem>>) src(%dma_wait3A_1297 : memref<1000x128xf32, #tpu.memory_space<vmem_shared>>) dst(%dma_wait3A_1291 : memref<64x128xf32, #tpu.memory_space<vmem>>)
    %add3A_1300 = arith.constant 10 : i32
    %add3A_1301 = arith.addi %mul3A_58, %add3A_1300 : i32
    %add3A_1302 = arith.constant 3 : i32
    %add3A_1303 = arith.addi %add3A_1301, %add3A_1302 : i32
    %dma_start3A_1304 = arith.constant 0 : i32
    %dma_start3A_1305 = arith.constant 3 : i32
    %dma_start3A_1306 = arith.constant 0 : i32
    %dma_start3A_1307 = arith.constant 0 : i32
    %dma_start3A_1308 = arith.constant 0 : i32
    %dma_start3A_1309 = tpu.memref_slice %arg7[%dma_start3A_1304, %dma_start3A_1305, %dma_start3A_1307, %dma_start3A_1308] : memref<2x5x64x128xf32, #tpu.memory_space<vmem>> -> memref<1x1x64x128xf32, #tpu.memory_space<vmem>>
    %dma_start3A_1310 = tpu.memref_squeeze %dma_start3A_1309 : memref<1x1x64x128xf32, #tpu.memory_space<vmem>> -> memref<64x128xf32, #tpu.memory_space<vmem>>
    %dma_start3A_1311 = arith.constant 0 : i32
    %dma_start3A_1312 = arith.constant 0 : i32
    %dma_start3A_1313 = tpu.memref_slice %arg5[%select_n3A, %add3A_1303, %dma_start3A_1311, %dma_start3A_1312] : memref<16x50x64x128xf32, #tpu.memory_space<hbm>> -> memref<1x1x64x128xf32, #tpu.memory_space<hbm>>
    %dma_start3A_1314 = tpu.memref_squeeze %dma_start3A_1313 : memref<1x1x64x128xf32, #tpu.memory_space<hbm>> -> memref<64x128xf32, #tpu.memory_space<hbm>>
    %dma_start3A_1315 = tpu.memref_slice %arg11[%dma_start3A_1306] : memref<2x!tpu.dma_semaphore, #tpu.memory_space<semaphore_mem>> -> memref<1x!tpu.dma_semaphore, #tpu.memory_space<semaphore_mem>>
    %dma_start3A_1316 = tpu.memref_squeeze %dma_start3A_1315 : memref<1x!tpu.dma_semaphore, #tpu.memory_space<semaphore_mem>> -> memref<!tpu.dma_semaphore, #tpu.memory_space<semaphore_mem>>
    %dma_start3A_1317 = arith.constant 0 : i32
    %dma_start3A_1318 = arith.constant 0 : i32
    %dma_start3A_1319 = tpu.memref_slice %arg5[%select_n3A, %add3A_1303, %dma_start3A_1317, %dma_start3A_1318] : memref<16x50x64x128xf32, #tpu.memory_space<hbm>> -> memref<1x1x64x128xf32, #tpu.memory_space<hbm>>
    %dma_start3A_1320 = tpu.memref_squeeze %dma_start3A_1319 : memref<1x1x64x128xf32, #tpu.memory_space<hbm>> -> memref<64x128xf32, #tpu.memory_space<hbm>>
    %dma_start3A_1321 = arith.constant 0 : i32
    %dma_start3A_1322 = arith.constant 0 : i32
    %dma_start3A_1323 = tpu.memref_slice %arg7[%dma_start3A_1304, %dma_start3A_1305, %dma_start3A_1321, %dma_start3A_1322] : memref<2x5x64x128xf32, #tpu.memory_space<vmem>> -> memref<1x1x64x128xf32, #tpu.memory_space<vmem>>
    %dma_start3A_1324 = tpu.memref_squeeze %dma_start3A_1323 : memref<1x1x64x128xf32, #tpu.memory_space<vmem>> -> memref<64x128xf32, #tpu.memory_space<vmem>>
    tpu.enqueue_dma source(%dma_start3A_1324 : memref<64x128xf32, #tpu.memory_space<vmem>>) target(%dma_start3A_1320 : memref<64x128xf32, #tpu.memory_space<hbm>>) target_semaphore(%dma_start3A_1316 : memref<!tpu.dma_semaphore, #tpu.memory_space<semaphore_mem>>)
    %dma_wait3A_1325 = arith.constant 14 : i32
    %dma_wait3A_1326 = arith.constant 0 : i32
    %dma_wait3A_1327 = arith.constant 4 : i32
    %dma_wait3A_1328 = arith.constant 0 : i32
    %dma_wait3A_1329 = arith.constant 4 : i32
    %dma_wait3A_1330 = arith.constant 0 : i32
    %dma_wait3A_1331 = arith.constant 0 : i32
    %dma_wait3A_1332 = tpu.memref_slice %arg7[%dma_wait3A_1326, %dma_wait3A_1327, %dma_wait3A_1330, %dma_wait3A_1331] : memref<2x5x64x128xf32, #tpu.memory_space<vmem>> -> memref<1x1x64x128xf32, #tpu.memory_space<vmem>>
    %dma_wait3A_1333 = tpu.memref_squeeze %dma_wait3A_1332 : memref<1x1x64x128xf32, #tpu.memory_space<vmem>> -> memref<64x128xf32, #tpu.memory_space<vmem>>
    %dma_wait3A_1334 = arith.constant 0 : i32
    %dma_wait3A_1335 = tpu.memref_slice %arg6[%dma_wait3A_1325, %sub3A_1139, %dma_wait3A_1334] : memref<25x8x64xi32, #tpu.memory_space<vmem>> -> memref<1x1x64xi32, #tpu.memory_space<vmem>>
    %dma_wait3A_1336 = tpu.memref_squeeze %dma_wait3A_1335 : memref<1x1x64xi32, #tpu.memory_space<vmem>> -> memref<64xi32, #tpu.memory_space<vmem>>
    %dma_wait3A_1337 = arith.constant 0 : i32
    %dma_wait3A_1338 = arith.constant 0 : i32
    %dma_wait3A_1339 = tpu.memref_slice %arg8[%dma_wait3A_1337, %dma_wait3A_1338] : memref<1000x128xf32, #tpu.memory_space<vmem_shared>> -> memref<1000x128xf32, #tpu.memory_space<vmem_shared>>
    %dma_wait3A_1340 = tpu.memref_slice %arg10[%dma_wait3A_1328, %dma_wait3A_1329] : memref<2x5x!tpu.dma_semaphore, #tpu.memory_space<semaphore_mem>> -> memref<1x1x!tpu.dma_semaphore, #tpu.memory_space<semaphore_mem>>
    %dma_wait3A_1341 = tpu.memref_squeeze %dma_wait3A_1340 : memref<1x1x!tpu.dma_semaphore, #tpu.memory_space<semaphore_mem>> -> memref<!tpu.dma_semaphore, #tpu.memory_space<semaphore_mem>>
    tpu.wait_indirect_dma semaphore(%dma_wait3A_1341 : memref<!tpu.dma_semaphore, #tpu.memory_space<semaphore_mem>>) src(%dma_wait3A_1339 : memref<1000x128xf32, #tpu.memory_space<vmem_shared>>) dst(%dma_wait3A_1333 : memref<64x128xf32, #tpu.memory_space<vmem>>)
    %add3A_1342 = arith.constant 10 : i32
    %add3A_1343 = arith.addi %mul3A_58, %add3A_1342 : i32
    %add3A_1344 = arith.constant 4 : i32
    %add3A_1345 = arith.addi %add3A_1343, %add3A_1344 : i32
    %dma_start3A_1346 = arith.constant 0 : i32
    %dma_start3A_1347 = arith.constant 4 : i32
    %dma_start3A_1348 = arith.constant 0 : i32
    %dma_start3A_1349 = arith.constant 0 : i32
    %dma_start3A_1350 = arith.constant 0 : i32
    %dma_start3A_1351 = tpu.memref_slice %arg7[%dma_start3A_1346, %dma_start3A_1347, %dma_start3A_1349, %dma_start3A_1350] : memref<2x5x64x128xf32, #tpu.memory_space<vmem>> -> memref<1x1x64x128xf32, #tpu.memory_space<vmem>>
    %dma_start3A_1352 = tpu.memref_squeeze %dma_start3A_1351 : memref<1x1x64x128xf32, #tpu.memory_space<vmem>> -> memref<64x128xf32, #tpu.memory_space<vmem>>
    %dma_start3A_1353 = arith.constant 0 : i32
    %dma_start3A_1354 = arith.constant 0 : i32
    %dma_start3A_1355 = tpu.memref_slice %arg5[%select_n3A, %add3A_1345, %dma_start3A_1353, %dma_start3A_1354] : memref<16x50x64x128xf32, #tpu.memory_space<hbm>> -> memref<1x1x64x128xf32, #tpu.memory_space<hbm>>
    %dma_start3A_1356 = tpu.memref_squeeze %dma_start3A_1355 : memref<1x1x64x128xf32, #tpu.memory_space<hbm>> -> memref<64x128xf32, #tpu.memory_space<hbm>>
    %dma_start3A_1357 = tpu.memref_slice %arg11[%dma_start3A_1348] : memref<2x!tpu.dma_semaphore, #tpu.memory_space<semaphore_mem>> -> memref<1x!tpu.dma_semaphore, #tpu.memory_space<semaphore_mem>>
    %dma_start3A_1358 = tpu.memref_squeeze %dma_start3A_1357 : memref<1x!tpu.dma_semaphore, #tpu.memory_space<semaphore_mem>> -> memref<!tpu.dma_semaphore, #tpu.memory_space<semaphore_mem>>
    %dma_start3A_1359 = arith.constant 0 : i32
    %dma_start3A_1360 = arith.constant 0 : i32
    %dma_start3A_1361 = tpu.memref_slice %arg5[%select_n3A, %add3A_1345, %dma_start3A_1359, %dma_start3A_1360] : memref<16x50x64x128xf32, #tpu.memory_space<hbm>> -> memref<1x1x64x128xf32, #tpu.memory_space<hbm>>
    %dma_start3A_1362 = tpu.memref_squeeze %dma_start3A_1361 : memref<1x1x64x128xf32, #tpu.memory_space<hbm>> -> memref<64x128xf32, #tpu.memory_space<hbm>>
    %dma_start3A_1363 = arith.constant 0 : i32
    %dma_start3A_1364 = arith.constant 0 : i32
    %dma_start3A_1365 = tpu.memref_slice %arg7[%dma_start3A_1346, %dma_start3A_1347, %dma_start3A_1363, %dma_start3A_1364] : memref<2x5x64x128xf32, #tpu.memory_space<vmem>> -> memref<1x1x64x128xf32, #tpu.memory_space<vmem>>
    %dma_start3A_1366 = tpu.memref_squeeze %dma_start3A_1365 : memref<1x1x64x128xf32, #tpu.memory_space<vmem>> -> memref<64x128xf32, #tpu.memory_space<vmem>>
    tpu.enqueue_dma source(%dma_start3A_1366 : memref<64x128xf32, #tpu.memory_space<vmem>>) target(%dma_start3A_1362 : memref<64x128xf32, #tpu.memory_space<hbm>>) target_semaphore(%dma_start3A_1358 : memref<!tpu.dma_semaphore, #tpu.memory_space<semaphore_mem>>)
    %dma_wait3A_1367 = arith.constant 0 : i32
    %dma_wait3A_1368 = arith.constant 0 : i32
    %dma_wait3A_1369 = arith.constant 0 : i32
    %dma_wait3A_1370 = arith.constant 0 : i32
    %dma_wait3A_1371 = arith.constant 0 : i32
    %dma_wait3A_1372 = tpu.memref_slice %arg7[%dma_wait3A_1367, %dma_wait3A_1368, %dma_wait3A_1370, %dma_wait3A_1371] : memref<2x5x64x128xf32, #tpu.memory_space<vmem>> -> memref<1x1x64x128xf32, #tpu.memory_space<vmem>>
    %dma_wait3A_1373 = tpu.memref_squeeze %dma_wait3A_1372 : memref<1x1x64x128xf32, #tpu.memory_space<vmem>> -> memref<64x128xf32, #tpu.memory_space<vmem>>
    %dma_wait3A_1374 = arith.constant 0 : i32
    %dma_wait3A_1375 = arith.constant 0 : i32
    %dma_wait3A_1376 = tpu.memref_slice %arg5[%select_n3A, %add3A_1177, %dma_wait3A_1374, %dma_wait3A_1375] : memref<16x50x64x128xf32, #tpu.memory_space<hbm>> -> memref<1x1x64x128xf32, #tpu.memory_space<hbm>>
    %dma_wait3A_1377 = tpu.memref_squeeze %dma_wait3A_1376 : memref<1x1x64x128xf32, #tpu.memory_space<hbm>> -> memref<64x128xf32, #tpu.memory_space<hbm>>
    %dma_wait3A_1378 = tpu.memref_slice %arg11[%dma_wait3A_1369] : memref<2x!tpu.dma_semaphore, #tpu.memory_space<semaphore_mem>> -> memref<1x!tpu.dma_semaphore, #tpu.memory_space<semaphore_mem>>
    %dma_wait3A_1379 = tpu.memref_squeeze %dma_wait3A_1378 : memref<1x!tpu.dma_semaphore, #tpu.memory_space<semaphore_mem>> -> memref<!tpu.dma_semaphore, #tpu.memory_space<semaphore_mem>>
    %dma_wait3A_1380 = arith.constant 0 : i32
    %dma_wait3A_1381 = arith.constant 0 : i32
    %dma_wait3A_1382 = tpu.memref_slice %arg5[%select_n3A, %add3A_1177, %dma_wait3A_1380, %dma_wait3A_1381] : memref<16x50x64x128xf32, #tpu.memory_space<hbm>> -> memref<1x1x64x128xf32, #tpu.memory_space<hbm>>
    %dma_wait3A_1383 = tpu.memref_squeeze %dma_wait3A_1382 : memref<1x1x64x128xf32, #tpu.memory_space<hbm>> -> memref<64x128xf32, #tpu.memory_space<hbm>>
    %dma_wait3A_1384 = arith.constant 0 : i32
    %dma_wait3A_1385 = arith.constant 0 : i32
    %dma_wait3A_1386 = tpu.memref_slice %arg7[%dma_wait3A_1367, %dma_wait3A_1368, %dma_wait3A_1384, %dma_wait3A_1385] : memref<2x5x64x128xf32, #tpu.memory_space<vmem>> -> memref<1x1x64x128xf32, #tpu.memory_space<vmem>>
    %dma_wait3A_1387 = tpu.memref_squeeze %dma_wait3A_1386 : memref<1x1x64x128xf32, #tpu.memory_space<vmem>> -> memref<64x128xf32, #tpu.memory_space<vmem>>
    tpu.wait_dma2 semaphore(%dma_wait3A_1379 : memref<!tpu.dma_semaphore, #tpu.memory_space<semaphore_mem>>) src(%dma_wait3A_1387 : memref<64x128xf32, #tpu.memory_space<vmem>>) dst(%dma_wait3A_1383 : memref<64x128xf32, #tpu.memory_space<hbm>>)
    %dma_wait3A_1388 = arith.constant 0 : i32
    %dma_wait3A_1389 = arith.constant 1 : i32
    %dma_wait3A_1390 = arith.constant 0 : i32
    %dma_wait3A_1391 = arith.constant 0 : i32
    %dma_wait3A_1392 = arith.constant 0 : i32
    %dma_wait3A_1393 = tpu.memref_slice %arg7[%dma_wait3A_1388, %dma_wait3A_1389, %dma_wait3A_1391, %dma_wait3A_1392] : memref<2x5x64x128xf32, #tpu.memory_space<vmem>> -> memref<1x1x64x128xf32, #tpu.memory_space<vmem>>
    %dma_wait3A_1394 = tpu.memref_squeeze %dma_wait3A_1393 : memref<1x1x64x128xf32, #tpu.memory_space<vmem>> -> memref<64x128xf32, #tpu.memory_space<vmem>>
    %dma_wait3A_1395 = arith.constant 0 : i32
    %dma_wait3A_1396 = arith.constant 0 : i32
    %dma_wait3A_1397 = tpu.memref_slice %arg5[%select_n3A, %add3A_1219, %dma_wait3A_1395, %dma_wait3A_1396] : memref<16x50x64x128xf32, #tpu.memory_space<hbm>> -> memref<1x1x64x128xf32, #tpu.memory_space<hbm>>
    %dma_wait3A_1398 = tpu.memref_squeeze %dma_wait3A_1397 : memref<1x1x64x128xf32, #tpu.memory_space<hbm>> -> memref<64x128xf32, #tpu.memory_space<hbm>>
    %dma_wait3A_1399 = tpu.memref_slice %arg11[%dma_wait3A_1390] : memref<2x!tpu.dma_semaphore, #tpu.memory_space<semaphore_mem>> -> memref<1x!tpu.dma_semaphore, #tpu.memory_space<semaphore_mem>>
    %dma_wait3A_1400 = tpu.memref_squeeze %dma_wait3A_1399 : memref<1x!tpu.dma_semaphore, #tpu.memory_space<semaphore_mem>> -> memref<!tpu.dma_semaphore, #tpu.memory_space<semaphore_mem>>
    %dma_wait3A_1401 = arith.constant 0 : i32
    %dma_wait3A_1402 = arith.constant 0 : i32
    %dma_wait3A_1403 = tpu.memref_slice %arg5[%select_n3A, %add3A_1219, %dma_wait3A_1401, %dma_wait3A_1402] : memref<16x50x64x128xf32, #tpu.memory_space<hbm>> -> memref<1x1x64x128xf32, #tpu.memory_space<hbm>>
    %dma_wait3A_1404 = tpu.memref_squeeze %dma_wait3A_1403 : memref<1x1x64x128xf32, #tpu.memory_space<hbm>> -> memref<64x128xf32, #tpu.memory_space<hbm>>
    %dma_wait3A_1405 = arith.constant 0 : i32
    %dma_wait3A_1406 = arith.constant 0 : i32
    %dma_wait3A_1407 = tpu.memref_slice %arg7[%dma_wait3A_1388, %dma_wait3A_1389, %dma_wait3A_1405, %dma_wait3A_1406] : memref<2x5x64x128xf32, #tpu.memory_space<vmem>> -> memref<1x1x64x128xf32, #tpu.memory_space<vmem>>
    %dma_wait3A_1408 = tpu.memref_squeeze %dma_wait3A_1407 : memref<1x1x64x128xf32, #tpu.memory_space<vmem>> -> memref<64x128xf32, #tpu.memory_space<vmem>>
    tpu.wait_dma2 semaphore(%dma_wait3A_1400 : memref<!tpu.dma_semaphore, #tpu.memory_space<semaphore_mem>>) src(%dma_wait3A_1408 : memref<64x128xf32, #tpu.memory_space<vmem>>) dst(%dma_wait3A_1404 : memref<64x128xf32, #tpu.memory_space<hbm>>)
    %dma_wait3A_1409 = arith.constant 0 : i32
    %dma_wait3A_1410 = arith.constant 2 : i32
    %dma_wait3A_1411 = arith.constant 0 : i32
    %dma_wait3A_1412 = arith.constant 0 : i32
    %dma_wait3A_1413 = arith.constant 0 : i32
    %dma_wait3A_1414 = tpu.memref_slice %arg7[%dma_wait3A_1409, %dma_wait3A_1410, %dma_wait3A_1412, %dma_wait3A_1413] : memref<2x5x64x128xf32, #tpu.memory_space<vmem>> -> memref<1x1x64x128xf32, #tpu.memory_space<vmem>>
    %dma_wait3A_1415 = tpu.memref_squeeze %dma_wait3A_1414 : memref<1x1x64x128xf32, #tpu.memory_space<vmem>> -> memref<64x128xf32, #tpu.memory_space<vmem>>
    %dma_wait3A_1416 = arith.constant 0 : i32
    %dma_wait3A_1417 = arith.constant 0 : i32
    %dma_wait3A_1418 = tpu.memref_slice %arg5[%select_n3A, %add3A_1261, %dma_wait3A_1416, %dma_wait3A_1417] : memref<16x50x64x128xf32, #tpu.memory_space<hbm>> -> memref<1x1x64x128xf32, #tpu.memory_space<hbm>>
    %dma_wait3A_1419 = tpu.memref_squeeze %dma_wait3A_1418 : memref<1x1x64x128xf32, #tpu.memory_space<hbm>> -> memref<64x128xf32, #tpu.memory_space<hbm>>
    %dma_wait3A_1420 = tpu.memref_slice %arg11[%dma_wait3A_1411] : memref<2x!tpu.dma_semaphore, #tpu.memory_space<semaphore_mem>> -> memref<1x!tpu.dma_semaphore, #tpu.memory_space<semaphore_mem>>
    %dma_wait3A_1421 = tpu.memref_squeeze %dma_wait3A_1420 : memref<1x!tpu.dma_semaphore, #tpu.memory_space<semaphore_mem>> -> memref<!tpu.dma_semaphore, #tpu.memory_space<semaphore_mem>>
    %dma_wait3A_1422 = arith.constant 0 : i32
    %dma_wait3A_1423 = arith.constant 0 : i32
    %dma_wait3A_1424 = tpu.memref_slice %arg5[%select_n3A, %add3A_1261, %dma_wait3A_1422, %dma_wait3A_1423] : memref<16x50x64x128xf32, #tpu.memory_space<hbm>> -> memref<1x1x64x128xf32, #tpu.memory_space<hbm>>
    %dma_wait3A_1425 = tpu.memref_squeeze %dma_wait3A_1424 : memref<1x1x64x128xf32, #tpu.memory_space<hbm>> -> memref<64x128xf32, #tpu.memory_space<hbm>>
    %dma_wait3A_1426 = arith.constant 0 : i32
    %dma_wait3A_1427 = arith.constant 0 : i32
    %dma_wait3A_1428 = tpu.memref_slice %arg7[%dma_wait3A_1409, %dma_wait3A_1410, %dma_wait3A_1426, %dma_wait3A_1427] : memref<2x5x64x128xf32, #tpu.memory_space<vmem>> -> memref<1x1x64x128xf32, #tpu.memory_space<vmem>>
    %dma_wait3A_1429 = tpu.memref_squeeze %dma_wait3A_1428 : memref<1x1x64x128xf32, #tpu.memory_space<vmem>> -> memref<64x128xf32, #tpu.memory_space<vmem>>
    tpu.wait_dma2 semaphore(%dma_wait3A_1421 : memref<!tpu.dma_semaphore, #tpu.memory_space<semaphore_mem>>) src(%dma_wait3A_1429 : memref<64x128xf32, #tpu.memory_space<vmem>>) dst(%dma_wait3A_1425 : memref<64x128xf32, #tpu.memory_space<hbm>>)
    %dma_wait3A_1430 = arith.constant 0 : i32
    %dma_wait3A_1431 = arith.constant 3 : i32
    %dma_wait3A_1432 = arith.constant 0 : i32
    %dma_wait3A_1433 = arith.constant 0 : i32
    %dma_wait3A_1434 = arith.constant 0 : i32
    %dma_wait3A_1435 = tpu.memref_slice %arg7[%dma_wait3A_1430, %dma_wait3A_1431, %dma_wait3A_1433, %dma_wait3A_1434] : memref<2x5x64x128xf32, #tpu.memory_space<vmem>> -> memref<1x1x64x128xf32, #tpu.memory_space<vmem>>
    %dma_wait3A_1436 = tpu.memref_squeeze %dma_wait3A_1435 : memref<1x1x64x128xf32, #tpu.memory_space<vmem>> -> memref<64x128xf32, #tpu.memory_space<vmem>>
    %dma_wait3A_1437 = arith.constant 0 : i32
    %dma_wait3A_1438 = arith.constant 0 : i32
    %dma_wait3A_1439 = tpu.memref_slice %arg5[%select_n3A, %add3A_1303, %dma_wait3A_1437, %dma_wait3A_1438] : memref<16x50x64x128xf32, #tpu.memory_space<hbm>> -> memref<1x1x64x128xf32, #tpu.memory_space<hbm>>
    %dma_wait3A_1440 = tpu.memref_squeeze %dma_wait3A_1439 : memref<1x1x64x128xf32, #tpu.memory_space<hbm>> -> memref<64x128xf32, #tpu.memory_space<hbm>>
    %dma_wait3A_1441 = tpu.memref_slice %arg11[%dma_wait3A_1432] : memref<2x!tpu.dma_semaphore, #tpu.memory_space<semaphore_mem>> -> memref<1x!tpu.dma_semaphore, #tpu.memory_space<semaphore_mem>>
    %dma_wait3A_1442 = tpu.memref_squeeze %dma_wait3A_1441 : memref<1x!tpu.dma_semaphore, #tpu.memory_space<semaphore_mem>> -> memref<!tpu.dma_semaphore, #tpu.memory_space<semaphore_mem>>
    %dma_wait3A_1443 = arith.constant 0 : i32
    %dma_wait3A_1444 = arith.constant 0 : i32
    %dma_wait3A_1445 = tpu.memref_slice %arg5[%select_n3A, %add3A_1303, %dma_wait3A_1443, %dma_wait3A_1444] : memref<16x50x64x128xf32, #tpu.memory_space<hbm>> -> memref<1x1x64x128xf32, #tpu.memory_space<hbm>>
    %dma_wait3A_1446 = tpu.memref_squeeze %dma_wait3A_1445 : memref<1x1x64x128xf32, #tpu.memory_space<hbm>> -> memref<64x128xf32, #tpu.memory_space<hbm>>
    %dma_wait3A_1447 = arith.constant 0 : i32
    %dma_wait3A_1448 = arith.constant 0 : i32
    %dma_wait3A_1449 = tpu.memref_slice %arg7[%dma_wait3A_1430, %dma_wait3A_1431, %dma_wait3A_1447, %dma_wait3A_1448] : memref<2x5x64x128xf32, #tpu.memory_space<vmem>> -> memref<1x1x64x128xf32, #tpu.memory_space<vmem>>
    %dma_wait3A_1450 = tpu.memref_squeeze %dma_wait3A_1449 : memref<1x1x64x128xf32, #tpu.memory_space<vmem>> -> memref<64x128xf32, #tpu.memory_space<vmem>>
    tpu.wait_dma2 semaphore(%dma_wait3A_1442 : memref<!tpu.dma_semaphore, #tpu.memory_space<semaphore_mem>>) src(%dma_wait3A_1450 : memref<64x128xf32, #tpu.memory_space<vmem>>) dst(%dma_wait3A_1446 : memref<64x128xf32, #tpu.memory_space<hbm>>)
    %dma_wait3A_1451 = arith.constant 0 : i32
    %dma_wait3A_1452 = arith.constant 4 : i32
    %dma_wait3A_1453 = arith.constant 0 : i32
    %dma_wait3A_1454 = arith.constant 0 : i32
    %dma_wait3A_1455 = arith.constant 0 : i32
    %dma_wait3A_1456 = tpu.memref_slice %arg7[%dma_wait3A_1451, %dma_wait3A_1452, %dma_wait3A_1454, %dma_wait3A_1455] : memref<2x5x64x128xf32, #tpu.memory_space<vmem>> -> memref<1x1x64x128xf32, #tpu.memory_space<vmem>>
    %dma_wait3A_1457 = tpu.memref_squeeze %dma_wait3A_1456 : memref<1x1x64x128xf32, #tpu.memory_space<vmem>> -> memref<64x128xf32, #tpu.memory_space<vmem>>
    %dma_wait3A_1458 = arith.constant 0 : i32
    %dma_wait3A_1459 = arith.constant 0 : i32
    %dma_wait3A_1460 = tpu.memref_slice %arg5[%select_n3A, %add3A_1345, %dma_wait3A_1458, %dma_wait3A_1459] : memref<16x50x64x128xf32, #tpu.memory_space<hbm>> -> memref<1x1x64x128xf32, #tpu.memory_space<hbm>>
    %dma_wait3A_1461 = tpu.memref_squeeze %dma_wait3A_1460 : memref<1x1x64x128xf32, #tpu.memory_space<hbm>> -> memref<64x128xf32, #tpu.memory_space<hbm>>
    %dma_wait3A_1462 = tpu.memref_slice %arg11[%dma_wait3A_1453] : memref<2x!tpu.dma_semaphore, #tpu.memory_space<semaphore_mem>> -> memref<1x!tpu.dma_semaphore, #tpu.memory_space<semaphore_mem>>
    %dma_wait3A_1463 = tpu.memref_squeeze %dma_wait3A_1462 : memref<1x!tpu.dma_semaphore, #tpu.memory_space<semaphore_mem>> -> memref<!tpu.dma_semaphore, #tpu.memory_space<semaphore_mem>>
    %dma_wait3A_1464 = arith.constant 0 : i32
    %dma_wait3A_1465 = arith.constant 0 : i32
    %dma_wait3A_1466 = tpu.memref_slice %arg5[%select_n3A, %add3A_1345, %dma_wait3A_1464, %dma_wait3A_1465] : memref<16x50x64x128xf32, #tpu.memory_space<hbm>> -> memref<1x1x64x128xf32, #tpu.memory_space<hbm>>
    %dma_wait3A_1467 = tpu.memref_squeeze %dma_wait3A_1466 : memref<1x1x64x128xf32, #tpu.memory_space<hbm>> -> memref<64x128xf32, #tpu.memory_space<hbm>>
    %dma_wait3A_1468 = arith.constant 0 : i32
    %dma_wait3A_1469 = arith.constant 0 : i32
    %dma_wait3A_1470 = tpu.memref_slice %arg7[%dma_wait3A_1451, %dma_wait3A_1452, %dma_wait3A_1468, %dma_wait3A_1469] : memref<2x5x64x128xf32, #tpu.memory_space<vmem>> -> memref<1x1x64x128xf32, #tpu.memory_space<vmem>>
    %dma_wait3A_1471 = tpu.memref_squeeze %dma_wait3A_1470 : memref<1x1x64x128xf32, #tpu.memory_space<vmem>> -> memref<64x128xf32, #tpu.memory_space<vmem>>
    tpu.wait_dma2 semaphore(%dma_wait3A_1463 : memref<!tpu.dma_semaphore, #tpu.memory_space<semaphore_mem>>) src(%dma_wait3A_1471 : memref<64x128xf32, #tpu.memory_space<vmem>>) dst(%dma_wait3A_1467 : memref<64x128xf32, #tpu.memory_space<hbm>>)
    %add3A_1472 = arith.constant 20 : i32
    %add3A_1473 = arith.addi %mul3A_58, %add3A_1472 : i32
    %dma_start3A_1474 = arith.constant 0 : i32
    %dma_start3A_1475 = arith.constant 0 : i32
    %dma_start3A_1476 = arith.constant 0 : i32
    %dma_start3A_1477 = arith.constant 0 : i32
    %dma_start3A_1478 = arith.constant 0 : i32
    %dma_start3A_1479 = tpu.memref_slice %arg7[%dma_start3A_1474, %dma_start3A_1476, %dma_start3A_1477, %dma_start3A_1478] : memref<2x5x64x128xf32, #tpu.memory_space<vmem>> -> memref<1x5x64x128xf32, #tpu.memory_space<vmem>>
    %dma_start3A_1480 = tpu.memref_squeeze %dma_start3A_1479 : memref<1x5x64x128xf32, #tpu.memory_space<vmem>> -> memref<5x64x128xf32, #tpu.memory_space<vmem>>
    %dma_start3A_1481 = arith.constant 0 : i32
    %dma_start3A_1482 = arith.constant 0 : i32
    %dma_start3A_1483 = tpu.memref_slice %arg2[%select_n3A, %add3A_1473, %dma_start3A_1481, %dma_start3A_1482] : memref<16x50x64x128xf32, #tpu.memory_space<hbm>> -> memref<1x5x64x128xf32, #tpu.memory_space<hbm>>
    %dma_start3A_1484 = tpu.memref_squeeze %dma_start3A_1483 : memref<1x5x64x128xf32, #tpu.memory_space<hbm>> -> memref<5x64x128xf32, #tpu.memory_space<hbm>>
    %dma_start3A_1485 = tpu.memref_slice %arg9[%dma_start3A_1475] : memref<2x!tpu.dma_semaphore, #tpu.memory_space<semaphore_mem>> -> memref<1x!tpu.dma_semaphore, #tpu.memory_space<semaphore_mem>>
    %dma_start3A_1486 = tpu.memref_squeeze %dma_start3A_1485 : memref<1x!tpu.dma_semaphore, #tpu.memory_space<semaphore_mem>> -> memref<!tpu.dma_semaphore, #tpu.memory_space<semaphore_mem>>
    %dma_start3A_1487 = arith.constant 0 : i32
    %dma_start3A_1488 = arith.constant 0 : i32
    %dma_start3A_1489 = arith.constant 0 : i32
    %dma_start3A_1490 = tpu.memref_slice %arg7[%dma_start3A_1474, %dma_start3A_1487, %dma_start3A_1488, %dma_start3A_1489] : memref<2x5x64x128xf32, #tpu.memory_space<vmem>> -> memref<1x5x64x128xf32, #tpu.memory_space<vmem>>
    %dma_start3A_1491 = tpu.memref_squeeze %dma_start3A_1490 : memref<1x5x64x128xf32, #tpu.memory_space<vmem>> -> memref<5x64x128xf32, #tpu.memory_space<vmem>>
    %dma_start3A_1492 = arith.constant 0 : i32
    %dma_start3A_1493 = arith.constant 0 : i32
    %dma_start3A_1494 = tpu.memref_slice %arg2[%select_n3A, %add3A_1473, %dma_start3A_1492, %dma_start3A_1493] : memref<16x50x64x128xf32, #tpu.memory_space<hbm>> -> memref<1x5x64x128xf32, #tpu.memory_space<hbm>>
    %dma_start3A_1495 = tpu.memref_squeeze %dma_start3A_1494 : memref<1x5x64x128xf32, #tpu.memory_space<hbm>> -> memref<5x64x128xf32, #tpu.memory_space<hbm>>
    tpu.enqueue_dma source(%dma_start3A_1495 : memref<5x64x128xf32, #tpu.memory_space<hbm>>) target(%dma_start3A_1491 : memref<5x64x128xf32, #tpu.memory_space<vmem>>) target_semaphore(%dma_start3A_1486 : memref<!tpu.dma_semaphore, #tpu.memory_space<semaphore_mem>>)
    %dma_wait3A_1496 = arith.constant 1 : i32
    %dma_wait3A_1497 = arith.constant 1 : i32
    %dma_wait3A_1498 = arith.constant 0 : i32
    %dma_wait3A_1499 = arith.constant 0 : i32
    %dma_wait3A_1500 = arith.constant 0 : i32
    %dma_wait3A_1501 = tpu.memref_slice %arg7[%dma_wait3A_1496, %dma_wait3A_1498, %dma_wait3A_1499, %dma_wait3A_1500] : memref<2x5x64x128xf32, #tpu.memory_space<vmem>> -> memref<1x5x64x128xf32, #tpu.memory_space<vmem>>
    %dma_wait3A_1502 = tpu.memref_squeeze %dma_wait3A_1501 : memref<1x5x64x128xf32, #tpu.memory_space<vmem>> -> memref<5x64x128xf32, #tpu.memory_space<vmem>>
    %dma_wait3A_1503 = arith.constant 0 : i32
    %dma_wait3A_1504 = arith.constant 0 : i32
    %dma_wait3A_1505 = tpu.memref_slice %arg2[%select_n3A, %add3A_1022, %dma_wait3A_1503, %dma_wait3A_1504] : memref<16x50x64x128xf32, #tpu.memory_space<hbm>> -> memref<1x5x64x128xf32, #tpu.memory_space<hbm>>
    %dma_wait3A_1506 = tpu.memref_squeeze %dma_wait3A_1505 : memref<1x5x64x128xf32, #tpu.memory_space<hbm>> -> memref<5x64x128xf32, #tpu.memory_space<hbm>>
    %dma_wait3A_1507 = tpu.memref_slice %arg9[%dma_wait3A_1497] : memref<2x!tpu.dma_semaphore, #tpu.memory_space<semaphore_mem>> -> memref<1x!tpu.dma_semaphore, #tpu.memory_space<semaphore_mem>>
    %dma_wait3A_1508 = tpu.memref_squeeze %dma_wait3A_1507 : memref<1x!tpu.dma_semaphore, #tpu.memory_space<semaphore_mem>> -> memref<!tpu.dma_semaphore, #tpu.memory_space<semaphore_mem>>
    %dma_wait3A_1509 = arith.constant 0 : i32
    %dma_wait3A_1510 = arith.constant 0 : i32
    %dma_wait3A_1511 = arith.constant 0 : i32
    %dma_wait3A_1512 = tpu.memref_slice %arg7[%dma_wait3A_1496, %dma_wait3A_1509, %dma_wait3A_1510, %dma_wait3A_1511] : memref<2x5x64x128xf32, #tpu.memory_space<vmem>> -> memref<1x5x64x128xf32, #tpu.memory_space<vmem>>
    %dma_wait3A_1513 = tpu.memref_squeeze %dma_wait3A_1512 : memref<1x5x64x128xf32, #tpu.memory_space<vmem>> -> memref<5x64x128xf32, #tpu.memory_space<vmem>>
    %dma_wait3A_1514 = arith.constant 0 : i32
    %dma_wait3A_1515 = arith.constant 0 : i32
    %dma_wait3A_1516 = tpu.memref_slice %arg2[%select_n3A, %add3A_1022, %dma_wait3A_1514, %dma_wait3A_1515] : memref<16x50x64x128xf32, #tpu.memory_space<hbm>> -> memref<1x5x64x128xf32, #tpu.memory_space<hbm>>
    %dma_wait3A_1517 = tpu.memref_squeeze %dma_wait3A_1516 : memref<1x5x64x128xf32, #tpu.memory_space<hbm>> -> memref<5x64x128xf32, #tpu.memory_space<hbm>>
    tpu.wait_dma2 semaphore(%dma_wait3A_1508 : memref<!tpu.dma_semaphore, #tpu.memory_space<semaphore_mem>>) src(%dma_wait3A_1517 : memref<5x64x128xf32, #tpu.memory_space<hbm>>) dst(%dma_wait3A_1513 : memref<5x64x128xf32, #tpu.memory_space<vmem>>)
    %sub3A_1518 = arith.subi %select_n3A, %mul3A_42 : i32
    %dma_start3A_1519 = arith.constant 15 : i32
    %dma_start3A_1520 = arith.constant 1 : i32
    %dma_start3A_1521 = arith.constant 0 : i32
    %dma_start3A_1522 = arith.constant 1 : i32
    %dma_start3A_1523 = arith.constant 0 : i32
    %dma_start3A_1524 = arith.constant 0 : i32
    %dma_start3A_1525 = arith.constant 0 : i32
    %dma_start3A_1526 = tpu.memref_slice %arg7[%dma_start3A_1520, %dma_start3A_1521, %dma_start3A_1524, %dma_start3A_1525] : memref<2x5x64x128xf32, #tpu.memory_space<vmem>> -> memref<1x1x64x128xf32, #tpu.memory_space<vmem>>
    %dma_start3A_1527 = tpu.memref_squeeze %dma_start3A_1526 : memref<1x1x64x128xf32, #tpu.memory_space<vmem>> -> memref<64x128xf32, #tpu.memory_space<vmem>>
    %dma_start3A_1528 = arith.constant 0 : i32
    %dma_start3A_1529 = tpu.memref_slice %arg6[%dma_start3A_1519, %sub3A_1518, %dma_start3A_1528] : memref<25x8x64xi32, #tpu.memory_space<vmem>> -> memref<1x1x64xi32, #tpu.memory_space<vmem>>
    %dma_start3A_1530 = tpu.memref_squeeze %dma_start3A_1529 : memref<1x1x64xi32, #tpu.memory_space<vmem>> -> memref<64xi32, #tpu.memory_space<vmem>>
    %dma_start3A_1531 = arith.constant 0 : i32
    %dma_start3A_1532 = arith.constant 0 : i32
    %dma_start3A_1533 = tpu.memref_slice %arg8[%dma_start3A_1531, %dma_start3A_1532] : memref<1000x128xf32, #tpu.memory_space<vmem_shared>> -> memref<1000x128xf32, #tpu.memory_space<vmem_shared>>
    %dma_start3A_1534 = tpu.memref_slice %arg10[%dma_start3A_1522, %dma_start3A_1523] : memref<2x5x!tpu.dma_semaphore, #tpu.memory_space<semaphore_mem>> -> memref<1x1x!tpu.dma_semaphore, #tpu.memory_space<semaphore_mem>>
    %dma_start3A_1535 = tpu.memref_squeeze %dma_start3A_1534 : memref<1x1x!tpu.dma_semaphore, #tpu.memory_space<semaphore_mem>> -> memref<!tpu.dma_semaphore, #tpu.memory_space<semaphore_mem>>
    tpu.enqueue_indirect_dma source(%dma_start3A_1533 : memref<1000x128xf32, #tpu.memory_space<vmem_shared>>) target(%dma_start3A_1527 : memref<64x128xf32, #tpu.memory_space<vmem>>) offsets(%dma_start3A_1530 : memref<64xi32, #tpu.memory_space<vmem>>) semaphore(%dma_start3A_1535 : memref<!tpu.dma_semaphore, #tpu.memory_space<semaphore_mem>>) {add = true}
    %sub3A_1536 = arith.subi %select_n3A, %mul3A_42 : i32
    %dma_start3A_1537 = arith.constant 16 : i32
    %dma_start3A_1538 = arith.constant 1 : i32
    %dma_start3A_1539 = arith.constant 1 : i32
    %dma_start3A_1540 = arith.constant 1 : i32
    %dma_start3A_1541 = arith.constant 1 : i32
    %dma_start3A_1542 = arith.constant 0 : i32
    %dma_start3A_1543 = arith.constant 0 : i32
    %dma_start3A_1544 = tpu.memref_slice %arg7[%dma_start3A_1538, %dma_start3A_1539, %dma_start3A_1542, %dma_start3A_1543] : memref<2x5x64x128xf32, #tpu.memory_space<vmem>> -> memref<1x1x64x128xf32, #tpu.memory_space<vmem>>
    %dma_start3A_1545 = tpu.memref_squeeze %dma_start3A_1544 : memref<1x1x64x128xf32, #tpu.memory_space<vmem>> -> memref<64x128xf32, #tpu.memory_space<vmem>>
    %dma_start3A_1546 = arith.constant 0 : i32
    %dma_start3A_1547 = tpu.memref_slice %arg6[%dma_start3A_1537, %sub3A_1536, %dma_start3A_1546] : memref<25x8x64xi32, #tpu.memory_space<vmem>> -> memref<1x1x64xi32, #tpu.memory_space<vmem>>
    %dma_start3A_1548 = tpu.memref_squeeze %dma_start3A_1547 : memref<1x1x64xi32, #tpu.memory_space<vmem>> -> memref<64xi32, #tpu.memory_space<vmem>>
    %dma_start3A_1549 = arith.constant 0 : i32
    %dma_start3A_1550 = arith.constant 0 : i32
    %dma_start3A_1551 = tpu.memref_slice %arg8[%dma_start3A_1549, %dma_start3A_1550] : memref<1000x128xf32, #tpu.memory_space<vmem_shared>> -> memref<1000x128xf32, #tpu.memory_space<vmem_shared>>
    %dma_start3A_1552 = tpu.memref_slice %arg10[%dma_start3A_1540, %dma_start3A_1541] : memref<2x5x!tpu.dma_semaphore, #tpu.memory_space<semaphore_mem>> -> memref<1x1x!tpu.dma_semaphore, #tpu.memory_space<semaphore_mem>>
    %dma_start3A_1553 = tpu.memref_squeeze %dma_start3A_1552 : memref<1x1x!tpu.dma_semaphore, #tpu.memory_space<semaphore_mem>> -> memref<!tpu.dma_semaphore, #tpu.memory_space<semaphore_mem>>
    tpu.enqueue_indirect_dma source(%dma_start3A_1551 : memref<1000x128xf32, #tpu.memory_space<vmem_shared>>) target(%dma_start3A_1545 : memref<64x128xf32, #tpu.memory_space<vmem>>) offsets(%dma_start3A_1548 : memref<64xi32, #tpu.memory_space<vmem>>) semaphore(%dma_start3A_1553 : memref<!tpu.dma_semaphore, #tpu.memory_space<semaphore_mem>>) {add = true}
    %sub3A_1554 = arith.subi %select_n3A, %mul3A_42 : i32
    %dma_start3A_1555 = arith.constant 17 : i32
    %dma_start3A_1556 = arith.constant 1 : i32
    %dma_start3A_1557 = arith.constant 2 : i32
    %dma_start3A_1558 = arith.constant 1 : i32
    %dma_start3A_1559 = arith.constant 2 : i32
    %dma_start3A_1560 = arith.constant 0 : i32
    %dma_start3A_1561 = arith.constant 0 : i32
    %dma_start3A_1562 = tpu.memref_slice %arg7[%dma_start3A_1556, %dma_start3A_1557, %dma_start3A_1560, %dma_start3A_1561] : memref<2x5x64x128xf32, #tpu.memory_space<vmem>> -> memref<1x1x64x128xf32, #tpu.memory_space<vmem>>
    %dma_start3A_1563 = tpu.memref_squeeze %dma_start3A_1562 : memref<1x1x64x128xf32, #tpu.memory_space<vmem>> -> memref<64x128xf32, #tpu.memory_space<vmem>>
    %dma_start3A_1564 = arith.constant 0 : i32
    %dma_start3A_1565 = tpu.memref_slice %arg6[%dma_start3A_1555, %sub3A_1554, %dma_start3A_1564] : memref<25x8x64xi32, #tpu.memory_space<vmem>> -> memref<1x1x64xi32, #tpu.memory_space<vmem>>
    %dma_start3A_1566 = tpu.memref_squeeze %dma_start3A_1565 : memref<1x1x64xi32, #tpu.memory_space<vmem>> -> memref<64xi32, #tpu.memory_space<vmem>>
    %dma_start3A_1567 = arith.constant 0 : i32
    %dma_start3A_1568 = arith.constant 0 : i32
    %dma_start3A_1569 = tpu.memref_slice %arg8[%dma_start3A_1567, %dma_start3A_1568] : memref<1000x128xf32, #tpu.memory_space<vmem_shared>> -> memref<1000x128xf32, #tpu.memory_space<vmem_shared>>
    %dma_start3A_1570 = tpu.memref_slice %arg10[%dma_start3A_1558, %dma_start3A_1559] : memref<2x5x!tpu.dma_semaphore, #tpu.memory_space<semaphore_mem>> -> memref<1x1x!tpu.dma_semaphore, #tpu.memory_space<semaphore_mem>>
    %dma_start3A_1571 = tpu.memref_squeeze %dma_start3A_1570 : memref<1x1x!tpu.dma_semaphore, #tpu.memory_space<semaphore_mem>> -> memref<!tpu.dma_semaphore, #tpu.memory_space<semaphore_mem>>
    tpu.enqueue_indirect_dma source(%dma_start3A_1569 : memref<1000x128xf32, #tpu.memory_space<vmem_shared>>) target(%dma_start3A_1563 : memref<64x128xf32, #tpu.memory_space<vmem>>) offsets(%dma_start3A_1566 : memref<64xi32, #tpu.memory_space<vmem>>) semaphore(%dma_start3A_1571 : memref<!tpu.dma_semaphore, #tpu.memory_space<semaphore_mem>>) {add = true}
    %sub3A_1572 = arith.subi %select_n3A, %mul3A_42 : i32
    %dma_start3A_1573 = arith.constant 18 : i32
    %dma_start3A_1574 = arith.constant 1 : i32
    %dma_start3A_1575 = arith.constant 3 : i32
    %dma_start3A_1576 = arith.constant 1 : i32
    %dma_start3A_1577 = arith.constant 3 : i32
    %dma_start3A_1578 = arith.constant 0 : i32
    %dma_start3A_1579 = arith.constant 0 : i32
    %dma_start3A_1580 = tpu.memref_slice %arg7[%dma_start3A_1574, %dma_start3A_1575, %dma_start3A_1578, %dma_start3A_1579] : memref<2x5x64x128xf32, #tpu.memory_space<vmem>> -> memref<1x1x64x128xf32, #tpu.memory_space<vmem>>
    %dma_start3A_1581 = tpu.memref_squeeze %dma_start3A_1580 : memref<1x1x64x128xf32, #tpu.memory_space<vmem>> -> memref<64x128xf32, #tpu.memory_space<vmem>>
    %dma_start3A_1582 = arith.constant 0 : i32
    %dma_start3A_1583 = tpu.memref_slice %arg6[%dma_start3A_1573, %sub3A_1572, %dma_start3A_1582] : memref<25x8x64xi32, #tpu.memory_space<vmem>> -> memref<1x1x64xi32, #tpu.memory_space<vmem>>
    %dma_start3A_1584 = tpu.memref_squeeze %dma_start3A_1583 : memref<1x1x64xi32, #tpu.memory_space<vmem>> -> memref<64xi32, #tpu.memory_space<vmem>>
    %dma_start3A_1585 = arith.constant 0 : i32
    %dma_start3A_1586 = arith.constant 0 : i32
    %dma_start3A_1587 = tpu.memref_slice %arg8[%dma_start3A_1585, %dma_start3A_1586] : memref<1000x128xf32, #tpu.memory_space<vmem_shared>> -> memref<1000x128xf32, #tpu.memory_space<vmem_shared>>
    %dma_start3A_1588 = tpu.memref_slice %arg10[%dma_start3A_1576, %dma_start3A_1577] : memref<2x5x!tpu.dma_semaphore, #tpu.memory_space<semaphore_mem>> -> memref<1x1x!tpu.dma_semaphore, #tpu.memory_space<semaphore_mem>>
    %dma_start3A_1589 = tpu.memref_squeeze %dma_start3A_1588 : memref<1x1x!tpu.dma_semaphore, #tpu.memory_space<semaphore_mem>> -> memref<!tpu.dma_semaphore, #tpu.memory_space<semaphore_mem>>
    tpu.enqueue_indirect_dma source(%dma_start3A_1587 : memref<1000x128xf32, #tpu.memory_space<vmem_shared>>) target(%dma_start3A_1581 : memref<64x128xf32, #tpu.memory_space<vmem>>) offsets(%dma_start3A_1584 : memref<64xi32, #tpu.memory_space<vmem>>) semaphore(%dma_start3A_1589 : memref<!tpu.dma_semaphore, #tpu.memory_space<semaphore_mem>>) {add = true}
    %sub3A_1590 = arith.subi %select_n3A, %mul3A_42 : i32
    %dma_start3A_1591 = arith.constant 19 : i32
    %dma_start3A_1592 = arith.constant 1 : i32
    %dma_start3A_1593 = arith.constant 4 : i32
    %dma_start3A_1594 = arith.constant 1 : i32
    %dma_start3A_1595 = arith.constant 4 : i32
    %dma_start3A_1596 = arith.constant 0 : i32
    %dma_start3A_1597 = arith.constant 0 : i32
    %dma_start3A_1598 = tpu.memref_slice %arg7[%dma_start3A_1592, %dma_start3A_1593, %dma_start3A_1596, %dma_start3A_1597] : memref<2x5x64x128xf32, #tpu.memory_space<vmem>> -> memref<1x1x64x128xf32, #tpu.memory_space<vmem>>
    %dma_start3A_1599 = tpu.memref_squeeze %dma_start3A_1598 : memref<1x1x64x128xf32, #tpu.memory_space<vmem>> -> memref<64x128xf32, #tpu.memory_space<vmem>>
    %dma_start3A_1600 = arith.constant 0 : i32
    %dma_start3A_1601 = tpu.memref_slice %arg6[%dma_start3A_1591, %sub3A_1590, %dma_start3A_1600] : memref<25x8x64xi32, #tpu.memory_space<vmem>> -> memref<1x1x64xi32, #tpu.memory_space<vmem>>
    %dma_start3A_1602 = tpu.memref_squeeze %dma_start3A_1601 : memref<1x1x64xi32, #tpu.memory_space<vmem>> -> memref<64xi32, #tpu.memory_space<vmem>>
    %dma_start3A_1603 = arith.constant 0 : i32
    %dma_start3A_1604 = arith.constant 0 : i32
    %dma_start3A_1605 = tpu.memref_slice %arg8[%dma_start3A_1603, %dma_start3A_1604] : memref<1000x128xf32, #tpu.memory_space<vmem_shared>> -> memref<1000x128xf32, #tpu.memory_space<vmem_shared>>
    %dma_start3A_1606 = tpu.memref_slice %arg10[%dma_start3A_1594, %dma_start3A_1595] : memref<2x5x!tpu.dma_semaphore, #tpu.memory_space<semaphore_mem>> -> memref<1x1x!tpu.dma_semaphore, #tpu.memory_space<semaphore_mem>>
    %dma_start3A_1607 = tpu.memref_squeeze %dma_start3A_1606 : memref<1x1x!tpu.dma_semaphore, #tpu.memory_space<semaphore_mem>> -> memref<!tpu.dma_semaphore, #tpu.memory_space<semaphore_mem>>
    tpu.enqueue_indirect_dma source(%dma_start3A_1605 : memref<1000x128xf32, #tpu.memory_space<vmem_shared>>) target(%dma_start3A_1599 : memref<64x128xf32, #tpu.memory_space<vmem>>) offsets(%dma_start3A_1602 : memref<64xi32, #tpu.memory_space<vmem>>) semaphore(%dma_start3A_1607 : memref<!tpu.dma_semaphore, #tpu.memory_space<semaphore_mem>>) {add = true}
    %dma_wait3A_1608 = arith.constant 15 : i32
    %dma_wait3A_1609 = arith.constant 1 : i32
    %dma_wait3A_1610 = arith.constant 0 : i32
    %dma_wait3A_1611 = arith.constant 1 : i32
    %dma_wait3A_1612 = arith.constant 0 : i32
    %dma_wait3A_1613 = arith.constant 0 : i32
    %dma_wait3A_1614 = arith.constant 0 : i32
    %dma_wait3A_1615 = tpu.memref_slice %arg7[%dma_wait3A_1609, %dma_wait3A_1610, %dma_wait3A_1613, %dma_wait3A_1614] : memref<2x5x64x128xf32, #tpu.memory_space<vmem>> -> memref<1x1x64x128xf32, #tpu.memory_space<vmem>>
    %dma_wait3A_1616 = tpu.memref_squeeze %dma_wait3A_1615 : memref<1x1x64x128xf32, #tpu.memory_space<vmem>> -> memref<64x128xf32, #tpu.memory_space<vmem>>
    %dma_wait3A_1617 = arith.constant 0 : i32
    %dma_wait3A_1618 = tpu.memref_slice %arg6[%dma_wait3A_1608, %sub3A_1518, %dma_wait3A_1617] : memref<25x8x64xi32, #tpu.memory_space<vmem>> -> memref<1x1x64xi32, #tpu.memory_space<vmem>>
    %dma_wait3A_1619 = tpu.memref_squeeze %dma_wait3A_1618 : memref<1x1x64xi32, #tpu.memory_space<vmem>> -> memref<64xi32, #tpu.memory_space<vmem>>
    %dma_wait3A_1620 = arith.constant 0 : i32
    %dma_wait3A_1621 = arith.constant 0 : i32
    %dma_wait3A_1622 = tpu.memref_slice %arg8[%dma_wait3A_1620, %dma_wait3A_1621] : memref<1000x128xf32, #tpu.memory_space<vmem_shared>> -> memref<1000x128xf32, #tpu.memory_space<vmem_shared>>
    %dma_wait3A_1623 = tpu.memref_slice %arg10[%dma_wait3A_1611, %dma_wait3A_1612] : memref<2x5x!tpu.dma_semaphore, #tpu.memory_space<semaphore_mem>> -> memref<1x1x!tpu.dma_semaphore, #tpu.memory_space<semaphore_mem>>
    %dma_wait3A_1624 = tpu.memref_squeeze %dma_wait3A_1623 : memref<1x1x!tpu.dma_semaphore, #tpu.memory_space<semaphore_mem>> -> memref<!tpu.dma_semaphore, #tpu.memory_space<semaphore_mem>>
    tpu.wait_indirect_dma semaphore(%dma_wait3A_1624 : memref<!tpu.dma_semaphore, #tpu.memory_space<semaphore_mem>>) src(%dma_wait3A_1622 : memref<1000x128xf32, #tpu.memory_space<vmem_shared>>) dst(%dma_wait3A_1616 : memref<64x128xf32, #tpu.memory_space<vmem>>)
    %add3A_1625 = arith.constant 15 : i32
    %add3A_1626 = arith.addi %mul3A_58, %add3A_1625 : i32
    %add3A_1627 = arith.constant 0 : i32
    %add3A_1628 = arith.addi %add3A_1626, %add3A_1627 : i32
    %dma_start3A_1629 = arith.constant 1 : i32
    %dma_start3A_1630 = arith.constant 0 : i32
    %dma_start3A_1631 = arith.constant 1 : i32
    %dma_start3A_1632 = arith.constant 0 : i32
    %dma_start3A_1633 = arith.constant 0 : i32
    %dma_start3A_1634 = tpu.memref_slice %arg7[%dma_start3A_1629, %dma_start3A_1630, %dma_start3A_1632, %dma_start3A_1633] : memref<2x5x64x128xf32, #tpu.memory_space<vmem>> -> memref<1x1x64x128xf32, #tpu.memory_space<vmem>>
    %dma_start3A_1635 = tpu.memref_squeeze %dma_start3A_1634 : memref<1x1x64x128xf32, #tpu.memory_space<vmem>> -> memref<64x128xf32, #tpu.memory_space<vmem>>
    %dma_start3A_1636 = arith.constant 0 : i32
    %dma_start3A_1637 = arith.constant 0 : i32
    %dma_start3A_1638 = tpu.memref_slice %arg5[%select_n3A, %add3A_1628, %dma_start3A_1636, %dma_start3A_1637] : memref<16x50x64x128xf32, #tpu.memory_space<hbm>> -> memref<1x1x64x128xf32, #tpu.memory_space<hbm>>
    %dma_start3A_1639 = tpu.memref_squeeze %dma_start3A_1638 : memref<1x1x64x128xf32, #tpu.memory_space<hbm>> -> memref<64x128xf32, #tpu.memory_space<hbm>>
    %dma_start3A_1640 = tpu.memref_slice %arg11[%dma_start3A_1631] : memref<2x!tpu.dma_semaphore, #tpu.memory_space<semaphore_mem>> -> memref<1x!tpu.dma_semaphore, #tpu.memory_space<semaphore_mem>>
    %dma_start3A_1641 = tpu.memref_squeeze %dma_start3A_1640 : memref<1x!tpu.dma_semaphore, #tpu.memory_space<semaphore_mem>> -> memref<!tpu.dma_semaphore, #tpu.memory_space<semaphore_mem>>
    %dma_start3A_1642 = arith.constant 0 : i32
    %dma_start3A_1643 = arith.constant 0 : i32
    %dma_start3A_1644 = tpu.memref_slice %arg5[%select_n3A, %add3A_1628, %dma_start3A_1642, %dma_start3A_1643] : memref<16x50x64x128xf32, #tpu.memory_space<hbm>> -> memref<1x1x64x128xf32, #tpu.memory_space<hbm>>
    %dma_start3A_1645 = tpu.memref_squeeze %dma_start3A_1644 : memref<1x1x64x128xf32, #tpu.memory_space<hbm>> -> memref<64x128xf32, #tpu.memory_space<hbm>>
    %dma_start3A_1646 = arith.constant 0 : i32
    %dma_start3A_1647 = arith.constant 0 : i32
    %dma_start3A_1648 = tpu.memref_slice %arg7[%dma_start3A_1629, %dma_start3A_1630, %dma_start3A_1646, %dma_start3A_1647] : memref<2x5x64x128xf32, #tpu.memory_space<vmem>> -> memref<1x1x64x128xf32, #tpu.memory_space<vmem>>
    %dma_start3A_1649 = tpu.memref_squeeze %dma_start3A_1648 : memref<1x1x64x128xf32, #tpu.memory_space<vmem>> -> memref<64x128xf32, #tpu.memory_space<vmem>>
    tpu.enqueue_dma source(%dma_start3A_1649 : memref<64x128xf32, #tpu.memory_space<vmem>>) target(%dma_start3A_1645 : memref<64x128xf32, #tpu.memory_space<hbm>>) target_semaphore(%dma_start3A_1641 : memref<!tpu.dma_semaphore, #tpu.memory_space<semaphore_mem>>)
    %dma_wait3A_1650 = arith.constant 16 : i32
    %dma_wait3A_1651 = arith.constant 1 : i32
    %dma_wait3A_1652 = arith.constant 1 : i32
    %dma_wait3A_1653 = arith.constant 1 : i32
    %dma_wait3A_1654 = arith.constant 1 : i32
    %dma_wait3A_1655 = arith.constant 0 : i32
    %dma_wait3A_1656 = arith.constant 0 : i32
    %dma_wait3A_1657 = tpu.memref_slice %arg7[%dma_wait3A_1651, %dma_wait3A_1652, %dma_wait3A_1655, %dma_wait3A_1656] : memref<2x5x64x128xf32, #tpu.memory_space<vmem>> -> memref<1x1x64x128xf32, #tpu.memory_space<vmem>>
    %dma_wait3A_1658 = tpu.memref_squeeze %dma_wait3A_1657 : memref<1x1x64x128xf32, #tpu.memory_space<vmem>> -> memref<64x128xf32, #tpu.memory_space<vmem>>
    %dma_wait3A_1659 = arith.constant 0 : i32
    %dma_wait3A_1660 = tpu.memref_slice %arg6[%dma_wait3A_1650, %sub3A_1536, %dma_wait3A_1659] : memref<25x8x64xi32, #tpu.memory_space<vmem>> -> memref<1x1x64xi32, #tpu.memory_space<vmem>>
    %dma_wait3A_1661 = tpu.memref_squeeze %dma_wait3A_1660 : memref<1x1x64xi32, #tpu.memory_space<vmem>> -> memref<64xi32, #tpu.memory_space<vmem>>
    %dma_wait3A_1662 = arith.constant 0 : i32
    %dma_wait3A_1663 = arith.constant 0 : i32
    %dma_wait3A_1664 = tpu.memref_slice %arg8[%dma_wait3A_1662, %dma_wait3A_1663] : memref<1000x128xf32, #tpu.memory_space<vmem_shared>> -> memref<1000x128xf32, #tpu.memory_space<vmem_shared>>
    %dma_wait3A_1665 = tpu.memref_slice %arg10[%dma_wait3A_1653, %dma_wait3A_1654] : memref<2x5x!tpu.dma_semaphore, #tpu.memory_space<semaphore_mem>> -> memref<1x1x!tpu.dma_semaphore, #tpu.memory_space<semaphore_mem>>
    %dma_wait3A_1666 = tpu.memref_squeeze %dma_wait3A_1665 : memref<1x1x!tpu.dma_semaphore, #tpu.memory_space<semaphore_mem>> -> memref<!tpu.dma_semaphore, #tpu.memory_space<semaphore_mem>>
    tpu.wait_indirect_dma semaphore(%dma_wait3A_1666 : memref<!tpu.dma_semaphore, #tpu.memory_space<semaphore_mem>>) src(%dma_wait3A_1664 : memref<1000x128xf32, #tpu.memory_space<vmem_shared>>) dst(%dma_wait3A_1658 : memref<64x128xf32, #tpu.memory_space<vmem>>)
    %add3A_1667 = arith.constant 15 : i32
    %add3A_1668 = arith.addi %mul3A_58, %add3A_1667 : i32
    %add3A_1669 = arith.constant 1 : i32
    %add3A_1670 = arith.addi %add3A_1668, %add3A_1669 : i32
    %dma_start3A_1671 = arith.constant 1 : i32
    %dma_start3A_1672 = arith.constant 1 : i32
    %dma_start3A_1673 = arith.constant 1 : i32
    %dma_start3A_1674 = arith.constant 0 : i32
    %dma_start3A_1675 = arith.constant 0 : i32
    %dma_start3A_1676 = tpu.memref_slice %arg7[%dma_start3A_1671, %dma_start3A_1672, %dma_start3A_1674, %dma_start3A_1675] : memref<2x5x64x128xf32, #tpu.memory_space<vmem>> -> memref<1x1x64x128xf32, #tpu.memory_space<vmem>>
    %dma_start3A_1677 = tpu.memref_squeeze %dma_start3A_1676 : memref<1x1x64x128xf32, #tpu.memory_space<vmem>> -> memref<64x128xf32, #tpu.memory_space<vmem>>
    %dma_start3A_1678 = arith.constant 0 : i32
    %dma_start3A_1679 = arith.constant 0 : i32
    %dma_start3A_1680 = tpu.memref_slice %arg5[%select_n3A, %add3A_1670, %dma_start3A_1678, %dma_start3A_1679] : memref<16x50x64x128xf32, #tpu.memory_space<hbm>> -> memref<1x1x64x128xf32, #tpu.memory_space<hbm>>
    %dma_start3A_1681 = tpu.memref_squeeze %dma_start3A_1680 : memref<1x1x64x128xf32, #tpu.memory_space<hbm>> -> memref<64x128xf32, #tpu.memory_space<hbm>>
    %dma_start3A_1682 = tpu.memref_slice %arg11[%dma_start3A_1673] : memref<2x!tpu.dma_semaphore, #tpu.memory_space<semaphore_mem>> -> memref<1x!tpu.dma_semaphore, #tpu.memory_space<semaphore_mem>>
    %dma_start3A_1683 = tpu.memref_squeeze %dma_start3A_1682 : memref<1x!tpu.dma_semaphore, #tpu.memory_space<semaphore_mem>> -> memref<!tpu.dma_semaphore, #tpu.memory_space<semaphore_mem>>
    %dma_start3A_1684 = arith.constant 0 : i32
    %dma_start3A_1685 = arith.constant 0 : i32
    %dma_start3A_1686 = tpu.memref_slice %arg5[%select_n3A, %add3A_1670, %dma_start3A_1684, %dma_start3A_1685] : memref<16x50x64x128xf32, #tpu.memory_space<hbm>> -> memref<1x1x64x128xf32, #tpu.memory_space<hbm>>
    %dma_start3A_1687 = tpu.memref_squeeze %dma_start3A_1686 : memref<1x1x64x128xf32, #tpu.memory_space<hbm>> -> memref<64x128xf32, #tpu.memory_space<hbm>>
    %dma_start3A_1688 = arith.constant 0 : i32
    %dma_start3A_1689 = arith.constant 0 : i32
    %dma_start3A_1690 = tpu.memref_slice %arg7[%dma_start3A_1671, %dma_start3A_1672, %dma_start3A_1688, %dma_start3A_1689] : memref<2x5x64x128xf32, #tpu.memory_space<vmem>> -> memref<1x1x64x128xf32, #tpu.memory_space<vmem>>
    %dma_start3A_1691 = tpu.memref_squeeze %dma_start3A_1690 : memref<1x1x64x128xf32, #tpu.memory_space<vmem>> -> memref<64x128xf32, #tpu.memory_space<vmem>>
    tpu.enqueue_dma source(%dma_start3A_1691 : memref<64x128xf32, #tpu.memory_space<vmem>>) target(%dma_start3A_1687 : memref<64x128xf32, #tpu.memory_space<hbm>>) target_semaphore(%dma_start3A_1683 : memref<!tpu.dma_semaphore, #tpu.memory_space<semaphore_mem>>)
    %dma_wait3A_1692 = arith.constant 17 : i32
    %dma_wait3A_1693 = arith.constant 1 : i32
    %dma_wait3A_1694 = arith.constant 2 : i32
    %dma_wait3A_1695 = arith.constant 1 : i32
    %dma_wait3A_1696 = arith.constant 2 : i32
    %dma_wait3A_1697 = arith.constant 0 : i32
    %dma_wait3A_1698 = arith.constant 0 : i32
    %dma_wait3A_1699 = tpu.memref_slice %arg7[%dma_wait3A_1693, %dma_wait3A_1694, %dma_wait3A_1697, %dma_wait3A_1698] : memref<2x5x64x128xf32, #tpu.memory_space<vmem>> -> memref<1x1x64x128xf32, #tpu.memory_space<vmem>>
    %dma_wait3A_1700 = tpu.memref_squeeze %dma_wait3A_1699 : memref<1x1x64x128xf32, #tpu.memory_space<vmem>> -> memref<64x128xf32, #tpu.memory_space<vmem>>
    %dma_wait3A_1701 = arith.constant 0 : i32
    %dma_wait3A_1702 = tpu.memref_slice %arg6[%dma_wait3A_1692, %sub3A_1554, %dma_wait3A_1701] : memref<25x8x64xi32, #tpu.memory_space<vmem>> -> memref<1x1x64xi32, #tpu.memory_space<vmem>>
    %dma_wait3A_1703 = tpu.memref_squeeze %dma_wait3A_1702 : memref<1x1x64xi32, #tpu.memory_space<vmem>> -> memref<64xi32, #tpu.memory_space<vmem>>
    %dma_wait3A_1704 = arith.constant 0 : i32
    %dma_wait3A_1705 = arith.constant 0 : i32
    %dma_wait3A_1706 = tpu.memref_slice %arg8[%dma_wait3A_1704, %dma_wait3A_1705] : memref<1000x128xf32, #tpu.memory_space<vmem_shared>> -> memref<1000x128xf32, #tpu.memory_space<vmem_shared>>
    %dma_wait3A_1707 = tpu.memref_slice %arg10[%dma_wait3A_1695, %dma_wait3A_1696] : memref<2x5x!tpu.dma_semaphore, #tpu.memory_space<semaphore_mem>> -> memref<1x1x!tpu.dma_semaphore, #tpu.memory_space<semaphore_mem>>
    %dma_wait3A_1708 = tpu.memref_squeeze %dma_wait3A_1707 : memref<1x1x!tpu.dma_semaphore, #tpu.memory_space<semaphore_mem>> -> memref<!tpu.dma_semaphore, #tpu.memory_space<semaphore_mem>>
    tpu.wait_indirect_dma semaphore(%dma_wait3A_1708 : memref<!tpu.dma_semaphore, #tpu.memory_space<semaphore_mem>>) src(%dma_wait3A_1706 : memref<1000x128xf32, #tpu.memory_space<vmem_shared>>) dst(%dma_wait3A_1700 : memref<64x128xf32, #tpu.memory_space<vmem>>)
    %add3A_1709 = arith.constant 15 : i32
    %add3A_1710 = arith.addi %mul3A_58, %add3A_1709 : i32
    %add3A_1711 = arith.constant 2 : i32
    %add3A_1712 = arith.addi %add3A_1710, %add3A_1711 : i32
    %dma_start3A_1713 = arith.constant 1 : i32
    %dma_start3A_1714 = arith.constant 2 : i32
    %dma_start3A_1715 = arith.constant 1 : i32
    %dma_start3A_1716 = arith.constant 0 : i32
    %dma_start3A_1717 = arith.constant 0 : i32
    %dma_start3A_1718 = tpu.memref_slice %arg7[%dma_start3A_1713, %dma_start3A_1714, %dma_start3A_1716, %dma_start3A_1717] : memref<2x5x64x128xf32, #tpu.memory_space<vmem>> -> memref<1x1x64x128xf32, #tpu.memory_space<vmem>>
    %dma_start3A_1719 = tpu.memref_squeeze %dma_start3A_1718 : memref<1x1x64x128xf32, #tpu.memory_space<vmem>> -> memref<64x128xf32, #tpu.memory_space<vmem>>
    %dma_start3A_1720 = arith.constant 0 : i32
    %dma_start3A_1721 = arith.constant 0 : i32
    %dma_start3A_1722 = tpu.memref_slice %arg5[%select_n3A, %add3A_1712, %dma_start3A_1720, %dma_start3A_1721] : memref<16x50x64x128xf32, #tpu.memory_space<hbm>> -> memref<1x1x64x128xf32, #tpu.memory_space<hbm>>
    %dma_start3A_1723 = tpu.memref_squeeze %dma_start3A_1722 : memref<1x1x64x128xf32, #tpu.memory_space<hbm>> -> memref<64x128xf32, #tpu.memory_space<hbm>>
    %dma_start3A_1724 = tpu.memref_slice %arg11[%dma_start3A_1715] : memref<2x!tpu.dma_semaphore, #tpu.memory_space<semaphore_mem>> -> memref<1x!tpu.dma_semaphore, #tpu.memory_space<semaphore_mem>>
    %dma_start3A_1725 = tpu.memref_squeeze %dma_start3A_1724 : memref<1x!tpu.dma_semaphore, #tpu.memory_space<semaphore_mem>> -> memref<!tpu.dma_semaphore, #tpu.memory_space<semaphore_mem>>
    %dma_start3A_1726 = arith.constant 0 : i32
    %dma_start3A_1727 = arith.constant 0 : i32
    %dma_start3A_1728 = tpu.memref_slice %arg5[%select_n3A, %add3A_1712, %dma_start3A_1726, %dma_start3A_1727] : memref<16x50x64x128xf32, #tpu.memory_space<hbm>> -> memref<1x1x64x128xf32, #tpu.memory_space<hbm>>
    %dma_start3A_1729 = tpu.memref_squeeze %dma_start3A_1728 : memref<1x1x64x128xf32, #tpu.memory_space<hbm>> -> memref<64x128xf32, #tpu.memory_space<hbm>>
    %dma_start3A_1730 = arith.constant 0 : i32
    %dma_start3A_1731 = arith.constant 0 : i32
    %dma_start3A_1732 = tpu.memref_slice %arg7[%dma_start3A_1713, %dma_start3A_1714, %dma_start3A_1730, %dma_start3A_1731] : memref<2x5x64x128xf32, #tpu.memory_space<vmem>> -> memref<1x1x64x128xf32, #tpu.memory_space<vmem>>
    %dma_start3A_1733 = tpu.memref_squeeze %dma_start3A_1732 : memref<1x1x64x128xf32, #tpu.memory_space<vmem>> -> memref<64x128xf32, #tpu.memory_space<vmem>>
    tpu.enqueue_dma source(%dma_start3A_1733 : memref<64x128xf32, #tpu.memory_space<vmem>>) target(%dma_start3A_1729 : memref<64x128xf32, #tpu.memory_space<hbm>>) target_semaphore(%dma_start3A_1725 : memref<!tpu.dma_semaphore, #tpu.memory_space<semaphore_mem>>)
    %dma_wait3A_1734 = arith.constant 18 : i32
    %dma_wait3A_1735 = arith.constant 1 : i32
    %dma_wait3A_1736 = arith.constant 3 : i32
    %dma_wait3A_1737 = arith.constant 1 : i32
    %dma_wait3A_1738 = arith.constant 3 : i32
    %dma_wait3A_1739 = arith.constant 0 : i32
    %dma_wait3A_1740 = arith.constant 0 : i32
    %dma_wait3A_1741 = tpu.memref_slice %arg7[%dma_wait3A_1735, %dma_wait3A_1736, %dma_wait3A_1739, %dma_wait3A_1740] : memref<2x5x64x128xf32, #tpu.memory_space<vmem>> -> memref<1x1x64x128xf32, #tpu.memory_space<vmem>>
    %dma_wait3A_1742 = tpu.memref_squeeze %dma_wait3A_1741 : memref<1x1x64x128xf32, #tpu.memory_space<vmem>> -> memref<64x128xf32, #tpu.memory_space<vmem>>
    %dma_wait3A_1743 = arith.constant 0 : i32
    %dma_wait3A_1744 = tpu.memref_slice %arg6[%dma_wait3A_1734, %sub3A_1572, %dma_wait3A_1743] : memref<25x8x64xi32, #tpu.memory_space<vmem>> -> memref<1x1x64xi32, #tpu.memory_space<vmem>>
    %dma_wait3A_1745 = tpu.memref_squeeze %dma_wait3A_1744 : memref<1x1x64xi32, #tpu.memory_space<vmem>> -> memref<64xi32, #tpu.memory_space<vmem>>
    %dma_wait3A_1746 = arith.constant 0 : i32
    %dma_wait3A_1747 = arith.constant 0 : i32
    %dma_wait3A_1748 = tpu.memref_slice %arg8[%dma_wait3A_1746, %dma_wait3A_1747] : memref<1000x128xf32, #tpu.memory_space<vmem_shared>> -> memref<1000x128xf32, #tpu.memory_space<vmem_shared>>
    %dma_wait3A_1749 = tpu.memref_slice %arg10[%dma_wait3A_1737, %dma_wait3A_1738] : memref<2x5x!tpu.dma_semaphore, #tpu.memory_space<semaphore_mem>> -> memref<1x1x!tpu.dma_semaphore, #tpu.memory_space<semaphore_mem>>
    %dma_wait3A_1750 = tpu.memref_squeeze %dma_wait3A_1749 : memref<1x1x!tpu.dma_semaphore, #tpu.memory_space<semaphore_mem>> -> memref<!tpu.dma_semaphore, #tpu.memory_space<semaphore_mem>>
    tpu.wait_indirect_dma semaphore(%dma_wait3A_1750 : memref<!tpu.dma_semaphore, #tpu.memory_space<semaphore_mem>>) src(%dma_wait3A_1748 : memref<1000x128xf32, #tpu.memory_space<vmem_shared>>) dst(%dma_wait3A_1742 : memref<64x128xf32, #tpu.memory_space<vmem>>)
    %add3A_1751 = arith.constant 15 : i32
    %add3A_1752 = arith.addi %mul3A_58, %add3A_1751 : i32
    %add3A_1753 = arith.constant 3 : i32
    %add3A_1754 = arith.addi %add3A_1752, %add3A_1753 : i32
    %dma_start3A_1755 = arith.constant 1 : i32
    %dma_start3A_1756 = arith.constant 3 : i32
    %dma_start3A_1757 = arith.constant 1 : i32
    %dma_start3A_1758 = arith.constant 0 : i32
    %dma_start3A_1759 = arith.constant 0 : i32
    %dma_start3A_1760 = tpu.memref_slice %arg7[%dma_start3A_1755, %dma_start3A_1756, %dma_start3A_1758, %dma_start3A_1759] : memref<2x5x64x128xf32, #tpu.memory_space<vmem>> -> memref<1x1x64x128xf32, #tpu.memory_space<vmem>>
    %dma_start3A_1761 = tpu.memref_squeeze %dma_start3A_1760 : memref<1x1x64x128xf32, #tpu.memory_space<vmem>> -> memref<64x128xf32, #tpu.memory_space<vmem>>
    %dma_start3A_1762 = arith.constant 0 : i32
    %dma_start3A_1763 = arith.constant 0 : i32
    %dma_start3A_1764 = tpu.memref_slice %arg5[%select_n3A, %add3A_1754, %dma_start3A_1762, %dma_start3A_1763] : memref<16x50x64x128xf32, #tpu.memory_space<hbm>> -> memref<1x1x64x128xf32, #tpu.memory_space<hbm>>
    %dma_start3A_1765 = tpu.memref_squeeze %dma_start3A_1764 : memref<1x1x64x128xf32, #tpu.memory_space<hbm>> -> memref<64x128xf32, #tpu.memory_space<hbm>>
    %dma_start3A_1766 = tpu.memref_slice %arg11[%dma_start3A_1757] : memref<2x!tpu.dma_semaphore, #tpu.memory_space<semaphore_mem>> -> memref<1x!tpu.dma_semaphore, #tpu.memory_space<semaphore_mem>>
    %dma_start3A_1767 = tpu.memref_squeeze %dma_start3A_1766 : memref<1x!tpu.dma_semaphore, #tpu.memory_space<semaphore_mem>> -> memref<!tpu.dma_semaphore, #tpu.memory_space<semaphore_mem>>
    %dma_start3A_1768 = arith.constant 0 : i32
    %dma_start3A_1769 = arith.constant 0 : i32
    %dma_start3A_1770 = tpu.memref_slice %arg5[%select_n3A, %add3A_1754, %dma_start3A_1768, %dma_start3A_1769] : memref<16x50x64x128xf32, #tpu.memory_space<hbm>> -> memref<1x1x64x128xf32, #tpu.memory_space<hbm>>
    %dma_start3A_1771 = tpu.memref_squeeze %dma_start3A_1770 : memref<1x1x64x128xf32, #tpu.memory_space<hbm>> -> memref<64x128xf32, #tpu.memory_space<hbm>>
    %dma_start3A_1772 = arith.constant 0 : i32
    %dma_start3A_1773 = arith.constant 0 : i32
    %dma_start3A_1774 = tpu.memref_slice %arg7[%dma_start3A_1755, %dma_start3A_1756, %dma_start3A_1772, %dma_start3A_1773] : memref<2x5x64x128xf32, #tpu.memory_space<vmem>> -> memref<1x1x64x128xf32, #tpu.memory_space<vmem>>
    %dma_start3A_1775 = tpu.memref_squeeze %dma_start3A_1774 : memref<1x1x64x128xf32, #tpu.memory_space<vmem>> -> memref<64x128xf32, #tpu.memory_space<vmem>>
    tpu.enqueue_dma source(%dma_start3A_1775 : memref<64x128xf32, #tpu.memory_space<vmem>>) target(%dma_start3A_1771 : memref<64x128xf32, #tpu.memory_space<hbm>>) target_semaphore(%dma_start3A_1767 : memref<!tpu.dma_semaphore, #tpu.memory_space<semaphore_mem>>)
    %dma_wait3A_1776 = arith.constant 19 : i32
    %dma_wait3A_1777 = arith.constant 1 : i32
    %dma_wait3A_1778 = arith.constant 4 : i32
    %dma_wait3A_1779 = arith.constant 1 : i32
    %dma_wait3A_1780 = arith.constant 4 : i32
    %dma_wait3A_1781 = arith.constant 0 : i32
    %dma_wait3A_1782 = arith.constant 0 : i32
    %dma_wait3A_1783 = tpu.memref_slice %arg7[%dma_wait3A_1777, %dma_wait3A_1778, %dma_wait3A_1781, %dma_wait3A_1782] : memref<2x5x64x128xf32, #tpu.memory_space<vmem>> -> memref<1x1x64x128xf32, #tpu.memory_space<vmem>>
    %dma_wait3A_1784 = tpu.memref_squeeze %dma_wait3A_1783 : memref<1x1x64x128xf32, #tpu.memory_space<vmem>> -> memref<64x128xf32, #tpu.memory_space<vmem>>
    %dma_wait3A_1785 = arith.constant 0 : i32
    %dma_wait3A_1786 = tpu.memref_slice %arg6[%dma_wait3A_1776, %sub3A_1590, %dma_wait3A_1785] : memref<25x8x64xi32, #tpu.memory_space<vmem>> -> memref<1x1x64xi32, #tpu.memory_space<vmem>>
    %dma_wait3A_1787 = tpu.memref_squeeze %dma_wait3A_1786 : memref<1x1x64xi32, #tpu.memory_space<vmem>> -> memref<64xi32, #tpu.memory_space<vmem>>
    %dma_wait3A_1788 = arith.constant 0 : i32
    %dma_wait3A_1789 = arith.constant 0 : i32
    %dma_wait3A_1790 = tpu.memref_slice %arg8[%dma_wait3A_1788, %dma_wait3A_1789] : memref<1000x128xf32, #tpu.memory_space<vmem_shared>> -> memref<1000x128xf32, #tpu.memory_space<vmem_shared>>
    %dma_wait3A_1791 = tpu.memref_slice %arg10[%dma_wait3A_1779, %dma_wait3A_1780] : memref<2x5x!tpu.dma_semaphore, #tpu.memory_space<semaphore_mem>> -> memref<1x1x!tpu.dma_semaphore, #tpu.memory_space<semaphore_mem>>
    %dma_wait3A_1792 = tpu.memref_squeeze %dma_wait3A_1791 : memref<1x1x!tpu.dma_semaphore, #tpu.memory_space<semaphore_mem>> -> memref<!tpu.dma_semaphore, #tpu.memory_space<semaphore_mem>>
    tpu.wait_indirect_dma semaphore(%dma_wait3A_1792 : memref<!tpu.dma_semaphore, #tpu.memory_space<semaphore_mem>>) src(%dma_wait3A_1790 : memref<1000x128xf32, #tpu.memory_space<vmem_shared>>) dst(%dma_wait3A_1784 : memref<64x128xf32, #tpu.memory_space<vmem>>)
    %add3A_1793 = arith.constant 15 : i32
    %add3A_1794 = arith.addi %mul3A_58, %add3A_1793 : i32
    %add3A_1795 = arith.constant 4 : i32
    %add3A_1796 = arith.addi %add3A_1794, %add3A_1795 : i32
    %dma_start3A_1797 = arith.constant 1 : i32
    %dma_start3A_1798 = arith.constant 4 : i32
    %dma_start3A_1799 = arith.constant 1 : i32
    %dma_start3A_1800 = arith.constant 0 : i32
    %dma_start3A_1801 = arith.constant 0 : i32
    %dma_start3A_1802 = tpu.memref_slice %arg7[%dma_start3A_1797, %dma_start3A_1798, %dma_start3A_1800, %dma_start3A_1801] : memref<2x5x64x128xf32, #tpu.memory_space<vmem>> -> memref<1x1x64x128xf32, #tpu.memory_space<vmem>>
    %dma_start3A_1803 = tpu.memref_squeeze %dma_start3A_1802 : memref<1x1x64x128xf32, #tpu.memory_space<vmem>> -> memref<64x128xf32, #tpu.memory_space<vmem>>
    %dma_start3A_1804 = arith.constant 0 : i32
    %dma_start3A_1805 = arith.constant 0 : i32
    %dma_start3A_1806 = tpu.memref_slice %arg5[%select_n3A, %add3A_1796, %dma_start3A_1804, %dma_start3A_1805] : memref<16x50x64x128xf32, #tpu.memory_space<hbm>> -> memref<1x1x64x128xf32, #tpu.memory_space<hbm>>
    %dma_start3A_1807 = tpu.memref_squeeze %dma_start3A_1806 : memref<1x1x64x128xf32, #tpu.memory_space<hbm>> -> memref<64x128xf32, #tpu.memory_space<hbm>>
    %dma_start3A_1808 = tpu.memref_slice %arg11[%dma_start3A_1799] : memref<2x!tpu.dma_semaphore, #tpu.memory_space<semaphore_mem>> -> memref<1x!tpu.dma_semaphore, #tpu.memory_space<semaphore_mem>>
    %dma_start3A_1809 = tpu.memref_squeeze %dma_start3A_1808 : memref<1x!tpu.dma_semaphore, #tpu.memory_space<semaphore_mem>> -> memref<!tpu.dma_semaphore, #tpu.memory_space<semaphore_mem>>
    %dma_start3A_1810 = arith.constant 0 : i32
    %dma_start3A_1811 = arith.constant 0 : i32
    %dma_start3A_1812 = tpu.memref_slice %arg5[%select_n3A, %add3A_1796, %dma_start3A_1810, %dma_start3A_1811] : memref<16x50x64x128xf32, #tpu.memory_space<hbm>> -> memref<1x1x64x128xf32, #tpu.memory_space<hbm>>
    %dma_start3A_1813 = tpu.memref_squeeze %dma_start3A_1812 : memref<1x1x64x128xf32, #tpu.memory_space<hbm>> -> memref<64x128xf32, #tpu.memory_space<hbm>>
    %dma_start3A_1814 = arith.constant 0 : i32
    %dma_start3A_1815 = arith.constant 0 : i32
    %dma_start3A_1816 = tpu.memref_slice %arg7[%dma_start3A_1797, %dma_start3A_1798, %dma_start3A_1814, %dma_start3A_1815] : memref<2x5x64x128xf32, #tpu.memory_space<vmem>> -> memref<1x1x64x128xf32, #tpu.memory_space<vmem>>
    %dma_start3A_1817 = tpu.memref_squeeze %dma_start3A_1816 : memref<1x1x64x128xf32, #tpu.memory_space<vmem>> -> memref<64x128xf32, #tpu.memory_space<vmem>>
    tpu.enqueue_dma source(%dma_start3A_1817 : memref<64x128xf32, #tpu.memory_space<vmem>>) target(%dma_start3A_1813 : memref<64x128xf32, #tpu.memory_space<hbm>>) target_semaphore(%dma_start3A_1809 : memref<!tpu.dma_semaphore, #tpu.memory_space<semaphore_mem>>)
    %dma_wait3A_1818 = arith.constant 0 : i32
    %dma_wait3A_1819 = arith.constant 0 : i32
    %dma_wait3A_1820 = arith.constant 0 : i32
    %dma_wait3A_1821 = arith.constant 0 : i32
    %dma_wait3A_1822 = arith.constant 0 : i32
    %dma_wait3A_1823 = tpu.memref_slice %arg7[%dma_wait3A_1818, %dma_wait3A_1820, %dma_wait3A_1821, %dma_wait3A_1822] : memref<2x5x64x128xf32, #tpu.memory_space<vmem>> -> memref<1x5x64x128xf32, #tpu.memory_space<vmem>>
    %dma_wait3A_1824 = tpu.memref_squeeze %dma_wait3A_1823 : memref<1x5x64x128xf32, #tpu.memory_space<vmem>> -> memref<5x64x128xf32, #tpu.memory_space<vmem>>
    %dma_wait3A_1825 = arith.constant 0 : i32
    %dma_wait3A_1826 = arith.constant 0 : i32
    %dma_wait3A_1827 = tpu.memref_slice %arg2[%select_n3A, %add3A_1473, %dma_wait3A_1825, %dma_wait3A_1826] : memref<16x50x64x128xf32, #tpu.memory_space<hbm>> -> memref<1x5x64x128xf32, #tpu.memory_space<hbm>>
    %dma_wait3A_1828 = tpu.memref_squeeze %dma_wait3A_1827 : memref<1x5x64x128xf32, #tpu.memory_space<hbm>> -> memref<5x64x128xf32, #tpu.memory_space<hbm>>
    %dma_wait3A_1829 = tpu.memref_slice %arg9[%dma_wait3A_1819] : memref<2x!tpu.dma_semaphore, #tpu.memory_space<semaphore_mem>> -> memref<1x!tpu.dma_semaphore, #tpu.memory_space<semaphore_mem>>
    %dma_wait3A_1830 = tpu.memref_squeeze %dma_wait3A_1829 : memref<1x!tpu.dma_semaphore, #tpu.memory_space<semaphore_mem>> -> memref<!tpu.dma_semaphore, #tpu.memory_space<semaphore_mem>>
    %dma_wait3A_1831 = arith.constant 0 : i32
    %dma_wait3A_1832 = arith.constant 0 : i32
    %dma_wait3A_1833 = arith.constant 0 : i32
    %dma_wait3A_1834 = tpu.memref_slice %arg7[%dma_wait3A_1818, %dma_wait3A_1831, %dma_wait3A_1832, %dma_wait3A_1833] : memref<2x5x64x128xf32, #tpu.memory_space<vmem>> -> memref<1x5x64x128xf32, #tpu.memory_space<vmem>>
    %dma_wait3A_1835 = tpu.memref_squeeze %dma_wait3A_1834 : memref<1x5x64x128xf32, #tpu.memory_space<vmem>> -> memref<5x64x128xf32, #tpu.memory_space<vmem>>
    %dma_wait3A_1836 = arith.constant 0 : i32
    %dma_wait3A_1837 = arith.constant 0 : i32
    %dma_wait3A_1838 = tpu.memref_slice %arg2[%select_n3A, %add3A_1473, %dma_wait3A_1836, %dma_wait3A_1837] : memref<16x50x64x128xf32, #tpu.memory_space<hbm>> -> memref<1x5x64x128xf32, #tpu.memory_space<hbm>>
    %dma_wait3A_1839 = tpu.memref_squeeze %dma_wait3A_1838 : memref<1x5x64x128xf32, #tpu.memory_space<hbm>> -> memref<5x64x128xf32, #tpu.memory_space<hbm>>
    tpu.wait_dma2 semaphore(%dma_wait3A_1830 : memref<!tpu.dma_semaphore, #tpu.memory_space<semaphore_mem>>) src(%dma_wait3A_1839 : memref<5x64x128xf32, #tpu.memory_space<hbm>>) dst(%dma_wait3A_1835 : memref<5x64x128xf32, #tpu.memory_space<vmem>>)
    %sub3A_1840 = arith.subi %select_n3A, %mul3A_42 : i32
    %dma_start3A_1841 = arith.constant 20 : i32
    %dma_start3A_1842 = arith.constant 0 : i32
    %dma_start3A_1843 = arith.constant 0 : i32
    %dma_start3A_1844 = arith.constant 0 : i32
    %dma_start3A_1845 = arith.constant 0 : i32
    %dma_start3A_1846 = arith.constant 0 : i32
    %dma_start3A_1847 = arith.constant 0 : i32
    %dma_start3A_1848 = tpu.memref_slice %arg7[%dma_start3A_1842, %dma_start3A_1843, %dma_start3A_1846, %dma_start3A_1847] : memref<2x5x64x128xf32, #tpu.memory_space<vmem>> -> memref<1x1x64x128xf32, #tpu.memory_space<vmem>>
    %dma_start3A_1849 = tpu.memref_squeeze %dma_start3A_1848 : memref<1x1x64x128xf32, #tpu.memory_space<vmem>> -> memref<64x128xf32, #tpu.memory_space<vmem>>
    %dma_start3A_1850 = arith.constant 0 : i32
    %dma_start3A_1851 = tpu.memref_slice %arg6[%dma_start3A_1841, %sub3A_1840, %dma_start3A_1850] : memref<25x8x64xi32, #tpu.memory_space<vmem>> -> memref<1x1x64xi32, #tpu.memory_space<vmem>>
    %dma_start3A_1852 = tpu.memref_squeeze %dma_start3A_1851 : memref<1x1x64xi32, #tpu.memory_space<vmem>> -> memref<64xi32, #tpu.memory_space<vmem>>
    %dma_start3A_1853 = arith.constant 0 : i32
    %dma_start3A_1854 = arith.constant 0 : i32
    %dma_start3A_1855 = tpu.memref_slice %arg8[%dma_start3A_1853, %dma_start3A_1854] : memref<1000x128xf32, #tpu.memory_space<vmem_shared>> -> memref<1000x128xf32, #tpu.memory_space<vmem_shared>>
    %dma_start3A_1856 = tpu.memref_slice %arg10[%dma_start3A_1844, %dma_start3A_1845] : memref<2x5x!tpu.dma_semaphore, #tpu.memory_space<semaphore_mem>> -> memref<1x1x!tpu.dma_semaphore, #tpu.memory_space<semaphore_mem>>
    %dma_start3A_1857 = tpu.memref_squeeze %dma_start3A_1856 : memref<1x1x!tpu.dma_semaphore, #tpu.memory_space<semaphore_mem>> -> memref<!tpu.dma_semaphore, #tpu.memory_space<semaphore_mem>>
    tpu.enqueue_indirect_dma source(%dma_start3A_1855 : memref<1000x128xf32, #tpu.memory_space<vmem_shared>>) target(%dma_start3A_1849 : memref<64x128xf32, #tpu.memory_space<vmem>>) offsets(%dma_start3A_1852 : memref<64xi32, #tpu.memory_space<vmem>>) semaphore(%dma_start3A_1857 : memref<!tpu.dma_semaphore, #tpu.memory_space<semaphore_mem>>) {add = true}
    %sub3A_1858 = arith.subi %select_n3A, %mul3A_42 : i32
    %dma_start3A_1859 = arith.constant 21 : i32
    %dma_start3A_1860 = arith.constant 0 : i32
    %dma_start3A_1861 = arith.constant 1 : i32
    %dma_start3A_1862 = arith.constant 0 : i32
    %dma_start3A_1863 = arith.constant 1 : i32
    %dma_start3A_1864 = arith.constant 0 : i32
    %dma_start3A_1865 = arith.constant 0 : i32
    %dma_start3A_1866 = tpu.memref_slice %arg7[%dma_start3A_1860, %dma_start3A_1861, %dma_start3A_1864, %dma_start3A_1865] : memref<2x5x64x128xf32, #tpu.memory_space<vmem>> -> memref<1x1x64x128xf32, #tpu.memory_space<vmem>>
    %dma_start3A_1867 = tpu.memref_squeeze %dma_start3A_1866 : memref<1x1x64x128xf32, #tpu.memory_space<vmem>> -> memref<64x128xf32, #tpu.memory_space<vmem>>
    %dma_start3A_1868 = arith.constant 0 : i32
    %dma_start3A_1869 = tpu.memref_slice %arg6[%dma_start3A_1859, %sub3A_1858, %dma_start3A_1868] : memref<25x8x64xi32, #tpu.memory_space<vmem>> -> memref<1x1x64xi32, #tpu.memory_space<vmem>>
    %dma_start3A_1870 = tpu.memref_squeeze %dma_start3A_1869 : memref<1x1x64xi32, #tpu.memory_space<vmem>> -> memref<64xi32, #tpu.memory_space<vmem>>
    %dma_start3A_1871 = arith.constant 0 : i32
    %dma_start3A_1872 = arith.constant 0 : i32
    %dma_start3A_1873 = tpu.memref_slice %arg8[%dma_start3A_1871, %dma_start3A_1872] : memref<1000x128xf32, #tpu.memory_space<vmem_shared>> -> memref<1000x128xf32, #tpu.memory_space<vmem_shared>>
    %dma_start3A_1874 = tpu.memref_slice %arg10[%dma_start3A_1862, %dma_start3A_1863] : memref<2x5x!tpu.dma_semaphore, #tpu.memory_space<semaphore_mem>> -> memref<1x1x!tpu.dma_semaphore, #tpu.memory_space<semaphore_mem>>
    %dma_start3A_1875 = tpu.memref_squeeze %dma_start3A_1874 : memref<1x1x!tpu.dma_semaphore, #tpu.memory_space<semaphore_mem>> -> memref<!tpu.dma_semaphore, #tpu.memory_space<semaphore_mem>>
    tpu.enqueue_indirect_dma source(%dma_start3A_1873 : memref<1000x128xf32, #tpu.memory_space<vmem_shared>>) target(%dma_start3A_1867 : memref<64x128xf32, #tpu.memory_space<vmem>>) offsets(%dma_start3A_1870 : memref<64xi32, #tpu.memory_space<vmem>>) semaphore(%dma_start3A_1875 : memref<!tpu.dma_semaphore, #tpu.memory_space<semaphore_mem>>) {add = true}
    %sub3A_1876 = arith.subi %select_n3A, %mul3A_42 : i32
    %dma_start3A_1877 = arith.constant 22 : i32
    %dma_start3A_1878 = arith.constant 0 : i32
    %dma_start3A_1879 = arith.constant 2 : i32
    %dma_start3A_1880 = arith.constant 0 : i32
    %dma_start3A_1881 = arith.constant 2 : i32
    %dma_start3A_1882 = arith.constant 0 : i32
    %dma_start3A_1883 = arith.constant 0 : i32
    %dma_start3A_1884 = tpu.memref_slice %arg7[%dma_start3A_1878, %dma_start3A_1879, %dma_start3A_1882, %dma_start3A_1883] : memref<2x5x64x128xf32, #tpu.memory_space<vmem>> -> memref<1x1x64x128xf32, #tpu.memory_space<vmem>>
    %dma_start3A_1885 = tpu.memref_squeeze %dma_start3A_1884 : memref<1x1x64x128xf32, #tpu.memory_space<vmem>> -> memref<64x128xf32, #tpu.memory_space<vmem>>
    %dma_start3A_1886 = arith.constant 0 : i32
    %dma_start3A_1887 = tpu.memref_slice %arg6[%dma_start3A_1877, %sub3A_1876, %dma_start3A_1886] : memref<25x8x64xi32, #tpu.memory_space<vmem>> -> memref<1x1x64xi32, #tpu.memory_space<vmem>>
    %dma_start3A_1888 = tpu.memref_squeeze %dma_start3A_1887 : memref<1x1x64xi32, #tpu.memory_space<vmem>> -> memref<64xi32, #tpu.memory_space<vmem>>
    %dma_start3A_1889 = arith.constant 0 : i32
    %dma_start3A_1890 = arith.constant 0 : i32
    %dma_start3A_1891 = tpu.memref_slice %arg8[%dma_start3A_1889, %dma_start3A_1890] : memref<1000x128xf32, #tpu.memory_space<vmem_shared>> -> memref<1000x128xf32, #tpu.memory_space<vmem_shared>>
    %dma_start3A_1892 = tpu.memref_slice %arg10[%dma_start3A_1880, %dma_start3A_1881] : memref<2x5x!tpu.dma_semaphore, #tpu.memory_space<semaphore_mem>> -> memref<1x1x!tpu.dma_semaphore, #tpu.memory_space<semaphore_mem>>
    %dma_start3A_1893 = tpu.memref_squeeze %dma_start3A_1892 : memref<1x1x!tpu.dma_semaphore, #tpu.memory_space<semaphore_mem>> -> memref<!tpu.dma_semaphore, #tpu.memory_space<semaphore_mem>>
    tpu.enqueue_indirect_dma source(%dma_start3A_1891 : memref<1000x128xf32, #tpu.memory_space<vmem_shared>>) target(%dma_start3A_1885 : memref<64x128xf32, #tpu.memory_space<vmem>>) offsets(%dma_start3A_1888 : memref<64xi32, #tpu.memory_space<vmem>>) semaphore(%dma_start3A_1893 : memref<!tpu.dma_semaphore, #tpu.memory_space<semaphore_mem>>) {add = true}
    %sub3A_1894 = arith.subi %select_n3A, %mul3A_42 : i32
    %dma_start3A_1895 = arith.constant 23 : i32
    %dma_start3A_1896 = arith.constant 0 : i32
    %dma_start3A_1897 = arith.constant 3 : i32
    %dma_start3A_1898 = arith.constant 0 : i32
    %dma_start3A_1899 = arith.constant 3 : i32
    %dma_start3A_1900 = arith.constant 0 : i32
    %dma_start3A_1901 = arith.constant 0 : i32
    %dma_start3A_1902 = tpu.memref_slice %arg7[%dma_start3A_1896, %dma_start3A_1897, %dma_start3A_1900, %dma_start3A_1901] : memref<2x5x64x128xf32, #tpu.memory_space<vmem>> -> memref<1x1x64x128xf32, #tpu.memory_space<vmem>>
    %dma_start3A_1903 = tpu.memref_squeeze %dma_start3A_1902 : memref<1x1x64x128xf32, #tpu.memory_space<vmem>> -> memref<64x128xf32, #tpu.memory_space<vmem>>
    %dma_start3A_1904 = arith.constant 0 : i32
    %dma_start3A_1905 = tpu.memref_slice %arg6[%dma_start3A_1895, %sub3A_1894, %dma_start3A_1904] : memref<25x8x64xi32, #tpu.memory_space<vmem>> -> memref<1x1x64xi32, #tpu.memory_space<vmem>>
    %dma_start3A_1906 = tpu.memref_squeeze %dma_start3A_1905 : memref<1x1x64xi32, #tpu.memory_space<vmem>> -> memref<64xi32, #tpu.memory_space<vmem>>
    %dma_start3A_1907 = arith.constant 0 : i32
    %dma_start3A_1908 = arith.constant 0 : i32
    %dma_start3A_1909 = tpu.memref_slice %arg8[%dma_start3A_1907, %dma_start3A_1908] : memref<1000x128xf32, #tpu.memory_space<vmem_shared>> -> memref<1000x128xf32, #tpu.memory_space<vmem_shared>>
    %dma_start3A_1910 = tpu.memref_slice %arg10[%dma_start3A_1898, %dma_start3A_1899] : memref<2x5x!tpu.dma_semaphore, #tpu.memory_space<semaphore_mem>> -> memref<1x1x!tpu.dma_semaphore, #tpu.memory_space<semaphore_mem>>
    %dma_start3A_1911 = tpu.memref_squeeze %dma_start3A_1910 : memref<1x1x!tpu.dma_semaphore, #tpu.memory_space<semaphore_mem>> -> memref<!tpu.dma_semaphore, #tpu.memory_space<semaphore_mem>>
    tpu.enqueue_indirect_dma source(%dma_start3A_1909 : memref<1000x128xf32, #tpu.memory_space<vmem_shared>>) target(%dma_start3A_1903 : memref<64x128xf32, #tpu.memory_space<vmem>>) offsets(%dma_start3A_1906 : memref<64xi32, #tpu.memory_space<vmem>>) semaphore(%dma_start3A_1911 : memref<!tpu.dma_semaphore, #tpu.memory_space<semaphore_mem>>) {add = true}
    %sub3A_1912 = arith.subi %select_n3A, %mul3A_42 : i32
    %dma_start3A_1913 = arith.constant 24 : i32
    %dma_start3A_1914 = arith.constant 0 : i32
    %dma_start3A_1915 = arith.constant 4 : i32
    %dma_start3A_1916 = arith.constant 0 : i32
    %dma_start3A_1917 = arith.constant 4 : i32
    %dma_start3A_1918 = arith.constant 0 : i32
    %dma_start3A_1919 = arith.constant 0 : i32
    %dma_start3A_1920 = tpu.memref_slice %arg7[%dma_start3A_1914, %dma_start3A_1915, %dma_start3A_1918, %dma_start3A_1919] : memref<2x5x64x128xf32, #tpu.memory_space<vmem>> -> memref<1x1x64x128xf32, #tpu.memory_space<vmem>>
    %dma_start3A_1921 = tpu.memref_squeeze %dma_start3A_1920 : memref<1x1x64x128xf32, #tpu.memory_space<vmem>> -> memref<64x128xf32, #tpu.memory_space<vmem>>
    %dma_start3A_1922 = arith.constant 0 : i32
    %dma_start3A_1923 = tpu.memref_slice %arg6[%dma_start3A_1913, %sub3A_1912, %dma_start3A_1922] : memref<25x8x64xi32, #tpu.memory_space<vmem>> -> memref<1x1x64xi32, #tpu.memory_space<vmem>>
    %dma_start3A_1924 = tpu.memref_squeeze %dma_start3A_1923 : memref<1x1x64xi32, #tpu.memory_space<vmem>> -> memref<64xi32, #tpu.memory_space<vmem>>
    %dma_start3A_1925 = arith.constant 0 : i32
    %dma_start3A_1926 = arith.constant 0 : i32
    %dma_start3A_1927 = tpu.memref_slice %arg8[%dma_start3A_1925, %dma_start3A_1926] : memref<1000x128xf32, #tpu.memory_space<vmem_shared>> -> memref<1000x128xf32, #tpu.memory_space<vmem_shared>>
    %dma_start3A_1928 = tpu.memref_slice %arg10[%dma_start3A_1916, %dma_start3A_1917] : memref<2x5x!tpu.dma_semaphore, #tpu.memory_space<semaphore_mem>> -> memref<1x1x!tpu.dma_semaphore, #tpu.memory_space<semaphore_mem>>
    %dma_start3A_1929 = tpu.memref_squeeze %dma_start3A_1928 : memref<1x1x!tpu.dma_semaphore, #tpu.memory_space<semaphore_mem>> -> memref<!tpu.dma_semaphore, #tpu.memory_space<semaphore_mem>>
    tpu.enqueue_indirect_dma source(%dma_start3A_1927 : memref<1000x128xf32, #tpu.memory_space<vmem_shared>>) target(%dma_start3A_1921 : memref<64x128xf32, #tpu.memory_space<vmem>>) offsets(%dma_start3A_1924 : memref<64xi32, #tpu.memory_space<vmem>>) semaphore(%dma_start3A_1929 : memref<!tpu.dma_semaphore, #tpu.memory_space<semaphore_mem>>) {add = true}
    %dma_wait3A_1930 = arith.constant 20 : i32
    %dma_wait3A_1931 = arith.constant 0 : i32
    %dma_wait3A_1932 = arith.constant 0 : i32
    %dma_wait3A_1933 = arith.constant 0 : i32
    %dma_wait3A_1934 = arith.constant 0 : i32
    %dma_wait3A_1935 = arith.constant 0 : i32
    %dma_wait3A_1936 = arith.constant 0 : i32
    %dma_wait3A_1937 = tpu.memref_slice %arg7[%dma_wait3A_1931, %dma_wait3A_1932, %dma_wait3A_1935, %dma_wait3A_1936] : memref<2x5x64x128xf32, #tpu.memory_space<vmem>> -> memref<1x1x64x128xf32, #tpu.memory_space<vmem>>
    %dma_wait3A_1938 = tpu.memref_squeeze %dma_wait3A_1937 : memref<1x1x64x128xf32, #tpu.memory_space<vmem>> -> memref<64x128xf32, #tpu.memory_space<vmem>>
    %dma_wait3A_1939 = arith.constant 0 : i32
    %dma_wait3A_1940 = tpu.memref_slice %arg6[%dma_wait3A_1930, %sub3A_1840, %dma_wait3A_1939] : memref<25x8x64xi32, #tpu.memory_space<vmem>> -> memref<1x1x64xi32, #tpu.memory_space<vmem>>
    %dma_wait3A_1941 = tpu.memref_squeeze %dma_wait3A_1940 : memref<1x1x64xi32, #tpu.memory_space<vmem>> -> memref<64xi32, #tpu.memory_space<vmem>>
    %dma_wait3A_1942 = arith.constant 0 : i32
    %dma_wait3A_1943 = arith.constant 0 : i32
    %dma_wait3A_1944 = tpu.memref_slice %arg8[%dma_wait3A_1942, %dma_wait3A_1943] : memref<1000x128xf32, #tpu.memory_space<vmem_shared>> -> memref<1000x128xf32, #tpu.memory_space<vmem_shared>>
    %dma_wait3A_1945 = tpu.memref_slice %arg10[%dma_wait3A_1933, %dma_wait3A_1934] : memref<2x5x!tpu.dma_semaphore, #tpu.memory_space<semaphore_mem>> -> memref<1x1x!tpu.dma_semaphore, #tpu.memory_space<semaphore_mem>>
    %dma_wait3A_1946 = tpu.memref_squeeze %dma_wait3A_1945 : memref<1x1x!tpu.dma_semaphore, #tpu.memory_space<semaphore_mem>> -> memref<!tpu.dma_semaphore, #tpu.memory_space<semaphore_mem>>
    tpu.wait_indirect_dma semaphore(%dma_wait3A_1946 : memref<!tpu.dma_semaphore, #tpu.memory_space<semaphore_mem>>) src(%dma_wait3A_1944 : memref<1000x128xf32, #tpu.memory_space<vmem_shared>>) dst(%dma_wait3A_1938 : memref<64x128xf32, #tpu.memory_space<vmem>>)
    %add3A_1947 = arith.constant 20 : i32
    %add3A_1948 = arith.addi %mul3A_58, %add3A_1947 : i32
    %add3A_1949 = arith.constant 0 : i32
    %add3A_1950 = arith.addi %add3A_1948, %add3A_1949 : i32
    %dma_start3A_1951 = arith.constant 0 : i32
    %dma_start3A_1952 = arith.constant 0 : i32
    %dma_start3A_1953 = arith.constant 0 : i32
    %dma_start3A_1954 = arith.constant 0 : i32
    %dma_start3A_1955 = arith.constant 0 : i32
    %dma_start3A_1956 = tpu.memref_slice %arg7[%dma_start3A_1951, %dma_start3A_1952, %dma_start3A_1954, %dma_start3A_1955] : memref<2x5x64x128xf32, #tpu.memory_space<vmem>> -> memref<1x1x64x128xf32, #tpu.memory_space<vmem>>
    %dma_start3A_1957 = tpu.memref_squeeze %dma_start3A_1956 : memref<1x1x64x128xf32, #tpu.memory_space<vmem>> -> memref<64x128xf32, #tpu.memory_space<vmem>>
    %dma_start3A_1958 = arith.constant 0 : i32
    %dma_start3A_1959 = arith.constant 0 : i32
    %dma_start3A_1960 = tpu.memref_slice %arg5[%select_n3A, %add3A_1950, %dma_start3A_1958, %dma_start3A_1959] : memref<16x50x64x128xf32, #tpu.memory_space<hbm>> -> memref<1x1x64x128xf32, #tpu.memory_space<hbm>>
    %dma_start3A_1961 = tpu.memref_squeeze %dma_start3A_1960 : memref<1x1x64x128xf32, #tpu.memory_space<hbm>> -> memref<64x128xf32, #tpu.memory_space<hbm>>
    %dma_start3A_1962 = tpu.memref_slice %arg11[%dma_start3A_1953] : memref<2x!tpu.dma_semaphore, #tpu.memory_space<semaphore_mem>> -> memref<1x!tpu.dma_semaphore, #tpu.memory_space<semaphore_mem>>
    %dma_start3A_1963 = tpu.memref_squeeze %dma_start3A_1962 : memref<1x!tpu.dma_semaphore, #tpu.memory_space<semaphore_mem>> -> memref<!tpu.dma_semaphore, #tpu.memory_space<semaphore_mem>>
    %dma_start3A_1964 = arith.constant 0 : i32
    %dma_start3A_1965 = arith.constant 0 : i32
    %dma_start3A_1966 = tpu.memref_slice %arg5[%select_n3A, %add3A_1950, %dma_start3A_1964, %dma_start3A_1965] : memref<16x50x64x128xf32, #tpu.memory_space<hbm>> -> memref<1x1x64x128xf32, #tpu.memory_space<hbm>>
    %dma_start3A_1967 = tpu.memref_squeeze %dma_start3A_1966 : memref<1x1x64x128xf32, #tpu.memory_space<hbm>> -> memref<64x128xf32, #tpu.memory_space<hbm>>
    %dma_start3A_1968 = arith.constant 0 : i32
    %dma_start3A_1969 = arith.constant 0 : i32
    %dma_start3A_1970 = tpu.memref_slice %arg7[%dma_start3A_1951, %dma_start3A_1952, %dma_start3A_1968, %dma_start3A_1969] : memref<2x5x64x128xf32, #tpu.memory_space<vmem>> -> memref<1x1x64x128xf32, #tpu.memory_space<vmem>>
    %dma_start3A_1971 = tpu.memref_squeeze %dma_start3A_1970 : memref<1x1x64x128xf32, #tpu.memory_space<vmem>> -> memref<64x128xf32, #tpu.memory_space<vmem>>
    tpu.enqueue_dma source(%dma_start3A_1971 : memref<64x128xf32, #tpu.memory_space<vmem>>) target(%dma_start3A_1967 : memref<64x128xf32, #tpu.memory_space<hbm>>) target_semaphore(%dma_start3A_1963 : memref<!tpu.dma_semaphore, #tpu.memory_space<semaphore_mem>>)
    %dma_wait3A_1972 = arith.constant 21 : i32
    %dma_wait3A_1973 = arith.constant 0 : i32
    %dma_wait3A_1974 = arith.constant 1 : i32
    %dma_wait3A_1975 = arith.constant 0 : i32
    %dma_wait3A_1976 = arith.constant 1 : i32
    %dma_wait3A_1977 = arith.constant 0 : i32
    %dma_wait3A_1978 = arith.constant 0 : i32
    %dma_wait3A_1979 = tpu.memref_slice %arg7[%dma_wait3A_1973, %dma_wait3A_1974, %dma_wait3A_1977, %dma_wait3A_1978] : memref<2x5x64x128xf32, #tpu.memory_space<vmem>> -> memref<1x1x64x128xf32, #tpu.memory_space<vmem>>
    %dma_wait3A_1980 = tpu.memref_squeeze %dma_wait3A_1979 : memref<1x1x64x128xf32, #tpu.memory_space<vmem>> -> memref<64x128xf32, #tpu.memory_space<vmem>>
    %dma_wait3A_1981 = arith.constant 0 : i32
    %dma_wait3A_1982 = tpu.memref_slice %arg6[%dma_wait3A_1972, %sub3A_1858, %dma_wait3A_1981] : memref<25x8x64xi32, #tpu.memory_space<vmem>> -> memref<1x1x64xi32, #tpu.memory_space<vmem>>
    %dma_wait3A_1983 = tpu.memref_squeeze %dma_wait3A_1982 : memref<1x1x64xi32, #tpu.memory_space<vmem>> -> memref<64xi32, #tpu.memory_space<vmem>>
    %dma_wait3A_1984 = arith.constant 0 : i32
    %dma_wait3A_1985 = arith.constant 0 : i32
    %dma_wait3A_1986 = tpu.memref_slice %arg8[%dma_wait3A_1984, %dma_wait3A_1985] : memref<1000x128xf32, #tpu.memory_space<vmem_shared>> -> memref<1000x128xf32, #tpu.memory_space<vmem_shared>>
    %dma_wait3A_1987 = tpu.memref_slice %arg10[%dma_wait3A_1975, %dma_wait3A_1976] : memref<2x5x!tpu.dma_semaphore, #tpu.memory_space<semaphore_mem>> -> memref<1x1x!tpu.dma_semaphore, #tpu.memory_space<semaphore_mem>>
    %dma_wait3A_1988 = tpu.memref_squeeze %dma_wait3A_1987 : memref<1x1x!tpu.dma_semaphore, #tpu.memory_space<semaphore_mem>> -> memref<!tpu.dma_semaphore, #tpu.memory_space<semaphore_mem>>
    tpu.wait_indirect_dma semaphore(%dma_wait3A_1988 : memref<!tpu.dma_semaphore, #tpu.memory_space<semaphore_mem>>) src(%dma_wait3A_1986 : memref<1000x128xf32, #tpu.memory_space<vmem_shared>>) dst(%dma_wait3A_1980 : memref<64x128xf32, #tpu.memory_space<vmem>>)
    %add3A_1989 = arith.constant 20 : i32
    %add3A_1990 = arith.addi %mul3A_58, %add3A_1989 : i32
    %add3A_1991 = arith.constant 1 : i32
    %add3A_1992 = arith.addi %add3A_1990, %add3A_1991 : i32
    %dma_start3A_1993 = arith.constant 0 : i32
    %dma_start3A_1994 = arith.constant 1 : i32
    %dma_start3A_1995 = arith.constant 0 : i32
    %dma_start3A_1996 = arith.constant 0 : i32
    %dma_start3A_1997 = arith.constant 0 : i32
    %dma_start3A_1998 = tpu.memref_slice %arg7[%dma_start3A_1993, %dma_start3A_1994, %dma_start3A_1996, %dma_start3A_1997] : memref<2x5x64x128xf32, #tpu.memory_space<vmem>> -> memref<1x1x64x128xf32, #tpu.memory_space<vmem>>
    %dma_start3A_1999 = tpu.memref_squeeze %dma_start3A_1998 : memref<1x1x64x128xf32, #tpu.memory_space<vmem>> -> memref<64x128xf32, #tpu.memory_space<vmem>>
    %dma_start3A_2000 = arith.constant 0 : i32
    %dma_start3A_2001 = arith.constant 0 : i32
    %dma_start3A_2002 = tpu.memref_slice %arg5[%select_n3A, %add3A_1992, %dma_start3A_2000, %dma_start3A_2001] : memref<16x50x64x128xf32, #tpu.memory_space<hbm>> -> memref<1x1x64x128xf32, #tpu.memory_space<hbm>>
    %dma_start3A_2003 = tpu.memref_squeeze %dma_start3A_2002 : memref<1x1x64x128xf32, #tpu.memory_space<hbm>> -> memref<64x128xf32, #tpu.memory_space<hbm>>
    %dma_start3A_2004 = tpu.memref_slice %arg11[%dma_start3A_1995] : memref<2x!tpu.dma_semaphore, #tpu.memory_space<semaphore_mem>> -> memref<1x!tpu.dma_semaphore, #tpu.memory_space<semaphore_mem>>
    %dma_start3A_2005 = tpu.memref_squeeze %dma_start3A_2004 : memref<1x!tpu.dma_semaphore, #tpu.memory_space<semaphore_mem>> -> memref<!tpu.dma_semaphore, #tpu.memory_space<semaphore_mem>>
    %dma_start3A_2006 = arith.constant 0 : i32
    %dma_start3A_2007 = arith.constant 0 : i32
    %dma_start3A_2008 = tpu.memref_slice %arg5[%select_n3A, %add3A_1992, %dma_start3A_2006, %dma_start3A_2007] : memref<16x50x64x128xf32, #tpu.memory_space<hbm>> -> memref<1x1x64x128xf32, #tpu.memory_space<hbm>>
    %dma_start3A_2009 = tpu.memref_squeeze %dma_start3A_2008 : memref<1x1x64x128xf32, #tpu.memory_space<hbm>> -> memref<64x128xf32, #tpu.memory_space<hbm>>
    %dma_start3A_2010 = arith.constant 0 : i32
    %dma_start3A_2011 = arith.constant 0 : i32
    %dma_start3A_2012 = tpu.memref_slice %arg7[%dma_start3A_1993, %dma_start3A_1994, %dma_start3A_2010, %dma_start3A_2011] : memref<2x5x64x128xf32, #tpu.memory_space<vmem>> -> memref<1x1x64x128xf32, #tpu.memory_space<vmem>>
    %dma_start3A_2013 = tpu.memref_squeeze %dma_start3A_2012 : memref<1x1x64x128xf32, #tpu.memory_space<vmem>> -> memref<64x128xf32, #tpu.memory_space<vmem>>
    tpu.enqueue_dma source(%dma_start3A_2013 : memref<64x128xf32, #tpu.memory_space<vmem>>) target(%dma_start3A_2009 : memref<64x128xf32, #tpu.memory_space<hbm>>) target_semaphore(%dma_start3A_2005 : memref<!tpu.dma_semaphore, #tpu.memory_space<semaphore_mem>>)
    %dma_wait3A_2014 = arith.constant 22 : i32
    %dma_wait3A_2015 = arith.constant 0 : i32
    %dma_wait3A_2016 = arith.constant 2 : i32
    %dma_wait3A_2017 = arith.constant 0 : i32
    %dma_wait3A_2018 = arith.constant 2 : i32
    %dma_wait3A_2019 = arith.constant 0 : i32
    %dma_wait3A_2020 = arith.constant 0 : i32
    %dma_wait3A_2021 = tpu.memref_slice %arg7[%dma_wait3A_2015, %dma_wait3A_2016, %dma_wait3A_2019, %dma_wait3A_2020] : memref<2x5x64x128xf32, #tpu.memory_space<vmem>> -> memref<1x1x64x128xf32, #tpu.memory_space<vmem>>
    %dma_wait3A_2022 = tpu.memref_squeeze %dma_wait3A_2021 : memref<1x1x64x128xf32, #tpu.memory_space<vmem>> -> memref<64x128xf32, #tpu.memory_space<vmem>>
    %dma_wait3A_2023 = arith.constant 0 : i32
    %dma_wait3A_2024 = tpu.memref_slice %arg6[%dma_wait3A_2014, %sub3A_1876, %dma_wait3A_2023] : memref<25x8x64xi32, #tpu.memory_space<vmem>> -> memref<1x1x64xi32, #tpu.memory_space<vmem>>
    %dma_wait3A_2025 = tpu.memref_squeeze %dma_wait3A_2024 : memref<1x1x64xi32, #tpu.memory_space<vmem>> -> memref<64xi32, #tpu.memory_space<vmem>>
    %dma_wait3A_2026 = arith.constant 0 : i32
    %dma_wait3A_2027 = arith.constant 0 : i32
    %dma_wait3A_2028 = tpu.memref_slice %arg8[%dma_wait3A_2026, %dma_wait3A_2027] : memref<1000x128xf32, #tpu.memory_space<vmem_shared>> -> memref<1000x128xf32, #tpu.memory_space<vmem_shared>>
    %dma_wait3A_2029 = tpu.memref_slice %arg10[%dma_wait3A_2017, %dma_wait3A_2018] : memref<2x5x!tpu.dma_semaphore, #tpu.memory_space<semaphore_mem>> -> memref<1x1x!tpu.dma_semaphore, #tpu.memory_space<semaphore_mem>>
    %dma_wait3A_2030 = tpu.memref_squeeze %dma_wait3A_2029 : memref<1x1x!tpu.dma_semaphore, #tpu.memory_space<semaphore_mem>> -> memref<!tpu.dma_semaphore, #tpu.memory_space<semaphore_mem>>
    tpu.wait_indirect_dma semaphore(%dma_wait3A_2030 : memref<!tpu.dma_semaphore, #tpu.memory_space<semaphore_mem>>) src(%dma_wait3A_2028 : memref<1000x128xf32, #tpu.memory_space<vmem_shared>>) dst(%dma_wait3A_2022 : memref<64x128xf32, #tpu.memory_space<vmem>>)
    %add3A_2031 = arith.constant 20 : i32
    %add3A_2032 = arith.addi %mul3A_58, %add3A_2031 : i32
    %add3A_2033 = arith.constant 2 : i32
    %add3A_2034 = arith.addi %add3A_2032, %add3A_2033 : i32
    %dma_start3A_2035 = arith.constant 0 : i32
    %dma_start3A_2036 = arith.constant 2 : i32
    %dma_start3A_2037 = arith.constant 0 : i32
    %dma_start3A_2038 = arith.constant 0 : i32
    %dma_start3A_2039 = arith.constant 0 : i32
    %dma_start3A_2040 = tpu.memref_slice %arg7[%dma_start3A_2035, %dma_start3A_2036, %dma_start3A_2038, %dma_start3A_2039] : memref<2x5x64x128xf32, #tpu.memory_space<vmem>> -> memref<1x1x64x128xf32, #tpu.memory_space<vmem>>
    %dma_start3A_2041 = tpu.memref_squeeze %dma_start3A_2040 : memref<1x1x64x128xf32, #tpu.memory_space<vmem>> -> memref<64x128xf32, #tpu.memory_space<vmem>>
    %dma_start3A_2042 = arith.constant 0 : i32
    %dma_start3A_2043 = arith.constant 0 : i32
    %dma_start3A_2044 = tpu.memref_slice %arg5[%select_n3A, %add3A_2034, %dma_start3A_2042, %dma_start3A_2043] : memref<16x50x64x128xf32, #tpu.memory_space<hbm>> -> memref<1x1x64x128xf32, #tpu.memory_space<hbm>>
    %dma_start3A_2045 = tpu.memref_squeeze %dma_start3A_2044 : memref<1x1x64x128xf32, #tpu.memory_space<hbm>> -> memref<64x128xf32, #tpu.memory_space<hbm>>
    %dma_start3A_2046 = tpu.memref_slice %arg11[%dma_start3A_2037] : memref<2x!tpu.dma_semaphore, #tpu.memory_space<semaphore_mem>> -> memref<1x!tpu.dma_semaphore, #tpu.memory_space<semaphore_mem>>
    %dma_start3A_2047 = tpu.memref_squeeze %dma_start3A_2046 : memref<1x!tpu.dma_semaphore, #tpu.memory_space<semaphore_mem>> -> memref<!tpu.dma_semaphore, #tpu.memory_space<semaphore_mem>>
    %dma_start3A_2048 = arith.constant 0 : i32
    %dma_start3A_2049 = arith.constant 0 : i32
    %dma_start3A_2050 = tpu.memref_slice %arg5[%select_n3A, %add3A_2034, %dma_start3A_2048, %dma_start3A_2049] : memref<16x50x64x128xf32, #tpu.memory_space<hbm>> -> memref<1x1x64x128xf32, #tpu.memory_space<hbm>>
    %dma_start3A_2051 = tpu.memref_squeeze %dma_start3A_2050 : memref<1x1x64x128xf32, #tpu.memory_space<hbm>> -> memref<64x128xf32, #tpu.memory_space<hbm>>
    %dma_start3A_2052 = arith.constant 0 : i32
    %dma_start3A_2053 = arith.constant 0 : i32
    %dma_start3A_2054 = tpu.memref_slice %arg7[%dma_start3A_2035, %dma_start3A_2036, %dma_start3A_2052, %dma_start3A_2053] : memref<2x5x64x128xf32, #tpu.memory_space<vmem>> -> memref<1x1x64x128xf32, #tpu.memory_space<vmem>>
    %dma_start3A_2055 = tpu.memref_squeeze %dma_start3A_2054 : memref<1x1x64x128xf32, #tpu.memory_space<vmem>> -> memref<64x128xf32, #tpu.memory_space<vmem>>
    tpu.enqueue_dma source(%dma_start3A_2055 : memref<64x128xf32, #tpu.memory_space<vmem>>) target(%dma_start3A_2051 : memref<64x128xf32, #tpu.memory_space<hbm>>) target_semaphore(%dma_start3A_2047 : memref<!tpu.dma_semaphore, #tpu.memory_space<semaphore_mem>>)
    %dma_wait3A_2056 = arith.constant 23 : i32
    %dma_wait3A_2057 = arith.constant 0 : i32
    %dma_wait3A_2058 = arith.constant 3 : i32
    %dma_wait3A_2059 = arith.constant 0 : i32
    %dma_wait3A_2060 = arith.constant 3 : i32
    %dma_wait3A_2061 = arith.constant 0 : i32
    %dma_wait3A_2062 = arith.constant 0 : i32
    %dma_wait3A_2063 = tpu.memref_slice %arg7[%dma_wait3A_2057, %dma_wait3A_2058, %dma_wait3A_2061, %dma_wait3A_2062] : memref<2x5x64x128xf32, #tpu.memory_space<vmem>> -> memref<1x1x64x128xf32, #tpu.memory_space<vmem>>
    %dma_wait3A_2064 = tpu.memref_squeeze %dma_wait3A_2063 : memref<1x1x64x128xf32, #tpu.memory_space<vmem>> -> memref<64x128xf32, #tpu.memory_space<vmem>>
    %dma_wait3A_2065 = arith.constant 0 : i32
    %dma_wait3A_2066 = tpu.memref_slice %arg6[%dma_wait3A_2056, %sub3A_1894, %dma_wait3A_2065] : memref<25x8x64xi32, #tpu.memory_space<vmem>> -> memref<1x1x64xi32, #tpu.memory_space<vmem>>
    %dma_wait3A_2067 = tpu.memref_squeeze %dma_wait3A_2066 : memref<1x1x64xi32, #tpu.memory_space<vmem>> -> memref<64xi32, #tpu.memory_space<vmem>>
    %dma_wait3A_2068 = arith.constant 0 : i32
    %dma_wait3A_2069 = arith.constant 0 : i32
    %dma_wait3A_2070 = tpu.memref_slice %arg8[%dma_wait3A_2068, %dma_wait3A_2069] : memref<1000x128xf32, #tpu.memory_space<vmem_shared>> -> memref<1000x128xf32, #tpu.memory_space<vmem_shared>>
    %dma_wait3A_2071 = tpu.memref_slice %arg10[%dma_wait3A_2059, %dma_wait3A_2060] : memref<2x5x!tpu.dma_semaphore, #tpu.memory_space<semaphore_mem>> -> memref<1x1x!tpu.dma_semaphore, #tpu.memory_space<semaphore_mem>>
    %dma_wait3A_2072 = tpu.memref_squeeze %dma_wait3A_2071 : memref<1x1x!tpu.dma_semaphore, #tpu.memory_space<semaphore_mem>> -> memref<!tpu.dma_semaphore, #tpu.memory_space<semaphore_mem>>
    tpu.wait_indirect_dma semaphore(%dma_wait3A_2072 : memref<!tpu.dma_semaphore, #tpu.memory_space<semaphore_mem>>) src(%dma_wait3A_2070 : memref<1000x128xf32, #tpu.memory_space<vmem_shared>>) dst(%dma_wait3A_2064 : memref<64x128xf32, #tpu.memory_space<vmem>>)
    %add3A_2073 = arith.constant 20 : i32
    %add3A_2074 = arith.addi %mul3A_58, %add3A_2073 : i32
    %add3A_2075 = arith.constant 3 : i32
    %add3A_2076 = arith.addi %add3A_2074, %add3A_2075 : i32
    %dma_start3A_2077 = arith.constant 0 : i32
    %dma_start3A_2078 = arith.constant 3 : i32
    %dma_start3A_2079 = arith.constant 0 : i32
    %dma_start3A_2080 = arith.constant 0 : i32
    %dma_start3A_2081 = arith.constant 0 : i32
    %dma_start3A_2082 = tpu.memref_slice %arg7[%dma_start3A_2077, %dma_start3A_2078, %dma_start3A_2080, %dma_start3A_2081] : memref<2x5x64x128xf32, #tpu.memory_space<vmem>> -> memref<1x1x64x128xf32, #tpu.memory_space<vmem>>
    %dma_start3A_2083 = tpu.memref_squeeze %dma_start3A_2082 : memref<1x1x64x128xf32, #tpu.memory_space<vmem>> -> memref<64x128xf32, #tpu.memory_space<vmem>>
    %dma_start3A_2084 = arith.constant 0 : i32
    %dma_start3A_2085 = arith.constant 0 : i32
    %dma_start3A_2086 = tpu.memref_slice %arg5[%select_n3A, %add3A_2076, %dma_start3A_2084, %dma_start3A_2085] : memref<16x50x64x128xf32, #tpu.memory_space<hbm>> -> memref<1x1x64x128xf32, #tpu.memory_space<hbm>>
    %dma_start3A_2087 = tpu.memref_squeeze %dma_start3A_2086 : memref<1x1x64x128xf32, #tpu.memory_space<hbm>> -> memref<64x128xf32, #tpu.memory_space<hbm>>
    %dma_start3A_2088 = tpu.memref_slice %arg11[%dma_start3A_2079] : memref<2x!tpu.dma_semaphore, #tpu.memory_space<semaphore_mem>> -> memref<1x!tpu.dma_semaphore, #tpu.memory_space<semaphore_mem>>
    %dma_start3A_2089 = tpu.memref_squeeze %dma_start3A_2088 : memref<1x!tpu.dma_semaphore, #tpu.memory_space<semaphore_mem>> -> memref<!tpu.dma_semaphore, #tpu.memory_space<semaphore_mem>>
    %dma_start3A_2090 = arith.constant 0 : i32
    %dma_start3A_2091 = arith.constant 0 : i32
    %dma_start3A_2092 = tpu.memref_slice %arg5[%select_n3A, %add3A_2076, %dma_start3A_2090, %dma_start3A_2091] : memref<16x50x64x128xf32, #tpu.memory_space<hbm>> -> memref<1x1x64x128xf32, #tpu.memory_space<hbm>>
    %dma_start3A_2093 = tpu.memref_squeeze %dma_start3A_2092 : memref<1x1x64x128xf32, #tpu.memory_space<hbm>> -> memref<64x128xf32, #tpu.memory_space<hbm>>
    %dma_start3A_2094 = arith.constant 0 : i32
    %dma_start3A_2095 = arith.constant 0 : i32
    %dma_start3A_2096 = tpu.memref_slice %arg7[%dma_start3A_2077, %dma_start3A_2078, %dma_start3A_2094, %dma_start3A_2095] : memref<2x5x64x128xf32, #tpu.memory_space<vmem>> -> memref<1x1x64x128xf32, #tpu.memory_space<vmem>>
    %dma_start3A_2097 = tpu.memref_squeeze %dma_start3A_2096 : memref<1x1x64x128xf32, #tpu.memory_space<vmem>> -> memref<64x128xf32, #tpu.memory_space<vmem>>
    tpu.enqueue_dma source(%dma_start3A_2097 : memref<64x128xf32, #tpu.memory_space<vmem>>) target(%dma_start3A_2093 : memref<64x128xf32, #tpu.memory_space<hbm>>) target_semaphore(%dma_start3A_2089 : memref<!tpu.dma_semaphore, #tpu.memory_space<semaphore_mem>>)
    %dma_wait3A_2098 = arith.constant 24 : i32
    %dma_wait3A_2099 = arith.constant 0 : i32
    %dma_wait3A_2100 = arith.constant 4 : i32
    %dma_wait3A_2101 = arith.constant 0 : i32
    %dma_wait3A_2102 = arith.constant 4 : i32
    %dma_wait3A_2103 = arith.constant 0 : i32
    %dma_wait3A_2104 = arith.constant 0 : i32
    %dma_wait3A_2105 = tpu.memref_slice %arg7[%dma_wait3A_2099, %dma_wait3A_2100, %dma_wait3A_2103, %dma_wait3A_2104] : memref<2x5x64x128xf32, #tpu.memory_space<vmem>> -> memref<1x1x64x128xf32, #tpu.memory_space<vmem>>
    %dma_wait3A_2106 = tpu.memref_squeeze %dma_wait3A_2105 : memref<1x1x64x128xf32, #tpu.memory_space<vmem>> -> memref<64x128xf32, #tpu.memory_space<vmem>>
    %dma_wait3A_2107 = arith.constant 0 : i32
    %dma_wait3A_2108 = tpu.memref_slice %arg6[%dma_wait3A_2098, %sub3A_1912, %dma_wait3A_2107] : memref<25x8x64xi32, #tpu.memory_space<vmem>> -> memref<1x1x64xi32, #tpu.memory_space<vmem>>
    %dma_wait3A_2109 = tpu.memref_squeeze %dma_wait3A_2108 : memref<1x1x64xi32, #tpu.memory_space<vmem>> -> memref<64xi32, #tpu.memory_space<vmem>>
    %dma_wait3A_2110 = arith.constant 0 : i32
    %dma_wait3A_2111 = arith.constant 0 : i32
    %dma_wait3A_2112 = tpu.memref_slice %arg8[%dma_wait3A_2110, %dma_wait3A_2111] : memref<1000x128xf32, #tpu.memory_space<vmem_shared>> -> memref<1000x128xf32, #tpu.memory_space<vmem_shared>>
    %dma_wait3A_2113 = tpu.memref_slice %arg10[%dma_wait3A_2101, %dma_wait3A_2102] : memref<2x5x!tpu.dma_semaphore, #tpu.memory_space<semaphore_mem>> -> memref<1x1x!tpu.dma_semaphore, #tpu.memory_space<semaphore_mem>>
    %dma_wait3A_2114 = tpu.memref_squeeze %dma_wait3A_2113 : memref<1x1x!tpu.dma_semaphore, #tpu.memory_space<semaphore_mem>> -> memref<!tpu.dma_semaphore, #tpu.memory_space<semaphore_mem>>
    tpu.wait_indirect_dma semaphore(%dma_wait3A_2114 : memref<!tpu.dma_semaphore, #tpu.memory_space<semaphore_mem>>) src(%dma_wait3A_2112 : memref<1000x128xf32, #tpu.memory_space<vmem_shared>>) dst(%dma_wait3A_2106 : memref<64x128xf32, #tpu.memory_space<vmem>>)
    %add3A_2115 = arith.constant 20 : i32
    %add3A_2116 = arith.addi %mul3A_58, %add3A_2115 : i32
    %add3A_2117 = arith.constant 4 : i32
    %add3A_2118 = arith.addi %add3A_2116, %add3A_2117 : i32
    %dma_start3A_2119 = arith.constant 0 : i32
    %dma_start3A_2120 = arith.constant 4 : i32
    %dma_start3A_2121 = arith.constant 0 : i32
    %dma_start3A_2122 = arith.constant 0 : i32
    %dma_start3A_2123 = arith.constant 0 : i32
    %dma_start3A_2124 = tpu.memref_slice %arg7[%dma_start3A_2119, %dma_start3A_2120, %dma_start3A_2122, %dma_start3A_2123] : memref<2x5x64x128xf32, #tpu.memory_space<vmem>> -> memref<1x1x64x128xf32, #tpu.memory_space<vmem>>
    %dma_start3A_2125 = tpu.memref_squeeze %dma_start3A_2124 : memref<1x1x64x128xf32, #tpu.memory_space<vmem>> -> memref<64x128xf32, #tpu.memory_space<vmem>>
    %dma_start3A_2126 = arith.constant 0 : i32
    %dma_start3A_2127 = arith.constant 0 : i32
    %dma_start3A_2128 = tpu.memref_slice %arg5[%select_n3A, %add3A_2118, %dma_start3A_2126, %dma_start3A_2127] : memref<16x50x64x128xf32, #tpu.memory_space<hbm>> -> memref<1x1x64x128xf32, #tpu.memory_space<hbm>>
    %dma_start3A_2129 = tpu.memref_squeeze %dma_start3A_2128 : memref<1x1x64x128xf32, #tpu.memory_space<hbm>> -> memref<64x128xf32, #tpu.memory_space<hbm>>
    %dma_start3A_2130 = tpu.memref_slice %arg11[%dma_start3A_2121] : memref<2x!tpu.dma_semaphore, #tpu.memory_space<semaphore_mem>> -> memref<1x!tpu.dma_semaphore, #tpu.memory_space<semaphore_mem>>
    %dma_start3A_2131 = tpu.memref_squeeze %dma_start3A_2130 : memref<1x!tpu.dma_semaphore, #tpu.memory_space<semaphore_mem>> -> memref<!tpu.dma_semaphore, #tpu.memory_space<semaphore_mem>>
    %dma_start3A_2132 = arith.constant 0 : i32
    %dma_start3A_2133 = arith.constant 0 : i32
    %dma_start3A_2134 = tpu.memref_slice %arg5[%select_n3A, %add3A_2118, %dma_start3A_2132, %dma_start3A_2133] : memref<16x50x64x128xf32, #tpu.memory_space<hbm>> -> memref<1x1x64x128xf32, #tpu.memory_space<hbm>>
    %dma_start3A_2135 = tpu.memref_squeeze %dma_start3A_2134 : memref<1x1x64x128xf32, #tpu.memory_space<hbm>> -> memref<64x128xf32, #tpu.memory_space<hbm>>
    %dma_start3A_2136 = arith.constant 0 : i32
    %dma_start3A_2137 = arith.constant 0 : i32
    %dma_start3A_2138 = tpu.memref_slice %arg7[%dma_start3A_2119, %dma_start3A_2120, %dma_start3A_2136, %dma_start3A_2137] : memref<2x5x64x128xf32, #tpu.memory_space<vmem>> -> memref<1x1x64x128xf32, #tpu.memory_space<vmem>>
    %dma_start3A_2139 = tpu.memref_squeeze %dma_start3A_2138 : memref<1x1x64x128xf32, #tpu.memory_space<vmem>> -> memref<64x128xf32, #tpu.memory_space<vmem>>
    tpu.enqueue_dma source(%dma_start3A_2139 : memref<64x128xf32, #tpu.memory_space<vmem>>) target(%dma_start3A_2135 : memref<64x128xf32, #tpu.memory_space<hbm>>) target_semaphore(%dma_start3A_2131 : memref<!tpu.dma_semaphore, #tpu.memory_space<semaphore_mem>>)
    %dma_wait3A_2140 = arith.constant 1 : i32
    %dma_wait3A_2141 = arith.constant 0 : i32
    %dma_wait3A_2142 = arith.constant 1 : i32
    %dma_wait3A_2143 = arith.constant 0 : i32
    %dma_wait3A_2144 = arith.constant 0 : i32
    %dma_wait3A_2145 = tpu.memref_slice %arg7[%dma_wait3A_2140, %dma_wait3A_2141, %dma_wait3A_2143, %dma_wait3A_2144] : memref<2x5x64x128xf32, #tpu.memory_space<vmem>> -> memref<1x1x64x128xf32, #tpu.memory_space<vmem>>
    %dma_wait3A_2146 = tpu.memref_squeeze %dma_wait3A_2145 : memref<1x1x64x128xf32, #tpu.memory_space<vmem>> -> memref<64x128xf32, #tpu.memory_space<vmem>>
    %dma_wait3A_2147 = arith.constant 0 : i32
    %dma_wait3A_2148 = arith.constant 0 : i32
    %dma_wait3A_2149 = tpu.memref_slice %arg5[%select_n3A, %add3A_1628, %dma_wait3A_2147, %dma_wait3A_2148] : memref<16x50x64x128xf32, #tpu.memory_space<hbm>> -> memref<1x1x64x128xf32, #tpu.memory_space<hbm>>
    %dma_wait3A_2150 = tpu.memref_squeeze %dma_wait3A_2149 : memref<1x1x64x128xf32, #tpu.memory_space<hbm>> -> memref<64x128xf32, #tpu.memory_space<hbm>>
    %dma_wait3A_2151 = tpu.memref_slice %arg11[%dma_wait3A_2142] : memref<2x!tpu.dma_semaphore, #tpu.memory_space<semaphore_mem>> -> memref<1x!tpu.dma_semaphore, #tpu.memory_space<semaphore_mem>>
    %dma_wait3A_2152 = tpu.memref_squeeze %dma_wait3A_2151 : memref<1x!tpu.dma_semaphore, #tpu.memory_space<semaphore_mem>> -> memref<!tpu.dma_semaphore, #tpu.memory_space<semaphore_mem>>
    %dma_wait3A_2153 = arith.constant 0 : i32
    %dma_wait3A_2154 = arith.constant 0 : i32
    %dma_wait3A_2155 = tpu.memref_slice %arg5[%select_n3A, %add3A_1628, %dma_wait3A_2153, %dma_wait3A_2154] : memref<16x50x64x128xf32, #tpu.memory_space<hbm>> -> memref<1x1x64x128xf32, #tpu.memory_space<hbm>>
    %dma_wait3A_2156 = tpu.memref_squeeze %dma_wait3A_2155 : memref<1x1x64x128xf32, #tpu.memory_space<hbm>> -> memref<64x128xf32, #tpu.memory_space<hbm>>
    %dma_wait3A_2157 = arith.constant 0 : i32
    %dma_wait3A_2158 = arith.constant 0 : i32
    %dma_wait3A_2159 = tpu.memref_slice %arg7[%dma_wait3A_2140, %dma_wait3A_2141, %dma_wait3A_2157, %dma_wait3A_2158] : memref<2x5x64x128xf32, #tpu.memory_space<vmem>> -> memref<1x1x64x128xf32, #tpu.memory_space<vmem>>
    %dma_wait3A_2160 = tpu.memref_squeeze %dma_wait3A_2159 : memref<1x1x64x128xf32, #tpu.memory_space<vmem>> -> memref<64x128xf32, #tpu.memory_space<vmem>>
    tpu.wait_dma2 semaphore(%dma_wait3A_2152 : memref<!tpu.dma_semaphore, #tpu.memory_space<semaphore_mem>>) src(%dma_wait3A_2160 : memref<64x128xf32, #tpu.memory_space<vmem>>) dst(%dma_wait3A_2156 : memref<64x128xf32, #tpu.memory_space<hbm>>)
    %dma_wait3A_2161 = arith.constant 1 : i32
    %dma_wait3A_2162 = arith.constant 1 : i32
    %dma_wait3A_2163 = arith.constant 1 : i32
    %dma_wait3A_2164 = arith.constant 0 : i32
    %dma_wait3A_2165 = arith.constant 0 : i32
    %dma_wait3A_2166 = tpu.memref_slice %arg7[%dma_wait3A_2161, %dma_wait3A_2162, %dma_wait3A_2164, %dma_wait3A_2165] : memref<2x5x64x128xf32, #tpu.memory_space<vmem>> -> memref<1x1x64x128xf32, #tpu.memory_space<vmem>>
    %dma_wait3A_2167 = tpu.memref_squeeze %dma_wait3A_2166 : memref<1x1x64x128xf32, #tpu.memory_space<vmem>> -> memref<64x128xf32, #tpu.memory_space<vmem>>
    %dma_wait3A_2168 = arith.constant 0 : i32
    %dma_wait3A_2169 = arith.constant 0 : i32
    %dma_wait3A_2170 = tpu.memref_slice %arg5[%select_n3A, %add3A_1670, %dma_wait3A_2168, %dma_wait3A_2169] : memref<16x50x64x128xf32, #tpu.memory_space<hbm>> -> memref<1x1x64x128xf32, #tpu.memory_space<hbm>>
    %dma_wait3A_2171 = tpu.memref_squeeze %dma_wait3A_2170 : memref<1x1x64x128xf32, #tpu.memory_space<hbm>> -> memref<64x128xf32, #tpu.memory_space<hbm>>
    %dma_wait3A_2172 = tpu.memref_slice %arg11[%dma_wait3A_2163] : memref<2x!tpu.dma_semaphore, #tpu.memory_space<semaphore_mem>> -> memref<1x!tpu.dma_semaphore, #tpu.memory_space<semaphore_mem>>
    %dma_wait3A_2173 = tpu.memref_squeeze %dma_wait3A_2172 : memref<1x!tpu.dma_semaphore, #tpu.memory_space<semaphore_mem>> -> memref<!tpu.dma_semaphore, #tpu.memory_space<semaphore_mem>>
    %dma_wait3A_2174 = arith.constant 0 : i32
    %dma_wait3A_2175 = arith.constant 0 : i32
    %dma_wait3A_2176 = tpu.memref_slice %arg5[%select_n3A, %add3A_1670, %dma_wait3A_2174, %dma_wait3A_2175] : memref<16x50x64x128xf32, #tpu.memory_space<hbm>> -> memref<1x1x64x128xf32, #tpu.memory_space<hbm>>
    %dma_wait3A_2177 = tpu.memref_squeeze %dma_wait3A_2176 : memref<1x1x64x128xf32, #tpu.memory_space<hbm>> -> memref<64x128xf32, #tpu.memory_space<hbm>>
    %dma_wait3A_2178 = arith.constant 0 : i32
    %dma_wait3A_2179 = arith.constant 0 : i32
    %dma_wait3A_2180 = tpu.memref_slice %arg7[%dma_wait3A_2161, %dma_wait3A_2162, %dma_wait3A_2178, %dma_wait3A_2179] : memref<2x5x64x128xf32, #tpu.memory_space<vmem>> -> memref<1x1x64x128xf32, #tpu.memory_space<vmem>>
    %dma_wait3A_2181 = tpu.memref_squeeze %dma_wait3A_2180 : memref<1x1x64x128xf32, #tpu.memory_space<vmem>> -> memref<64x128xf32, #tpu.memory_space<vmem>>
    tpu.wait_dma2 semaphore(%dma_wait3A_2173 : memref<!tpu.dma_semaphore, #tpu.memory_space<semaphore_mem>>) src(%dma_wait3A_2181 : memref<64x128xf32, #tpu.memory_space<vmem>>) dst(%dma_wait3A_2177 : memref<64x128xf32, #tpu.memory_space<hbm>>)
    %dma_wait3A_2182 = arith.constant 1 : i32
    %dma_wait3A_2183 = arith.constant 2 : i32
    %dma_wait3A_2184 = arith.constant 1 : i32
    %dma_wait3A_2185 = arith.constant 0 : i32
    %dma_wait3A_2186 = arith.constant 0 : i32
    %dma_wait3A_2187 = tpu.memref_slice %arg7[%dma_wait3A_2182, %dma_wait3A_2183, %dma_wait3A_2185, %dma_wait3A_2186] : memref<2x5x64x128xf32, #tpu.memory_space<vmem>> -> memref<1x1x64x128xf32, #tpu.memory_space<vmem>>
    %dma_wait3A_2188 = tpu.memref_squeeze %dma_wait3A_2187 : memref<1x1x64x128xf32, #tpu.memory_space<vmem>> -> memref<64x128xf32, #tpu.memory_space<vmem>>
    %dma_wait3A_2189 = arith.constant 0 : i32
    %dma_wait3A_2190 = arith.constant 0 : i32
    %dma_wait3A_2191 = tpu.memref_slice %arg5[%select_n3A, %add3A_1712, %dma_wait3A_2189, %dma_wait3A_2190] : memref<16x50x64x128xf32, #tpu.memory_space<hbm>> -> memref<1x1x64x128xf32, #tpu.memory_space<hbm>>
    %dma_wait3A_2192 = tpu.memref_squeeze %dma_wait3A_2191 : memref<1x1x64x128xf32, #tpu.memory_space<hbm>> -> memref<64x128xf32, #tpu.memory_space<hbm>>
    %dma_wait3A_2193 = tpu.memref_slice %arg11[%dma_wait3A_2184] : memref<2x!tpu.dma_semaphore, #tpu.memory_space<semaphore_mem>> -> memref<1x!tpu.dma_semaphore, #tpu.memory_space<semaphore_mem>>
    %dma_wait3A_2194 = tpu.memref_squeeze %dma_wait3A_2193 : memref<1x!tpu.dma_semaphore, #tpu.memory_space<semaphore_mem>> -> memref<!tpu.dma_semaphore, #tpu.memory_space<semaphore_mem>>
    %dma_wait3A_2195 = arith.constant 0 : i32
    %dma_wait3A_2196 = arith.constant 0 : i32
    %dma_wait3A_2197 = tpu.memref_slice %arg5[%select_n3A, %add3A_1712, %dma_wait3A_2195, %dma_wait3A_2196] : memref<16x50x64x128xf32, #tpu.memory_space<hbm>> -> memref<1x1x64x128xf32, #tpu.memory_space<hbm>>
    %dma_wait3A_2198 = tpu.memref_squeeze %dma_wait3A_2197 : memref<1x1x64x128xf32, #tpu.memory_space<hbm>> -> memref<64x128xf32, #tpu.memory_space<hbm>>
    %dma_wait3A_2199 = arith.constant 0 : i32
    %dma_wait3A_2200 = arith.constant 0 : i32
    %dma_wait3A_2201 = tpu.memref_slice %arg7[%dma_wait3A_2182, %dma_wait3A_2183, %dma_wait3A_2199, %dma_wait3A_2200] : memref<2x5x64x128xf32, #tpu.memory_space<vmem>> -> memref<1x1x64x128xf32, #tpu.memory_space<vmem>>
    %dma_wait3A_2202 = tpu.memref_squeeze %dma_wait3A_2201 : memref<1x1x64x128xf32, #tpu.memory_space<vmem>> -> memref<64x128xf32, #tpu.memory_space<vmem>>
    tpu.wait_dma2 semaphore(%dma_wait3A_2194 : memref<!tpu.dma_semaphore, #tpu.memory_space<semaphore_mem>>) src(%dma_wait3A_2202 : memref<64x128xf32, #tpu.memory_space<vmem>>) dst(%dma_wait3A_2198 : memref<64x128xf32, #tpu.memory_space<hbm>>)
    %dma_wait3A_2203 = arith.constant 1 : i32
    %dma_wait3A_2204 = arith.constant 3 : i32
    %dma_wait3A_2205 = arith.constant 1 : i32
    %dma_wait3A_2206 = arith.constant 0 : i32
    %dma_wait3A_2207 = arith.constant 0 : i32
    %dma_wait3A_2208 = tpu.memref_slice %arg7[%dma_wait3A_2203, %dma_wait3A_2204, %dma_wait3A_2206, %dma_wait3A_2207] : memref<2x5x64x128xf32, #tpu.memory_space<vmem>> -> memref<1x1x64x128xf32, #tpu.memory_space<vmem>>
    %dma_wait3A_2209 = tpu.memref_squeeze %dma_wait3A_2208 : memref<1x1x64x128xf32, #tpu.memory_space<vmem>> -> memref<64x128xf32, #tpu.memory_space<vmem>>
    %dma_wait3A_2210 = arith.constant 0 : i32
    %dma_wait3A_2211 = arith.constant 0 : i32
    %dma_wait3A_2212 = tpu.memref_slice %arg5[%select_n3A, %add3A_1754, %dma_wait3A_2210, %dma_wait3A_2211] : memref<16x50x64x128xf32, #tpu.memory_space<hbm>> -> memref<1x1x64x128xf32, #tpu.memory_space<hbm>>
    %dma_wait3A_2213 = tpu.memref_squeeze %dma_wait3A_2212 : memref<1x1x64x128xf32, #tpu.memory_space<hbm>> -> memref<64x128xf32, #tpu.memory_space<hbm>>
    %dma_wait3A_2214 = tpu.memref_slice %arg11[%dma_wait3A_2205] : memref<2x!tpu.dma_semaphore, #tpu.memory_space<semaphore_mem>> -> memref<1x!tpu.dma_semaphore, #tpu.memory_space<semaphore_mem>>
    %dma_wait3A_2215 = tpu.memref_squeeze %dma_wait3A_2214 : memref<1x!tpu.dma_semaphore, #tpu.memory_space<semaphore_mem>> -> memref<!tpu.dma_semaphore, #tpu.memory_space<semaphore_mem>>
    %dma_wait3A_2216 = arith.constant 0 : i32
    %dma_wait3A_2217 = arith.constant 0 : i32
    %dma_wait3A_2218 = tpu.memref_slice %arg5[%select_n3A, %add3A_1754, %dma_wait3A_2216, %dma_wait3A_2217] : memref<16x50x64x128xf32, #tpu.memory_space<hbm>> -> memref<1x1x64x128xf32, #tpu.memory_space<hbm>>
    %dma_wait3A_2219 = tpu.memref_squeeze %dma_wait3A_2218 : memref<1x1x64x128xf32, #tpu.memory_space<hbm>> -> memref<64x128xf32, #tpu.memory_space<hbm>>
    %dma_wait3A_2220 = arith.constant 0 : i32
    %dma_wait3A_2221 = arith.constant 0 : i32
    %dma_wait3A_2222 = tpu.memref_slice %arg7[%dma_wait3A_2203, %dma_wait3A_2204, %dma_wait3A_2220, %dma_wait3A_2221] : memref<2x5x64x128xf32, #tpu.memory_space<vmem>> -> memref<1x1x64x128xf32, #tpu.memory_space<vmem>>
    %dma_wait3A_2223 = tpu.memref_squeeze %dma_wait3A_2222 : memref<1x1x64x128xf32, #tpu.memory_space<vmem>> -> memref<64x128xf32, #tpu.memory_space<vmem>>
    tpu.wait_dma2 semaphore(%dma_wait3A_2215 : memref<!tpu.dma_semaphore, #tpu.memory_space<semaphore_mem>>) src(%dma_wait3A_2223 : memref<64x128xf32, #tpu.memory_space<vmem>>) dst(%dma_wait3A_2219 : memref<64x128xf32, #tpu.memory_space<hbm>>)
    %dma_wait3A_2224 = arith.constant 1 : i32
    %dma_wait3A_2225 = arith.constant 4 : i32
    %dma_wait3A_2226 = arith.constant 1 : i32
    %dma_wait3A_2227 = arith.constant 0 : i32
    %dma_wait3A_2228 = arith.constant 0 : i32
    %dma_wait3A_2229 = tpu.memref_slice %arg7[%dma_wait3A_2224, %dma_wait3A_2225, %dma_wait3A_2227, %dma_wait3A_2228] : memref<2x5x64x128xf32, #tpu.memory_space<vmem>> -> memref<1x1x64x128xf32, #tpu.memory_space<vmem>>
    %dma_wait3A_2230 = tpu.memref_squeeze %dma_wait3A_2229 : memref<1x1x64x128xf32, #tpu.memory_space<vmem>> -> memref<64x128xf32, #tpu.memory_space<vmem>>
    %dma_wait3A_2231 = arith.constant 0 : i32
    %dma_wait3A_2232 = arith.constant 0 : i32
    %dma_wait3A_2233 = tpu.memref_slice %arg5[%select_n3A, %add3A_1796, %dma_wait3A_2231, %dma_wait3A_2232] : memref<16x50x64x128xf32, #tpu.memory_space<hbm>> -> memref<1x1x64x128xf32, #tpu.memory_space<hbm>>
    %dma_wait3A_2234 = tpu.memref_squeeze %dma_wait3A_2233 : memref<1x1x64x128xf32, #tpu.memory_space<hbm>> -> memref<64x128xf32, #tpu.memory_space<hbm>>
    %dma_wait3A_2235 = tpu.memref_slice %arg11[%dma_wait3A_2226] : memref<2x!tpu.dma_semaphore, #tpu.memory_space<semaphore_mem>> -> memref<1x!tpu.dma_semaphore, #tpu.memory_space<semaphore_mem>>
    %dma_wait3A_2236 = tpu.memref_squeeze %dma_wait3A_2235 : memref<1x!tpu.dma_semaphore, #tpu.memory_space<semaphore_mem>> -> memref<!tpu.dma_semaphore, #tpu.memory_space<semaphore_mem>>
    %dma_wait3A_2237 = arith.constant 0 : i32
    %dma_wait3A_2238 = arith.constant 0 : i32
    %dma_wait3A_2239 = tpu.memref_slice %arg5[%select_n3A, %add3A_1796, %dma_wait3A_2237, %dma_wait3A_2238] : memref<16x50x64x128xf32, #tpu.memory_space<hbm>> -> memref<1x1x64x128xf32, #tpu.memory_space<hbm>>
    %dma_wait3A_2240 = tpu.memref_squeeze %dma_wait3A_2239 : memref<1x1x64x128xf32, #tpu.memory_space<hbm>> -> memref<64x128xf32, #tpu.memory_space<hbm>>
    %dma_wait3A_2241 = arith.constant 0 : i32
    %dma_wait3A_2242 = arith.constant 0 : i32
    %dma_wait3A_2243 = tpu.memref_slice %arg7[%dma_wait3A_2224, %dma_wait3A_2225, %dma_wait3A_2241, %dma_wait3A_2242] : memref<2x5x64x128xf32, #tpu.memory_space<vmem>> -> memref<1x1x64x128xf32, #tpu.memory_space<vmem>>
    %dma_wait3A_2244 = tpu.memref_squeeze %dma_wait3A_2243 : memref<1x1x64x128xf32, #tpu.memory_space<vmem>> -> memref<64x128xf32, #tpu.memory_space<vmem>>
    tpu.wait_dma2 semaphore(%dma_wait3A_2236 : memref<!tpu.dma_semaphore, #tpu.memory_space<semaphore_mem>>) src(%dma_wait3A_2244 : memref<64x128xf32, #tpu.memory_space<vmem>>) dst(%dma_wait3A_2240 : memref<64x128xf32, #tpu.memory_space<hbm>>)
    %dma_wait3A_2245 = arith.constant 0 : i32
    %dma_wait3A_2246 = arith.constant 0 : i32
    %dma_wait3A_2247 = arith.constant 0 : i32
    %dma_wait3A_2248 = arith.constant 0 : i32
    %dma_wait3A_2249 = arith.constant 0 : i32
    %dma_wait3A_2250 = tpu.memref_slice %arg7[%dma_wait3A_2245, %dma_wait3A_2246, %dma_wait3A_2248, %dma_wait3A_2249] : memref<2x5x64x128xf32, #tpu.memory_space<vmem>> -> memref<1x1x64x128xf32, #tpu.memory_space<vmem>>
    %dma_wait3A_2251 = tpu.memref_squeeze %dma_wait3A_2250 : memref<1x1x64x128xf32, #tpu.memory_space<vmem>> -> memref<64x128xf32, #tpu.memory_space<vmem>>
    %dma_wait3A_2252 = arith.constant 0 : i32
    %dma_wait3A_2253 = arith.constant 0 : i32
    %dma_wait3A_2254 = tpu.memref_slice %arg5[%select_n3A, %add3A_1950, %dma_wait3A_2252, %dma_wait3A_2253] : memref<16x50x64x128xf32, #tpu.memory_space<hbm>> -> memref<1x1x64x128xf32, #tpu.memory_space<hbm>>
    %dma_wait3A_2255 = tpu.memref_squeeze %dma_wait3A_2254 : memref<1x1x64x128xf32, #tpu.memory_space<hbm>> -> memref<64x128xf32, #tpu.memory_space<hbm>>
    %dma_wait3A_2256 = tpu.memref_slice %arg11[%dma_wait3A_2247] : memref<2x!tpu.dma_semaphore, #tpu.memory_space<semaphore_mem>> -> memref<1x!tpu.dma_semaphore, #tpu.memory_space<semaphore_mem>>
    %dma_wait3A_2257 = tpu.memref_squeeze %dma_wait3A_2256 : memref<1x!tpu.dma_semaphore, #tpu.memory_space<semaphore_mem>> -> memref<!tpu.dma_semaphore, #tpu.memory_space<semaphore_mem>>
    %dma_wait3A_2258 = arith.constant 0 : i32
    %dma_wait3A_2259 = arith.constant 0 : i32
    %dma_wait3A_2260 = tpu.memref_slice %arg5[%select_n3A, %add3A_1950, %dma_wait3A_2258, %dma_wait3A_2259] : memref<16x50x64x128xf32, #tpu.memory_space<hbm>> -> memref<1x1x64x128xf32, #tpu.memory_space<hbm>>
    %dma_wait3A_2261 = tpu.memref_squeeze %dma_wait3A_2260 : memref<1x1x64x128xf32, #tpu.memory_space<hbm>> -> memref<64x128xf32, #tpu.memory_space<hbm>>
    %dma_wait3A_2262 = arith.constant 0 : i32
    %dma_wait3A_2263 = arith.constant 0 : i32
    %dma_wait3A_2264 = tpu.memref_slice %arg7[%dma_wait3A_2245, %dma_wait3A_2246, %dma_wait3A_2262, %dma_wait3A_2263] : memref<2x5x64x128xf32, #tpu.memory_space<vmem>> -> memref<1x1x64x128xf32, #tpu.memory_space<vmem>>
    %dma_wait3A_2265 = tpu.memref_squeeze %dma_wait3A_2264 : memref<1x1x64x128xf32, #tpu.memory_space<vmem>> -> memref<64x128xf32, #tpu.memory_space<vmem>>
    tpu.wait_dma2 semaphore(%dma_wait3A_2257 : memref<!tpu.dma_semaphore, #tpu.memory_space<semaphore_mem>>) src(%dma_wait3A_2265 : memref<64x128xf32, #tpu.memory_space<vmem>>) dst(%dma_wait3A_2261 : memref<64x128xf32, #tpu.memory_space<hbm>>)
    %dma_wait3A_2266 = arith.constant 0 : i32
    %dma_wait3A_2267 = arith.constant 1 : i32
    %dma_wait3A_2268 = arith.constant 0 : i32
    %dma_wait3A_2269 = arith.constant 0 : i32
    %dma_wait3A_2270 = arith.constant 0 : i32
    %dma_wait3A_2271 = tpu.memref_slice %arg7[%dma_wait3A_2266, %dma_wait3A_2267, %dma_wait3A_2269, %dma_wait3A_2270] : memref<2x5x64x128xf32, #tpu.memory_space<vmem>> -> memref<1x1x64x128xf32, #tpu.memory_space<vmem>>
    %dma_wait3A_2272 = tpu.memref_squeeze %dma_wait3A_2271 : memref<1x1x64x128xf32, #tpu.memory_space<vmem>> -> memref<64x128xf32, #tpu.memory_space<vmem>>
    %dma_wait3A_2273 = arith.constant 0 : i32
    %dma_wait3A_2274 = arith.constant 0 : i32
    %dma_wait3A_2275 = tpu.memref_slice %arg5[%select_n3A, %add3A_1992, %dma_wait3A_2273, %dma_wait3A_2274] : memref<16x50x64x128xf32, #tpu.memory_space<hbm>> -> memref<1x1x64x128xf32, #tpu.memory_space<hbm>>
    %dma_wait3A_2276 = tpu.memref_squeeze %dma_wait3A_2275 : memref<1x1x64x128xf32, #tpu.memory_space<hbm>> -> memref<64x128xf32, #tpu.memory_space<hbm>>
    %dma_wait3A_2277 = tpu.memref_slice %arg11[%dma_wait3A_2268] : memref<2x!tpu.dma_semaphore, #tpu.memory_space<semaphore_mem>> -> memref<1x!tpu.dma_semaphore, #tpu.memory_space<semaphore_mem>>
    %dma_wait3A_2278 = tpu.memref_squeeze %dma_wait3A_2277 : memref<1x!tpu.dma_semaphore, #tpu.memory_space<semaphore_mem>> -> memref<!tpu.dma_semaphore, #tpu.memory_space<semaphore_mem>>
    %dma_wait3A_2279 = arith.constant 0 : i32
    %dma_wait3A_2280 = arith.constant 0 : i32
    %dma_wait3A_2281 = tpu.memref_slice %arg5[%select_n3A, %add3A_1992, %dma_wait3A_2279, %dma_wait3A_2280] : memref<16x50x64x128xf32, #tpu.memory_space<hbm>> -> memref<1x1x64x128xf32, #tpu.memory_space<hbm>>
    %dma_wait3A_2282 = tpu.memref_squeeze %dma_wait3A_2281 : memref<1x1x64x128xf32, #tpu.memory_space<hbm>> -> memref<64x128xf32, #tpu.memory_space<hbm>>
    %dma_wait3A_2283 = arith.constant 0 : i32
    %dma_wait3A_2284 = arith.constant 0 : i32
    %dma_wait3A_2285 = tpu.memref_slice %arg7[%dma_wait3A_2266, %dma_wait3A_2267, %dma_wait3A_2283, %dma_wait3A_2284] : memref<2x5x64x128xf32, #tpu.memory_space<vmem>> -> memref<1x1x64x128xf32, #tpu.memory_space<vmem>>
    %dma_wait3A_2286 = tpu.memref_squeeze %dma_wait3A_2285 : memref<1x1x64x128xf32, #tpu.memory_space<vmem>> -> memref<64x128xf32, #tpu.memory_space<vmem>>
    tpu.wait_dma2 semaphore(%dma_wait3A_2278 : memref<!tpu.dma_semaphore, #tpu.memory_space<semaphore_mem>>) src(%dma_wait3A_2286 : memref<64x128xf32, #tpu.memory_space<vmem>>) dst(%dma_wait3A_2282 : memref<64x128xf32, #tpu.memory_space<hbm>>)
    %dma_wait3A_2287 = arith.constant 0 : i32
    %dma_wait3A_2288 = arith.constant 2 : i32
    %dma_wait3A_2289 = arith.constant 0 : i32
    %dma_wait3A_2290 = arith.constant 0 : i32
    %dma_wait3A_2291 = arith.constant 0 : i32
    %dma_wait3A_2292 = tpu.memref_slice %arg7[%dma_wait3A_2287, %dma_wait3A_2288, %dma_wait3A_2290, %dma_wait3A_2291] : memref<2x5x64x128xf32, #tpu.memory_space<vmem>> -> memref<1x1x64x128xf32, #tpu.memory_space<vmem>>
    %dma_wait3A_2293 = tpu.memref_squeeze %dma_wait3A_2292 : memref<1x1x64x128xf32, #tpu.memory_space<vmem>> -> memref<64x128xf32, #tpu.memory_space<vmem>>
    %dma_wait3A_2294 = arith.constant 0 : i32
    %dma_wait3A_2295 = arith.constant 0 : i32
    %dma_wait3A_2296 = tpu.memref_slice %arg5[%select_n3A, %add3A_2034, %dma_wait3A_2294, %dma_wait3A_2295] : memref<16x50x64x128xf32, #tpu.memory_space<hbm>> -> memref<1x1x64x128xf32, #tpu.memory_space<hbm>>
    %dma_wait3A_2297 = tpu.memref_squeeze %dma_wait3A_2296 : memref<1x1x64x128xf32, #tpu.memory_space<hbm>> -> memref<64x128xf32, #tpu.memory_space<hbm>>
    %dma_wait3A_2298 = tpu.memref_slice %arg11[%dma_wait3A_2289] : memref<2x!tpu.dma_semaphore, #tpu.memory_space<semaphore_mem>> -> memref<1x!tpu.dma_semaphore, #tpu.memory_space<semaphore_mem>>
    %dma_wait3A_2299 = tpu.memref_squeeze %dma_wait3A_2298 : memref<1x!tpu.dma_semaphore, #tpu.memory_space<semaphore_mem>> -> memref<!tpu.dma_semaphore, #tpu.memory_space<semaphore_mem>>
    %dma_wait3A_2300 = arith.constant 0 : i32
    %dma_wait3A_2301 = arith.constant 0 : i32
    %dma_wait3A_2302 = tpu.memref_slice %arg5[%select_n3A, %add3A_2034, %dma_wait3A_2300, %dma_wait3A_2301] : memref<16x50x64x128xf32, #tpu.memory_space<hbm>> -> memref<1x1x64x128xf32, #tpu.memory_space<hbm>>
    %dma_wait3A_2303 = tpu.memref_squeeze %dma_wait3A_2302 : memref<1x1x64x128xf32, #tpu.memory_space<hbm>> -> memref<64x128xf32, #tpu.memory_space<hbm>>
    %dma_wait3A_2304 = arith.constant 0 : i32
    %dma_wait3A_2305 = arith.constant 0 : i32
    %dma_wait3A_2306 = tpu.memref_slice %arg7[%dma_wait3A_2287, %dma_wait3A_2288, %dma_wait3A_2304, %dma_wait3A_2305] : memref<2x5x64x128xf32, #tpu.memory_space<vmem>> -> memref<1x1x64x128xf32, #tpu.memory_space<vmem>>
    %dma_wait3A_2307 = tpu.memref_squeeze %dma_wait3A_2306 : memref<1x1x64x128xf32, #tpu.memory_space<vmem>> -> memref<64x128xf32, #tpu.memory_space<vmem>>
    tpu.wait_dma2 semaphore(%dma_wait3A_2299 : memref<!tpu.dma_semaphore, #tpu.memory_space<semaphore_mem>>) src(%dma_wait3A_2307 : memref<64x128xf32, #tpu.memory_space<vmem>>) dst(%dma_wait3A_2303 : memref<64x128xf32, #tpu.memory_space<hbm>>)
    %dma_wait3A_2308 = arith.constant 0 : i32
    %dma_wait3A_2309 = arith.constant 3 : i32
    %dma_wait3A_2310 = arith.constant 0 : i32
    %dma_wait3A_2311 = arith.constant 0 : i32
    %dma_wait3A_2312 = arith.constant 0 : i32
    %dma_wait3A_2313 = tpu.memref_slice %arg7[%dma_wait3A_2308, %dma_wait3A_2309, %dma_wait3A_2311, %dma_wait3A_2312] : memref<2x5x64x128xf32, #tpu.memory_space<vmem>> -> memref<1x1x64x128xf32, #tpu.memory_space<vmem>>
    %dma_wait3A_2314 = tpu.memref_squeeze %dma_wait3A_2313 : memref<1x1x64x128xf32, #tpu.memory_space<vmem>> -> memref<64x128xf32, #tpu.memory_space<vmem>>
    %dma_wait3A_2315 = arith.constant 0 : i32
    %dma_wait3A_2316 = arith.constant 0 : i32
    %dma_wait3A_2317 = tpu.memref_slice %arg5[%select_n3A, %add3A_2076, %dma_wait3A_2315, %dma_wait3A_2316] : memref<16x50x64x128xf32, #tpu.memory_space<hbm>> -> memref<1x1x64x128xf32, #tpu.memory_space<hbm>>
    %dma_wait3A_2318 = tpu.memref_squeeze %dma_wait3A_2317 : memref<1x1x64x128xf32, #tpu.memory_space<hbm>> -> memref<64x128xf32, #tpu.memory_space<hbm>>
    %dma_wait3A_2319 = tpu.memref_slice %arg11[%dma_wait3A_2310] : memref<2x!tpu.dma_semaphore, #tpu.memory_space<semaphore_mem>> -> memref<1x!tpu.dma_semaphore, #tpu.memory_space<semaphore_mem>>
    %dma_wait3A_2320 = tpu.memref_squeeze %dma_wait3A_2319 : memref<1x!tpu.dma_semaphore, #tpu.memory_space<semaphore_mem>> -> memref<!tpu.dma_semaphore, #tpu.memory_space<semaphore_mem>>
    %dma_wait3A_2321 = arith.constant 0 : i32
    %dma_wait3A_2322 = arith.constant 0 : i32
    %dma_wait3A_2323 = tpu.memref_slice %arg5[%select_n3A, %add3A_2076, %dma_wait3A_2321, %dma_wait3A_2322] : memref<16x50x64x128xf32, #tpu.memory_space<hbm>> -> memref<1x1x64x128xf32, #tpu.memory_space<hbm>>
    %dma_wait3A_2324 = tpu.memref_squeeze %dma_wait3A_2323 : memref<1x1x64x128xf32, #tpu.memory_space<hbm>> -> memref<64x128xf32, #tpu.memory_space<hbm>>
    %dma_wait3A_2325 = arith.constant 0 : i32
    %dma_wait3A_2326 = arith.constant 0 : i32
    %dma_wait3A_2327 = tpu.memref_slice %arg7[%dma_wait3A_2308, %dma_wait3A_2309, %dma_wait3A_2325, %dma_wait3A_2326] : memref<2x5x64x128xf32, #tpu.memory_space<vmem>> -> memref<1x1x64x128xf32, #tpu.memory_space<vmem>>
    %dma_wait3A_2328 = tpu.memref_squeeze %dma_wait3A_2327 : memref<1x1x64x128xf32, #tpu.memory_space<vmem>> -> memref<64x128xf32, #tpu.memory_space<vmem>>
    tpu.wait_dma2 semaphore(%dma_wait3A_2320 : memref<!tpu.dma_semaphore, #tpu.memory_space<semaphore_mem>>) src(%dma_wait3A_2328 : memref<64x128xf32, #tpu.memory_space<vmem>>) dst(%dma_wait3A_2324 : memref<64x128xf32, #tpu.memory_space<hbm>>)
    %dma_wait3A_2329 = arith.constant 0 : i32
    %dma_wait3A_2330 = arith.constant 4 : i32
    %dma_wait3A_2331 = arith.constant 0 : i32
    %dma_wait3A_2332 = arith.constant 0 : i32
    %dma_wait3A_2333 = arith.constant 0 : i32
    %dma_wait3A_2334 = tpu.memref_slice %arg7[%dma_wait3A_2329, %dma_wait3A_2330, %dma_wait3A_2332, %dma_wait3A_2333] : memref<2x5x64x128xf32, #tpu.memory_space<vmem>> -> memref<1x1x64x128xf32, #tpu.memory_space<vmem>>
    %dma_wait3A_2335 = tpu.memref_squeeze %dma_wait3A_2334 : memref<1x1x64x128xf32, #tpu.memory_space<vmem>> -> memref<64x128xf32, #tpu.memory_space<vmem>>
    %dma_wait3A_2336 = arith.constant 0 : i32
    %dma_wait3A_2337 = arith.constant 0 : i32
    %dma_wait3A_2338 = tpu.memref_slice %arg5[%select_n3A, %add3A_2118, %dma_wait3A_2336, %dma_wait3A_2337] : memref<16x50x64x128xf32, #tpu.memory_space<hbm>> -> memref<1x1x64x128xf32, #tpu.memory_space<hbm>>
    %dma_wait3A_2339 = tpu.memref_squeeze %dma_wait3A_2338 : memref<1x1x64x128xf32, #tpu.memory_space<hbm>> -> memref<64x128xf32, #tpu.memory_space<hbm>>
    %dma_wait3A_2340 = tpu.memref_slice %arg11[%dma_wait3A_2331] : memref<2x!tpu.dma_semaphore, #tpu.memory_space<semaphore_mem>> -> memref<1x!tpu.dma_semaphore, #tpu.memory_space<semaphore_mem>>
    %dma_wait3A_2341 = tpu.memref_squeeze %dma_wait3A_2340 : memref<1x!tpu.dma_semaphore, #tpu.memory_space<semaphore_mem>> -> memref<!tpu.dma_semaphore, #tpu.memory_space<semaphore_mem>>
    %dma_wait3A_2342 = arith.constant 0 : i32
    %dma_wait3A_2343 = arith.constant 0 : i32
    %dma_wait3A_2344 = tpu.memref_slice %arg5[%select_n3A, %add3A_2118, %dma_wait3A_2342, %dma_wait3A_2343] : memref<16x50x64x128xf32, #tpu.memory_space<hbm>> -> memref<1x1x64x128xf32, #tpu.memory_space<hbm>>
    %dma_wait3A_2345 = tpu.memref_squeeze %dma_wait3A_2344 : memref<1x1x64x128xf32, #tpu.memory_space<hbm>> -> memref<64x128xf32, #tpu.memory_space<hbm>>
    %dma_wait3A_2346 = arith.constant 0 : i32
    %dma_wait3A_2347 = arith.constant 0 : i32
    %dma_wait3A_2348 = tpu.memref_slice %arg7[%dma_wait3A_2329, %dma_wait3A_2330, %dma_wait3A_2346, %dma_wait3A_2347] : memref<2x5x64x128xf32, #tpu.memory_space<vmem>> -> memref<1x1x64x128xf32, #tpu.memory_space<vmem>>
    %dma_wait3A_2349 = tpu.memref_squeeze %dma_wait3A_2348 : memref<1x1x64x128xf32, #tpu.memory_space<vmem>> -> memref<64x128xf32, #tpu.memory_space<vmem>>
    tpu.wait_dma2 semaphore(%dma_wait3A_2341 : memref<!tpu.dma_semaphore, #tpu.memory_space<semaphore_mem>>) src(%dma_wait3A_2349 : memref<64x128xf32, #tpu.memory_space<vmem>>) dst(%dma_wait3A_2345 : memref<64x128xf32, #tpu.memory_space<hbm>>)
    return
  }
}

</mosaic_0001>

<sc_bundles>
// kernel: kernel.3.cloned.1.call-start
scs
__scs_entry_jumppad:
0x0: {  	(pc) =	sbr.rel $0x88, $3  }
0x1: {  	(tag) =	ssettag $0x0;
	lr =	simm.s32 $0x1  }
0x2: {  	[smem:$0x3F9E] =	sst lr;
	_ =	strace $0xD0000000  }
0x3: {  	_ = 	snop  }
0x4: {  	_ = 	snop  }
0x5: {  	_ = 	snop  }
0x6: {  	_ = 	snop  }
0x7: {  	_ = 	snop  }
__scs_overlays_trampoline_lowered:
0x8: {  	[smem:$0x3FAD] =	sst s0  }
0x9: {  	[smem:$0x3FAE] =	sst s1  }
0xa: {  	[smem:$0x3FAF] =	sst s2  }
0xb: {  	[smem:$0x3FB0] =	sst s3  }
0xc: {  	[smem:$0x3FB1] =	sst s4  }
0xd: {  	[smem:$0x3FB2] =	sst s5  }
0xe: {  	[smem:$0x3FB3] =	sst s6  }
0xf: {  	[smem:$0x3FB4] =	sst s7  }
0x10: {  	[smem:$0x3FB5] =	sst s8  }
0x11: {  	[smem:$0x3FB6] =	sst s9;
	s0 =	simm.s32 @!p0 $0x0  }
0x12: {  	s1 =	sld [smem:$0x3F9C];
	s0 =	simm.s32 @p0 $0x1  }
0x13: {  	[smem:$0x3FB7] =	sst s0;
	s0 =	simm.s32 @!p1 $0x0  }
0x14: {  	s2 =	sld [smem:$0x3F9B];
	s0 =	simm.s32 @p1 $0x1  }
0x15: {  	[smem:$0x3FB8] =	sst s0;
	s0 =	simm.s32 @!p2 $0x0  }
0x16: {  	s3 =	sld [smem:$0x3FDB];
	s0 =	simm.s32 @p2 $0x1  }
0x17: {  	s4 =	simm.s32 $0x1BF5;
	[smem:$0x3FBA] =	sst s0  }
0x18: {  	s0 =	sld [smem:$0x3F9D];
	_ =	swait.ge [sflag:s4], $0x0  }
0x19: {  	s7 =	sld [smem:$0x3F9E]  }
0x1a: {  	s8 =	sadd.s32 $0xFFFFE003, lr  }
0x1b: {  	s9 =	sadd.s32 $0xFFFFFEF7, lr;
	s5 =	simm.s32 $0xFFFFFFFF;
	p2 =	slt.u32 s8, $0xFFFFF086  }
0x1c: {  	p1 =	slt.u32 s9, $0xF7A;
	s5 =	simm.s32 @!p2 $0x0  }
0x1d: {  	s5 =	simm.s32 @p1 $0x1;
	p0 =	seq.s32 s7, s2  }
0x1e: {  	s7 =	smul.u32 @!p0 $0xF7A, s2;
	p2 =	seq.s32 @!p0 s5, $0x0  }
0x1f: {  	s9 =	smul.u32 $0xF7A, s1;
	s8 =	simm.s32 @!p0 $0x1BF5;
	p2 =	por !p2, p0  }
0x20: {  	[sflag:s8] =	ssyncset.s32 @!p0 $0xFFFFF086;
	s6 =	sadd.s32 @!p0 s3, s7;
	s7 =	simm.s32 @!p0 $0x108  }
0x21: {  	s3 =	sadd.s32 s3, s9;
	s6 =	sadd.s32 @!p0 $0x88, s6;
	s7 =	simm.s32 @p2 $0x1082  }
0x22: {  	[simem:s7], [sflag:s8] =	dma.local @!p0 [hbm:s6], $0xF7A  }
0x23: {  	s9 =	sor.u32 $0xD0000000, s2;
	s6 =	simm.s32 $0x108;
	_ =	swait.ge @!p0 [sflag:s8], $0x0  }
0x24: {  	s3 =	sadd.s32 $0x88, s3;
	s6 =	simm.s32 @!p1 $0x1082;
	[sflag:s4] =	ssyncset.s32 $0xFFFFF086  }
0x25: {  	[simem:s6], [sflag:s4] =	dma.local [hbm:s3], $0xF7A  }
0x26: {  	[smem:$0x3F9E] =	sst s1;
	(tag) =	ssettag s2;
	_ =	strace s9  }
0x27: {  	s1 =	sld [smem:$0x3FAE]  }
0x28: {  	s2 =	sld [smem:$0x3FAF]  }
0x29: {  	s4 =	sld [smem:$0x3FB1]  }
0x2a: {  	p0 =	seq.s32 s5, $0x0;
	s5 =	sld [smem:$0x3FB2]  }
0x2b: {  	s6 =	sld [smem:$0x3FB3]  }
0x2c: {  	s7 =	sld [smem:$0x3FB4]  }
0x2d: {  	s3 =	simm.s32 $0x108;
	s8 =	sld [smem:$0x3FB5]  }
0x2e: {  	s3 =	simm.s32 @!p0 $0x1082;
	s9 =	sld [smem:$0x3FB6]  }
0x2f: {  	lr =	sadd.s32 s0, s3;
	s0 =	sld [smem:$0x3FAD]  }
0x30: {  	s3 =	sld [smem:$0x3FB0]  }
0x31: {  	[smem:$0x3FB9] =	sst s10  }
0x32: {  	s10 =	sld [smem:$0x3FB7];
	_ =	sdelay $0x3  }
0x33: {  	p0 =	seq.s32 s10, $0x1;
	s10 =	sld [smem:$0x3FB9];
	_ =	sdelay $0x3  }
0x34: {  	[smem:$0x3FB9] =	sst s10  }
0x35: {  	s10 =	sld [smem:$0x3FB8];
	_ =	sdelay $0x3  }
0x36: {  	p1 =	seq.s32 s10, $0x1;
	s10 =	sld [smem:$0x3FB9];
	_ =	sdelay $0x3  }
0x37: {  	[smem:$0x3FB9] =	sst s10  }
0x38: {  	s10 =	sld [smem:$0x3FBA]  }
0x39: {  	_ = 	snop;
	(pc) =	sbr.ind lr, $3  }
0x3a: {  	_ = 	snop  }
0x3b: {  	_ = 	snop  }
0x3c: {  	p2 =	seq.s32 s10, $0x1;
	s10 =	sld [smem:$0x3FB9]  }
0x3d: {  	_ =	shalt  }
0x3e: {  	_ =	shalt  }
0x3f: {  	_ =	shalt  }
0x40: {  	_ =	shalt  }
0x41: {  	_ =	shalt  }
0x42: {  	_ =	shalt  }
0x43: {  	_ =	shalt  }
0x44: {  	_ =	shalt  }
0x45: {  	_ =	shalt  }
0x46: {  	_ =	shalt  }
0x47: {  	_ =	shalt  }
0x48: {  	_ =	shalt  }
0x49: {  	_ =	shalt  }
0x4a: {  	_ =	shalt  }
0x4b: {  	_ =	shalt  }
0x4c: {  	_ =	shalt  }
0x4d: {  	_ =	shalt  }
0x4e: {  	_ =	shalt  }
0x4f: {  	_ =	shalt  }
0x50: {  	_ =	shalt  }
0x51: {  	_ =	shalt  }
0x52: {  	_ =	shalt  }
0x53: {  	_ =	shalt  }
0x54: {  	_ =	shalt  }
0x55: {  	_ =	shalt  }
0x56: {  	_ =	shalt  }
0x57: {  	_ =	shalt  }
0x58: {  	_ =	shalt  }
0x59: {  	_ =	shalt  }
0x5a: {  	_ =	shalt  }
0x5b: {  	_ =	shalt  }
0x5c: {  	_ =	shalt  }
0x5d: {  	_ =	shalt  }
0x5e: {  	_ =	shalt  }
0x5f: {  	_ =	shalt  }
0x60: {  	_ =	shalt  }
0x61: {  	_ =	shalt  }
0x62: {  	_ =	shalt  }
0x63: {  	_ =	shalt  }
0x64: {  	_ =	shalt  }
0x65: {  	_ =	shalt  }
0x66: {  	_ =	shalt  }
0x67: {  	_ =	shalt  }
0x68: {  	_ =	shalt  }
0x69: {  	_ =	shalt  }
0x6a: {  	_ =	shalt  }
0x6b: {  	_ =	shalt  }
0x6c: {  	_ =	shalt  }
0x6d: {  	_ =	shalt  }
0x6e: {  	_ =	shalt  }
0x6f: {  	_ =	shalt  }
0x70: {  	_ =	shalt  }
0x71: {  	_ =	shalt  }
0x72: {  	_ =	shalt  }
0x73: {  	_ =	shalt  }
0x74: {  	_ =	shalt  }
0x75: {  	_ =	shalt  }
0x76: {  	_ =	shalt  }
0x77: {  	_ =	shalt  }
0x78: {  	_ =	shalt  }
0x79: {  	_ =	shalt  }
0x7a: {  	_ =	shalt  }
0x7b: {  	_ =	shalt  }
0x7c: {  	_ =	shalt  }
0x7d: {  	_ =	shalt  }
0x7e: {  	_ =	shalt  }
0x7f: {  	_ =	shalt  }
0x80: {  	_ =	shalt  }
0x81: {  	_ =	shalt  }
0x82: {  	_ =	shalt  }
0x83: {  	_ =	shalt  }
0x84: {  	_ =	shalt  }
0x85: {  	_ =	shalt  }
0x86: {  	_ =	shalt  }
0x87: {  	_ =	shalt  }
.Lfunc_end0:
.L_simem_size_0:
called_computation_lowered:
.L_overlay_start_0:
0x88: {  	s2 =	sld [smem:$0x3FD9]  }
0x89: {  	s3 =	sld [smem:$0x3FFE];
	_ =	sdelay $0x1  }
0x8a: {  	s1 =	srdreg.scid  }
0x8b: {  	s0 =	sand.u32 $0x1, s1  }
0x8c: {  	s18 =	sshll.u32 s0, $0xA;
	s2 =	sadd.s32 s3, s2  }
0x8d: {  	s2 =	sadd.s32 s2, s18  }
0x8e: {  	[smem:$0x3FC5] =	sst s2  }
0x8f: {  	_ = 	snop  }
0x90: {  	s2 =	sld [smem:$0x3FC9]  }
0x91: {  	s19 =	sld [smem:$0x3FC8]  }
0x92: {  	s4 =	sld [smem:$0x3FC7]  }
0x93: {  	s5 =	sld [smem:$0x3FD0];
	(tm) =	ssettm $0x1  }
0x94: {  	s6 =	sld [smem:$0x3FFB];
	_ =	sdelay $0x3  }
0x95: {  	_ =	strace s6  }
0x96: {  	s6 =	sld [smem:$0x3FFC];
	_ =	sdelay $0x3  }
0x97: {  	_ =	strace s6  }
0x98: {  	s6 =	sld [smem:$0x3FFD];
	_ =	sdelay $0x3  }
0x99: {  	_ =	strace s6  }
0x9a: {  	_ =	strace $0x8FFFFFFF  }
0x9b: {  	s20 =	sld [smem:$0x3FDB];
	_ =	sdelay $0x1  }
0x9c: {  	s7 =	simm.s32 $_scs_section_size  }
0x9d: {  	s8 =	simm.s32 $_size__tile_overlayer_lowered;
	s9 =	simm.s32 $_tile_overlayer_lowered  }
0x9e: {  	s23 =	simm.s32 $0x1BFF;
	s22 =	sshll.u32 s9, $0x1;
	s6 =	sadd.s32 s7, s20  }
0x9f: {  	s10 =	simm.s32 $0x0;
	s21 =	sshll.u32 s8, $0x1;
	s8 =	sadd.s32 s22, s6  }
0xa0: {  	[timem:s10], [sflag:s23] =	dma.local [hbm:s8], s21  }
0xa1: {  	_ =	swait.ge [sflag:s23], s21  }
0xa2: {  	s7 =	ssub.s32 $0x0, s21;
	[sflag:s23] =	ssyncset.done $0x0  }
0xa3: {  	[sflag:s23] =	ssyncadd.s32 s7;
	_ =	sdelay $0x1  }
0xa4: {  	s24 =	simm.s32 $0x1B8B  }
0xa5: {  	_ =	swait.ge [sflag:s24], $0x1  }
0xa6: {  	[sflag:s24] =	ssyncset.done $0x0  }
0xa7: {  	s25 =	simm.s32 $0x1B8E;
	[sflag:s24] =	ssyncadd.s32 $0xFFFFFFFF  }
0xa8: {  	s26 =	simm.s32 $execute0_lowered;
	[smem:$0x3FD2] =	sst s25  }
0xa9: {  	s7 =	sshll.u32 s26, $0x1;
	_ =	strace $0x80000046;
	[dreg:$0x1] =	wrdreg $0xFFFFFFFF  }
0xaa: {  	s28 =	simm.s32 $_size_execute0_lowered;
	s6 =	sadd.s32 s6, s7;
	[dreg:$0x0] =	wrdreg $0x0  }
0xab: {  	s7 =	sshll.u32 s28, $0x1;
	[dreg:$0x2] =	wrdreg s6  }
0xac: {  	[dreg:$0x3] =	wrdreg s7  }
0xad: {  	[dreg:$0x4] =	wrdreg $0xC0  }
0xae: {  	_ =	task [dreg:s10], $0x5FFFF  }
0xaf: {  	[dreg:$0x1] =	wrdreg $0xFFFFFFFF  }
0xb0: {  	[dreg:$0x0] =	wrdreg $0x60  }
0xb1: {  	[dreg:$0x2] =	wrdreg s2  }
0xb2: {  	[dreg:$0x3] =	wrdreg s19  }
0xb3: {  	[dreg:$0x4] =	wrdreg s4  }
0xb4: {  	[dreg:$0x5] =	wrdreg s5  }
0xb5: {  	[dreg:$0x6] =	wrdreg $0x1A4000  }
0xb6: {  	[dreg:$0x7] =	wrdreg $0x9  }
0xb7: {  	_ =	task.clear_ibuf [dreg:s10], $0x8FFFF;
	_ =	strace $0x90000046  }
0xb8: {  	s29 =	simm.s32 $0x9;
	_ =	strace $0x80000048  }
0xb9: {  	_ =	swait.ge [sflag:s29], $0x1  }
0xba: {  	[sflag:s29] =	ssyncadd.s32 $0xFFFFFFFF  }
0xbb: {  	_ =	strace $0x90000048  }
0xbc: {  	_ =	sfence  }
0xbd: {  	s30 =	sld [smem:$0x0];
	_ =	sdelay $0x2  }
0xbe: {  	s31 =	sshll.u32 s1, $0xD;
	s1 =	sshrl.u32 s1, $0x2  }
0xbf: {  	s3 =	sand.u32 $0x4000, s31;
	s1 =	sadd.s32 s1, s30  }
0xc0: {  	s0 =	sor.u32 s3, s0;
	s1 =	sshll.u32 s1, $0x11  }
0xc1: {  	s0 =	sor.u32 s1, s0  }
0xc2: {  	s0 =	sadd.s32 $0x8F2B, s0  }
0xc3: {  	[sflag:s0] =	ssyncadd.remote.s32 $0x1  }
0xc4: {  	_ =	sfence.sel $0xFFFF  }
0xc5: {  	[dreg:$0x0] =	wrdreg $0xFFFFFFFF;
	(pc) =	sbr.abs _section_cstart, $3  }
0xc6: {  	[dreg:$0x1] =	wrdreg $0xFFFFFFFF  }
0xc7: {  	_ =	task.clear_ibuf [dreg:s10], $0x2FFFF;
	_ =	strace $0x9FFFFFFF  }
0xc8: {  	(tm) =	ssettm $0x7FFFFFFF  }
0xc9: {  	_ =	shalt  }
tec
execute0_lowered:
.L_overlay_start_1:
0x0: {  	(tag) =	ssettag $0x1  }
0x1: {  	s0 =	srdreg.scid  }
0x2: {  	s10 =	stileid.u32;
	s3 =	rddreg [dreg:$0x0];
	s0 =	sand.u32 $0x1, s0  }
0x3: {  	s5 =	rddreg [dreg:$0x1];
	s1 =	sor.u32 s0, s10  }
0x4: {  	s6 =	simm.s32 $0x1;
	p0 =	seq.s32 s0, $0x1;
	p1 =	seq.s32 s1, $0x0  }
0x5: {  	s7 =	simm.s32 $0x19;
	s0 =	ssub.s32 $0x2, s0;
	p1 =	por !p1, !p0  }
0x6: {  	s1 =	simm.s32 $0x1;
	s7 =	simm.s32 @!p0 $0x0;
	p1 =	por !p1, !p1  }
0x7: {  	s9 =	sshrl.u32 s0, $0x1;
	s24 =	sshll.u32 s7, $0xD;
	s1 =	simm.s32 @!p1 $0x0  }
0x8: {  	s7 =	sshll.u32 s7, $0xB;
	s0 =	ssub.s32 s0, s9;
	s4 =	ssub.s32 s10, s1  }
0x9: {  	p0 =	sgt.s32 s10, $0x1;
	s1 =	rddreg [dreg:$0x3];
	s2 =	sand.u32 $0x7, s4  }
0xa: {  	p6 =	slt.s32 s4, $0x1;
	s23 =	sand.u32 $0xE0, s4;
	p2 =	sne.s32 s2, $0x0  }
0xb: {  	s8 =	smul.u32 $0x64000, s4;
	s2 =	sshrl.u32 s23, $0x5;
	p1 =	por !p6, !p2  }
0xc: {  	s2 =	sadd.s32 s2, s4;
	s4 =	sshll.u32 s4, $0x7;
	p1 =	por !p1, !p1  }
0xd: {  	s2 =	sshrl.u32 s2, $0x3;
	s6 =	simm.s32 @!p1 $0x0;
	p1 =	seq.s32 @p0 s10, $0x2  }
0xe: {  	s6 =	ssub.s32 s2, s6;
	s2 =	sadd.s32 s24, s8;
	p2 =	por p1, !p0  }
0xf: {  	p4 =	por !p1, !p0;
	s6 =	sshll.u32 s6, $0xA;
	s8 =	sshrl.u32 s2, $0x3  }
0x10: {  	s25 =	sadd.s32 $0xA000, s2;
	s11 =	sadd.s32 $0x2000, s2;
	s13 =	sadd.s32 $0x4000, s2  }
0x11: {  	s15 =	sadd.s32 $0x6000, s2;
	s17 =	sadd.s32 $0x8000, s2;
	s19 =	sadd.s32 $0x14000, s2  }
0x12: {  	s21 =	sadd.s32 $0xC000, s2;
	s24 =	sadd.s32 $0xE000, s2;
	p2 =	seq.s32 @!p2 s10, $0x3  }
0x13: {  	s7 =	sadd.s32 s7, s6;
	s31 =	sadd.s32 s3, s8;
	s26 =	sshrl.u32 s25, $0x3  }
0x14: {  	s4 =	ssub.s32 s4, s6;
	s12 =	sadd.s32 s1, s8;
	s6 =	sshrl.u32 s11, $0x3  }
0x15: {  	s14 =	sshrl.u32 s13, $0x3;
	s16 =	sshrl.u32 s15, $0x3;
	s18 =	sshrl.u32 s17, $0x3  }
0x16: {  	s20 =	sshrl.u32 s19, $0x3;
	s23 =	sshrl.u32 s21, $0x3;
	s25 =	sadd.s32 $0x10000, s2  }
0x17: {  	s11 =	sadd.s32 $0x16000, s2;
	s15 =	sadd.s32 $0x1A000, s2;
	s17 =	sadd.s32 $0x28000, s2  }
0x18: {  	s21 =	sadd.s32 $0x20000, s2;
	s9 =	sadd.s32 s3, s26;
	[dreg:$0x9] =	wrdreg s12  }
0x19: {  	s7 =	sshrl.u32 s7, $0x3;
	s6 =	sadd.s32 s1, s6;
	[dreg:$0x7] =	wrdreg s9  }
0x1a: {  	s22 =	sadd.s32 s3, s20;
	s12 =	sadd.s32 $0x18000, s2;
	[dreg:$0xa] =	wrdreg s6  }
0x1b: {  	s19 =	sshrl.u32 s17, $0x3;
	s5 =	sadd.s32 s5, s7;
	[dreg:$0xe] =	wrdreg s22  }
0x1c: {  	s6 =	sadd.s32 s1, s14;
	s7 =	sshrl.u32 s25, $0x3;
	[dreg:$0x6] =	wrdreg s5  }
0x1d: {  	s9 =	sadd.s32 $0x1E000, s2;
	[dreg:$0xb] =	wrdreg s6;
	s6 =	sadd.s32 s1, s16  }
0x1e: {  	s14 =	sshrl.u32 s12, $0x3;
	s5 =	sadd.s32 s1, s26;
	[dreg:$0xc] =	wrdreg s6  }
0x1f: {  	s22 =	sadd.s32 $0x22000, s2;
	s7 =	sadd.s32 s1, s7;
	[dreg:$0xf] =	wrdreg s5  }
0x20: {  	s26 =	sadd.s32 $0x12000, s2;
	s6 =	sadd.s32 s1, s18;
	[dreg:$0x12] =	wrdreg s7  }
0x21: {  	s16 =	sadd.s32 $0x1C000, s2;
	s5 =	sadd.s32 s1, s23;
	[dreg:$0xd] =	wrdreg s6  }
0x22: {  	s7 =	sshrl.u32 s11, $0x3;
	[dreg:$0x10] =	wrdreg s5;
	s6 =	sadd.s32 s1, s20  }
0x23: {  	s8 =	sshrl.u32 s26, $0x3;
	s13 =	sadd.s32 s1, s7;
	[dreg:$0x14] =	wrdreg s6  }
0x24: {  	s23 =	sshrl.u32 s22, $0x3;
	s5 =	sshrl.u32 s24, $0x3;
	[dreg:$0x15] =	wrdreg s13  }
0x25: {  	s5 =	sadd.s32 s1, s5;
	s6 =	sadd.s32 s1, s14;
	s14 =	rddreg [dreg:$0x2]  }
0x26: {  	s26 =	sadd.s32 $0x26000, s2;
	s7 =	sshrl.u32 s16, $0x3;
	[dreg:$0x11] =	wrdreg s5  }
0x27: {  	s11 =	sadd.s32 $0x2C000, s2;
	s18 =	sadd.s32 s1, s7;
	[dreg:$0x16] =	wrdreg s6  }
0x28: {  	s5 =	sadd.s32 s1, s8;
	s6 =	sshrl.u32 s15, $0x3;
	[dreg:$0x18] =	wrdreg s18  }
0x29: {  	[dreg:$0x13] =	wrdreg s5;
	s5 =	sshrl.u32 s9, $0x3;
	s6 =	sadd.s32 s1, s6  }
0x2a: {  	s24 =	sadd.s32 $0x24000, s2;
	[dreg:$0x17] =	wrdreg s6;
	s20 =	sadd.s32 s3, s5  }
0x2b: {  	s12 =	sshrl.u32 s11, $0x3;
	s3 =	sadd.s32 s3, s19;
	[dreg:$0x19] =	wrdreg s20  }
0x2c: {  	s5 =	sadd.s32 s1, s5;
	[dreg:$0x1a] =	wrdreg s3;
	s3 =	sshrl.u32 s21, $0x3  }
0x2d: {  	s25 =	sshrl.u32 s24, $0x3;
	[dreg:$0x1b] =	wrdreg s5;
	s3 =	sadd.s32 s1, s3  }
0x2e: {  	s7 =	sshrl.u32 s26, $0x3;
	[dreg:$0x1c] =	wrdreg s3;
	s3 =	sadd.s32 s1, s23  }
0x2f: {  	s8 =	sadd.s32 $0x2A000, s2;
	[dreg:$0x1d] =	wrdreg s3;
	s3 =	sadd.s32 s1, s25  }
0x30: {  	s9 =	sshrl.u32 s8, $0x3;
	[dreg:$0x1e] =	wrdreg s3;
	s3 =	sadd.s32 s1, s7  }
0x31: {  	s13 =	sadd.s32 $0x2E000, s2;
	[dreg:$0x1f] =	wrdreg s3;
	s3 =	sadd.s32 s1, s9  }
0x32: {  	s2 =	sadd.s32 $0x30000, s2;
	[smem:$0x7D1] =	sst s3;
	s3 =	sadd.s32 s1, s12  }
0x33: {  	s6 =	sadd.s32 s1, s19;
	[smem:$0x7D2] =	sst s3;
	s3 =	sshrl.u32 s13, $0x3  }
0x34: {  	s2 =	sshrl.u32 s2, $0x3;
	[smem:$0x7D0] =	sst s6;
	s3 =	sadd.s32 s1, s3  }
0x35: {  	p1 =	por @p0 !p2, p1;
	s1 =	sadd.s32 s1, s2;
	[smem:$0x7D3] =	sst s3  }
0x36: {  	s2 =	simm.s32 $0x0;
	[smem:$0x7D4] =	sst s1;
	s1 =	simm.s32 @!p4 $0x0  }
0x37: {  	p1 =	por p1, !p0;
	[smem:$0x7FF] =	sst s2;
	s1 =	simm.s32 @p4 $0x1  }
0x38: {  	[smem:$0x7D5] =	sst s1;
	s1 =	simm.s32 @!p1 $0x0  }
0x39: {  	s3 =	rddreg [dreg:$0x4];
	s1 =	simm.s32 @p1 $0x1  }
0x3a: {  	s17 =	sadd.s32 $0x3800, s14;
	[smem:$0x7D7] =	sst s1  }
0x3b: {  	s18 =	sadd.s32 $0x3000, s14;
	_ =	strace $0x80000047;
	[smem:$0x7DF] =	sst s17  }
0x3c: {  	s19 =	sadd.s32 $0x2800, s14;
	[smem:$0x7E0] =	sst s18  }
0x3d: {  	s20 =	sadd.s32 $0x2000, s14;
	[smem:$0x7E1] =	sst s19  }
0x3e: {  	s21 =	sadd.s32 $0x1800, s14;
	[smem:$0x7E2] =	sst s20  }
0x3f: {  	s22 =	sadd.s32 $0x1000, s14;
	[smem:$0x7E3] =	sst s21  }
0x40: {  	s23 =	sadd.s32 $0x800, s14;
	[smem:$0x7E4] =	sst s22  }
0x41: {  	s24 =	sadd.s32 $0x400, s4;
	[smem:$0x7E5] =	sst s23  }
0x42: {  	s25 =	sadd.s32 $0x800, s4;
	[smem:$0x7E6] =	sst s24  }
0x43: {  	s28 =	simm.s32 $0xB;
	s26 =	sadd.s32 $0xC00, s4;
	[smem:$0x7E7] =	sst s25  }
0x44: {  	s29 =	simm.s32 $0xC;
	s7 =	sadd.s32 $0x1400, s4;
	[smem:$0x7E8] =	sst s26  }
0x45: {  	s30 =	simm.s32 $0xE;
	s8 =	sadd.s32 $0x1800, s4;
	[smem:$0x7EA] =	sst s7  }
0x46: {  	p3 =	seq.s32 @!p0 s10, $0x0;
	s9 =	sadd.s32 $0x1C00, s4;
	[smem:$0x7EB] =	sst s8  }
0x47: {  	p2 =	por p3, p0;
	s11 =	sadd.s32 $0x2400, s4;
	[smem:$0x7EC] =	sst s9  }
0x48: {  	s5 =	smax.u32 s0, $0x1;
	s12 =	sadd.s32 $0x2800, s4;
	[smem:$0x7EE] =	sst s11  }
0x49: {  	s14 =	sadd.s32 $0x3000, s4;
	s13 =	sadd.s32 $0x2C00, s4;
	[smem:$0x7EF] =	sst s12  }
0x4a: {  	p4 =	seq.s32 @!p2 s10, $0x1;
	p2 =	por !p3, p0;
	[smem:$0x7F0] =	sst s13  }
0x4b: {  	s6 =	sadd.s32 $0x4000, s3;
	p3 =	por @!p0 !p4, p3;
	[smem:$0x7F1] =	sst s14  }
0x4c: {  	p1 =	sgt.s32 s10, $0x5;
	p3 =	por p3, p0;
	[dreg:$0x8] =	wrdreg s4  }
0x4d: {  	p4 =	seq.s32 @p1 s10, $0x6;
	p6 =	seq.s32 @!p1 s10, $0x4;
	s15 =	sld [smem:$0x7D5]  }
0x4e: {  	s1 =	sadd.s32 $0x8000, s3;
	s17 =	sadd.s32 $0x3C00, s4;
	s16 =	sld [smem:$0x7D7]  }
0x4f: {  	p0 =	por p4, !p1;
	s18 =	sadd.s32 $0x4000, s4;
	[smem:$0x7F4] =	sst s17  }
0x50: {  	s19 =	sadd.s32 $0x4400, s4;
	s20 =	sadd.s32 $0x4800, s4;
	[smem:$0x7F5] =	sst s18  }
0x51: {  	s21 =	sadd.s32 $0x4C00, s4;
	s22 =	sadd.s32 $0x5000, s4;
	[smem:$0x7F6] =	sst s19  }
0x52: {  	s23 =	sadd.s32 $0x5400, s4;
	s24 =	sadd.s32 $0x5800, s4;
	[smem:$0x7F7] =	sst s20  }
0x53: {  	s25 =	sadd.s32 $0x5C00, s4;
	s26 =	sadd.s32 $0x6000, s4;
	[smem:$0x7F8] =	sst s21  }
0x54: {  	s7 =	simm.s32 $0x10400;
	s8 =	simm.s32 $0x40;
	[smem:$0x7F9] =	sst s22  }
0x55: {  	s9 =	simm.s32 $0x8400;
	s11 =	simm.s32 $0xC400;
	[smem:$0x7FA] =	sst s23  }
0x56: {  	s12 =	simm.s32 $0xE400;
	s13 =	simm.s32 $0x3;
	[smem:$0x7FB] =	sst s24  }
0x57: {  	s14 =	simm.s32 $0x4;
	p0 =	seq.s32 @!p0 s10, $0x7;
	[smem:$0x7FC] =	sst s25  }
0x58: {  	[smem:$0x7FD] =	sst s26;
	s17 =	simm.s32 $0x7;
	s18 =	simm.s32 $0xD  }
0x59: {  	s19 =	simm.s32 $0x2;
	s21 =	simm.s32 $0x14400;
	s22 =	simm.s32 $0x16400  }
0x5a: {  	s23 =	simm.s32 $0x18400;
	p5 =	por @p1 !p0, p4;
	p0 =	por p6, p1  }
0x5b: {  	s24 =	simm.s32 $0x8;
	s25 =	simm.s32 $0x9;
	p0 =	seq.s32 @!p0 s10, $0x5  }
0x5c: {  	p4 =	por !p4, !p1;
	p5 =	por p5, !p1;
	p0 =	por @!p1 !p0, p6  }
0x5d: {  	p6 =	por !p6, p1;
	p0 =	por p0, p1;
	p1 =	seq.s32 s15, $0x1  }
0x5e: {  	s26 =	simm.s32 $0xA;
	s15 =	sadd.s32 $0x3400, s4;
	s0 =	sshrl.u32 @!p1 s1, $0x3  }
0x5f: {  	s1 =	sadd.s32 $0xC000, s3;
	p1 =	seq.s32 s16, $0x1;
	[smem:$0x7F2] =	sst s15  }
0x60: {  	s16 =	sadd.s32 $0x3800, s4;
	s15 =	simm.s32 $0x5;
	[smem:$0x7D6] =	sst s0  }
0x61: {  	s0 =	sadd.s32 $0x18000, s3;
	s1 =	sshrl.u32 @!p1 s1, $0x3;
	[smem:$0x7F3] =	sst s16  }
0x62: {  	p1 =	sgt.s32 s10, $0x3;
	s10 =	sadd.s32 $0x2000, s4;
	[smem:$0x7D8] =	sst s1  }
0x63: {  	s1 =	sshrl.u32 @!p3 s6, $0x3;
	s0 =	sshrl.u32 @!p4 s0, $0x3;
	[smem:$0x7ED] =	sst s10  }
0x64: {  	s6 =	sadd.s32 $0x10000, s3;
	[smem:$0x7DA] =	sst s0;
	s0 =	sadd.s32 $0x1C000, s3  }
0x65: {  	[smem:$0x7D9] =	sst s1;
	s1 =	sadd.s32 $0x14000, s3;
	s0 =	sshrl.u32 @!p5 s0, $0x3  }
.Ltmp0:
0x66: {  	[smem:$0x7DB] =	sst s0;
	s0 =	sshrl.u32 @!p6 s6, $0x3;
	(pc) =	sbr.rel .LBB2_1-.Ltmp0, $4  }
0x67: {  	s16 =	simm.s32 $0x6;
	[smem:$0x7DC] =	sst s0;
	s0 =	sshrl.u32 @!p0 s1, $0x3  }
0x68: {  	s1 =	sadd.s32 $0x1000, s4;
	[smem:$0x7DD] =	sst s0;
	s0 =	simm.s32 @!p1 $0x0  }
0x69: {  	s10 =	simm.s32 $0xA400;
	[smem:$0x7E9] =	sst s1;
	s0 =	simm.s32 @p1 $0x1  }
0x6a: {  	s6 =	simm.s32 $0x1;
	[smem:$0x7DE] =	sst s0;
	s0 =	simm.s32 $0x6400  }
.LBB2_3:
0x6b: {  	s1 =	sld [smem:$0x7DA]  }
0x6c: {  	s20 =	sld [smem:$0x7E0];
	_ =	sdelay $0x1  }
0x6d: {  	s4 =	simm.s32 @!p4 $0x1D8F  }
0x6e: {  	[spmem:s1], [sflag:s4] =	dma.local @!p4 [hbm:s20], $0x800  }
0x6f: {  	s4 =	simm.s32 @!p4 $0xF  }
0x70: {  	_ =	swait.ge @!p4 [sflag:s4], $0x800  }
0x71: {  	s1 =	sld [smem:$0x7DB]  }
0x72: {  	s20 =	sld [smem:$0x7DF]  }
0x73: {  	[sflag:s4] =	ssyncset.done @!p4 $0x0  }
0x74: {  	[sflag:s4] =	ssyncadd.s32 @!p4 $0xFFFFF800;
	s4 =	simm.s32 @!p5 $0x1DCF  }
0x75: {  	[spmem:s1], [sflag:s4] =	dma.local @!p5 [hbm:s20], $0x680  }
0x76: {  	s4 =	simm.s32 @!p5 $0xF  }
0x77: {  	_ =	swait.ge @!p5 [sflag:s4], $0x680  }
0x78: {  	s1 =	sld [smem:$0x7DC]  }
0x79: {  	s20 =	sld [smem:$0x7E2]  }
0x7a: {  	[sflag:s4] =	ssyncset.done @!p5 $0x0  }
0x7b: {  	[sflag:s4] =	ssyncadd.s32 @!p5 $0xFFFFF980;
	s4 =	simm.s32 @!p6 $0x1D0F  }
0x7c: {  	[spmem:s1], [sflag:s4] =	dma.local @!p6 [hbm:s20], $0x800  }
0x7d: {  	s4 =	simm.s32 @!p6 $0xF  }
0x7e: {  	_ =	swait.ge @!p6 [sflag:s4], $0x800  }
0x7f: {  	s1 =	sld [smem:$0x7DD]  }
0x80: {  	s20 =	sld [smem:$0x7E1]  }
0x81: {  	[sflag:s4] =	ssyncset.done @!p6 $0x0  }
0x82: {  	[sflag:s4] =	ssyncadd.s32 @!p6 $0xFFFFF800;
	s4 =	simm.s32 @!p0 $0x1D4F  }
0x83: {  	[spmem:s1], [sflag:s4] =	dma.local @!p0 [hbm:s20], $0x800  }
0x84: {  	s4 =	simm.s32 @!p0 $0xF  }
0x85: {  	_ =	swait.ge @!p0 [sflag:s4], $0x800  }
0x86: {  	[sflag:s4] =	ssyncset.done @!p0 $0x0  }
0x87: {  	[sflag:s4] =	ssyncadd.s32 @!p0 $0xFFFFF800  }
.LBB2_4:
0x88: {  	[tilespmem:s0], [sflag:$0x1] =	stream.linear.gather [hbm4b:s31+s2], $0xA000, $0x38;
	[tilespmem:$0x1C340] =	vst v63  }
0x89: {  	s1 =	rddreg [dreg:$0x6];
	s4 =	simm.s32 $0x400;
	s20 =	simm.s32 $0x800  }
0x8a: {  	[tilespmem:s2], [sflag:$0xF] =	stream.strided.gather [hbm4b:s1+s4], $0x6400, s20, s4, $0x38;
	[tilespmem:$0x1C340] =	vst v63  }
0x8b: {  	s20 =	simm.s32 $0xF  }
0x8c: {  	_ =	swait.ge [sflag:s20], $0x6400  }
0x8d: {  	[sflag:s20] =	ssyncset.done $0x0  }
0x8e: {  	[sflag:s20] =	ssyncadd.s32 $0xFFFF9C00  }
0x8f: {  	[bflag:$0x0] =	sbarrier.arrive $0xFFFF  }
0x90: {  	s4 =	rddreg [dreg:$0x7]  }
0x91: {  	[tilespmem:s7], [sflag:$0x2] =	stream.linear.gather [hbm4b:s4+s2], $0xA000, $0x38;
	[tilespmem:$0x1C340] =	vst v63  }
0x92: {  	_ =	swait.ge [sflag:s6], $0xA000  }
0x93: {  	[sflag:s6] =	ssyncset.done $0x0;
	s20 =	rddreg [dreg:$0x8]  }
0x94: {  	s4 =	sld [smem:$0x7E6];
	[sflag:s6] =	ssyncadd.s32 $0xFFFF6000  }
0x95: {  	[tilespmem:s0], [sflag:$0x3] =	stream.indirect.gather.add.f32 [spmem:s3], $0x80, s20, s8, $0xb8;
	[tilespmem:$0x1C340] =	vst v63  }
0x96: {  	s20 =	sld [smem:$0x7E7]  }
0x97: {  	[tilespmem:s9], [sflag:$0x4] =	stream.indirect.gather.add.f32 [spmem:s3], $0x80, s4, s8, $0xb8;
	[tilespmem:$0x1C340] =	vst v63  }
0x98: {  	s4 =	sld [smem:$0x7E8]  }
0x99: {  	[tilespmem:s10], [sflag:$0x5] =	stream.indirect.gather.add.f32 [spmem:s3], $0x80, s20, s8, $0xb8;
	[tilespmem:$0x1C340] =	vst v63  }
0x9a: {  	s20 =	sld [smem:$0x7E9]  }
0x9b: {  	[tilespmem:s11], [sflag:$0x6] =	stream.indirect.gather.add.f32 [spmem:s3], $0x80, s4, s8, $0xb8;
	[tilespmem:$0x1C340] =	vst v63  }
0x9c: {  	_ = 	snop  }
0x9d: {  	[tilespmem:s12], [sflag:$0x7] =	stream.indirect.gather.add.f32 [spmem:s3], $0x80, s20, s8, $0xb8;
	[tilespmem:$0x1C340] =	vst v63  }
0x9e: {  	_ =	swait.ge [sflag:s13], $0x2000  }
0x9f: {  	[sflag:s13] =	ssyncset.done $0x0  }
0xa0: {  	s4 =	rddreg [dreg:$0x9];
	[sflag:s13] =	ssyncadd.s32 $0xFFFFE000  }
0xa1: {  	[hbm4b:s4+s2] =	stream.linear.scatter [tilespmem:s0], [sflag:$0xD], $0x2000, $0x38;
	[tilespmem:$0x1C340] =	vst v63  }
0xa2: {  	_ =	swait.ge [sflag:s14], $0x2000  }
0xa3: {  	[sflag:s14] =	ssyncset.done $0x0  }
0xa4: {  	s20 =	rddreg [dreg:$0xa];
	[sflag:s14] =	ssyncadd.s32 $0xFFFFE000  }
0xa5: {  	[hbm4b:s20+s2] =	stream.linear.scatter [tilespmem:s9], [sflag:$0xD], $0x2000, $0x38;
	[tilespmem:$0x1C340] =	vst v63  }
0xa6: {  	_ =	swait.ge [sflag:s15], $0x2000  }
0xa7: {  	[sflag:s15] =	ssyncset.done $0x0  }
0xa8: {  	s4 =	rddreg [dreg:$0xb];
	[sflag:s15] =	ssyncadd.s32 $0xFFFFE000  }
0xa9: {  	[hbm4b:s4+s2] =	stream.linear.scatter [tilespmem:s10], [sflag:$0xD], $0x2000, $0x38;
	[tilespmem:$0x1C340] =	vst v63  }
0xaa: {  	_ =	swait.ge [sflag:s16], $0x2000  }
0xab: {  	[sflag:s16] =	ssyncset.done $0x0  }
0xac: {  	s20 =	rddreg [dreg:$0xc];
	[sflag:s16] =	ssyncadd.s32 $0xFFFFE000  }
0xad: {  	[hbm4b:s20+s2] =	stream.linear.scatter [tilespmem:s11], [sflag:$0xD], $0x2000, $0x38;
	[tilespmem:$0x1C340] =	vst v63  }
0xae: {  	_ =	swait.ge [sflag:s17], $0x2000  }
0xaf: {  	[sflag:s17] =	ssyncset.done $0x0  }
0xb0: {  	s4 =	rddreg [dreg:$0xd];
	[sflag:s17] =	ssyncadd.s32 $0xFFFFE000  }
0xb1: {  	[hbm4b:s4+s2] =	stream.linear.scatter [tilespmem:s12], [sflag:$0xD], $0x2000, $0x38;
	[tilespmem:$0x1C340] =	vst v63  }
0xb2: {  	_ =	swait.ge [sflag:s18], $0x2000  }
0xb3: {  	[sflag:s18] =	ssyncset.done $0x0  }
0xb4: {  	[sflag:s18] =	ssyncadd.s32 $0xFFFFE000  }
0xb5: {  	_ =	swait.ge [sflag:s18], $0x2000  }
0xb6: {  	[sflag:s18] =	ssyncset.done $0x0  }
0xb7: {  	[sflag:s18] =	ssyncadd.s32 $0xFFFFE000  }
0xb8: {  	_ =	swait.ge [sflag:s18], $0x2000  }
0xb9: {  	[sflag:s18] =	ssyncset.done $0x0  }
0xba: {  	[sflag:s18] =	ssyncadd.s32 $0xFFFFE000  }
0xbb: {  	_ =	swait.ge [sflag:s18], $0x2000  }
0xbc: {  	[sflag:s18] =	ssyncset.done $0x0  }
0xbd: {  	[sflag:s18] =	ssyncadd.s32 $0xFFFFE000  }
0xbe: {  	_ =	swait.ge [sflag:s18], $0x2000  }
0xbf: {  	[sflag:s18] =	ssyncset.done $0x0  }
0xc0: {  	s20 =	rddreg [dreg:$0xe];
	[sflag:s18] =	ssyncadd.s32 $0xFFFFE000  }
0xc1: {  	[tilespmem:s0], [sflag:$0x1] =	stream.linear.gather [hbm4b:s20+s2], $0xA000, $0x38;
	[tilespmem:$0x1C340] =	vst v63  }
0xc2: {  	_ =	swait.ge [sflag:s19], $0xA000  }
0xc3: {  	s4 =	sld [smem:$0x7EA]  }
0xc4: {  	[sflag:s19] =	ssyncset.done $0x0  }
0xc5: {  	s20 =	sld [smem:$0x7EB];
	[sflag:s19] =	ssyncadd.s32 $0xFFFF6000  }
0xc6: {  	[tilespmem:s7], [sflag:$0x8] =	stream.indirect.gather.add.f32 [spmem:s3], $0x80, s4, s8, $0xb8;
	[tilespmem:$0x1C340] =	vst v63  }
0xc7: {  	s4 =	simm.s32 $0x12400  }
0xc8: {  	[tilespmem:s4], [sflag:$0x9] =	stream.indirect.gather.add.f32 [spmem:s3], $0x80, s20, s8, $0xb8;
	[tilespmem:$0x1C340] =	vst v63  }
0xc9: {  	s20 =	sld [smem:$0x7EC];
	_ =	sdelay $0x2  }
0xca: {  	[tilespmem:s21], [sflag:$0xA] =	stream.indirect.gather.add.f32 [spmem:s3], $0x80, s20, s8, $0xb8;
	[tilespmem:$0x1C340] =	vst v63  }
0xcb: {  	s20 =	sld [smem:$0x7ED];
	_ =	sdelay $0x2  }
0xcc: {  	[tilespmem:s22], [sflag:$0xB] =	stream.indirect.gather.add.f32 [spmem:s3], $0x80, s20, s8, $0xb8;
	[tilespmem:$0x1C340] =	vst v63  }
0xcd: {  	s20 =	sld [smem:$0x7EE];
	_ =	sdelay $0x2  }
0xce: {  	[tilespmem:s23], [sflag:$0xC] =	stream.indirect.gather.add.f32 [spmem:s3], $0x80, s20, s8, $0xb8;
	[tilespmem:$0x1C340] =	vst v63  }
0xcf: {  	_ =	swait.ge [sflag:s24], $0x2000  }
0xd0: {  	[sflag:s24] =	ssyncset.done $0x0  }
0xd1: {  	s20 =	rddreg [dreg:$0xf];
	[sflag:s24] =	ssyncadd.s32 $0xFFFFE000  }
0xd2: {  	[hbm4b:s20+s2] =	stream.linear.scatter [tilespmem:s7], [sflag:$0xE], $0x2000, $0x38;
	[tilespmem:$0x1C340] =	vst v63  }
0xd3: {  	_ =	swait.ge [sflag:s25], $0x2000  }
0xd4: {  	[sflag:s25] =	ssyncset.done $0x0  }
0xd5: {  	s20 =	rddreg [dreg:$0x10];
	[sflag:s25] =	ssyncadd.s32 $0xFFFFE000  }
0xd6: {  	[hbm4b:s20+s2] =	stream.linear.scatter [tilespmem:s4], [sflag:$0xE], $0x2000, $0x38;
	[tilespmem:$0x1C340] =	vst v63  }
0xd7: {  	_ =	swait.ge [sflag:s26], $0x2000  }
0xd8: {  	[sflag:s26] =	ssyncset.done $0x0  }
0xd9: {  	s20 =	rddreg [dreg:$0x11];
	[sflag:s26] =	ssyncadd.s32 $0xFFFFE000  }
0xda: {  	[hbm4b:s20+s2] =	stream.linear.scatter [tilespmem:s21], [sflag:$0xE], $0x2000, $0x38;
	[tilespmem:$0x1C340] =	vst v63  }
0xdb: {  	_ =	swait.ge [sflag:s28], $0x2000  }
0xdc: {  	[sflag:s28] =	ssyncset.done $0x0  }
0xdd: {  	s20 =	rddreg [dreg:$0x12];
	[sflag:s28] =	ssyncadd.s32 $0xFFFFE000  }
0xde: {  	[hbm4b:s20+s2] =	stream.linear.scatter [tilespmem:s22], [sflag:$0xE], $0x2000, $0x38;
	[tilespmem:$0x1C340] =	vst v63  }
0xdf: {  	_ =	swait.ge [sflag:s29], $0x2000  }
0xe0: {  	[sflag:s29] =	ssyncset.done $0x0  }
0xe1: {  	s20 =	rddreg [dreg:$0x13];
	[sflag:s29] =	ssyncadd.s32 $0xFFFFE000  }
0xe2: {  	[hbm4b:s20+s2] =	stream.linear.scatter [tilespmem:s23], [sflag:$0xE], $0x2000, $0x38;
	[tilespmem:$0x1C340] =	vst v63  }
0xe3: {  	_ =	swait.ge [sflag:s30], $0x2000  }
0xe4: {  	[sflag:s30] =	ssyncset.done $0x0  }
0xe5: {  	[sflag:s30] =	ssyncadd.s32 $0xFFFFE000  }
0xe6: {  	_ =	swait.ge [sflag:s30], $0x2000  }
0xe7: {  	[sflag:s30] =	ssyncset.done $0x0  }
0xe8: {  	[sflag:s30] =	ssyncadd.s32 $0xFFFFE000  }
0xe9: {  	_ =	swait.ge [sflag:s30], $0x2000  }
0xea: {  	[sflag:s30] =	ssyncset.done $0x0  }
0xeb: {  	[sflag:s30] =	ssyncadd.s32 $0xFFFFE000  }
0xec: {  	_ =	swait.ge [sflag:s30], $0x2000  }
0xed: {  	[sflag:s30] =	ssyncset.done $0x0  }
0xee: {  	[sflag:s30] =	ssyncadd.s32 $0xFFFFE000  }
0xef: {  	_ =	swait.ge [sflag:s30], $0x2000  }
0xf0: {  	[sflag:s30] =	ssyncset.done $0x0  }
0xf1: {  	s20 =	rddreg [dreg:$0x19];
	[sflag:s30] =	ssyncadd.s32 $0xFFFFE000  }
0xf2: {  	[tilespmem:s7], [sflag:$0x2] =	stream.linear.gather [hbm4b:s20+s2], $0xA000, $0x38;
	[tilespmem:$0x1C340] =	vst v63  }
0xf3: {  	_ =	swait.ge [sflag:s6], $0xA000  }
0xf4: {  	s20 =	sld [smem:$0x7EF]  }
0xf5: {  	[sflag:s6] =	ssyncset.done $0x0  }
0xf6: {  	[sflag:s6] =	ssyncadd.s32 $0xFFFF6000  }
0xf7: {  	[tilespmem:s0], [sflag:$0x3] =	stream.indirect.gather.add.f32 [spmem:s3], $0x80, s20, s8, $0xb8;
	[tilespmem:$0x1C340] =	vst v63  }
0xf8: {  	s20 =	sld [smem:$0x7F0];
	_ =	sdelay $0x2  }
0xf9: {  	[tilespmem:s9], [sflag:$0x4] =	stream.indirect.gather.add.f32 [spmem:s3], $0x80, s20, s8, $0xb8;
	[tilespmem:$0x1C340] =	vst v63  }
0xfa: {  	s20 =	sld [smem:$0x7F1];
	_ =	sdelay $0x2  }
0xfb: {  	[tilespmem:s10], [sflag:$0x5] =	stream.indirect.gather.add.f32 [spmem:s3], $0x80, s20, s8, $0xb8;
	[tilespmem:$0x1C340] =	vst v63  }
0xfc: {  	s20 =	sld [smem:$0x7F2];
	_ =	sdelay $0x2  }
0xfd: {  	[tilespmem:s11], [sflag:$0x6] =	stream.indirect.gather.add.f32 [spmem:s3], $0x80, s20, s8, $0xb8;
	[tilespmem:$0x1C340] =	vst v63  }
0xfe: {  	s20 =	sld [smem:$0x7F3];
	_ =	sdelay $0x2  }
0xff: {  	[tilespmem:s12], [sflag:$0x7] =	stream.indirect.gather.add.f32 [spmem:s3], $0x80, s20, s8, $0xb8;
	[tilespmem:$0x1C340] =	vst v63  }
0x100: {  	_ =	swait.ge [sflag:s13], $0x2000  }
0x101: {  	[sflag:s13] =	ssyncset.done $0x0  }
0x102: {  	s20 =	rddreg [dreg:$0x14];
	[sflag:s13] =	ssyncadd.s32 $0xFFFFE000  }
0x103: {  	[hbm4b:s20+s2] =	stream.linear.scatter [tilespmem:s0], [sflag:$0xD], $0x2000, $0x38;
	[tilespmem:$0x1C340] =	vst v63  }
0x104: {  	_ =	swait.ge [sflag:s14], $0x2000  }
0x105: {  	[sflag:s14] =	ssyncset.done $0x0  }
0x106: {  	s20 =	rddreg [dreg:$0x15];
	[sflag:s14] =	ssyncadd.s32 $0xFFFFE000  }
0x107: {  	[hbm4b:s20+s2] =	stream.linear.scatter [tilespmem:s9], [sflag:$0xD], $0x2000, $0x38;
	[tilespmem:$0x1C340] =	vst v63  }
0x108: {  	_ =	swait.ge [sflag:s15], $0x2000  }
0x109: {  	[sflag:s15] =	ssyncset.done $0x0  }
0x10a: {  	s20 =	rddreg [dreg:$0x16];
	[sflag:s15] =	ssyncadd.s32 $0xFFFFE000  }
0x10b: {  	[hbm4b:s20+s2] =	stream.linear.scatter [tilespmem:s10], [sflag:$0xD], $0x2000, $0x38;
	[tilespmem:$0x1C340] =	vst v63  }
0x10c: {  	_ =	swait.ge [sflag:s16], $0x2000  }
0x10d: {  	[sflag:s16] =	ssyncset.done $0x0  }
0x10e: {  	s20 =	rddreg [dreg:$0x17];
	[sflag:s16] =	ssyncadd.s32 $0xFFFFE000  }
0x10f: {  	[hbm4b:s20+s2] =	stream.linear.scatter [tilespmem:s11], [sflag:$0xD], $0x2000, $0x38;
	[tilespmem:$0x1C340] =	vst v63  }
0x110: {  	_ =	swait.ge [sflag:s17], $0x2000  }
0x111: {  	[sflag:s17] =	ssyncset.done $0x0  }
0x112: {  	s20 =	rddreg [dreg:$0x18];
	[sflag:s17] =	ssyncadd.s32 $0xFFFFE000  }
0x113: {  	[hbm4b:s20+s2] =	stream.linear.scatter [tilespmem:s12], [sflag:$0xD], $0x2000, $0x38;
	[tilespmem:$0x1C340] =	vst v63  }
0x114: {  	_ =	swait.ge [sflag:s18], $0x2000  }
0x115: {  	[sflag:s18] =	ssyncset.done $0x0  }
0x116: {  	[sflag:s18] =	ssyncadd.s32 $0xFFFFE000  }
0x117: {  	_ =	swait.ge [sflag:s18], $0x2000  }
0x118: {  	[sflag:s18] =	ssyncset.done $0x0  }
0x119: {  	[sflag:s18] =	ssyncadd.s32 $0xFFFFE000  }
0x11a: {  	_ =	swait.ge [sflag:s18], $0x2000  }
0x11b: {  	[sflag:s18] =	ssyncset.done $0x0  }
0x11c: {  	[sflag:s18] =	ssyncadd.s32 $0xFFFFE000  }
0x11d: {  	_ =	swait.ge [sflag:s18], $0x2000  }
0x11e: {  	[sflag:s18] =	ssyncset.done $0x0  }
0x11f: {  	[sflag:s18] =	ssyncadd.s32 $0xFFFFE000  }
0x120: {  	_ =	swait.ge [sflag:s18], $0x2000  }
0x121: {  	[sflag:s18] =	ssyncset.done $0x0  }
0x122: {  	s20 =	rddreg [dreg:$0x1a];
	[sflag:s18] =	ssyncadd.s32 $0xFFFFE000  }
0x123: {  	[tilespmem:s0], [sflag:$0x1] =	stream.linear.gather [hbm4b:s20+s2], $0xA000, $0x38;
	[tilespmem:$0x1C340] =	vst v63  }
0x124: {  	_ =	swait.ge [sflag:s19], $0xA000  }
0x125: {  	s20 =	sld [smem:$0x7F4]  }
0x126: {  	[sflag:s19] =	ssyncset.done $0x0  }
0x127: {  	[sflag:s19] =	ssyncadd.s32 $0xFFFF6000  }
0x128: {  	[tilespmem:s7], [sflag:$0x8] =	stream.indirect.gather.add.f32 [spmem:s3], $0x80, s20, s8, $0xb8;
	[tilespmem:$0x1C340] =	vst v63  }
0x129: {  	s20 =	sld [smem:$0x7F5];
	_ =	sdelay $0x2  }
0x12a: {  	[tilespmem:s4], [sflag:$0x9] =	stream.indirect.gather.add.f32 [spmem:s3], $0x80, s20, s8, $0xb8;
	[tilespmem:$0x1C340] =	vst v63  }
0x12b: {  	s20 =	sld [smem:$0x7F6];
	_ =	sdelay $0x2  }
0x12c: {  	[tilespmem:s21], [sflag:$0xA] =	stream.indirect.gather.add.f32 [spmem:s3], $0x80, s20, s8, $0xb8;
	[tilespmem:$0x1C340] =	vst v63  }
0x12d: {  	s20 =	sld [smem:$0x7F7];
	_ =	sdelay $0x2  }
0x12e: {  	[tilespmem:s22], [sflag:$0xB] =	stream.indirect.gather.add.f32 [spmem:s3], $0x80, s20, s8, $0xb8;
	[tilespmem:$0x1C340] =	vst v63  }
0x12f: {  	s20 =	sld [smem:$0x7F8];
	_ =	sdelay $0x2  }
0x130: {  	[tilespmem:s23], [sflag:$0xC] =	stream.indirect.gather.add.f32 [spmem:s3], $0x80, s20, s8, $0xb8;
	[tilespmem:$0x1C340] =	vst v63  }
0x131: {  	_ =	swait.ge [sflag:s24], $0x2000  }
0x132: {  	[sflag:s24] =	ssyncset.done $0x0  }
0x133: {  	s20 =	rddreg [dreg:$0x1b];
	[sflag:s24] =	ssyncadd.s32 $0xFFFFE000  }
0x134: {  	[hbm4b:s20+s2] =	stream.linear.scatter [tilespmem:s7], [sflag:$0xE], $0x2000, $0x38;
	[tilespmem:$0x1C340] =	vst v63  }
0x135: {  	_ =	swait.ge [sflag:s25], $0x2000  }
0x136: {  	[sflag:s25] =	ssyncset.done $0x0  }
0x137: {  	s20 =	rddreg [dreg:$0x1c];
	[sflag:s25] =	ssyncadd.s32 $0xFFFFE000  }
0x138: {  	[hbm4b:s20+s2] =	stream.linear.scatter [tilespmem:s4], [sflag:$0xE], $0x2000, $0x38;
	[tilespmem:$0x1C340] =	vst v63  }
0x139: {  	_ =	swait.ge [sflag:s26], $0x2000  }
0x13a: {  	[sflag:s26] =	ssyncset.done $0x0  }
0x13b: {  	s20 =	rddreg [dreg:$0x1d];
	[sflag:s26] =	ssyncadd.s32 $0xFFFFE000  }
0x13c: {  	[hbm4b:s20+s2] =	stream.linear.scatter [tilespmem:s21], [sflag:$0xE], $0x2000, $0x38;
	[tilespmem:$0x1C340] =	vst v63  }
0x13d: {  	_ =	swait.ge [sflag:s28], $0x2000  }
0x13e: {  	[sflag:s28] =	ssyncset.done $0x0  }
0x13f: {  	s4 =	rddreg [dreg:$0x1e];
	[sflag:s28] =	ssyncadd.s32 $0xFFFFE000  }
0x140: {  	[hbm4b:s4+s2] =	stream.linear.scatter [tilespmem:s22], [sflag:$0xE], $0x2000, $0x38;
	[tilespmem:$0x1C340] =	vst v63  }
0x141: {  	_ =	swait.ge [sflag:s29], $0x2000  }
0x142: {  	[sflag:s29] =	ssyncset.done $0x0  }
0x143: {  	s20 =	rddreg [dreg:$0x1f];
	[sflag:s29] =	ssyncadd.s32 $0xFFFFE000  }
0x144: {  	[hbm4b:s20+s2] =	stream.linear.scatter [tilespmem:s23], [sflag:$0xE], $0x2000, $0x38;
	[tilespmem:$0x1C340] =	vst v63  }
0x145: {  	_ =	swait.ge [sflag:s6], $0xA000  }
0x146: {  	s4 =	sld [smem:$0x7F9]  }
0x147: {  	[sflag:s6] =	ssyncset.done $0x0  }
0x148: {  	s20 =	sld [smem:$0x7FA];
	[sflag:s6] =	ssyncadd.s32 $0xFFFF6000  }
0x149: {  	[tilespmem:s0], [sflag:$0x3] =	stream.indirect.gather.add.f32 [spmem:s3], $0x80, s4, s8, $0xb8;
	[tilespmem:$0x1C340] =	vst v63  }
0x14a: {  	s4 =	sld [smem:$0x7FB]  }
0x14b: {  	[tilespmem:s9], [sflag:$0x4] =	stream.indirect.gather.add.f32 [spmem:s3], $0x80, s20, s8, $0xb8;
	[tilespmem:$0x1C340] =	vst v63  }
0x14c: {  	s20 =	sld [smem:$0x7FC]  }
0x14d: {  	[tilespmem:s10], [sflag:$0x5] =	stream.indirect.gather.add.f32 [spmem:s3], $0x80, s4, s8, $0xb8;
	[tilespmem:$0x1C340] =	vst v63  }
0x14e: {  	s4 =	sld [smem:$0x7FD]  }
0x14f: {  	[tilespmem:s11], [sflag:$0x6] =	stream.indirect.gather.add.f32 [spmem:s3], $0x80, s20, s8, $0xb8;
	[tilespmem:$0x1C340] =	vst v63  }
0x150: {  	_ = 	snop  }
0x151: {  	[tilespmem:s12], [sflag:$0x7] =	stream.indirect.gather.add.f32 [spmem:s3], $0x80, s4, s8, $0xb8;
	[tilespmem:$0x1C340] =	vst v63  }
0x152: {  	_ =	swait.ge [sflag:s13], $0x2000  }
0x153: {  	s20 =	sld [smem:$0x7D0]  }
0x154: {  	[sflag:s13] =	ssyncset.done $0x0  }
0x155: {  	[sflag:s13] =	ssyncadd.s32 $0xFFFFE000  }
0x156: {  	[hbm4b:s20+s2] =	stream.linear.scatter [tilespmem:s0], [sflag:$0xD], $0x2000, $0x38;
	[tilespmem:$0x1C340] =	vst v63  }
0x157: {  	_ =	swait.ge [sflag:s14], $0x2000  }
0x158: {  	s4 =	sld [smem:$0x7D1]  }
0x159: {  	[sflag:s14] =	ssyncset.done $0x0  }
0x15a: {  	[sflag:s14] =	ssyncadd.s32 $0xFFFFE000  }
0x15b: {  	[hbm4b:s4+s2] =	stream.linear.scatter [tilespmem:s9], [sflag:$0xD], $0x2000, $0x38;
	[tilespmem:$0x1C340] =	vst v63  }
0x15c: {  	_ =	swait.ge [sflag:s15], $0x2000  }
0x15d: {  	s20 =	sld [smem:$0x7D2]  }
0x15e: {  	[sflag:s15] =	ssyncset.done $0x0  }
0x15f: {  	[sflag:s15] =	ssyncadd.s32 $0xFFFFE000  }
0x160: {  	[hbm4b:s20+s2] =	stream.linear.scatter [tilespmem:s10], [sflag:$0xD], $0x2000, $0x38;
	[tilespmem:$0x1C340] =	vst v63  }
0x161: {  	_ =	swait.ge [sflag:s16], $0x2000  }
0x162: {  	s4 =	sld [smem:$0x7D3]  }
0x163: {  	[sflag:s16] =	ssyncset.done $0x0  }
0x164: {  	[sflag:s16] =	ssyncadd.s32 $0xFFFFE000  }
0x165: {  	[hbm4b:s4+s2] =	stream.linear.scatter [tilespmem:s11], [sflag:$0xD], $0x2000, $0x38;
	[tilespmem:$0x1C340] =	vst v63  }
0x166: {  	_ =	swait.ge [sflag:s17], $0x2000  }
0x167: {  	s20 =	sld [smem:$0x7D4]  }
0x168: {  	[sflag:s17] =	ssyncset.done $0x0  }
0x169: {  	[sflag:s17] =	ssyncadd.s32 $0xFFFFE000  }
0x16a: {  	[hbm4b:s20+s2] =	stream.linear.scatter [tilespmem:s12], [sflag:$0xD], $0x2000, $0x38;
	[tilespmem:$0x1C340] =	vst v63  }
0x16b: {  	_ =	swait.ge [sflag:s30], $0x2000  }
0x16c: {  	[sflag:s30] =	ssyncset.done $0x0  }
0x16d: {  	[sflag:s30] =	ssyncadd.s32 $0xFFFFE000  }
0x16e: {  	_ =	swait.ge [sflag:s30], $0x2000  }
0x16f: {  	[sflag:s30] =	ssyncset.done $0x0  }
0x170: {  	[sflag:s30] =	ssyncadd.s32 $0xFFFFE000  }
0x171: {  	_ =	swait.ge [sflag:s30], $0x2000  }
0x172: {  	[sflag:s30] =	ssyncset.done $0x0  }
0x173: {  	[sflag:s30] =	ssyncadd.s32 $0xFFFFE000  }
0x174: {  	_ =	swait.ge [sflag:s30], $0x2000  }
0x175: {  	[sflag:s30] =	ssyncset.done $0x0  }
0x176: {  	[sflag:s30] =	ssyncadd.s32 $0xFFFFE000  }
0x177: {  	_ =	swait.ge [sflag:s30], $0x2000  }
0x178: {  	[sflag:s30] =	ssyncset.done $0x0  }
0x179: {  	[sflag:s30] =	ssyncadd.s32 $0xFFFFE000  }
0x17a: {  	_ =	swait.ge [sflag:s18], $0x2000  }
0x17b: {  	[sflag:s18] =	ssyncset.done $0x0  }
0x17c: {  	[sflag:s18] =	ssyncadd.s32 $0xFFFFE000  }
0x17d: {  	_ =	swait.ge [sflag:s18], $0x2000  }
0x17e: {  	[sflag:s18] =	ssyncset.done $0x0  }
0x17f: {  	[sflag:s18] =	ssyncadd.s32 $0xFFFFE000  }
0x180: {  	_ =	swait.ge [sflag:s18], $0x2000  }
0x181: {  	[sflag:s18] =	ssyncset.done $0x0  }
0x182: {  	s5 =	sadd.s32 $0xFFFFFFFF, s5;
	[sflag:s18] =	ssyncadd.s32 $0xFFFFE000  }
0x183: {  	p1 =	sne.s32 s5, $0x0;
	_ =	swait.ge [sflag:s18], $0x2000  }
.Ltmp1:
0x184: {  	[sflag:s18] =	ssyncset.done $0x0;
	(pc) =	sbr.rel @!p1 .LBB2_5-.Ltmp1, $4  }
0x185: {  	[sflag:s18] =	ssyncadd.s32 $0xFFFFE000  }
0x186: {  	_ =	swait.ge [sflag:s18], $0x2000  }
0x187: {  	[sflag:s18] =	ssyncset.done $0x0  }
0x188: {  	[sflag:s18] =	ssyncadd.s32 $0xFFFFE000  }
.LBB2_1:
0x189: {  	s1 =	sld [smem:$0x7DE];
	_ =	sdelay $0x2  }
0x18a: {  	p1 =	seq.s32 s1, $0x1  }
.Ltmp2:
0x18b: {  	_ = 	snop;
	(pc) =	sbr.rel @p1 .LBB2_3-.Ltmp2, $1  }
0x18c: {  	_ =	sdelay $0x3  }
0x18d: {  	s4 =	sld [smem:$0x7D5];
	_ =	sdelay $0x1  }
0x18e: {  	s20 =	sld [smem:$0x7E4]  }
0x18f: {  	p1 =	seq.s32 s4, $0x1;
	s4 =	sld [smem:$0x7D6];
	_ =	sdelay $0x1  }
0x190: {  	s1 =	smov.u32 s31;
	s31 =	simm.s32 @!p1 $0x1C8F  }
0x191: {  	[spmem:s4], [sflag:s31] =	dma.local @!p1 [hbm:s20], $0x800  }
0x192: {  	s31 =	simm.s32 @!p1 $0xF  }
0x193: {  	_ =	swait.ge @!p1 [sflag:s31], $0x800  }
0x194: {  	s20 =	sld [smem:$0x7D7];
	_ =	sdelay $0x1  }
0x195: {  	[sflag:s31] =	ssyncset.done @!p1 $0x0;
	s4 =	sld [smem:$0x7D8]  }
0x196: {  	[sflag:s31] =	ssyncadd.s32 @!p1 $0xFFFFF800;
	p1 =	seq.s32 s20, $0x1;
	s20 =	sld [smem:$0x7E3]  }
0x197: {  	_ = 	snop  }
0x198: {  	s31 =	simm.s32 @!p1 $0x1CCF  }
0x199: {  	[spmem:s4], [sflag:s31] =	dma.local @!p1 [hbm:s20], $0x800  }
0x19a: {  	s31 =	simm.s32 @!p1 $0xF  }
0x19b: {  	_ =	swait.ge @!p1 [sflag:s31], $0x800  }
0x19c: {  	[sflag:s31] =	ssyncset.done @!p1 $0x0  }
0x19d: {  	[sflag:s31] =	ssyncadd.s32 @!p1 $0xFFFFF800  }
0x19e: {  	s4 =	simm.s32 @!p2 $0x1C0F;
	s31 =	sshrl.u32 @!p2 s3, $0x3;
	s20 =	rddreg [dreg:$0x2]  }
0x19f: {  	[spmem:s31], [sflag:s4] =	dma.local @!p2 [hbm:s20], $0x800  }
0x1a0: {  	s4 =	simm.s32 @!p2 $0xF  }
0x1a1: {  	_ =	swait.ge @!p2 [sflag:s4], $0x800  }
0x1a2: {  	s31 =	smov.u32 s1;
	s1 =	sld [smem:$0x7D9]  }
0x1a3: {  	s20 =	sld [smem:$0x7E5]  }
0x1a4: {  	[sflag:s4] =	ssyncset.done @!p2 $0x0  }
0x1a5: {  	[sflag:s4] =	ssyncadd.s32 @!p2 $0xFFFFF800;
	s4 =	simm.s32 @!p3 $0x1C4F  }
0x1a6: {  	[spmem:s1], [sflag:s4] =	dma.local @!p3 [hbm:s20], $0x800  }
.Ltmp3:
0x1a7: {  	_ = 	snop;
	(pc) =	sbr.rel .LBB2_4-.Ltmp3, $4  }
0x1a8: {  	s4 =	simm.s32 @!p3 $0xF  }
0x1a9: {  	_ =	swait.ge @!p3 [sflag:s4], $0x800  }
0x1aa: {  	[sflag:s4] =	ssyncset.done @!p3 $0x0  }
0x1ab: {  	[sflag:s4] =	ssyncadd.s32 @!p3 $0xFFFFF800  }
.LBB2_5:
0x1ac: {  	_ =	sfence.sel $0x180000  }
0x1ad: {  	[bflag:$0x0] =	sbarrier.arrive $0xFFFF  }
0x1ae: {  	_ =	strace $0x90000047  }
0x1af: {  	s0 =	stileid.u32;
	[bflag:$0x2] =	sbarrier.arrive $0xFFFF  }
0x1b0: {  	p0 =	sne.s32 s0, $0x0;
	s0 =	rddreg [dreg:$0x5]  }
0x1b1: {  	s0 =	sadd.s32 @!p0 $0x100000, s0  }
0x1b2: {  	[sflag:s0] =	ssyncadd.tile.s32 @!p0 $0x1;
	_ =	shalt  }
.Lfunc_end2:
_tile_overlayer_lowered:
.L_overlay_start_2:
0x1b3: {  	(tag) =	ssettag $0x2  }
0x1b4: {  	s0 =	rddreg [dreg:$0x0];
	s2 =	stileid.u32  }
0x1b5: {  	s1 =	rddreg [dreg:$0x1];
	p0 =	sne.s32 s2, $0x0  }
0x1b6: {  	s3 =	rddreg [dreg:$0x2];
	[bflag:$0x3] =	sbarrier.arrive $0xFFFF;
	s2 =	simm.s32 @!p0 $0x1C0F  }
0x1b7: {  	[timem:s3], [sflag:s2] =	dma.local @!p0 [hbm:s0], s1  }
0x1b8: {  	s0 =	simm.s32 @!p0 $0xF  }
0x1b9: {  	_ =	swait.ge @!p0 [sflag:s0], s1  }
0x1ba: {  	s1 =	ssub.s32 @!p0 $0x0, s1;
	[sflag:s0] =	ssyncset.done @!p0 $0x0  }
0x1bb: {  	[sflag:s0] =	ssyncadd.s32 @!p0 s1  }
0x1bc: {  	[bflag:$0x3] =	sbarrier.arrive $0xFFFF  }
0x1bd: {  	_ =	shalt  }

</sc_bundles>
